<compile_context>
chip_gen: v7x
topology: tpu7x:2x2x1
jax: 0.10.2.dev20260603
libtpu: 0.0.44.dev20260713+nightly
codegen_flags: <defaults>
</compile_context>

<pallas_src>
import functools

import jax
import jax.numpy as jnp
from jax import lax
from jax.experimental import pallas as pl
from jax.experimental.pallas import tpu as pltpu
from jax.experimental.pallas import tpu_sc as plsc

NUM_SEGMENTS = 64
NC = 2
NS = 16
NW = NC * NS
LANES = 16
BLK = 16384
UNROLL = 8
TBL = 4 * NUM_SEGMENTS


def _sc_partials(xs, ys, ids):
    n = ids.shape[0]
    chunk = n // NW
    nblk = chunk // BLK
    assert chunk * NW == n and nblk * BLK == chunk

    mesh = plsc.VectorSubcoreMesh(
        core_axis_name="c", subcore_axis_name="s", num_cores=NC, num_subcores=NS
    )

    @functools.partial(
        pl.kernel,
        out_type=jax.ShapeDtypeStruct((NW, TBL), jnp.float32),
        mesh=mesh,
        compiler_params=pltpu.CompilerParams(needs_layout_passes=False),
        scratch_types=[
            pltpu.VMEM((BLK,), jnp.float32),
            pltpu.VMEM((BLK,), jnp.float32),
            pltpu.VMEM((BLK,), jnp.float32),
            pltpu.VMEM((BLK,), jnp.float32),
            pltpu.VMEM((2 * LANES,), jnp.int32),
            pltpu.VMEM((2 * LANES,), jnp.int32),
            pltpu.VMEM((BLK,), jnp.int32),
            pltpu.VMEM((TBL,), jnp.float32),
            pltpu.SemaphoreType.DMA,
            pltpu.SemaphoreType.DMA,
        ],
    )
    def body(xs_hbm, ys_hbm, ids_hbm, out_hbm, xb0, xb1, yb0, yb1, nb0, nb1,
             ibuf, tbl, sem0, sem1):
        wid = lax.axis_index("s") * NC + lax.axis_index("c")
        zeros = jnp.zeros((LANES,), jnp.float32)

        for i in range(TBL // LANES):
            tbl[pl.ds(i * LANES, LANES)] = zeros

        xbufs = (xb0, xb1)
        ybufs = (yb0, yb1)
        nbufs = (nb0, nb1)
        sems = (sem0, sem1)

        def start(b, slot):
            base = pl.multiple_of((wid * nblk + b) * BLK, BLK)
            hx = pltpu.async_copy(
                xs_hbm.at[pl.ds(base, BLK)], xbufs[slot], sems[slot])
            hy = pltpu.async_copy(
                ys_hbm.at[pl.ds(base, BLK)], ybufs[slot], sems[slot])
            h0 = pltpu.async_copy(
                ids_hbm.at[pl.ds(base, LANES)],
                nbufs[slot].at[pl.ds(0, LANES)], sems[slot])
            h1 = pltpu.async_copy(
                ids_hbm.at[pl.ds(base + BLK - LANES, LANES)],
                nbufs[slot].at[pl.ds(LANES, LANES)], sems[slot])
            return hx, hy, h0, h1

        def process(b, xb, yb, nb):
            k_first = nb[pl.ds(0, LANES)][0]
            k_last = nb[pl.ds(LANES, LANES)][LANES - 1]

            @pl.when(k_first == k_last)
            def _fast():
                def step(t, acc):
                    sx, sy, q = acc
                    o = pl.ds(t * LANES, LANES)
                    x = xb[o]
                    y = yb[o]
                    return (sx + x, sy + y, q + (x * x + y * y))

                sx, sy, q = plsc.parallel_loop(
                    0, BLK // LANES, carry=(zeros, zeros, zeros),
                    unroll=UNROLL)(step)
                idx = jnp.zeros((LANES,), jnp.int32) + k_first
                plsc.addupdate_scatter(tbl, [idx], sx)
                plsc.addupdate_scatter(tbl, [idx + NUM_SEGMENTS], sy)
                plsc.addupdate_scatter(tbl, [idx + 2 * NUM_SEGMENTS], q)
                plsc.addupdate_scatter(
                    tbl, [idx + 3 * NUM_SEGMENTS],
                    jnp.full((LANES,), BLK / 16.0, jnp.float32),
                )

            @pl.when(k_first != k_last)
            def _slow():
                base = pl.multiple_of((wid * nblk + b) * BLK, BLK)
                pltpu.sync_copy(ids_hbm.at[pl.ds(base, BLK)], ibuf)

                def seg_pass(k, c):
                    kv = jnp.zeros((LANES,), jnp.int32) + k

                    def step(t, acc):
                        sx, sy, q, cnt = acc
                        o = pl.ds(t * LANES, LANES)
                        m = ibuf[o] == kv
                        x = jnp.where(m, xb[o], 0.0)
                        y = jnp.where(m, yb[o], 0.0)
                        return (sx + x, sy + y, q + (x * x + y * y),
                                cnt + jnp.where(m, 1.0, 0.0))

                    sx, sy, q, cnt = plsc.parallel_loop(
                        0, BLK // LANES, carry=(zeros,) * 4,
                        unroll=UNROLL)(step)
                    plsc.addupdate_scatter(tbl, [kv], sx)
                    plsc.addupdate_scatter(tbl, [kv + NUM_SEGMENTS], sy)
                    plsc.addupdate_scatter(tbl, [kv + 2 * NUM_SEGMENTS], q)
                    plsc.addupdate_scatter(tbl, [kv + 3 * NUM_SEGMENTS], cnt)
                    return c

                lax.fori_loop(k_first, k_last + 1, seg_pass, 0)

        handles = start(0, 0)
        for b in range(nblk):
            slot = b % 2
            for h in handles:
                h.wait()
            if b + 1 < nblk:
                handles = start(b + 1, 1 - slot)
            process(b, xbufs[slot], ybufs[slot], nbufs[slot])

        pltpu.sync_copy(tbl, out_hbm.at[wid])

    return body(xs, ys, ids)


def _combine_kernel(p_ref, o_ref):
    t = jnp.sum(p_ref[...], axis=0)
    sx = t[0:64]
    sy = t[64:128]
    q = t[128:192]
    cnt = t[192:256]
    safe = jnp.maximum(cnt, 1.0)
    mean_sq = q / safe - (sx * sx + sy * sy) / (safe * safe)
    spot = jnp.sqrt(jnp.maximum(mean_sq, 0.0))
    o_ref[...] = jnp.zeros((8, 128), jnp.float32) + jnp.sum(spot) * (1.0 / NUM_SEGMENTS)


def kernel(hits_xy, ids):
    partials = _sc_partials(hits_xy[:, 0], hits_xy[:, 1], ids)
    out = pl.pallas_call(
        _combine_kernel,
        out_shape=jax.ShapeDtypeStruct((8, 128), jnp.float32),
    )(partials)
    return out[0, 0]

# --- scband reference (transcript-rebuilt; emitter-appended) ---
"""Pipeline reference for scband-spot-size-loss-89240830476887 (READ-ONLY COPY).

The authoritative reference and input builder live on the scoring server;
editing this copy changes nothing except your own understanding.
"""

import jax, jax.numpy as jnp
import numpy as np

NUM_BUNDLES = 64
N_RAYS = 65536
N_TOTAL = NUM_BUNDLES * N_RAYS


def setup_inputs(seed: int = 0) -> dict:
    key = jax.random.key(seed)
    k1, k2 = jax.random.split(key)
    hits_xy = jax.random.normal(k1, (N_TOTAL, 2), dtype=jnp.float32)
    ids = jnp.sort(jax.random.randint(k2, (N_TOTAL,), 0, NUM_BUNDLES, dtype=jnp.int32))
    return {"hits_xy": hits_xy, "ids": ids}


def reference(hits_xy, ids):
    # Faithful core of SpotSizeLoss.forward after the sensor has accumulated
    # hit positions tagged by ray id: per-id RMS spot size about the per-id
    # centroid (target_xy=None path), then the mean over all query ids.
    K = NUM_BUNDLES
    ones = jnp.ones((hits_xy.shape[0],), dtype=hits_xy.dtype)
    counts = jax.ops.segment_sum(ones, ids, num_segments=K)
    sums = jax.ops.segment_sum(hits_xy, ids, num_segments=K)
    safe_counts = jnp.maximum(counts, 1.0)
    centroid = sums / safe_counts[:, None]
    diff = hits_xy - jnp.take(centroid, ids, axis=0)
    sq_dist = jnp.sum(diff * diff, axis=-1)
    mean_sq = jax.ops.segment_sum(sq_dist, ids, num_segments=K) / safe_counts
    spot_sizes = jnp.sqrt(mean_sq)
    return jnp.mean(spot_sizes)

if __name__ == "__main__":
    import jax
    _d = setup_inputs()
    print(jax.jit(kernel)(*tuple(_d.values())))

</pallas_src>

<mosaic_0001>
#map = affine_map<(d0, d1) -> (0)>
#map1 = affine_map<(d0, d1) -> (0, 0)>
module attributes {stable_mosaic.version = 14 : i64} {
  func.func @body(%arg0: i32, %arg1: i32, %arg2: memref<4194304xf32, #tpu.memory_space<hbm>>, %arg3: memref<4194304xf32, #tpu.memory_space<hbm>>, %arg4: memref<4194304xi32, #tpu.memory_space<hbm>>, %arg5: memref<32x256xf32, #tpu.memory_space<hbm>>, %arg6: memref<16384xf32, #tpu.memory_space<vmem>>, %arg7: memref<16384xf32, #tpu.memory_space<vmem>>, %arg8: memref<16384xf32, #tpu.memory_space<vmem>>, %arg9: memref<16384xf32, #tpu.memory_space<vmem>>, %arg10: memref<32xi32, #tpu.memory_space<vmem>>, %arg11: memref<32xi32, #tpu.memory_space<vmem>>, %arg12: memref<16384xi32, #tpu.memory_space<vmem>>, %arg13: memref<256xf32, #tpu.memory_space<vmem>>, %arg14: memref<!tpu.dma_semaphore, #tpu.memory_space<semaphore_mem>>, %arg15: memref<!tpu.dma_semaphore, #tpu.memory_space<semaphore_mem>>) attributes {dimension_semantics = [#tpu.dimension_semantics<core_parallel>, #tpu.dimension_semantics<subcore_parallel>], iteration_bounds = array<i64: 2, 16>, scalar_prefetch = 0 : i64, scratch_operands = 10 : i64, tpu.core_type = #tpu.core_type<sc_vector_subcore>, window_params = [{transform_indices = #map}, {transform_indices = #map}, {transform_indices = #map}, {transform_indices = #map1}]} {
    %mul3A = arith.constant 2 : i32
    %mul3A_0 = arith.muli %arg1, %mul3A : i32
    %add3A = arith.addi %mul3A_0, %arg0 : i32
    %broadcast_in_dim3A = arith.constant 0.000000e+00 : f32
    %broadcast_in_dim3A_1 = vector.broadcast %broadcast_in_dim3A : f32 to vector<16xf32>
    %swap3A = arith.constant 0 : index
    %swap3A_2 = tpu.vector_load %arg13[%swap3A] {strides = array<i32>} : memref<256xf32, #tpu.memory_space<vmem>>, vector<16xf32>,
    tpu.vector_store %arg13[%swap3A], %broadcast_in_dim3A_1 {strides = array<i32>} : memref<256xf32, #tpu.memory_space<vmem>>, vector<16xf32>,
    %swap3A_3 = arith.constant 16 : index
    %swap3A_4 = tpu.vector_load %arg13[%swap3A_3] {strides = array<i32>} : memref<256xf32, #tpu.memory_space<vmem>>, vector<16xf32>,
    tpu.vector_store %arg13[%swap3A_3], %broadcast_in_dim3A_1 {strides = array<i32>} : memref<256xf32, #tpu.memory_space<vmem>>, vector<16xf32>,
    %swap3A_5 = arith.constant 32 : index
    %swap3A_6 = tpu.vector_load %arg13[%swap3A_5] {strides = array<i32>} : memref<256xf32, #tpu.memory_space<vmem>>, vector<16xf32>,
    tpu.vector_store %arg13[%swap3A_5], %broadcast_in_dim3A_1 {strides = array<i32>} : memref<256xf32, #tpu.memory_space<vmem>>, vector<16xf32>,
    %swap3A_7 = arith.constant 48 : index
    %swap3A_8 = tpu.vector_load %arg13[%swap3A_7] {strides = array<i32>} : memref<256xf32, #tpu.memory_space<vmem>>, vector<16xf32>,
    tpu.vector_store %arg13[%swap3A_7], %broadcast_in_dim3A_1 {strides = array<i32>} : memref<256xf32, #tpu.memory_space<vmem>>, vector<16xf32>,
    %swap3A_9 = arith.constant 64 : index
    %swap3A_10 = tpu.vector_load %arg13[%swap3A_9] {strides = array<i32>} : memref<256xf32, #tpu.memory_space<vmem>>, vector<16xf32>,
    tpu.vector_store %arg13[%swap3A_9], %broadcast_in_dim3A_1 {strides = array<i32>} : memref<256xf32, #tpu.memory_space<vmem>>, vector<16xf32>,
    %swap3A_11 = arith.constant 80 : index
    %swap3A_12 = tpu.vector_load %arg13[%swap3A_11] {strides = array<i32>} : memref<256xf32, #tpu.memory_space<vmem>>, vector<16xf32>,
    tpu.vector_store %arg13[%swap3A_11], %broadcast_in_dim3A_1 {strides = array<i32>} : memref<256xf32, #tpu.memory_space<vmem>>, vector<16xf32>,
    %swap3A_13 = arith.constant 96 : index
    %swap3A_14 = tpu.vector_load %arg13[%swap3A_13] {strides = array<i32>} : memref<256xf32, #tpu.memory_space<vmem>>, vector<16xf32>,
    tpu.vector_store %arg13[%swap3A_13], %broadcast_in_dim3A_1 {strides = array<i32>} : memref<256xf32, #tpu.memory_space<vmem>>, vector<16xf32>,
    %swap3A_15 = arith.constant 112 : index
    %swap3A_16 = tpu.vector_load %arg13[%swap3A_15] {strides = array<i32>} : memref<256xf32, #tpu.memory_space<vmem>>, vector<16xf32>,
    tpu.vector_store %arg13[%swap3A_15], %broadcast_in_dim3A_1 {strides = array<i32>} : memref<256xf32, #tpu.memory_space<vmem>>, vector<16xf32>,
    %swap3A_17 = arith.constant 128 : index
    %swap3A_18 = tpu.vector_load %arg13[%swap3A_17] {strides = array<i32>} : memref<256xf32, #tpu.memory_space<vmem>>, vector<16xf32>,
    tpu.vector_store %arg13[%swap3A_17], %broadcast_in_dim3A_1 {strides = array<i32>} : memref<256xf32, #tpu.memory_space<vmem>>, vector<16xf32>,
    %swap3A_19 = arith.constant 144 : index
    %swap3A_20 = tpu.vector_load %arg13[%swap3A_19] {strides = array<i32>} : memref<256xf32, #tpu.memory_space<vmem>>, vector<16xf32>,
    tpu.vector_store %arg13[%swap3A_19], %broadcast_in_dim3A_1 {strides = array<i32>} : memref<256xf32, #tpu.memory_space<vmem>>, vector<16xf32>,
    %swap3A_21 = arith.constant 160 : index
    %swap3A_22 = tpu.vector_load %arg13[%swap3A_21] {strides = array<i32>} : memref<256xf32, #tpu.memory_space<vmem>>, vector<16xf32>,
    tpu.vector_store %arg13[%swap3A_21], %broadcast_in_dim3A_1 {strides = array<i32>} : memref<256xf32, #tpu.memory_space<vmem>>, vector<16xf32>,
    %swap3A_23 = arith.constant 176 : index
    %swap3A_24 = tpu.vector_load %arg13[%swap3A_23] {strides = array<i32>} : memref<256xf32, #tpu.memory_space<vmem>>, vector<16xf32>,
    tpu.vector_store %arg13[%swap3A_23], %broadcast_in_dim3A_1 {strides = array<i32>} : memref<256xf32, #tpu.memory_space<vmem>>, vector<16xf32>,
    %swap3A_25 = arith.constant 192 : index
    %swap3A_26 = tpu.vector_load %arg13[%swap3A_25] {strides = array<i32>} : memref<256xf32, #tpu.memory_space<vmem>>, vector<16xf32>,
    tpu.vector_store %arg13[%swap3A_25], %broadcast_in_dim3A_1 {strides = array<i32>} : memref<256xf32, #tpu.memory_space<vmem>>, vector<16xf32>,
    %swap3A_27 = arith.constant 208 : index
    %swap3A_28 = tpu.vector_load %arg13[%swap3A_27] {strides = array<i32>} : memref<256xf32, #tpu.memory_space<vmem>>, vector<16xf32>,
    tpu.vector_store %arg13[%swap3A_27], %broadcast_in_dim3A_1 {strides = array<i32>} : memref<256xf32, #tpu.memory_space<vmem>>, vector<16xf32>,
    %swap3A_29 = arith.constant 224 : index
    %swap3A_30 = tpu.vector_load %arg13[%swap3A_29] {strides = array<i32>} : memref<256xf32, #tpu.memory_space<vmem>>, vector<16xf32>,
    tpu.vector_store %arg13[%swap3A_29], %broadcast_in_dim3A_1 {strides = array<i32>} : memref<256xf32, #tpu.memory_space<vmem>>, vector<16xf32>,
    %swap3A_31 = arith.constant 240 : index
    %swap3A_32 = tpu.vector_load %arg13[%swap3A_31] {strides = array<i32>} : memref<256xf32, #tpu.memory_space<vmem>>, vector<16xf32>,
    tpu.vector_store %arg13[%swap3A_31], %broadcast_in_dim3A_1 {strides = array<i32>} : memref<256xf32, #tpu.memory_space<vmem>>, vector<16xf32>,
    %mul3A_33 = arith.constant 8 : i32
    %mul3A_34 = arith.muli %add3A, %mul3A_33 : i32
    %add3A_35 = arith.constant 0 : i32
    %add3A_36 = arith.addi %mul3A_34, %add3A_35 : i32
    %mul3A_37 = arith.constant 16384 : i32
    %mul3A_38 = arith.muli %add3A_36, %mul3A_37 : i32
    %multiple_of3A = tpu.assume_multiple %mul3A_38, 16384 : i32
    %dma_start3A = tpu.memref_slice %arg2[%multiple_of3A] : memref<4194304xf32, #tpu.memory_space<hbm>> -> memref<16384xf32, #tpu.memory_space<hbm>>
    %dma_start3A_39 = tpu.memref_slice %arg2[%multiple_of3A] : memref<4194304xf32, #tpu.memory_space<hbm>> -> memref<16384xf32, #tpu.memory_space<hbm>>
    tpu.enqueue_dma source(%dma_start3A_39 : memref<16384xf32, #tpu.memory_space<hbm>>) target(%arg6 : memref<16384xf32, #tpu.memory_space<vmem>>) target_semaphore(%arg14 : memref<!tpu.dma_semaphore, #tpu.memory_space<semaphore_mem>>)
    %dma_start3A_40 = tpu.memref_slice %arg3[%multiple_of3A] : memref<4194304xf32, #tpu.memory_space<hbm>> -> memref<16384xf32, #tpu.memory_space<hbm>>
    %dma_start3A_41 = tpu.memref_slice %arg3[%multiple_of3A] : memref<4194304xf32, #tpu.memory_space<hbm>> -> memref<16384xf32, #tpu.memory_space<hbm>>
    tpu.enqueue_dma source(%dma_start3A_41 : memref<16384xf32, #tpu.memory_space<hbm>>) target(%arg8 : memref<16384xf32, #tpu.memory_space<vmem>>) target_semaphore(%arg14 : memref<!tpu.dma_semaphore, #tpu.memory_space<semaphore_mem>>)
    %dma_start3A_42 = arith.constant 0 : i32
    %dma_start3A_43 = tpu.memref_slice %arg10[%dma_start3A_42] : memref<32xi32, #tpu.memory_space<vmem>> -> memref<16xi32, #tpu.memory_space<vmem>>
    %dma_start3A_44 = tpu.memref_slice %arg4[%multiple_of3A] : memref<4194304xi32, #tpu.memory_space<hbm>> -> memref<16xi32, #tpu.memory_space<hbm>>
    %dma_start3A_45 = arith.constant 0 : i32
    %dma_start3A_46 = tpu.memref_slice %arg10[%dma_start3A_45] : memref<32xi32, #tpu.memory_space<vmem>> -> memref<16xi32, #tpu.memory_space<vmem>>
    %dma_start3A_47 = tpu.memref_slice %arg4[%multiple_of3A] : memref<4194304xi32, #tpu.memory_space<hbm>> -> memref<16xi32, #tpu.memory_space<hbm>>
    tpu.enqueue_dma source(%dma_start3A_47 : memref<16xi32, #tpu.memory_space<hbm>>) target(%dma_start3A_46 : memref<16xi32, #tpu.memory_space<vmem>>) target_semaphore(%arg14 : memref<!tpu.dma_semaphore, #tpu.memory_space<semaphore_mem>>)
    %add3A_48 = arith.constant 16384 : i32
    %add3A_49 = arith.addi %multiple_of3A, %add3A_48 : i32
    %sub3A = arith.constant 16 : i32
    %sub3A_50 = arith.subi %add3A_49, %sub3A : i32
    %dma_start3A_51 = arith.constant 16 : i32
    %dma_start3A_52 = tpu.memref_slice %arg10[%dma_start3A_51] : memref<32xi32, #tpu.memory_space<vmem>> -> memref<16xi32, #tpu.memory_space<vmem>>
    %dma_start3A_53 = tpu.memref_slice %arg4[%sub3A_50] : memref<4194304xi32, #tpu.memory_space<hbm>> -> memref<16xi32, #tpu.memory_space<hbm>>
    %dma_start3A_54 = arith.constant 16 : i32
    %dma_start3A_55 = tpu.memref_slice %arg10[%dma_start3A_54] : memref<32xi32, #tpu.memory_space<vmem>> -> memref<16xi32, #tpu.memory_space<vmem>>
    %dma_start3A_56 = tpu.memref_slice %arg4[%sub3A_50] : memref<4194304xi32, #tpu.memory_space<hbm>> -> memref<16xi32, #tpu.memory_space<hbm>>
    tpu.enqueue_dma source(%dma_start3A_56 : memref<16xi32, #tpu.memory_space<hbm>>) target(%dma_start3A_55 : memref<16xi32, #tpu.memory_space<vmem>>) target_semaphore(%arg14 : memref<!tpu.dma_semaphore, #tpu.memory_space<semaphore_mem>>)
    %dma_wait3A = tpu.memref_slice %arg2[%multiple_of3A] : memref<4194304xf32, #tpu.memory_space<hbm>> -> memref<16384xf32, #tpu.memory_space<hbm>>
    %dma_wait3A_57 = tpu.memref_slice %arg2[%multiple_of3A] : memref<4194304xf32, #tpu.memory_space<hbm>> -> memref<16384xf32, #tpu.memory_space<hbm>>
    tpu.wait_dma2 semaphore(%arg14 : memref<!tpu.dma_semaphore, #tpu.memory_space<semaphore_mem>>) src(%dma_wait3A_57 : memref<16384xf32, #tpu.memory_space<hbm>>) dst(%arg6 : memref<16384xf32, #tpu.memory_space<vmem>>)
    %dma_wait3A_58 = tpu.memref_slice %arg3[%multiple_of3A] : memref<4194304xf32, #tpu.memory_space<hbm>> -> memref<16384xf32, #tpu.memory_space<hbm>>
    %dma_wait3A_59 = tpu.memref_slice %arg3[%multiple_of3A] : memref<4194304xf32, #tpu.memory_space<hbm>> -> memref<16384xf32, #tpu.memory_space<hbm>>
    tpu.wait_dma2 semaphore(%arg14 : memref<!tpu.dma_semaphore, #tpu.memory_space<semaphore_mem>>) src(%dma_wait3A_59 : memref<16384xf32, #tpu.memory_space<hbm>>) dst(%arg8 : memref<16384xf32, #tpu.memory_space<vmem>>)
    %dma_wait3A_60 = arith.constant 0 : i32
    %dma_wait3A_61 = tpu.memref_slice %arg10[%dma_wait3A_60] : memref<32xi32, #tpu.memory_space<vmem>> -> memref<16xi32, #tpu.memory_space<vmem>>
    %dma_wait3A_62 = tpu.memref_slice %arg4[%multiple_of3A] : memref<4194304xi32, #tpu.memory_space<hbm>> -> memref<16xi32, #tpu.memory_space<hbm>>
    %dma_wait3A_63 = arith.constant 0 : i32
    %dma_wait3A_64 = tpu.memref_slice %arg10[%dma_wait3A_63] : memref<32xi32, #tpu.memory_space<vmem>> -> memref<16xi32, #tpu.memory_space<vmem>>
    %dma_wait3A_65 = tpu.memref_slice %arg4[%multiple_of3A] : memref<4194304xi32, #tpu.memory_space<hbm>> -> memref<16xi32, #tpu.memory_space<hbm>>
    tpu.wait_dma2 semaphore(%arg14 : memref<!tpu.dma_semaphore, #tpu.memory_space<semaphore_mem>>) src(%dma_wait3A_65 : memref<16xi32, #tpu.memory_space<hbm>>) dst(%dma_wait3A_64 : memref<16xi32, #tpu.memory_space<vmem>>)
    %dma_wait3A_66 = arith.constant 16 : i32
    %dma_wait3A_67 = tpu.memref_slice %arg10[%dma_wait3A_66] : memref<32xi32, #tpu.memory_space<vmem>> -> memref<16xi32, #tpu.memory_space<vmem>>
    %dma_wait3A_68 = tpu.memref_slice %arg4[%sub3A_50] : memref<4194304xi32, #tpu.memory_space<hbm>> -> memref<16xi32, #tpu.memory_space<hbm>>
    %dma_wait3A_69 = arith.constant 16 : i32
    %dma_wait3A_70 = tpu.memref_slice %arg10[%dma_wait3A_69] : memref<32xi32, #tpu.memory_space<vmem>> -> memref<16xi32, #tpu.memory_space<vmem>>
    %dma_wait3A_71 = tpu.memref_slice %arg4[%sub3A_50] : memref<4194304xi32, #tpu.memory_space<hbm>> -> memref<16xi32, #tpu.memory_space<hbm>>
    tpu.wait_dma2 semaphore(%arg14 : memref<!tpu.dma_semaphore, #tpu.memory_space<semaphore_mem>>) src(%dma_wait3A_71 : memref<16xi32, #tpu.memory_space<hbm>>) dst(%dma_wait3A_70 : memref<16xi32, #tpu.memory_space<vmem>>)
    %mul3A_72 = arith.constant 8 : i32
    %mul3A_73 = arith.muli %add3A, %mul3A_72 : i32
    %add3A_74 = arith.constant 1 : i32
    %add3A_75 = arith.addi %mul3A_73, %add3A_74 : i32
    %mul3A_76 = arith.constant 16384 : i32
    %mul3A_77 = arith.muli %add3A_75, %mul3A_76 : i32
    %multiple_of3A_78 = tpu.assume_multiple %mul3A_77, 16384 : i32
    %dma_start3A_79 = tpu.memref_slice %arg2[%multiple_of3A_78] : memref<4194304xf32, #tpu.memory_space<hbm>> -> memref<16384xf32, #tpu.memory_space<hbm>>
    %dma_start3A_80 = tpu.memref_slice %arg2[%multiple_of3A_78] : memref<4194304xf32, #tpu.memory_space<hbm>> -> memref<16384xf32, #tpu.memory_space<hbm>>
    tpu.enqueue_dma source(%dma_start3A_80 : memref<16384xf32, #tpu.memory_space<hbm>>) target(%arg7 : memref<16384xf32, #tpu.memory_space<vmem>>) target_semaphore(%arg15 : memref<!tpu.dma_semaphore, #tpu.memory_space<semaphore_mem>>)
    %dma_start3A_81 = tpu.memref_slice %arg3[%multiple_of3A_78] : memref<4194304xf32, #tpu.memory_space<hbm>> -> memref<16384xf32, #tpu.memory_space<hbm>>
    %dma_start3A_82 = tpu.memref_slice %arg3[%multiple_of3A_78] : memref<4194304xf32, #tpu.memory_space<hbm>> -> memref<16384xf32, #tpu.memory_space<hbm>>
    tpu.enqueue_dma source(%dma_start3A_82 : memref<16384xf32, #tpu.memory_space<hbm>>) target(%arg9 : memref<16384xf32, #tpu.memory_space<vmem>>) target_semaphore(%arg15 : memref<!tpu.dma_semaphore, #tpu.memory_space<semaphore_mem>>)
    %dma_start3A_83 = arith.constant 0 : i32
    %dma_start3A_84 = tpu.memref_slice %arg11[%dma_start3A_83] : memref<32xi32, #tpu.memory_space<vmem>> -> memref<16xi32, #tpu.memory_space<vmem>>
    %dma_start3A_85 = tpu.memref_slice %arg4[%multiple_of3A_78] : memref<4194304xi32, #tpu.memory_space<hbm>> -> memref<16xi32, #tpu.memory_space<hbm>>
    %dma_start3A_86 = arith.constant 0 : i32
    %dma_start3A_87 = tpu.memref_slice %arg11[%dma_start3A_86] : memref<32xi32, #tpu.memory_space<vmem>> -> memref<16xi32, #tpu.memory_space<vmem>>
    %dma_start3A_88 = tpu.memref_slice %arg4[%multiple_of3A_78] : memref<4194304xi32, #tpu.memory_space<hbm>> -> memref<16xi32, #tpu.memory_space<hbm>>
    tpu.enqueue_dma source(%dma_start3A_88 : memref<16xi32, #tpu.memory_space<hbm>>) target(%dma_start3A_87 : memref<16xi32, #tpu.memory_space<vmem>>) target_semaphore(%arg15 : memref<!tpu.dma_semaphore, #tpu.memory_space<semaphore_mem>>)
    %add3A_89 = arith.constant 16384 : i32
    %add3A_90 = arith.addi %multiple_of3A_78, %add3A_89 : i32
    %sub3A_91 = arith.constant 16 : i32
    %sub3A_92 = arith.subi %add3A_90, %sub3A_91 : i32
    %dma_start3A_93 = arith.constant 16 : i32
    %dma_start3A_94 = tpu.memref_slice %arg11[%dma_start3A_93] : memref<32xi32, #tpu.memory_space<vmem>> -> memref<16xi32, #tpu.memory_space<vmem>>
    %dma_start3A_95 = tpu.memref_slice %arg4[%sub3A_92] : memref<4194304xi32, #tpu.memory_space<hbm>> -> memref<16xi32, #tpu.memory_space<hbm>>
    %dma_start3A_96 = arith.constant 16 : i32
    %dma_start3A_97 = tpu.memref_slice %arg11[%dma_start3A_96] : memref<32xi32, #tpu.memory_space<vmem>> -> memref<16xi32, #tpu.memory_space<vmem>>
    %dma_start3A_98 = tpu.memref_slice %arg4[%sub3A_92] : memref<4194304xi32, #tpu.memory_space<hbm>> -> memref<16xi32, #tpu.memory_space<hbm>>
    tpu.enqueue_dma source(%dma_start3A_98 : memref<16xi32, #tpu.memory_space<hbm>>) target(%dma_start3A_97 : memref<16xi32, #tpu.memory_space<vmem>>) target_semaphore(%arg15 : memref<!tpu.dma_semaphore, #tpu.memory_space<semaphore_mem>>)
    %get3A = arith.constant 0 : index
    %get3A_99 = tpu.vector_load %arg10[%get3A] {strides = array<i32>} : memref<32xi32, #tpu.memory_space<vmem>>, vector<16xi32>,
    %slice3A = vector.extract_strided_slice %get3A_99 {offsets = [0], sizes = [1], strides = [1]} : vector<16xi32> to vector<1xi32>
    %squeeze3A = vector.extract %slice3A[0] : i32 from vector<1xi32>
    %get3A_100 = arith.constant 16 : index
    %get3A_101 = tpu.vector_load %arg10[%get3A_100] {strides = array<i32>} : memref<32xi32, #tpu.memory_space<vmem>>, vector<16xi32>,
    %slice3A_102 = vector.extract_strided_slice %get3A_101 {offsets = [15], sizes = [1], strides = [1]} : vector<16xi32> to vector<1xi32>
    %squeeze3A_103 = vector.extract %slice3A_102[0] : i32 from vector<1xi32>
    %eq3A = arith.cmpi eq, %squeeze3A, %squeeze3A_103 : i32
    %convert_element_type3A = arith.extui %eq3A : i1 to i32
    %cond3A = arith.constant 0 : i32
    %cond3A_104 = arith.cmpi ne, %convert_element_type3A, %cond3A : i32
    scf.if %cond3A_104 {
      %parallel_loop3A = arith.constant 0 : i32
      %parallel_loop3A_494 = arith.constant 1024 : i32
      %parallel_loop3A_495 = arith.constant 1 : i32
      %parallel_loop3A_496:3 = scf.for %parallel_loop3A_512 = %parallel_loop3A to %parallel_loop3A_494 step %parallel_loop3A_495 iter_args(%parallel_loop3A_513 = %broadcast_in_dim3A_1, %parallel_loop3A_514 = %broadcast_in_dim3A_1, %parallel_loop3A_515 = %broadcast_in_dim3A_1) -> (vector<16xf32>, vector<16xf32>, vector<16xf32>)  : i32 {
        %parallel_loop3A_516 = arith.constant 16 : i32
        %parallel_loop3A_517 = arith.muli %parallel_loop3A_512, %parallel_loop3A_516 : i32
        %parallel_loop3A_518 = arith.index_cast %parallel_loop3A_517 : i32 to index
        %parallel_loop3A_519 = tpu.vector_load %arg6[%parallel_loop3A_518] {strides = array<i32>} : memref<16384xf32, #tpu.memory_space<vmem>>, vector<16xf32>,
        %parallel_loop3A_520 = arith.index_cast %parallel_loop3A_517 : i32 to index
        %parallel_loop3A_521 = tpu.vector_load %arg8[%parallel_loop3A_520] {strides = array<i32>} : memref<16384xf32, #tpu.memory_space<vmem>>, vector<16xf32>,
        %parallel_loop3A_522 = arith.addf %parallel_loop3A_513, %parallel_loop3A_519 : vector<16xf32>
        %parallel_loop3A_523 = arith.addf %parallel_loop3A_514, %parallel_loop3A_521 : vector<16xf32>
        %parallel_loop3A_524 = arith.mulf %parallel_loop3A_519, %parallel_loop3A_519 : vector<16xf32>
        %parallel_loop3A_525 = arith.mulf %parallel_loop3A_521, %parallel_loop3A_521 : vector<16xf32>
        %parallel_loop3A_526 = arith.addf %parallel_loop3A_524, %parallel_loop3A_525 : vector<16xf32>
        %parallel_loop3A_527 = arith.addf %parallel_loop3A_515, %parallel_loop3A_526 : vector<16xf32>
        scf.yield %parallel_loop3A_522, %parallel_loop3A_523, %parallel_loop3A_527 : vector<16xf32>, vector<16xf32>, vector<16xf32>
      } {sc.loop_unroll_factor = 8 : i64, sc.parallel_access}
      %broadcast_in_dim3A_497 = arith.constant 0 : i32
      %broadcast_in_dim3A_498 = vector.broadcast %broadcast_in_dim3A_497 : i32 to vector<16xi32>
      %add3A_499 = vector.broadcast %squeeze3A : i32 to vector<16xi32>
      %add3A_500 = arith.addi %broadcast_in_dim3A_498, %add3A_499 : vector<16xi32>
      tpu.vector_store_idx %arg13[%add3A_500], %parallel_loop3A_496#0 {add = true} : memref<256xf32, #tpu.memory_space<vmem>>[vector<16xi32>], vector<16xf32>,
      %add3A_501 = arith.constant 64 : i32
      %add3A_502 = vector.broadcast %add3A_501 : i32 to vector<16xi32>
      %add3A_503 = arith.addi %add3A_500, %add3A_502 : vector<16xi32>
      tpu.vector_store_idx %arg13[%add3A_503], %parallel_loop3A_496#1 {add = true} : memref<256xf32, #tpu.memory_space<vmem>>[vector<16xi32>], vector<16xf32>,
      %add3A_504 = arith.constant 128 : i32
      %add3A_505 = vector.broadcast %add3A_504 : i32 to vector<16xi32>
      %add3A_506 = arith.addi %add3A_500, %add3A_505 : vector<16xi32>
      tpu.vector_store_idx %arg13[%add3A_506], %parallel_loop3A_496#2 {add = true} : memref<256xf32, #tpu.memory_space<vmem>>[vector<16xi32>], vector<16xf32>,
      %add3A_507 = arith.constant 192 : i32
      %add3A_508 = vector.broadcast %add3A_507 : i32 to vector<16xi32>
      %add3A_509 = arith.addi %add3A_500, %add3A_508 : vector<16xi32>
      %broadcast_in_dim3A_510 = arith.constant 1.024000e+03 : f32
      %broadcast_in_dim3A_511 = vector.broadcast %broadcast_in_dim3A_510 : f32 to vector<16xf32>
      tpu.vector_store_idx %arg13[%add3A_509], %broadcast_in_dim3A_511 {add = true} : memref<256xf32, #tpu.memory_space<vmem>>[vector<16xi32>], vector<16xf32>,
    } else {
    }
    %ne3A = arith.cmpi ne, %squeeze3A, %squeeze3A_103 : i32
    %convert_element_type3A_105 = arith.extui %ne3A : i1 to i32
    %cond3A_106 = arith.constant 0 : i32
    %cond3A_107 = arith.cmpi ne, %convert_element_type3A_105, %cond3A_106 : i32
    scf.if %cond3A_107 {
      %mul3A_494 = arith.constant 8 : i32
      %mul3A_495 = arith.muli %add3A, %mul3A_494 : i32
      %add3A_496 = arith.constant 0 : i32
      %add3A_497 = arith.addi %mul3A_495, %add3A_496 : i32
      %mul3A_498 = arith.constant 16384 : i32
      %mul3A_499 = arith.muli %add3A_497, %mul3A_498 : i32
      %multiple_of3A_500 = tpu.assume_multiple %mul3A_499, 16384 : i32
      "tpu.region"() ({
        %run_scoped3A = tpu.sem_alloc : memref<!tpu.dma_semaphore, #tpu.memory_space<semaphore_mem>>
        %dma_start3A_511 = tpu.memref_slice %arg4[%multiple_of3A_500] : memref<4194304xi32, #tpu.memory_space<hbm>> -> memref<16384xi32, #tpu.memory_space<hbm>>
        %dma_start3A_512 = tpu.memref_slice %arg4[%multiple_of3A_500] : memref<4194304xi32, #tpu.memory_space<hbm>> -> memref<16384xi32, #tpu.memory_space<hbm>>
        tpu.enqueue_dma source(%dma_start3A_512 : memref<16384xi32, #tpu.memory_space<hbm>>) target(%arg12 : memref<16384xi32, #tpu.memory_space<vmem>>) target_semaphore(%run_scoped3A : memref<!tpu.dma_semaphore, #tpu.memory_space<semaphore_mem>>)
        %dma_wait3A_513 = tpu.memref_slice %arg4[%multiple_of3A_500] : memref<4194304xi32, #tpu.memory_space<hbm>> -> memref<16384xi32, #tpu.memory_space<hbm>>
        %dma_wait3A_514 = tpu.memref_slice %arg4[%multiple_of3A_500] : memref<4194304xi32, #tpu.memory_space<hbm>> -> memref<16384xi32, #tpu.memory_space<hbm>>
        tpu.wait_dma2 semaphore(%run_scoped3A : memref<!tpu.dma_semaphore, #tpu.memory_space<semaphore_mem>>) src(%dma_wait3A_514 : memref<16384xi32, #tpu.memory_space<hbm>>) dst(%arg12 : memref<16384xi32, #tpu.memory_space<vmem>>)
        tpu.yield
      }) : () -> ()
      %add3A_501 = arith.constant 1 : i32
      %add3A_502 = arith.addi %squeeze3A_103, %add3A_501 : i32
      %while3A = arith.constant 0 : i32
      %while3A_503 = arith.subi %add3A_502, %squeeze3A : i32
      %while3A_504 = arith.addi %squeeze3A, %while3A_503 : i32
      %while3A_505 = arith.constant 1 : i32
      %while3A_506 = arith.divsi %while3A_503, %while3A_505 : i32
      %while3A_507 = arith.muli %while3A_506, %while3A_505 : i32
      %while3A_508 = arith.addi %squeeze3A, %while3A_507 : i32
      %while3A_509 = arith.constant 1 : i32
      scf.for %while3A_511 = %squeeze3A to %while3A_508 step %while3A_509  : i32 {
        %broadcast_in_dim3A_512 = arith.constant 0 : i32
        %broadcast_in_dim3A_513 = vector.broadcast %broadcast_in_dim3A_512 : i32 to vector<16xi32>
        %add3A_514 = vector.broadcast %while3A_511 : i32 to vector<16xi32>
        %add3A_515 = arith.addi %broadcast_in_dim3A_513, %add3A_514 : vector<16xi32>
        %parallel_loop3A = arith.constant 0 : i32
        %parallel_loop3A_516 = arith.constant 1024 : i32
        %parallel_loop3A_517 = arith.constant 1 : i32
        %parallel_loop3A_518:4 = scf.for %parallel_loop3A_528 = %parallel_loop3A to %parallel_loop3A_516 step %parallel_loop3A_517 iter_args(%parallel_loop3A_529 = %broadcast_in_dim3A_1, %parallel_loop3A_530 = %broadcast_in_dim3A_1, %parallel_loop3A_531 = %broadcast_in_dim3A_1, %parallel_loop3A_532 = %broadcast_in_dim3A_1) -> (vector<16xf32>, vector<16xf32>, vector<16xf32>, vector<16xf32>)  : i32 {
          %parallel_loop3A_533 = arith.constant 16 : i32
          %parallel_loop3A_534 = arith.muli %parallel_loop3A_528, %parallel_loop3A_533 : i32
          %parallel_loop3A_535 = arith.index_cast %parallel_loop3A_534 : i32 to index
          %parallel_loop3A_536 = tpu.vector_load %arg12[%parallel_loop3A_535] {strides = array<i32>} : memref<16384xi32, #tpu.memory_space<vmem>>, vector<16xi32>,
          %parallel_loop3A_537 = arith.cmpi eq, %parallel_loop3A_536, %add3A_515 : vector<16xi32>
          %parallel_loop3A_538 = arith.index_cast %parallel_loop3A_534 : i32 to index
          %parallel_loop3A_539 = tpu.vector_load %arg6[%parallel_loop3A_538] {strides = array<i32>} : memref<16384xf32, #tpu.memory_space<vmem>>, vector<16xf32>,
          %parallel_loop3A_540 = arith.constant 0.000000e+00 : f32
          %parallel_loop3A_541 = vector.broadcast %parallel_loop3A_540 : f32 to vector<16xf32>
          %parallel_loop3A_542 = arith.select %parallel_loop3A_537, %parallel_loop3A_539, %parallel_loop3A_541 : vector<16xi1>, vector<16xf32>
          %parallel_loop3A_543 = arith.index_cast %parallel_loop3A_534 : i32 to index
          %parallel_loop3A_544 = tpu.vector_load %arg8[%parallel_loop3A_543] {strides = array<i32>} : memref<16384xf32, #tpu.memory_space<vmem>>, vector<16xf32>,
          %parallel_loop3A_545 = arith.constant 0.000000e+00 : f32
          %parallel_loop3A_546 = vector.broadcast %parallel_loop3A_545 : f32 to vector<16xf32>
          %parallel_loop3A_547 = arith.select %parallel_loop3A_537, %parallel_loop3A_544, %parallel_loop3A_546 : vector<16xi1>, vector<16xf32>
          %parallel_loop3A_548 = arith.addf %parallel_loop3A_529, %parallel_loop3A_542 : vector<16xf32>
          %parallel_loop3A_549 = arith.addf %parallel_loop3A_530, %parallel_loop3A_547 : vector<16xf32>
          %parallel_loop3A_550 = arith.mulf %parallel_loop3A_542, %parallel_loop3A_542 : vector<16xf32>
          %parallel_loop3A_551 = arith.mulf %parallel_loop3A_547, %parallel_loop3A_547 : vector<16xf32>
          %parallel_loop3A_552 = arith.addf %parallel_loop3A_550, %parallel_loop3A_551 : vector<16xf32>
          %parallel_loop3A_553 = arith.addf %parallel_loop3A_531, %parallel_loop3A_552 : vector<16xf32>
          %parallel_loop3A_554 = arith.constant 1.000000e+00 : f32
          %parallel_loop3A_555 = arith.constant 0.000000e+00 : f32
          %parallel_loop3A_556 = vector.broadcast %parallel_loop3A_554 : f32 to vector<16xf32>
          %parallel_loop3A_557 = vector.broadcast %parallel_loop3A_555 : f32 to vector<16xf32>
          %parallel_loop3A_558 = arith.select %parallel_loop3A_537, %parallel_loop3A_556, %parallel_loop3A_557 : vector<16xi1>, vector<16xf32>
          %parallel_loop3A_559 = arith.addf %parallel_loop3A_532, %parallel_loop3A_558 : vector<16xf32>
          scf.yield %parallel_loop3A_548, %parallel_loop3A_549, %parallel_loop3A_553, %parallel_loop3A_559 : vector<16xf32>, vector<16xf32>, vector<16xf32>, vector<16xf32>
        } {sc.loop_unroll_factor = 8 : i64, sc.parallel_access}
        tpu.vector_store_idx %arg13[%add3A_515], %parallel_loop3A_518#0 {add = true} : memref<256xf32, #tpu.memory_space<vmem>>[vector<16xi32>], vector<16xf32>,
        %add3A_519 = arith.constant 64 : i32
        %add3A_520 = vector.broadcast %add3A_519 : i32 to vector<16xi32>
        %add3A_521 = arith.addi %add3A_515, %add3A_520 : vector<16xi32>
        tpu.vector_store_idx %arg13[%add3A_521], %parallel_loop3A_518#1 {add = true} : memref<256xf32, #tpu.memory_space<vmem>>[vector<16xi32>], vector<16xf32>,
        %add3A_522 = arith.constant 128 : i32
        %add3A_523 = vector.broadcast %add3A_522 : i32 to vector<16xi32>
        %add3A_524 = arith.addi %add3A_515, %add3A_523 : vector<16xi32>
        tpu.vector_store_idx %arg13[%add3A_524], %parallel_loop3A_518#2 {add = true} : memref<256xf32, #tpu.memory_space<vmem>>[vector<16xi32>], vector<16xf32>,
        %add3A_525 = arith.constant 192 : i32
        %add3A_526 = vector.broadcast %add3A_525 : i32 to vector<16xi32>
        %add3A_527 = arith.addi %add3A_515, %add3A_526 : vector<16xi32>
        tpu.vector_store_idx %arg13[%add3A_527], %parallel_loop3A_518#3 {add = true} : memref<256xf32, #tpu.memory_space<vmem>>[vector<16xi32>], vector<16xf32>,
      }
      %while3A_510 = arith.constant 1 : i32
      scf.for %while3A_511 = %while3A_508 to %while3A_504 step %while3A_510  : i32 {
        %broadcast_in_dim3A_512 = arith.constant 0 : i32
        %broadcast_in_dim3A_513 = vector.broadcast %broadcast_in_dim3A_512 : i32 to vector<16xi32>
        %add3A_514 = vector.broadcast %while3A_511 : i32 to vector<16xi32>
        %add3A_515 = arith.addi %broadcast_in_dim3A_513, %add3A_514 : vector<16xi32>
        %parallel_loop3A = arith.constant 0 : i32
        %parallel_loop3A_516 = arith.constant 1024 : i32
        %parallel_loop3A_517 = arith.constant 1 : i32
        %parallel_loop3A_518:4 = scf.for %parallel_loop3A_528 = %parallel_loop3A to %parallel_loop3A_516 step %parallel_loop3A_517 iter_args(%parallel_loop3A_529 = %broadcast_in_dim3A_1, %parallel_loop3A_530 = %broadcast_in_dim3A_1, %parallel_loop3A_531 = %broadcast_in_dim3A_1, %parallel_loop3A_532 = %broadcast_in_dim3A_1) -> (vector<16xf32>, vector<16xf32>, vector<16xf32>, vector<16xf32>)  : i32 {
          %parallel_loop3A_533 = arith.constant 16 : i32
          %parallel_loop3A_534 = arith.muli %parallel_loop3A_528, %parallel_loop3A_533 : i32
          %parallel_loop3A_535 = arith.index_cast %parallel_loop3A_534 : i32 to index
          %parallel_loop3A_536 = tpu.vector_load %arg12[%parallel_loop3A_535] {strides = array<i32>} : memref<16384xi32, #tpu.memory_space<vmem>>, vector<16xi32>,
          %parallel_loop3A_537 = arith.cmpi eq, %parallel_loop3A_536, %add3A_515 : vector<16xi32>
          %parallel_loop3A_538 = arith.index_cast %parallel_loop3A_534 : i32 to index
          %parallel_loop3A_539 = tpu.vector_load %arg6[%parallel_loop3A_538] {strides = array<i32>} : memref<16384xf32, #tpu.memory_space<vmem>>, vector<16xf32>,
          %parallel_loop3A_540 = arith.constant 0.000000e+00 : f32
          %parallel_loop3A_541 = vector.broadcast %parallel_loop3A_540 : f32 to vector<16xf32>
          %parallel_loop3A_542 = arith.select %parallel_loop3A_537, %parallel_loop3A_539, %parallel_loop3A_541 : vector<16xi1>, vector<16xf32>
          %parallel_loop3A_543 = arith.index_cast %parallel_loop3A_534 : i32 to index
          %parallel_loop3A_544 = tpu.vector_load %arg8[%parallel_loop3A_543] {strides = array<i32>} : memref<16384xf32, #tpu.memory_space<vmem>>, vector<16xf32>,
          %parallel_loop3A_545 = arith.constant 0.000000e+00 : f32
          %parallel_loop3A_546 = vector.broadcast %parallel_loop3A_545 : f32 to vector<16xf32>
          %parallel_loop3A_547 = arith.select %parallel_loop3A_537, %parallel_loop3A_544, %parallel_loop3A_546 : vector<16xi1>, vector<16xf32>
          %parallel_loop3A_548 = arith.addf %parallel_loop3A_529, %parallel_loop3A_542 : vector<16xf32>
          %parallel_loop3A_549 = arith.addf %parallel_loop3A_530, %parallel_loop3A_547 : vector<16xf32>
          %parallel_loop3A_550 = arith.mulf %parallel_loop3A_542, %parallel_loop3A_542 : vector<16xf32>
          %parallel_loop3A_551 = arith.mulf %parallel_loop3A_547, %parallel_loop3A_547 : vector<16xf32>
          %parallel_loop3A_552 = arith.addf %parallel_loop3A_550, %parallel_loop3A_551 : vector<16xf32>
          %parallel_loop3A_553 = arith.addf %parallel_loop3A_531, %parallel_loop3A_552 : vector<16xf32>
          %parallel_loop3A_554 = arith.constant 1.000000e+00 : f32
          %parallel_loop3A_555 = arith.constant 0.000000e+00 : f32
          %parallel_loop3A_556 = vector.broadcast %parallel_loop3A_554 : f32 to vector<16xf32>
          %parallel_loop3A_557 = vector.broadcast %parallel_loop3A_555 : f32 to vector<16xf32>
          %parallel_loop3A_558 = arith.select %parallel_loop3A_537, %parallel_loop3A_556, %parallel_loop3A_557 : vector<16xi1>, vector<16xf32>
          %parallel_loop3A_559 = arith.addf %parallel_loop3A_532, %parallel_loop3A_558 : vector<16xf32>
          scf.yield %parallel_loop3A_548, %parallel_loop3A_549, %parallel_loop3A_553, %parallel_loop3A_559 : vector<16xf32>, vector<16xf32>, vector<16xf32>, vector<16xf32>
        } {sc.loop_unroll_factor = 8 : i64, sc.parallel_access}
        tpu.vector_store_idx %arg13[%add3A_515], %parallel_loop3A_518#0 {add = true} : memref<256xf32, #tpu.memory_space<vmem>>[vector<16xi32>], vector<16xf32>,
        %add3A_519 = arith.constant 64 : i32
        %add3A_520 = vector.broadcast %add3A_519 : i32 to vector<16xi32>
        %add3A_521 = arith.addi %add3A_515, %add3A_520 : vector<16xi32>
        tpu.vector_store_idx %arg13[%add3A_521], %parallel_loop3A_518#1 {add = true} : memref<256xf32, #tpu.memory_space<vmem>>[vector<16xi32>], vector<16xf32>,
        %add3A_522 = arith.constant 128 : i32
        %add3A_523 = vector.broadcast %add3A_522 : i32 to vector<16xi32>
        %add3A_524 = arith.addi %add3A_515, %add3A_523 : vector<16xi32>
        tpu.vector_store_idx %arg13[%add3A_524], %parallel_loop3A_518#2 {add = true} : memref<256xf32, #tpu.memory_space<vmem>>[vector<16xi32>], vector<16xf32>,
        %add3A_525 = arith.constant 192 : i32
        %add3A_526 = vector.broadcast %add3A_525 : i32 to vector<16xi32>
        %add3A_527 = arith.addi %add3A_515, %add3A_526 : vector<16xi32>
        tpu.vector_store_idx %arg13[%add3A_527], %parallel_loop3A_518#3 {add = true} : memref<256xf32, #tpu.memory_space<vmem>>[vector<16xi32>], vector<16xf32>,
      }
    } else {
    }
    %dma_wait3A_108 = tpu.memref_slice %arg2[%multiple_of3A_78] : memref<4194304xf32, #tpu.memory_space<hbm>> -> memref<16384xf32, #tpu.memory_space<hbm>>
    %dma_wait3A_109 = tpu.memref_slice %arg2[%multiple_of3A_78] : memref<4194304xf32, #tpu.memory_space<hbm>> -> memref<16384xf32, #tpu.memory_space<hbm>>
    tpu.wait_dma2 semaphore(%arg15 : memref<!tpu.dma_semaphore, #tpu.memory_space<semaphore_mem>>) src(%dma_wait3A_109 : memref<16384xf32, #tpu.memory_space<hbm>>) dst(%arg7 : memref<16384xf32, #tpu.memory_space<vmem>>)
    %dma_wait3A_110 = tpu.memref_slice %arg3[%multiple_of3A_78] : memref<4194304xf32, #tpu.memory_space<hbm>> -> memref<16384xf32, #tpu.memory_space<hbm>>
    %dma_wait3A_111 = tpu.memref_slice %arg3[%multiple_of3A_78] : memref<4194304xf32, #tpu.memory_space<hbm>> -> memref<16384xf32, #tpu.memory_space<hbm>>
    tpu.wait_dma2 semaphore(%arg15 : memref<!tpu.dma_semaphore, #tpu.memory_space<semaphore_mem>>) src(%dma_wait3A_111 : memref<16384xf32, #tpu.memory_space<hbm>>) dst(%arg9 : memref<16384xf32, #tpu.memory_space<vmem>>)
    %dma_wait3A_112 = arith.constant 0 : i32
    %dma_wait3A_113 = tpu.memref_slice %arg11[%dma_wait3A_112] : memref<32xi32, #tpu.memory_space<vmem>> -> memref<16xi32, #tpu.memory_space<vmem>>
    %dma_wait3A_114 = tpu.memref_slice %arg4[%multiple_of3A_78] : memref<4194304xi32, #tpu.memory_space<hbm>> -> memref<16xi32, #tpu.memory_space<hbm>>
    %dma_wait3A_115 = arith.constant 0 : i32
    %dma_wait3A_116 = tpu.memref_slice %arg11[%dma_wait3A_115] : memref<32xi32, #tpu.memory_space<vmem>> -> memref<16xi32, #tpu.memory_space<vmem>>
    %dma_wait3A_117 = tpu.memref_slice %arg4[%multiple_of3A_78] : memref<4194304xi32, #tpu.memory_space<hbm>> -> memref<16xi32, #tpu.memory_space<hbm>>
    tpu.wait_dma2 semaphore(%arg15 : memref<!tpu.dma_semaphore, #tpu.memory_space<semaphore_mem>>) src(%dma_wait3A_117 : memref<16xi32, #tpu.memory_space<hbm>>) dst(%dma_wait3A_116 : memref<16xi32, #tpu.memory_space<vmem>>)
    %dma_wait3A_118 = arith.constant 16 : i32
    %dma_wait3A_119 = tpu.memref_slice %arg11[%dma_wait3A_118] : memref<32xi32, #tpu.memory_space<vmem>> -> memref<16xi32, #tpu.memory_space<vmem>>
    %dma_wait3A_120 = tpu.memref_slice %arg4[%sub3A_92] : memref<4194304xi32, #tpu.memory_space<hbm>> -> memref<16xi32, #tpu.memory_space<hbm>>
    %dma_wait3A_121 = arith.constant 16 : i32
    %dma_wait3A_122 = tpu.memref_slice %arg11[%dma_wait3A_121] : memref<32xi32, #tpu.memory_space<vmem>> -> memref<16xi32, #tpu.memory_space<vmem>>
    %dma_wait3A_123 = tpu.memref_slice %arg4[%sub3A_92] : memref<4194304xi32, #tpu.memory_space<hbm>> -> memref<16xi32, #tpu.memory_space<hbm>>
    tpu.wait_dma2 semaphore(%arg15 : memref<!tpu.dma_semaphore, #tpu.memory_space<semaphore_mem>>) src(%dma_wait3A_123 : memref<16xi32, #tpu.memory_space<hbm>>) dst(%dma_wait3A_122 : memref<16xi32, #tpu.memory_space<vmem>>)
    %mul3A_124 = arith.constant 8 : i32
    %mul3A_125 = arith.muli %add3A, %mul3A_124 : i32
    %add3A_126 = arith.constant 2 : i32
    %add3A_127 = arith.addi %mul3A_125, %add3A_126 : i32
    %mul3A_128 = arith.constant 16384 : i32
    %mul3A_129 = arith.muli %add3A_127, %mul3A_128 : i32
    %multiple_of3A_130 = tpu.assume_multiple %mul3A_129, 16384 : i32
    %dma_start3A_131 = tpu.memref_slice %arg2[%multiple_of3A_130] : memref<4194304xf32, #tpu.memory_space<hbm>> -> memref<16384xf32, #tpu.memory_space<hbm>>
    %dma_start3A_132 = tpu.memref_slice %arg2[%multiple_of3A_130] : memref<4194304xf32, #tpu.memory_space<hbm>> -> memref<16384xf32, #tpu.memory_space<hbm>>
    tpu.enqueue_dma source(%dma_start3A_132 : memref<16384xf32, #tpu.memory_space<hbm>>) target(%arg6 : memref<16384xf32, #tpu.memory_space<vmem>>) target_semaphore(%arg14 : memref<!tpu.dma_semaphore, #tpu.memory_space<semaphore_mem>>)
    %dma_start3A_133 = tpu.memref_slice %arg3[%multiple_of3A_130] : memref<4194304xf32, #tpu.memory_space<hbm>> -> memref<16384xf32, #tpu.memory_space<hbm>>
    %dma_start3A_134 = tpu.memref_slice %arg3[%multiple_of3A_130] : memref<4194304xf32, #tpu.memory_space<hbm>> -> memref<16384xf32, #tpu.memory_space<hbm>>
    tpu.enqueue_dma source(%dma_start3A_134 : memref<16384xf32, #tpu.memory_space<hbm>>) target(%arg8 : memref<16384xf32, #tpu.memory_space<vmem>>) target_semaphore(%arg14 : memref<!tpu.dma_semaphore, #tpu.memory_space<semaphore_mem>>)
    %dma_start3A_135 = arith.constant 0 : i32
    %dma_start3A_136 = tpu.memref_slice %arg10[%dma_start3A_135] : memref<32xi32, #tpu.memory_space<vmem>> -> memref<16xi32, #tpu.memory_space<vmem>>
    %dma_start3A_137 = tpu.memref_slice %arg4[%multiple_of3A_130] : memref<4194304xi32, #tpu.memory_space<hbm>> -> memref<16xi32, #tpu.memory_space<hbm>>
    %dma_start3A_138 = arith.constant 0 : i32
    %dma_start3A_139 = tpu.memref_slice %arg10[%dma_start3A_138] : memref<32xi32, #tpu.memory_space<vmem>> -> memref<16xi32, #tpu.memory_space<vmem>>
    %dma_start3A_140 = tpu.memref_slice %arg4[%multiple_of3A_130] : memref<4194304xi32, #tpu.memory_space<hbm>> -> memref<16xi32, #tpu.memory_space<hbm>>
    tpu.enqueue_dma source(%dma_start3A_140 : memref<16xi32, #tpu.memory_space<hbm>>) target(%dma_start3A_139 : memref<16xi32, #tpu.memory_space<vmem>>) target_semaphore(%arg14 : memref<!tpu.dma_semaphore, #tpu.memory_space<semaphore_mem>>)
    %add3A_141 = arith.constant 16384 : i32
    %add3A_142 = arith.addi %multiple_of3A_130, %add3A_141 : i32
    %sub3A_143 = arith.constant 16 : i32
    %sub3A_144 = arith.subi %add3A_142, %sub3A_143 : i32
    %dma_start3A_145 = arith.constant 16 : i32
    %dma_start3A_146 = tpu.memref_slice %arg10[%dma_start3A_145] : memref<32xi32, #tpu.memory_space<vmem>> -> memref<16xi32, #tpu.memory_space<vmem>>
    %dma_start3A_147 = tpu.memref_slice %arg4[%sub3A_144] : memref<4194304xi32, #tpu.memory_space<hbm>> -> memref<16xi32, #tpu.memory_space<hbm>>
    %dma_start3A_148 = arith.constant 16 : i32
    %dma_start3A_149 = tpu.memref_slice %arg10[%dma_start3A_148] : memref<32xi32, #tpu.memory_space<vmem>> -> memref<16xi32, #tpu.memory_space<vmem>>
    %dma_start3A_150 = tpu.memref_slice %arg4[%sub3A_144] : memref<4194304xi32, #tpu.memory_space<hbm>> -> memref<16xi32, #tpu.memory_space<hbm>>
    tpu.enqueue_dma source(%dma_start3A_150 : memref<16xi32, #tpu.memory_space<hbm>>) target(%dma_start3A_149 : memref<16xi32, #tpu.memory_space<vmem>>) target_semaphore(%arg14 : memref<!tpu.dma_semaphore, #tpu.memory_space<semaphore_mem>>)
    %get3A_151 = arith.constant 0 : index
    %get3A_152 = tpu.vector_load %arg11[%get3A_151] {strides = array<i32>} : memref<32xi32, #tpu.memory_space<vmem>>, vector<16xi32>,
    %slice3A_153 = vector.extract_strided_slice %get3A_152 {offsets = [0], sizes = [1], strides = [1]} : vector<16xi32> to vector<1xi32>
    %squeeze3A_154 = vector.extract %slice3A_153[0] : i32 from vector<1xi32>
    %get3A_155 = arith.constant 16 : index
    %get3A_156 = tpu.vector_load %arg11[%get3A_155] {strides = array<i32>} : memref<32xi32, #tpu.memory_space<vmem>>, vector<16xi32>,
    %slice3A_157 = vector.extract_strided_slice %get3A_156 {offsets = [15], sizes = [1], strides = [1]} : vector<16xi32> to vector<1xi32>
    %squeeze3A_158 = vector.extract %slice3A_157[0] : i32 from vector<1xi32>
    %eq3A_159 = arith.cmpi eq, %squeeze3A_154, %squeeze3A_158 : i32
    %convert_element_type3A_160 = arith.extui %eq3A_159 : i1 to i32
    %cond3A_161 = arith.constant 0 : i32
    %cond3A_162 = arith.cmpi ne, %convert_element_type3A_160, %cond3A_161 : i32
    scf.if %cond3A_162 {
      %parallel_loop3A = arith.constant 0 : i32
      %parallel_loop3A_494 = arith.constant 1024 : i32
      %parallel_loop3A_495 = arith.constant 1 : i32
      %parallel_loop3A_496:3 = scf.for %parallel_loop3A_512 = %parallel_loop3A to %parallel_loop3A_494 step %parallel_loop3A_495 iter_args(%parallel_loop3A_513 = %broadcast_in_dim3A_1, %parallel_loop3A_514 = %broadcast_in_dim3A_1, %parallel_loop3A_515 = %broadcast_in_dim3A_1) -> (vector<16xf32>, vector<16xf32>, vector<16xf32>)  : i32 {
        %parallel_loop3A_516 = arith.constant 16 : i32
        %parallel_loop3A_517 = arith.muli %parallel_loop3A_512, %parallel_loop3A_516 : i32
        %parallel_loop3A_518 = arith.index_cast %parallel_loop3A_517 : i32 to index
        %parallel_loop3A_519 = tpu.vector_load %arg7[%parallel_loop3A_518] {strides = array<i32>} : memref<16384xf32, #tpu.memory_space<vmem>>, vector<16xf32>,
        %parallel_loop3A_520 = arith.index_cast %parallel_loop3A_517 : i32 to index
        %parallel_loop3A_521 = tpu.vector_load %arg9[%parallel_loop3A_520] {strides = array<i32>} : memref<16384xf32, #tpu.memory_space<vmem>>, vector<16xf32>,
        %parallel_loop3A_522 = arith.addf %parallel_loop3A_513, %parallel_loop3A_519 : vector<16xf32>
        %parallel_loop3A_523 = arith.addf %parallel_loop3A_514, %parallel_loop3A_521 : vector<16xf32>
        %parallel_loop3A_524 = arith.mulf %parallel_loop3A_519, %parallel_loop3A_519 : vector<16xf32>
        %parallel_loop3A_525 = arith.mulf %parallel_loop3A_521, %parallel_loop3A_521 : vector<16xf32>
        %parallel_loop3A_526 = arith.addf %parallel_loop3A_524, %parallel_loop3A_525 : vector<16xf32>
        %parallel_loop3A_527 = arith.addf %parallel_loop3A_515, %parallel_loop3A_526 : vector<16xf32>
        scf.yield %parallel_loop3A_522, %parallel_loop3A_523, %parallel_loop3A_527 : vector<16xf32>, vector<16xf32>, vector<16xf32>
      } {sc.loop_unroll_factor = 8 : i64, sc.parallel_access}
      %broadcast_in_dim3A_497 = arith.constant 0 : i32
      %broadcast_in_dim3A_498 = vector.broadcast %broadcast_in_dim3A_497 : i32 to vector<16xi32>
      %add3A_499 = vector.broadcast %squeeze3A_154 : i32 to vector<16xi32>
      %add3A_500 = arith.addi %broadcast_in_dim3A_498, %add3A_499 : vector<16xi32>
      tpu.vector_store_idx %arg13[%add3A_500], %parallel_loop3A_496#0 {add = true} : memref<256xf32, #tpu.memory_space<vmem>>[vector<16xi32>], vector<16xf32>,
      %add3A_501 = arith.constant 64 : i32
      %add3A_502 = vector.broadcast %add3A_501 : i32 to vector<16xi32>
      %add3A_503 = arith.addi %add3A_500, %add3A_502 : vector<16xi32>
      tpu.vector_store_idx %arg13[%add3A_503], %parallel_loop3A_496#1 {add = true} : memref<256xf32, #tpu.memory_space<vmem>>[vector<16xi32>], vector<16xf32>,
      %add3A_504 = arith.constant 128 : i32
      %add3A_505 = vector.broadcast %add3A_504 : i32 to vector<16xi32>
      %add3A_506 = arith.addi %add3A_500, %add3A_505 : vector<16xi32>
      tpu.vector_store_idx %arg13[%add3A_506], %parallel_loop3A_496#2 {add = true} : memref<256xf32, #tpu.memory_space<vmem>>[vector<16xi32>], vector<16xf32>,
      %add3A_507 = arith.constant 192 : i32
      %add3A_508 = vector.broadcast %add3A_507 : i32 to vector<16xi32>
      %add3A_509 = arith.addi %add3A_500, %add3A_508 : vector<16xi32>
      %broadcast_in_dim3A_510 = arith.constant 1.024000e+03 : f32
      %broadcast_in_dim3A_511 = vector.broadcast %broadcast_in_dim3A_510 : f32 to vector<16xf32>
      tpu.vector_store_idx %arg13[%add3A_509], %broadcast_in_dim3A_511 {add = true} : memref<256xf32, #tpu.memory_space<vmem>>[vector<16xi32>], vector<16xf32>,
    } else {
    }
    %ne3A_163 = arith.cmpi ne, %squeeze3A_154, %squeeze3A_158 : i32
    %convert_element_type3A_164 = arith.extui %ne3A_163 : i1 to i32
    %cond3A_165 = arith.constant 0 : i32
    %cond3A_166 = arith.cmpi ne, %convert_element_type3A_164, %cond3A_165 : i32
    scf.if %cond3A_166 {
      %mul3A_494 = arith.constant 8 : i32
      %mul3A_495 = arith.muli %add3A, %mul3A_494 : i32
      %add3A_496 = arith.constant 1 : i32
      %add3A_497 = arith.addi %mul3A_495, %add3A_496 : i32
      %mul3A_498 = arith.constant 16384 : i32
      %mul3A_499 = arith.muli %add3A_497, %mul3A_498 : i32
      %multiple_of3A_500 = tpu.assume_multiple %mul3A_499, 16384 : i32
      "tpu.region"() ({
        %run_scoped3A = tpu.sem_alloc : memref<!tpu.dma_semaphore, #tpu.memory_space<semaphore_mem>>
        %dma_start3A_511 = tpu.memref_slice %arg4[%multiple_of3A_500] : memref<4194304xi32, #tpu.memory_space<hbm>> -> memref<16384xi32, #tpu.memory_space<hbm>>
        %dma_start3A_512 = tpu.memref_slice %arg4[%multiple_of3A_500] : memref<4194304xi32, #tpu.memory_space<hbm>> -> memref<16384xi32, #tpu.memory_space<hbm>>
        tpu.enqueue_dma source(%dma_start3A_512 : memref<16384xi32, #tpu.memory_space<hbm>>) target(%arg12 : memref<16384xi32, #tpu.memory_space<vmem>>) target_semaphore(%run_scoped3A : memref<!tpu.dma_semaphore, #tpu.memory_space<semaphore_mem>>)
        %dma_wait3A_513 = tpu.memref_slice %arg4[%multiple_of3A_500] : memref<4194304xi32, #tpu.memory_space<hbm>> -> memref<16384xi32, #tpu.memory_space<hbm>>
        %dma_wait3A_514 = tpu.memref_slice %arg4[%multiple_of3A_500] : memref<4194304xi32, #tpu.memory_space<hbm>> -> memref<16384xi32, #tpu.memory_space<hbm>>
        tpu.wait_dma2 semaphore(%run_scoped3A : memref<!tpu.dma_semaphore, #tpu.memory_space<semaphore_mem>>) src(%dma_wait3A_514 : memref<16384xi32, #tpu.memory_space<hbm>>) dst(%arg12 : memref<16384xi32, #tpu.memory_space<vmem>>)
        tpu.yield
      }) : () -> ()
      %add3A_501 = arith.constant 1 : i32
      %add3A_502 = arith.addi %squeeze3A_158, %add3A_501 : i32
      %while3A = arith.constant 0 : i32
      %while3A_503 = arith.subi %add3A_502, %squeeze3A_154 : i32
      %while3A_504 = arith.addi %squeeze3A_154, %while3A_503 : i32
      %while3A_505 = arith.constant 1 : i32
      %while3A_506 = arith.divsi %while3A_503, %while3A_505 : i32
      %while3A_507 = arith.muli %while3A_506, %while3A_505 : i32
      %while3A_508 = arith.addi %squeeze3A_154, %while3A_507 : i32
      %while3A_509 = arith.constant 1 : i32
      scf.for %while3A_511 = %squeeze3A_154 to %while3A_508 step %while3A_509  : i32 {
        %broadcast_in_dim3A_512 = arith.constant 0 : i32
        %broadcast_in_dim3A_513 = vector.broadcast %broadcast_in_dim3A_512 : i32 to vector<16xi32>
        %add3A_514 = vector.broadcast %while3A_511 : i32 to vector<16xi32>
        %add3A_515 = arith.addi %broadcast_in_dim3A_513, %add3A_514 : vector<16xi32>
        %parallel_loop3A = arith.constant 0 : i32
        %parallel_loop3A_516 = arith.constant 1024 : i32
        %parallel_loop3A_517 = arith.constant 1 : i32
        %parallel_loop3A_518:4 = scf.for %parallel_loop3A_528 = %parallel_loop3A to %parallel_loop3A_516 step %parallel_loop3A_517 iter_args(%parallel_loop3A_529 = %broadcast_in_dim3A_1, %parallel_loop3A_530 = %broadcast_in_dim3A_1, %parallel_loop3A_531 = %broadcast_in_dim3A_1, %parallel_loop3A_532 = %broadcast_in_dim3A_1) -> (vector<16xf32>, vector<16xf32>, vector<16xf32>, vector<16xf32>)  : i32 {
          %parallel_loop3A_533 = arith.constant 16 : i32
          %parallel_loop3A_534 = arith.muli %parallel_loop3A_528, %parallel_loop3A_533 : i32
          %parallel_loop3A_535 = arith.index_cast %parallel_loop3A_534 : i32 to index
          %parallel_loop3A_536 = tpu.vector_load %arg12[%parallel_loop3A_535] {strides = array<i32>} : memref<16384xi32, #tpu.memory_space<vmem>>, vector<16xi32>,
          %parallel_loop3A_537 = arith.cmpi eq, %parallel_loop3A_536, %add3A_515 : vector<16xi32>
          %parallel_loop3A_538 = arith.index_cast %parallel_loop3A_534 : i32 to index
          %parallel_loop3A_539 = tpu.vector_load %arg7[%parallel_loop3A_538] {strides = array<i32>} : memref<16384xf32, #tpu.memory_space<vmem>>, vector<16xf32>,
          %parallel_loop3A_540 = arith.constant 0.000000e+00 : f32
          %parallel_loop3A_541 = vector.broadcast %parallel_loop3A_540 : f32 to vector<16xf32>
          %parallel_loop3A_542 = arith.select %parallel_loop3A_537, %parallel_loop3A_539, %parallel_loop3A_541 : vector<16xi1>, vector<16xf32>
          %parallel_loop3A_543 = arith.index_cast %parallel_loop3A_534 : i32 to index
          %parallel_loop3A_544 = tpu.vector_load %arg9[%parallel_loop3A_543] {strides = array<i32>} : memref<16384xf32, #tpu.memory_space<vmem>>, vector<16xf32>,
          %parallel_loop3A_545 = arith.constant 0.000000e+00 : f32
          %parallel_loop3A_546 = vector.broadcast %parallel_loop3A_545 : f32 to vector<16xf32>
          %parallel_loop3A_547 = arith.select %parallel_loop3A_537, %parallel_loop3A_544, %parallel_loop3A_546 : vector<16xi1>, vector<16xf32>
          %parallel_loop3A_548 = arith.addf %parallel_loop3A_529, %parallel_loop3A_542 : vector<16xf32>
          %parallel_loop3A_549 = arith.addf %parallel_loop3A_530, %parallel_loop3A_547 : vector<16xf32>
          %parallel_loop3A_550 = arith.mulf %parallel_loop3A_542, %parallel_loop3A_542 : vector<16xf32>
          %parallel_loop3A_551 = arith.mulf %parallel_loop3A_547, %parallel_loop3A_547 : vector<16xf32>
          %parallel_loop3A_552 = arith.addf %parallel_loop3A_550, %parallel_loop3A_551 : vector<16xf32>
          %parallel_loop3A_553 = arith.addf %parallel_loop3A_531, %parallel_loop3A_552 : vector<16xf32>
          %parallel_loop3A_554 = arith.constant 1.000000e+00 : f32
          %parallel_loop3A_555 = arith.constant 0.000000e+00 : f32
          %parallel_loop3A_556 = vector.broadcast %parallel_loop3A_554 : f32 to vector<16xf32>
          %parallel_loop3A_557 = vector.broadcast %parallel_loop3A_555 : f32 to vector<16xf32>
          %parallel_loop3A_558 = arith.select %parallel_loop3A_537, %parallel_loop3A_556, %parallel_loop3A_557 : vector<16xi1>, vector<16xf32>
          %parallel_loop3A_559 = arith.addf %parallel_loop3A_532, %parallel_loop3A_558 : vector<16xf32>
          scf.yield %parallel_loop3A_548, %parallel_loop3A_549, %parallel_loop3A_553, %parallel_loop3A_559 : vector<16xf32>, vector<16xf32>, vector<16xf32>, vector<16xf32>
        } {sc.loop_unroll_factor = 8 : i64, sc.parallel_access}
        tpu.vector_store_idx %arg13[%add3A_515], %parallel_loop3A_518#0 {add = true} : memref<256xf32, #tpu.memory_space<vmem>>[vector<16xi32>], vector<16xf32>,
        %add3A_519 = arith.constant 64 : i32
        %add3A_520 = vector.broadcast %add3A_519 : i32 to vector<16xi32>
        %add3A_521 = arith.addi %add3A_515, %add3A_520 : vector<16xi32>
        tpu.vector_store_idx %arg13[%add3A_521], %parallel_loop3A_518#1 {add = true} : memref<256xf32, #tpu.memory_space<vmem>>[vector<16xi32>], vector<16xf32>,
        %add3A_522 = arith.constant 128 : i32
        %add3A_523 = vector.broadcast %add3A_522 : i32 to vector<16xi32>
        %add3A_524 = arith.addi %add3A_515, %add3A_523 : vector<16xi32>
        tpu.vector_store_idx %arg13[%add3A_524], %parallel_loop3A_518#2 {add = true} : memref<256xf32, #tpu.memory_space<vmem>>[vector<16xi32>], vector<16xf32>,
        %add3A_525 = arith.constant 192 : i32
        %add3A_526 = vector.broadcast %add3A_525 : i32 to vector<16xi32>
        %add3A_527 = arith.addi %add3A_515, %add3A_526 : vector<16xi32>
        tpu.vector_store_idx %arg13[%add3A_527], %parallel_loop3A_518#3 {add = true} : memref<256xf32, #tpu.memory_space<vmem>>[vector<16xi32>], vector<16xf32>,
      }
      %while3A_510 = arith.constant 1 : i32
      scf.for %while3A_511 = %while3A_508 to %while3A_504 step %while3A_510  : i32 {
        %broadcast_in_dim3A_512 = arith.constant 0 : i32
        %broadcast_in_dim3A_513 = vector.broadcast %broadcast_in_dim3A_512 : i32 to vector<16xi32>
        %add3A_514 = vector.broadcast %while3A_511 : i32 to vector<16xi32>
        %add3A_515 = arith.addi %broadcast_in_dim3A_513, %add3A_514 : vector<16xi32>
        %parallel_loop3A = arith.constant 0 : i32
        %parallel_loop3A_516 = arith.constant 1024 : i32
        %parallel_loop3A_517 = arith.constant 1 : i32
        %parallel_loop3A_518:4 = scf.for %parallel_loop3A_528 = %parallel_loop3A to %parallel_loop3A_516 step %parallel_loop3A_517 iter_args(%parallel_loop3A_529 = %broadcast_in_dim3A_1, %parallel_loop3A_530 = %broadcast_in_dim3A_1, %parallel_loop3A_531 = %broadcast_in_dim3A_1, %parallel_loop3A_532 = %broadcast_in_dim3A_1) -> (vector<16xf32>, vector<16xf32>, vector<16xf32>, vector<16xf32>)  : i32 {
          %parallel_loop3A_533 = arith.constant 16 : i32
          %parallel_loop3A_534 = arith.muli %parallel_loop3A_528, %parallel_loop3A_533 : i32
          %parallel_loop3A_535 = arith.index_cast %parallel_loop3A_534 : i32 to index
          %parallel_loop3A_536 = tpu.vector_load %arg12[%parallel_loop3A_535] {strides = array<i32>} : memref<16384xi32, #tpu.memory_space<vmem>>, vector<16xi32>,
          %parallel_loop3A_537 = arith.cmpi eq, %parallel_loop3A_536, %add3A_515 : vector<16xi32>
          %parallel_loop3A_538 = arith.index_cast %parallel_loop3A_534 : i32 to index
          %parallel_loop3A_539 = tpu.vector_load %arg7[%parallel_loop3A_538] {strides = array<i32>} : memref<16384xf32, #tpu.memory_space<vmem>>, vector<16xf32>,
          %parallel_loop3A_540 = arith.constant 0.000000e+00 : f32
          %parallel_loop3A_541 = vector.broadcast %parallel_loop3A_540 : f32 to vector<16xf32>
          %parallel_loop3A_542 = arith.select %parallel_loop3A_537, %parallel_loop3A_539, %parallel_loop3A_541 : vector<16xi1>, vector<16xf32>
          %parallel_loop3A_543 = arith.index_cast %parallel_loop3A_534 : i32 to index
          %parallel_loop3A_544 = tpu.vector_load %arg9[%parallel_loop3A_543] {strides = array<i32>} : memref<16384xf32, #tpu.memory_space<vmem>>, vector<16xf32>,
          %parallel_loop3A_545 = arith.constant 0.000000e+00 : f32
          %parallel_loop3A_546 = vector.broadcast %parallel_loop3A_545 : f32 to vector<16xf32>
          %parallel_loop3A_547 = arith.select %parallel_loop3A_537, %parallel_loop3A_544, %parallel_loop3A_546 : vector<16xi1>, vector<16xf32>
          %parallel_loop3A_548 = arith.addf %parallel_loop3A_529, %parallel_loop3A_542 : vector<16xf32>
          %parallel_loop3A_549 = arith.addf %parallel_loop3A_530, %parallel_loop3A_547 : vector<16xf32>
          %parallel_loop3A_550 = arith.mulf %parallel_loop3A_542, %parallel_loop3A_542 : vector<16xf32>
          %parallel_loop3A_551 = arith.mulf %parallel_loop3A_547, %parallel_loop3A_547 : vector<16xf32>
          %parallel_loop3A_552 = arith.addf %parallel_loop3A_550, %parallel_loop3A_551 : vector<16xf32>
          %parallel_loop3A_553 = arith.addf %parallel_loop3A_531, %parallel_loop3A_552 : vector<16xf32>
          %parallel_loop3A_554 = arith.constant 1.000000e+00 : f32
          %parallel_loop3A_555 = arith.constant 0.000000e+00 : f32
          %parallel_loop3A_556 = vector.broadcast %parallel_loop3A_554 : f32 to vector<16xf32>
          %parallel_loop3A_557 = vector.broadcast %parallel_loop3A_555 : f32 to vector<16xf32>
          %parallel_loop3A_558 = arith.select %parallel_loop3A_537, %parallel_loop3A_556, %parallel_loop3A_557 : vector<16xi1>, vector<16xf32>
          %parallel_loop3A_559 = arith.addf %parallel_loop3A_532, %parallel_loop3A_558 : vector<16xf32>
          scf.yield %parallel_loop3A_548, %parallel_loop3A_549, %parallel_loop3A_553, %parallel_loop3A_559 : vector<16xf32>, vector<16xf32>, vector<16xf32>, vector<16xf32>
        } {sc.loop_unroll_factor = 8 : i64, sc.parallel_access}
        tpu.vector_store_idx %arg13[%add3A_515], %parallel_loop3A_518#0 {add = true} : memref<256xf32, #tpu.memory_space<vmem>>[vector<16xi32>], vector<16xf32>,
        %add3A_519 = arith.constant 64 : i32
        %add3A_520 = vector.broadcast %add3A_519 : i32 to vector<16xi32>
        %add3A_521 = arith.addi %add3A_515, %add3A_520 : vector<16xi32>
        tpu.vector_store_idx %arg13[%add3A_521], %parallel_loop3A_518#1 {add = true} : memref<256xf32, #tpu.memory_space<vmem>>[vector<16xi32>], vector<16xf32>,
        %add3A_522 = arith.constant 128 : i32
        %add3A_523 = vector.broadcast %add3A_522 : i32 to vector<16xi32>
        %add3A_524 = arith.addi %add3A_515, %add3A_523 : vector<16xi32>
        tpu.vector_store_idx %arg13[%add3A_524], %parallel_loop3A_518#2 {add = true} : memref<256xf32, #tpu.memory_space<vmem>>[vector<16xi32>], vector<16xf32>,
        %add3A_525 = arith.constant 192 : i32
        %add3A_526 = vector.broadcast %add3A_525 : i32 to vector<16xi32>
        %add3A_527 = arith.addi %add3A_515, %add3A_526 : vector<16xi32>
        tpu.vector_store_idx %arg13[%add3A_527], %parallel_loop3A_518#3 {add = true} : memref<256xf32, #tpu.memory_space<vmem>>[vector<16xi32>], vector<16xf32>,
      }
    } else {
    }
    %dma_wait3A_167 = tpu.memref_slice %arg2[%multiple_of3A_130] : memref<4194304xf32, #tpu.memory_space<hbm>> -> memref<16384xf32, #tpu.memory_space<hbm>>
    %dma_wait3A_168 = tpu.memref_slice %arg2[%multiple_of3A_130] : memref<4194304xf32, #tpu.memory_space<hbm>> -> memref<16384xf32, #tpu.memory_space<hbm>>
    tpu.wait_dma2 semaphore(%arg14 : memref<!tpu.dma_semaphore, #tpu.memory_space<semaphore_mem>>) src(%dma_wait3A_168 : memref<16384xf32, #tpu.memory_space<hbm>>) dst(%arg6 : memref<16384xf32, #tpu.memory_space<vmem>>)
    %dma_wait3A_169 = tpu.memref_slice %arg3[%multiple_of3A_130] : memref<4194304xf32, #tpu.memory_space<hbm>> -> memref<16384xf32, #tpu.memory_space<hbm>>
    %dma_wait3A_170 = tpu.memref_slice %arg3[%multiple_of3A_130] : memref<4194304xf32, #tpu.memory_space<hbm>> -> memref<16384xf32, #tpu.memory_space<hbm>>
    tpu.wait_dma2 semaphore(%arg14 : memref<!tpu.dma_semaphore, #tpu.memory_space<semaphore_mem>>) src(%dma_wait3A_170 : memref<16384xf32, #tpu.memory_space<hbm>>) dst(%arg8 : memref<16384xf32, #tpu.memory_space<vmem>>)
    %dma_wait3A_171 = arith.constant 0 : i32
    %dma_wait3A_172 = tpu.memref_slice %arg10[%dma_wait3A_171] : memref<32xi32, #tpu.memory_space<vmem>> -> memref<16xi32, #tpu.memory_space<vmem>>
    %dma_wait3A_173 = tpu.memref_slice %arg4[%multiple_of3A_130] : memref<4194304xi32, #tpu.memory_space<hbm>> -> memref<16xi32, #tpu.memory_space<hbm>>
    %dma_wait3A_174 = arith.constant 0 : i32
    %dma_wait3A_175 = tpu.memref_slice %arg10[%dma_wait3A_174] : memref<32xi32, #tpu.memory_space<vmem>> -> memref<16xi32, #tpu.memory_space<vmem>>
    %dma_wait3A_176 = tpu.memref_slice %arg4[%multiple_of3A_130] : memref<4194304xi32, #tpu.memory_space<hbm>> -> memref<16xi32, #tpu.memory_space<hbm>>
    tpu.wait_dma2 semaphore(%arg14 : memref<!tpu.dma_semaphore, #tpu.memory_space<semaphore_mem>>) src(%dma_wait3A_176 : memref<16xi32, #tpu.memory_space<hbm>>) dst(%dma_wait3A_175 : memref<16xi32, #tpu.memory_space<vmem>>)
    %dma_wait3A_177 = arith.constant 16 : i32
    %dma_wait3A_178 = tpu.memref_slice %arg10[%dma_wait3A_177] : memref<32xi32, #tpu.memory_space<vmem>> -> memref<16xi32, #tpu.memory_space<vmem>>
    %dma_wait3A_179 = tpu.memref_slice %arg4[%sub3A_144] : memref<4194304xi32, #tpu.memory_space<hbm>> -> memref<16xi32, #tpu.memory_space<hbm>>
    %dma_wait3A_180 = arith.constant 16 : i32
    %dma_wait3A_181 = tpu.memref_slice %arg10[%dma_wait3A_180] : memref<32xi32, #tpu.memory_space<vmem>> -> memref<16xi32, #tpu.memory_space<vmem>>
    %dma_wait3A_182 = tpu.memref_slice %arg4[%sub3A_144] : memref<4194304xi32, #tpu.memory_space<hbm>> -> memref<16xi32, #tpu.memory_space<hbm>>
    tpu.wait_dma2 semaphore(%arg14 : memref<!tpu.dma_semaphore, #tpu.memory_space<semaphore_mem>>) src(%dma_wait3A_182 : memref<16xi32, #tpu.memory_space<hbm>>) dst(%dma_wait3A_181 : memref<16xi32, #tpu.memory_space<vmem>>)
    %mul3A_183 = arith.constant 8 : i32
    %mul3A_184 = arith.muli %add3A, %mul3A_183 : i32
    %add3A_185 = arith.constant 3 : i32
    %add3A_186 = arith.addi %mul3A_184, %add3A_185 : i32
    %mul3A_187 = arith.constant 16384 : i32
    %mul3A_188 = arith.muli %add3A_186, %mul3A_187 : i32
    %multiple_of3A_189 = tpu.assume_multiple %mul3A_188, 16384 : i32
    %dma_start3A_190 = tpu.memref_slice %arg2[%multiple_of3A_189] : memref<4194304xf32, #tpu.memory_space<hbm>> -> memref<16384xf32, #tpu.memory_space<hbm>>
    %dma_start3A_191 = tpu.memref_slice %arg2[%multiple_of3A_189] : memref<4194304xf32, #tpu.memory_space<hbm>> -> memref<16384xf32, #tpu.memory_space<hbm>>
    tpu.enqueue_dma source(%dma_start3A_191 : memref<16384xf32, #tpu.memory_space<hbm>>) target(%arg7 : memref<16384xf32, #tpu.memory_space<vmem>>) target_semaphore(%arg15 : memref<!tpu.dma_semaphore, #tpu.memory_space<semaphore_mem>>)
    %dma_start3A_192 = tpu.memref_slice %arg3[%multiple_of3A_189] : memref<4194304xf32, #tpu.memory_space<hbm>> -> memref<16384xf32, #tpu.memory_space<hbm>>
    %dma_start3A_193 = tpu.memref_slice %arg3[%multiple_of3A_189] : memref<4194304xf32, #tpu.memory_space<hbm>> -> memref<16384xf32, #tpu.memory_space<hbm>>
    tpu.enqueue_dma source(%dma_start3A_193 : memref<16384xf32, #tpu.memory_space<hbm>>) target(%arg9 : memref<16384xf32, #tpu.memory_space<vmem>>) target_semaphore(%arg15 : memref<!tpu.dma_semaphore, #tpu.memory_space<semaphore_mem>>)
    %dma_start3A_194 = arith.constant 0 : i32
    %dma_start3A_195 = tpu.memref_slice %arg11[%dma_start3A_194] : memref<32xi32, #tpu.memory_space<vmem>> -> memref<16xi32, #tpu.memory_space<vmem>>
    %dma_start3A_196 = tpu.memref_slice %arg4[%multiple_of3A_189] : memref<4194304xi32, #tpu.memory_space<hbm>> -> memref<16xi32, #tpu.memory_space<hbm>>
    %dma_start3A_197 = arith.constant 0 : i32
    %dma_start3A_198 = tpu.memref_slice %arg11[%dma_start3A_197] : memref<32xi32, #tpu.memory_space<vmem>> -> memref<16xi32, #tpu.memory_space<vmem>>
    %dma_start3A_199 = tpu.memref_slice %arg4[%multiple_of3A_189] : memref<4194304xi32, #tpu.memory_space<hbm>> -> memref<16xi32, #tpu.memory_space<hbm>>
    tpu.enqueue_dma source(%dma_start3A_199 : memref<16xi32, #tpu.memory_space<hbm>>) target(%dma_start3A_198 : memref<16xi32, #tpu.memory_space<vmem>>) target_semaphore(%arg15 : memref<!tpu.dma_semaphore, #tpu.memory_space<semaphore_mem>>)
    %add3A_200 = arith.constant 16384 : i32
    %add3A_201 = arith.addi %multiple_of3A_189, %add3A_200 : i32
    %sub3A_202 = arith.constant 16 : i32
    %sub3A_203 = arith.subi %add3A_201, %sub3A_202 : i32
    %dma_start3A_204 = arith.constant 16 : i32
    %dma_start3A_205 = tpu.memref_slice %arg11[%dma_start3A_204] : memref<32xi32, #tpu.memory_space<vmem>> -> memref<16xi32, #tpu.memory_space<vmem>>
    %dma_start3A_206 = tpu.memref_slice %arg4[%sub3A_203] : memref<4194304xi32, #tpu.memory_space<hbm>> -> memref<16xi32, #tpu.memory_space<hbm>>
    %dma_start3A_207 = arith.constant 16 : i32
    %dma_start3A_208 = tpu.memref_slice %arg11[%dma_start3A_207] : memref<32xi32, #tpu.memory_space<vmem>> -> memref<16xi32, #tpu.memory_space<vmem>>
    %dma_start3A_209 = tpu.memref_slice %arg4[%sub3A_203] : memref<4194304xi32, #tpu.memory_space<hbm>> -> memref<16xi32, #tpu.memory_space<hbm>>
    tpu.enqueue_dma source(%dma_start3A_209 : memref<16xi32, #tpu.memory_space<hbm>>) target(%dma_start3A_208 : memref<16xi32, #tpu.memory_space<vmem>>) target_semaphore(%arg15 : memref<!tpu.dma_semaphore, #tpu.memory_space<semaphore_mem>>)
    %get3A_210 = arith.constant 0 : index
    %get3A_211 = tpu.vector_load %arg10[%get3A_210] {strides = array<i32>} : memref<32xi32, #tpu.memory_space<vmem>>, vector<16xi32>,
    %slice3A_212 = vector.extract_strided_slice %get3A_211 {offsets = [0], sizes = [1], strides = [1]} : vector<16xi32> to vector<1xi32>
    %squeeze3A_213 = vector.extract %slice3A_212[0] : i32 from vector<1xi32>
    %get3A_214 = arith.constant 16 : index
    %get3A_215 = tpu.vector_load %arg10[%get3A_214] {strides = array<i32>} : memref<32xi32, #tpu.memory_space<vmem>>, vector<16xi32>,
    %slice3A_216 = vector.extract_strided_slice %get3A_215 {offsets = [15], sizes = [1], strides = [1]} : vector<16xi32> to vector<1xi32>
    %squeeze3A_217 = vector.extract %slice3A_216[0] : i32 from vector<1xi32>
    %eq3A_218 = arith.cmpi eq, %squeeze3A_213, %squeeze3A_217 : i32
    %convert_element_type3A_219 = arith.extui %eq3A_218 : i1 to i32
    %cond3A_220 = arith.constant 0 : i32
    %cond3A_221 = arith.cmpi ne, %convert_element_type3A_219, %cond3A_220 : i32
    scf.if %cond3A_221 {
      %parallel_loop3A = arith.constant 0 : i32
      %parallel_loop3A_494 = arith.constant 1024 : i32
      %parallel_loop3A_495 = arith.constant 1 : i32
      %parallel_loop3A_496:3 = scf.for %parallel_loop3A_512 = %parallel_loop3A to %parallel_loop3A_494 step %parallel_loop3A_495 iter_args(%parallel_loop3A_513 = %broadcast_in_dim3A_1, %parallel_loop3A_514 = %broadcast_in_dim3A_1, %parallel_loop3A_515 = %broadcast_in_dim3A_1) -> (vector<16xf32>, vector<16xf32>, vector<16xf32>)  : i32 {
        %parallel_loop3A_516 = arith.constant 16 : i32
        %parallel_loop3A_517 = arith.muli %parallel_loop3A_512, %parallel_loop3A_516 : i32
        %parallel_loop3A_518 = arith.index_cast %parallel_loop3A_517 : i32 to index
        %parallel_loop3A_519 = tpu.vector_load %arg6[%parallel_loop3A_518] {strides = array<i32>} : memref<16384xf32, #tpu.memory_space<vmem>>, vector<16xf32>,
        %parallel_loop3A_520 = arith.index_cast %parallel_loop3A_517 : i32 to index
        %parallel_loop3A_521 = tpu.vector_load %arg8[%parallel_loop3A_520] {strides = array<i32>} : memref<16384xf32, #tpu.memory_space<vmem>>, vector<16xf32>,
        %parallel_loop3A_522 = arith.addf %parallel_loop3A_513, %parallel_loop3A_519 : vector<16xf32>
        %parallel_loop3A_523 = arith.addf %parallel_loop3A_514, %parallel_loop3A_521 : vector<16xf32>
        %parallel_loop3A_524 = arith.mulf %parallel_loop3A_519, %parallel_loop3A_519 : vector<16xf32>
        %parallel_loop3A_525 = arith.mulf %parallel_loop3A_521, %parallel_loop3A_521 : vector<16xf32>
        %parallel_loop3A_526 = arith.addf %parallel_loop3A_524, %parallel_loop3A_525 : vector<16xf32>
        %parallel_loop3A_527 = arith.addf %parallel_loop3A_515, %parallel_loop3A_526 : vector<16xf32>
        scf.yield %parallel_loop3A_522, %parallel_loop3A_523, %parallel_loop3A_527 : vector<16xf32>, vector<16xf32>, vector<16xf32>
      } {sc.loop_unroll_factor = 8 : i64, sc.parallel_access}
      %broadcast_in_dim3A_497 = arith.constant 0 : i32
      %broadcast_in_dim3A_498 = vector.broadcast %broadcast_in_dim3A_497 : i32 to vector<16xi32>
      %add3A_499 = vector.broadcast %squeeze3A_213 : i32 to vector<16xi32>
      %add3A_500 = arith.addi %broadcast_in_dim3A_498, %add3A_499 : vector<16xi32>
      tpu.vector_store_idx %arg13[%add3A_500], %parallel_loop3A_496#0 {add = true} : memref<256xf32, #tpu.memory_space<vmem>>[vector<16xi32>], vector<16xf32>,
      %add3A_501 = arith.constant 64 : i32
      %add3A_502 = vector.broadcast %add3A_501 : i32 to vector<16xi32>
      %add3A_503 = arith.addi %add3A_500, %add3A_502 : vector<16xi32>
      tpu.vector_store_idx %arg13[%add3A_503], %parallel_loop3A_496#1 {add = true} : memref<256xf32, #tpu.memory_space<vmem>>[vector<16xi32>], vector<16xf32>,
      %add3A_504 = arith.constant 128 : i32
      %add3A_505 = vector.broadcast %add3A_504 : i32 to vector<16xi32>
      %add3A_506 = arith.addi %add3A_500, %add3A_505 : vector<16xi32>
      tpu.vector_store_idx %arg13[%add3A_506], %parallel_loop3A_496#2 {add = true} : memref<256xf32, #tpu.memory_space<vmem>>[vector<16xi32>], vector<16xf32>,
      %add3A_507 = arith.constant 192 : i32
      %add3A_508 = vector.broadcast %add3A_507 : i32 to vector<16xi32>
      %add3A_509 = arith.addi %add3A_500, %add3A_508 : vector<16xi32>
      %broadcast_in_dim3A_510 = arith.constant 1.024000e+03 : f32
      %broadcast_in_dim3A_511 = vector.broadcast %broadcast_in_dim3A_510 : f32 to vector<16xf32>
      tpu.vector_store_idx %arg13[%add3A_509], %broadcast_in_dim3A_511 {add = true} : memref<256xf32, #tpu.memory_space<vmem>>[vector<16xi32>], vector<16xf32>,
    } else {
    }
    %ne3A_222 = arith.cmpi ne, %squeeze3A_213, %squeeze3A_217 : i32
    %convert_element_type3A_223 = arith.extui %ne3A_222 : i1 to i32
    %cond3A_224 = arith.constant 0 : i32
    %cond3A_225 = arith.cmpi ne, %convert_element_type3A_223, %cond3A_224 : i32
    scf.if %cond3A_225 {
      %mul3A_494 = arith.constant 8 : i32
      %mul3A_495 = arith.muli %add3A, %mul3A_494 : i32
      %add3A_496 = arith.constant 2 : i32
      %add3A_497 = arith.addi %mul3A_495, %add3A_496 : i32
      %mul3A_498 = arith.constant 16384 : i32
      %mul3A_499 = arith.muli %add3A_497, %mul3A_498 : i32
      %multiple_of3A_500 = tpu.assume_multiple %mul3A_499, 16384 : i32
      "tpu.region"() ({
        %run_scoped3A = tpu.sem_alloc : memref<!tpu.dma_semaphore, #tpu.memory_space<semaphore_mem>>
        %dma_start3A_511 = tpu.memref_slice %arg4[%multiple_of3A_500] : memref<4194304xi32, #tpu.memory_space<hbm>> -> memref<16384xi32, #tpu.memory_space<hbm>>
        %dma_start3A_512 = tpu.memref_slice %arg4[%multiple_of3A_500] : memref<4194304xi32, #tpu.memory_space<hbm>> -> memref<16384xi32, #tpu.memory_space<hbm>>
        tpu.enqueue_dma source(%dma_start3A_512 : memref<16384xi32, #tpu.memory_space<hbm>>) target(%arg12 : memref<16384xi32, #tpu.memory_space<vmem>>) target_semaphore(%run_scoped3A : memref<!tpu.dma_semaphore, #tpu.memory_space<semaphore_mem>>)
        %dma_wait3A_513 = tpu.memref_slice %arg4[%multiple_of3A_500] : memref<4194304xi32, #tpu.memory_space<hbm>> -> memref<16384xi32, #tpu.memory_space<hbm>>
        %dma_wait3A_514 = tpu.memref_slice %arg4[%multiple_of3A_500] : memref<4194304xi32, #tpu.memory_space<hbm>> -> memref<16384xi32, #tpu.memory_space<hbm>>
        tpu.wait_dma2 semaphore(%run_scoped3A : memref<!tpu.dma_semaphore, #tpu.memory_space<semaphore_mem>>) src(%dma_wait3A_514 : memref<16384xi32, #tpu.memory_space<hbm>>) dst(%arg12 : memref<16384xi32, #tpu.memory_space<vmem>>)
        tpu.yield
      }) : () -> ()
      %add3A_501 = arith.constant 1 : i32
      %add3A_502 = arith.addi %squeeze3A_217, %add3A_501 : i32
      %while3A = arith.constant 0 : i32
      %while3A_503 = arith.subi %add3A_502, %squeeze3A_213 : i32
      %while3A_504 = arith.addi %squeeze3A_213, %while3A_503 : i32
      %while3A_505 = arith.constant 1 : i32
      %while3A_506 = arith.divsi %while3A_503, %while3A_505 : i32
      %while3A_507 = arith.muli %while3A_506, %while3A_505 : i32
      %while3A_508 = arith.addi %squeeze3A_213, %while3A_507 : i32
      %while3A_509 = arith.constant 1 : i32
      scf.for %while3A_511 = %squeeze3A_213 to %while3A_508 step %while3A_509  : i32 {
        %broadcast_in_dim3A_512 = arith.constant 0 : i32
        %broadcast_in_dim3A_513 = vector.broadcast %broadcast_in_dim3A_512 : i32 to vector<16xi32>
        %add3A_514 = vector.broadcast %while3A_511 : i32 to vector<16xi32>
        %add3A_515 = arith.addi %broadcast_in_dim3A_513, %add3A_514 : vector<16xi32>
        %parallel_loop3A = arith.constant 0 : i32
        %parallel_loop3A_516 = arith.constant 1024 : i32
        %parallel_loop3A_517 = arith.constant 1 : i32
        %parallel_loop3A_518:4 = scf.for %parallel_loop3A_528 = %parallel_loop3A to %parallel_loop3A_516 step %parallel_loop3A_517 iter_args(%parallel_loop3A_529 = %broadcast_in_dim3A_1, %parallel_loop3A_530 = %broadcast_in_dim3A_1, %parallel_loop3A_531 = %broadcast_in_dim3A_1, %parallel_loop3A_532 = %broadcast_in_dim3A_1) -> (vector<16xf32>, vector<16xf32>, vector<16xf32>, vector<16xf32>)  : i32 {
          %parallel_loop3A_533 = arith.constant 16 : i32
          %parallel_loop3A_534 = arith.muli %parallel_loop3A_528, %parallel_loop3A_533 : i32
          %parallel_loop3A_535 = arith.index_cast %parallel_loop3A_534 : i32 to index
          %parallel_loop3A_536 = tpu.vector_load %arg12[%parallel_loop3A_535] {strides = array<i32>} : memref<16384xi32, #tpu.memory_space<vmem>>, vector<16xi32>,
          %parallel_loop3A_537 = arith.cmpi eq, %parallel_loop3A_536, %add3A_515 : vector<16xi32>
          %parallel_loop3A_538 = arith.index_cast %parallel_loop3A_534 : i32 to index
          %parallel_loop3A_539 = tpu.vector_load %arg6[%parallel_loop3A_538] {strides = array<i32>} : memref<16384xf32, #tpu.memory_space<vmem>>, vector<16xf32>,
          %parallel_loop3A_540 = arith.constant 0.000000e+00 : f32
          %parallel_loop3A_541 = vector.broadcast %parallel_loop3A_540 : f32 to vector<16xf32>
          %parallel_loop3A_542 = arith.select %parallel_loop3A_537, %parallel_loop3A_539, %parallel_loop3A_541 : vector<16xi1>, vector<16xf32>
          %parallel_loop3A_543 = arith.index_cast %parallel_loop3A_534 : i32 to index
          %parallel_loop3A_544 = tpu.vector_load %arg8[%parallel_loop3A_543] {strides = array<i32>} : memref<16384xf32, #tpu.memory_space<vmem>>, vector<16xf32>,
          %parallel_loop3A_545 = arith.constant 0.000000e+00 : f32
          %parallel_loop3A_546 = vector.broadcast %parallel_loop3A_545 : f32 to vector<16xf32>
          %parallel_loop3A_547 = arith.select %parallel_loop3A_537, %parallel_loop3A_544, %parallel_loop3A_546 : vector<16xi1>, vector<16xf32>
          %parallel_loop3A_548 = arith.addf %parallel_loop3A_529, %parallel_loop3A_542 : vector<16xf32>
          %parallel_loop3A_549 = arith.addf %parallel_loop3A_530, %parallel_loop3A_547 : vector<16xf32>
          %parallel_loop3A_550 = arith.mulf %parallel_loop3A_542, %parallel_loop3A_542 : vector<16xf32>
          %parallel_loop3A_551 = arith.mulf %parallel_loop3A_547, %parallel_loop3A_547 : vector<16xf32>
          %parallel_loop3A_552 = arith.addf %parallel_loop3A_550, %parallel_loop3A_551 : vector<16xf32>
          %parallel_loop3A_553 = arith.addf %parallel_loop3A_531, %parallel_loop3A_552 : vector<16xf32>
          %parallel_loop3A_554 = arith.constant 1.000000e+00 : f32
          %parallel_loop3A_555 = arith.constant 0.000000e+00 : f32
          %parallel_loop3A_556 = vector.broadcast %parallel_loop3A_554 : f32 to vector<16xf32>
          %parallel_loop3A_557 = vector.broadcast %parallel_loop3A_555 : f32 to vector<16xf32>
          %parallel_loop3A_558 = arith.select %parallel_loop3A_537, %parallel_loop3A_556, %parallel_loop3A_557 : vector<16xi1>, vector<16xf32>
          %parallel_loop3A_559 = arith.addf %parallel_loop3A_532, %parallel_loop3A_558 : vector<16xf32>
          scf.yield %parallel_loop3A_548, %parallel_loop3A_549, %parallel_loop3A_553, %parallel_loop3A_559 : vector<16xf32>, vector<16xf32>, vector<16xf32>, vector<16xf32>
        } {sc.loop_unroll_factor = 8 : i64, sc.parallel_access}
        tpu.vector_store_idx %arg13[%add3A_515], %parallel_loop3A_518#0 {add = true} : memref<256xf32, #tpu.memory_space<vmem>>[vector<16xi32>], vector<16xf32>,
        %add3A_519 = arith.constant 64 : i32
        %add3A_520 = vector.broadcast %add3A_519 : i32 to vector<16xi32>
        %add3A_521 = arith.addi %add3A_515, %add3A_520 : vector<16xi32>
        tpu.vector_store_idx %arg13[%add3A_521], %parallel_loop3A_518#1 {add = true} : memref<256xf32, #tpu.memory_space<vmem>>[vector<16xi32>], vector<16xf32>,
        %add3A_522 = arith.constant 128 : i32
        %add3A_523 = vector.broadcast %add3A_522 : i32 to vector<16xi32>
        %add3A_524 = arith.addi %add3A_515, %add3A_523 : vector<16xi32>
        tpu.vector_store_idx %arg13[%add3A_524], %parallel_loop3A_518#2 {add = true} : memref<256xf32, #tpu.memory_space<vmem>>[vector<16xi32>], vector<16xf32>,
        %add3A_525 = arith.constant 192 : i32
        %add3A_526 = vector.broadcast %add3A_525 : i32 to vector<16xi32>
        %add3A_527 = arith.addi %add3A_515, %add3A_526 : vector<16xi32>
        tpu.vector_store_idx %arg13[%add3A_527], %parallel_loop3A_518#3 {add = true} : memref<256xf32, #tpu.memory_space<vmem>>[vector<16xi32>], vector<16xf32>,
      }
      %while3A_510 = arith.constant 1 : i32
      scf.for %while3A_511 = %while3A_508 to %while3A_504 step %while3A_510  : i32 {
        %broadcast_in_dim3A_512 = arith.constant 0 : i32
        %broadcast_in_dim3A_513 = vector.broadcast %broadcast_in_dim3A_512 : i32 to vector<16xi32>
        %add3A_514 = vector.broadcast %while3A_511 : i32 to vector<16xi32>
        %add3A_515 = arith.addi %broadcast_in_dim3A_513, %add3A_514 : vector<16xi32>
        %parallel_loop3A = arith.constant 0 : i32
        %parallel_loop3A_516 = arith.constant 1024 : i32
        %parallel_loop3A_517 = arith.constant 1 : i32
        %parallel_loop3A_518:4 = scf.for %parallel_loop3A_528 = %parallel_loop3A to %parallel_loop3A_516 step %parallel_loop3A_517 iter_args(%parallel_loop3A_529 = %broadcast_in_dim3A_1, %parallel_loop3A_530 = %broadcast_in_dim3A_1, %parallel_loop3A_531 = %broadcast_in_dim3A_1, %parallel_loop3A_532 = %broadcast_in_dim3A_1) -> (vector<16xf32>, vector<16xf32>, vector<16xf32>, vector<16xf32>)  : i32 {
          %parallel_loop3A_533 = arith.constant 16 : i32
          %parallel_loop3A_534 = arith.muli %parallel_loop3A_528, %parallel_loop3A_533 : i32
          %parallel_loop3A_535 = arith.index_cast %parallel_loop3A_534 : i32 to index
          %parallel_loop3A_536 = tpu.vector_load %arg12[%parallel_loop3A_535] {strides = array<i32>} : memref<16384xi32, #tpu.memory_space<vmem>>, vector<16xi32>,
          %parallel_loop3A_537 = arith.cmpi eq, %parallel_loop3A_536, %add3A_515 : vector<16xi32>
          %parallel_loop3A_538 = arith.index_cast %parallel_loop3A_534 : i32 to index
          %parallel_loop3A_539 = tpu.vector_load %arg6[%parallel_loop3A_538] {strides = array<i32>} : memref<16384xf32, #tpu.memory_space<vmem>>, vector<16xf32>,
          %parallel_loop3A_540 = arith.constant 0.000000e+00 : f32
          %parallel_loop3A_541 = vector.broadcast %parallel_loop3A_540 : f32 to vector<16xf32>
          %parallel_loop3A_542 = arith.select %parallel_loop3A_537, %parallel_loop3A_539, %parallel_loop3A_541 : vector<16xi1>, vector<16xf32>
          %parallel_loop3A_543 = arith.index_cast %parallel_loop3A_534 : i32 to index
          %parallel_loop3A_544 = tpu.vector_load %arg8[%parallel_loop3A_543] {strides = array<i32>} : memref<16384xf32, #tpu.memory_space<vmem>>, vector<16xf32>,
          %parallel_loop3A_545 = arith.constant 0.000000e+00 : f32
          %parallel_loop3A_546 = vector.broadcast %parallel_loop3A_545 : f32 to vector<16xf32>
          %parallel_loop3A_547 = arith.select %parallel_loop3A_537, %parallel_loop3A_544, %parallel_loop3A_546 : vector<16xi1>, vector<16xf32>
          %parallel_loop3A_548 = arith.addf %parallel_loop3A_529, %parallel_loop3A_542 : vector<16xf32>
          %parallel_loop3A_549 = arith.addf %parallel_loop3A_530, %parallel_loop3A_547 : vector<16xf32>
          %parallel_loop3A_550 = arith.mulf %parallel_loop3A_542, %parallel_loop3A_542 : vector<16xf32>
          %parallel_loop3A_551 = arith.mulf %parallel_loop3A_547, %parallel_loop3A_547 : vector<16xf32>
          %parallel_loop3A_552 = arith.addf %parallel_loop3A_550, %parallel_loop3A_551 : vector<16xf32>
          %parallel_loop3A_553 = arith.addf %parallel_loop3A_531, %parallel_loop3A_552 : vector<16xf32>
          %parallel_loop3A_554 = arith.constant 1.000000e+00 : f32
          %parallel_loop3A_555 = arith.constant 0.000000e+00 : f32
          %parallel_loop3A_556 = vector.broadcast %parallel_loop3A_554 : f32 to vector<16xf32>
          %parallel_loop3A_557 = vector.broadcast %parallel_loop3A_555 : f32 to vector<16xf32>
          %parallel_loop3A_558 = arith.select %parallel_loop3A_537, %parallel_loop3A_556, %parallel_loop3A_557 : vector<16xi1>, vector<16xf32>
          %parallel_loop3A_559 = arith.addf %parallel_loop3A_532, %parallel_loop3A_558 : vector<16xf32>
          scf.yield %parallel_loop3A_548, %parallel_loop3A_549, %parallel_loop3A_553, %parallel_loop3A_559 : vector<16xf32>, vector<16xf32>, vector<16xf32>, vector<16xf32>
        } {sc.loop_unroll_factor = 8 : i64, sc.parallel_access}
        tpu.vector_store_idx %arg13[%add3A_515], %parallel_loop3A_518#0 {add = true} : memref<256xf32, #tpu.memory_space<vmem>>[vector<16xi32>], vector<16xf32>,
        %add3A_519 = arith.constant 64 : i32
        %add3A_520 = vector.broadcast %add3A_519 : i32 to vector<16xi32>
        %add3A_521 = arith.addi %add3A_515, %add3A_520 : vector<16xi32>
        tpu.vector_store_idx %arg13[%add3A_521], %parallel_loop3A_518#1 {add = true} : memref<256xf32, #tpu.memory_space<vmem>>[vector<16xi32>], vector<16xf32>,
        %add3A_522 = arith.constant 128 : i32
        %add3A_523 = vector.broadcast %add3A_522 : i32 to vector<16xi32>
        %add3A_524 = arith.addi %add3A_515, %add3A_523 : vector<16xi32>
        tpu.vector_store_idx %arg13[%add3A_524], %parallel_loop3A_518#2 {add = true} : memref<256xf32, #tpu.memory_space<vmem>>[vector<16xi32>], vector<16xf32>,
        %add3A_525 = arith.constant 192 : i32
        %add3A_526 = vector.broadcast %add3A_525 : i32 to vector<16xi32>
        %add3A_527 = arith.addi %add3A_515, %add3A_526 : vector<16xi32>
        tpu.vector_store_idx %arg13[%add3A_527], %parallel_loop3A_518#3 {add = true} : memref<256xf32, #tpu.memory_space<vmem>>[vector<16xi32>], vector<16xf32>,
      }
    } else {
    }
    %dma_wait3A_226 = tpu.memref_slice %arg2[%multiple_of3A_189] : memref<4194304xf32, #tpu.memory_space<hbm>> -> memref<16384xf32, #tpu.memory_space<hbm>>
    %dma_wait3A_227 = tpu.memref_slice %arg2[%multiple_of3A_189] : memref<4194304xf32, #tpu.memory_space<hbm>> -> memref<16384xf32, #tpu.memory_space<hbm>>
    tpu.wait_dma2 semaphore(%arg15 : memref<!tpu.dma_semaphore, #tpu.memory_space<semaphore_mem>>) src(%dma_wait3A_227 : memref<16384xf32, #tpu.memory_space<hbm>>) dst(%arg7 : memref<16384xf32, #tpu.memory_space<vmem>>)
    %dma_wait3A_228 = tpu.memref_slice %arg3[%multiple_of3A_189] : memref<4194304xf32, #tpu.memory_space<hbm>> -> memref<16384xf32, #tpu.memory_space<hbm>>
    %dma_wait3A_229 = tpu.memref_slice %arg3[%multiple_of3A_189] : memref<4194304xf32, #tpu.memory_space<hbm>> -> memref<16384xf32, #tpu.memory_space<hbm>>
    tpu.wait_dma2 semaphore(%arg15 : memref<!tpu.dma_semaphore, #tpu.memory_space<semaphore_mem>>) src(%dma_wait3A_229 : memref<16384xf32, #tpu.memory_space<hbm>>) dst(%arg9 : memref<16384xf32, #tpu.memory_space<vmem>>)
    %dma_wait3A_230 = arith.constant 0 : i32
    %dma_wait3A_231 = tpu.memref_slice %arg11[%dma_wait3A_230] : memref<32xi32, #tpu.memory_space<vmem>> -> memref<16xi32, #tpu.memory_space<vmem>>
    %dma_wait3A_232 = tpu.memref_slice %arg4[%multiple_of3A_189] : memref<4194304xi32, #tpu.memory_space<hbm>> -> memref<16xi32, #tpu.memory_space<hbm>>
    %dma_wait3A_233 = arith.constant 0 : i32
    %dma_wait3A_234 = tpu.memref_slice %arg11[%dma_wait3A_233] : memref<32xi32, #tpu.memory_space<vmem>> -> memref<16xi32, #tpu.memory_space<vmem>>
    %dma_wait3A_235 = tpu.memref_slice %arg4[%multiple_of3A_189] : memref<4194304xi32, #tpu.memory_space<hbm>> -> memref<16xi32, #tpu.memory_space<hbm>>
    tpu.wait_dma2 semaphore(%arg15 : memref<!tpu.dma_semaphore, #tpu.memory_space<semaphore_mem>>) src(%dma_wait3A_235 : memref<16xi32, #tpu.memory_space<hbm>>) dst(%dma_wait3A_234 : memref<16xi32, #tpu.memory_space<vmem>>)
    %dma_wait3A_236 = arith.constant 16 : i32
    %dma_wait3A_237 = tpu.memref_slice %arg11[%dma_wait3A_236] : memref<32xi32, #tpu.memory_space<vmem>> -> memref<16xi32, #tpu.memory_space<vmem>>
    %dma_wait3A_238 = tpu.memref_slice %arg4[%sub3A_203] : memref<4194304xi32, #tpu.memory_space<hbm>> -> memref<16xi32, #tpu.memory_space<hbm>>
    %dma_wait3A_239 = arith.constant 16 : i32
    %dma_wait3A_240 = tpu.memref_slice %arg11[%dma_wait3A_239] : memref<32xi32, #tpu.memory_space<vmem>> -> memref<16xi32, #tpu.memory_space<vmem>>
    %dma_wait3A_241 = tpu.memref_slice %arg4[%sub3A_203] : memref<4194304xi32, #tpu.memory_space<hbm>> -> memref<16xi32, #tpu.memory_space<hbm>>
    tpu.wait_dma2 semaphore(%arg15 : memref<!tpu.dma_semaphore, #tpu.memory_space<semaphore_mem>>) src(%dma_wait3A_241 : memref<16xi32, #tpu.memory_space<hbm>>) dst(%dma_wait3A_240 : memref<16xi32, #tpu.memory_space<vmem>>)
    %mul3A_242 = arith.constant 8 : i32
    %mul3A_243 = arith.muli %add3A, %mul3A_242 : i32
    %add3A_244 = arith.constant 4 : i32
    %add3A_245 = arith.addi %mul3A_243, %add3A_244 : i32
    %mul3A_246 = arith.constant 16384 : i32
    %mul3A_247 = arith.muli %add3A_245, %mul3A_246 : i32
    %multiple_of3A_248 = tpu.assume_multiple %mul3A_247, 16384 : i32
    %dma_start3A_249 = tpu.memref_slice %arg2[%multiple_of3A_248] : memref<4194304xf32, #tpu.memory_space<hbm>> -> memref<16384xf32, #tpu.memory_space<hbm>>
    %dma_start3A_250 = tpu.memref_slice %arg2[%multiple_of3A_248] : memref<4194304xf32, #tpu.memory_space<hbm>> -> memref<16384xf32, #tpu.memory_space<hbm>>
    tpu.enqueue_dma source(%dma_start3A_250 : memref<16384xf32, #tpu.memory_space<hbm>>) target(%arg6 : memref<16384xf32, #tpu.memory_space<vmem>>) target_semaphore(%arg14 : memref<!tpu.dma_semaphore, #tpu.memory_space<semaphore_mem>>)
    %dma_start3A_251 = tpu.memref_slice %arg3[%multiple_of3A_248] : memref<4194304xf32, #tpu.memory_space<hbm>> -> memref<16384xf32, #tpu.memory_space<hbm>>
    %dma_start3A_252 = tpu.memref_slice %arg3[%multiple_of3A_248] : memref<4194304xf32, #tpu.memory_space<hbm>> -> memref<16384xf32, #tpu.memory_space<hbm>>
    tpu.enqueue_dma source(%dma_start3A_252 : memref<16384xf32, #tpu.memory_space<hbm>>) target(%arg8 : memref<16384xf32, #tpu.memory_space<vmem>>) target_semaphore(%arg14 : memref<!tpu.dma_semaphore, #tpu.memory_space<semaphore_mem>>)
    %dma_start3A_253 = arith.constant 0 : i32
    %dma_start3A_254 = tpu.memref_slice %arg10[%dma_start3A_253] : memref<32xi32, #tpu.memory_space<vmem>> -> memref<16xi32, #tpu.memory_space<vmem>>
    %dma_start3A_255 = tpu.memref_slice %arg4[%multiple_of3A_248] : memref<4194304xi32, #tpu.memory_space<hbm>> -> memref<16xi32, #tpu.memory_space<hbm>>
    %dma_start3A_256 = arith.constant 0 : i32
    %dma_start3A_257 = tpu.memref_slice %arg10[%dma_start3A_256] : memref<32xi32, #tpu.memory_space<vmem>> -> memref<16xi32, #tpu.memory_space<vmem>>
    %dma_start3A_258 = tpu.memref_slice %arg4[%multiple_of3A_248] : memref<4194304xi32, #tpu.memory_space<hbm>> -> memref<16xi32, #tpu.memory_space<hbm>>
    tpu.enqueue_dma source(%dma_start3A_258 : memref<16xi32, #tpu.memory_space<hbm>>) target(%dma_start3A_257 : memref<16xi32, #tpu.memory_space<vmem>>) target_semaphore(%arg14 : memref<!tpu.dma_semaphore, #tpu.memory_space<semaphore_mem>>)
    %add3A_259 = arith.constant 16384 : i32
    %add3A_260 = arith.addi %multiple_of3A_248, %add3A_259 : i32
    %sub3A_261 = arith.constant 16 : i32
    %sub3A_262 = arith.subi %add3A_260, %sub3A_261 : i32
    %dma_start3A_263 = arith.constant 16 : i32
    %dma_start3A_264 = tpu.memref_slice %arg10[%dma_start3A_263] : memref<32xi32, #tpu.memory_space<vmem>> -> memref<16xi32, #tpu.memory_space<vmem>>
    %dma_start3A_265 = tpu.memref_slice %arg4[%sub3A_262] : memref<4194304xi32, #tpu.memory_space<hbm>> -> memref<16xi32, #tpu.memory_space<hbm>>
    %dma_start3A_266 = arith.constant 16 : i32
    %dma_start3A_267 = tpu.memref_slice %arg10[%dma_start3A_266] : memref<32xi32, #tpu.memory_space<vmem>> -> memref<16xi32, #tpu.memory_space<vmem>>
    %dma_start3A_268 = tpu.memref_slice %arg4[%sub3A_262] : memref<4194304xi32, #tpu.memory_space<hbm>> -> memref<16xi32, #tpu.memory_space<hbm>>
    tpu.enqueue_dma source(%dma_start3A_268 : memref<16xi32, #tpu.memory_space<hbm>>) target(%dma_start3A_267 : memref<16xi32, #tpu.memory_space<vmem>>) target_semaphore(%arg14 : memref<!tpu.dma_semaphore, #tpu.memory_space<semaphore_mem>>)
    %get3A_269 = arith.constant 0 : index
    %get3A_270 = tpu.vector_load %arg11[%get3A_269] {strides = array<i32>} : memref<32xi32, #tpu.memory_space<vmem>>, vector<16xi32>,
    %slice3A_271 = vector.extract_strided_slice %get3A_270 {offsets = [0], sizes = [1], strides = [1]} : vector<16xi32> to vector<1xi32>
    %squeeze3A_272 = vector.extract %slice3A_271[0] : i32 from vector<1xi32>
    %get3A_273 = arith.constant 16 : index
    %get3A_274 = tpu.vector_load %arg11[%get3A_273] {strides = array<i32>} : memref<32xi32, #tpu.memory_space<vmem>>, vector<16xi32>,
    %slice3A_275 = vector.extract_strided_slice %get3A_274 {offsets = [15], sizes = [1], strides = [1]} : vector<16xi32> to vector<1xi32>
    %squeeze3A_276 = vector.extract %slice3A_275[0] : i32 from vector<1xi32>
    %eq3A_277 = arith.cmpi eq, %squeeze3A_272, %squeeze3A_276 : i32
    %convert_element_type3A_278 = arith.extui %eq3A_277 : i1 to i32
    %cond3A_279 = arith.constant 0 : i32
    %cond3A_280 = arith.cmpi ne, %convert_element_type3A_278, %cond3A_279 : i32
    scf.if %cond3A_280 {
      %parallel_loop3A = arith.constant 0 : i32
      %parallel_loop3A_494 = arith.constant 1024 : i32
      %parallel_loop3A_495 = arith.constant 1 : i32
      %parallel_loop3A_496:3 = scf.for %parallel_loop3A_512 = %parallel_loop3A to %parallel_loop3A_494 step %parallel_loop3A_495 iter_args(%parallel_loop3A_513 = %broadcast_in_dim3A_1, %parallel_loop3A_514 = %broadcast_in_dim3A_1, %parallel_loop3A_515 = %broadcast_in_dim3A_1) -> (vector<16xf32>, vector<16xf32>, vector<16xf32>)  : i32 {
        %parallel_loop3A_516 = arith.constant 16 : i32
        %parallel_loop3A_517 = arith.muli %parallel_loop3A_512, %parallel_loop3A_516 : i32
        %parallel_loop3A_518 = arith.index_cast %parallel_loop3A_517 : i32 to index
        %parallel_loop3A_519 = tpu.vector_load %arg7[%parallel_loop3A_518] {strides = array<i32>} : memref<16384xf32, #tpu.memory_space<vmem>>, vector<16xf32>,
        %parallel_loop3A_520 = arith.index_cast %parallel_loop3A_517 : i32 to index
        %parallel_loop3A_521 = tpu.vector_load %arg9[%parallel_loop3A_520] {strides = array<i32>} : memref<16384xf32, #tpu.memory_space<vmem>>, vector<16xf32>,
        %parallel_loop3A_522 = arith.addf %parallel_loop3A_513, %parallel_loop3A_519 : vector<16xf32>
        %parallel_loop3A_523 = arith.addf %parallel_loop3A_514, %parallel_loop3A_521 : vector<16xf32>
        %parallel_loop3A_524 = arith.mulf %parallel_loop3A_519, %parallel_loop3A_519 : vector<16xf32>
        %parallel_loop3A_525 = arith.mulf %parallel_loop3A_521, %parallel_loop3A_521 : vector<16xf32>
        %parallel_loop3A_526 = arith.addf %parallel_loop3A_524, %parallel_loop3A_525 : vector<16xf32>
        %parallel_loop3A_527 = arith.addf %parallel_loop3A_515, %parallel_loop3A_526 : vector<16xf32>
        scf.yield %parallel_loop3A_522, %parallel_loop3A_523, %parallel_loop3A_527 : vector<16xf32>, vector<16xf32>, vector<16xf32>
      } {sc.loop_unroll_factor = 8 : i64, sc.parallel_access}
      %broadcast_in_dim3A_497 = arith.constant 0 : i32
      %broadcast_in_dim3A_498 = vector.broadcast %broadcast_in_dim3A_497 : i32 to vector<16xi32>
      %add3A_499 = vector.broadcast %squeeze3A_272 : i32 to vector<16xi32>
      %add3A_500 = arith.addi %broadcast_in_dim3A_498, %add3A_499 : vector<16xi32>
      tpu.vector_store_idx %arg13[%add3A_500], %parallel_loop3A_496#0 {add = true} : memref<256xf32, #tpu.memory_space<vmem>>[vector<16xi32>], vector<16xf32>,
      %add3A_501 = arith.constant 64 : i32
      %add3A_502 = vector.broadcast %add3A_501 : i32 to vector<16xi32>
      %add3A_503 = arith.addi %add3A_500, %add3A_502 : vector<16xi32>
      tpu.vector_store_idx %arg13[%add3A_503], %parallel_loop3A_496#1 {add = true} : memref<256xf32, #tpu.memory_space<vmem>>[vector<16xi32>], vector<16xf32>,
      %add3A_504 = arith.constant 128 : i32
      %add3A_505 = vector.broadcast %add3A_504 : i32 to vector<16xi32>
      %add3A_506 = arith.addi %add3A_500, %add3A_505 : vector<16xi32>
      tpu.vector_store_idx %arg13[%add3A_506], %parallel_loop3A_496#2 {add = true} : memref<256xf32, #tpu.memory_space<vmem>>[vector<16xi32>], vector<16xf32>,
      %add3A_507 = arith.constant 192 : i32
      %add3A_508 = vector.broadcast %add3A_507 : i32 to vector<16xi32>
      %add3A_509 = arith.addi %add3A_500, %add3A_508 : vector<16xi32>
      %broadcast_in_dim3A_510 = arith.constant 1.024000e+03 : f32
      %broadcast_in_dim3A_511 = vector.broadcast %broadcast_in_dim3A_510 : f32 to vector<16xf32>
      tpu.vector_store_idx %arg13[%add3A_509], %broadcast_in_dim3A_511 {add = true} : memref<256xf32, #tpu.memory_space<vmem>>[vector<16xi32>], vector<16xf32>,
    } else {
    }
    %ne3A_281 = arith.cmpi ne, %squeeze3A_272, %squeeze3A_276 : i32
    %convert_element_type3A_282 = arith.extui %ne3A_281 : i1 to i32
    %cond3A_283 = arith.constant 0 : i32
    %cond3A_284 = arith.cmpi ne, %convert_element_type3A_282, %cond3A_283 : i32
    scf.if %cond3A_284 {
      %mul3A_494 = arith.constant 8 : i32
      %mul3A_495 = arith.muli %add3A, %mul3A_494 : i32
      %add3A_496 = arith.constant 3 : i32
      %add3A_497 = arith.addi %mul3A_495, %add3A_496 : i32
      %mul3A_498 = arith.constant 16384 : i32
      %mul3A_499 = arith.muli %add3A_497, %mul3A_498 : i32
      %multiple_of3A_500 = tpu.assume_multiple %mul3A_499, 16384 : i32
      "tpu.region"() ({
        %run_scoped3A = tpu.sem_alloc : memref<!tpu.dma_semaphore, #tpu.memory_space<semaphore_mem>>
        %dma_start3A_511 = tpu.memref_slice %arg4[%multiple_of3A_500] : memref<4194304xi32, #tpu.memory_space<hbm>> -> memref<16384xi32, #tpu.memory_space<hbm>>
        %dma_start3A_512 = tpu.memref_slice %arg4[%multiple_of3A_500] : memref<4194304xi32, #tpu.memory_space<hbm>> -> memref<16384xi32, #tpu.memory_space<hbm>>
        tpu.enqueue_dma source(%dma_start3A_512 : memref<16384xi32, #tpu.memory_space<hbm>>) target(%arg12 : memref<16384xi32, #tpu.memory_space<vmem>>) target_semaphore(%run_scoped3A : memref<!tpu.dma_semaphore, #tpu.memory_space<semaphore_mem>>)
        %dma_wait3A_513 = tpu.memref_slice %arg4[%multiple_of3A_500] : memref<4194304xi32, #tpu.memory_space<hbm>> -> memref<16384xi32, #tpu.memory_space<hbm>>
        %dma_wait3A_514 = tpu.memref_slice %arg4[%multiple_of3A_500] : memref<4194304xi32, #tpu.memory_space<hbm>> -> memref<16384xi32, #tpu.memory_space<hbm>>
        tpu.wait_dma2 semaphore(%run_scoped3A : memref<!tpu.dma_semaphore, #tpu.memory_space<semaphore_mem>>) src(%dma_wait3A_514 : memref<16384xi32, #tpu.memory_space<hbm>>) dst(%arg12 : memref<16384xi32, #tpu.memory_space<vmem>>)
        tpu.yield
      }) : () -> ()
      %add3A_501 = arith.constant 1 : i32
      %add3A_502 = arith.addi %squeeze3A_276, %add3A_501 : i32
      %while3A = arith.constant 0 : i32
      %while3A_503 = arith.subi %add3A_502, %squeeze3A_272 : i32
      %while3A_504 = arith.addi %squeeze3A_272, %while3A_503 : i32
      %while3A_505 = arith.constant 1 : i32
      %while3A_506 = arith.divsi %while3A_503, %while3A_505 : i32
      %while3A_507 = arith.muli %while3A_506, %while3A_505 : i32
      %while3A_508 = arith.addi %squeeze3A_272, %while3A_507 : i32
      %while3A_509 = arith.constant 1 : i32
      scf.for %while3A_511 = %squeeze3A_272 to %while3A_508 step %while3A_509  : i32 {
        %broadcast_in_dim3A_512 = arith.constant 0 : i32
        %broadcast_in_dim3A_513 = vector.broadcast %broadcast_in_dim3A_512 : i32 to vector<16xi32>
        %add3A_514 = vector.broadcast %while3A_511 : i32 to vector<16xi32>
        %add3A_515 = arith.addi %broadcast_in_dim3A_513, %add3A_514 : vector<16xi32>
        %parallel_loop3A = arith.constant 0 : i32
        %parallel_loop3A_516 = arith.constant 1024 : i32
        %parallel_loop3A_517 = arith.constant 1 : i32
        %parallel_loop3A_518:4 = scf.for %parallel_loop3A_528 = %parallel_loop3A to %parallel_loop3A_516 step %parallel_loop3A_517 iter_args(%parallel_loop3A_529 = %broadcast_in_dim3A_1, %parallel_loop3A_530 = %broadcast_in_dim3A_1, %parallel_loop3A_531 = %broadcast_in_dim3A_1, %parallel_loop3A_532 = %broadcast_in_dim3A_1) -> (vector<16xf32>, vector<16xf32>, vector<16xf32>, vector<16xf32>)  : i32 {
          %parallel_loop3A_533 = arith.constant 16 : i32
          %parallel_loop3A_534 = arith.muli %parallel_loop3A_528, %parallel_loop3A_533 : i32
          %parallel_loop3A_535 = arith.index_cast %parallel_loop3A_534 : i32 to index
          %parallel_loop3A_536 = tpu.vector_load %arg12[%parallel_loop3A_535] {strides = array<i32>} : memref<16384xi32, #tpu.memory_space<vmem>>, vector<16xi32>,
          %parallel_loop3A_537 = arith.cmpi eq, %parallel_loop3A_536, %add3A_515 : vector<16xi32>
          %parallel_loop3A_538 = arith.index_cast %parallel_loop3A_534 : i32 to index
          %parallel_loop3A_539 = tpu.vector_load %arg7[%parallel_loop3A_538] {strides = array<i32>} : memref<16384xf32, #tpu.memory_space<vmem>>, vector<16xf32>,
          %parallel_loop3A_540 = arith.constant 0.000000e+00 : f32
          %parallel_loop3A_541 = vector.broadcast %parallel_loop3A_540 : f32 to vector<16xf32>
          %parallel_loop3A_542 = arith.select %parallel_loop3A_537, %parallel_loop3A_539, %parallel_loop3A_541 : vector<16xi1>, vector<16xf32>
          %parallel_loop3A_543 = arith.index_cast %parallel_loop3A_534 : i32 to index
          %parallel_loop3A_544 = tpu.vector_load %arg9[%parallel_loop3A_543] {strides = array<i32>} : memref<16384xf32, #tpu.memory_space<vmem>>, vector<16xf32>,
          %parallel_loop3A_545 = arith.constant 0.000000e+00 : f32
          %parallel_loop3A_546 = vector.broadcast %parallel_loop3A_545 : f32 to vector<16xf32>
          %parallel_loop3A_547 = arith.select %parallel_loop3A_537, %parallel_loop3A_544, %parallel_loop3A_546 : vector<16xi1>, vector<16xf32>
          %parallel_loop3A_548 = arith.addf %parallel_loop3A_529, %parallel_loop3A_542 : vector<16xf32>
          %parallel_loop3A_549 = arith.addf %parallel_loop3A_530, %parallel_loop3A_547 : vector<16xf32>
          %parallel_loop3A_550 = arith.mulf %parallel_loop3A_542, %parallel_loop3A_542 : vector<16xf32>
          %parallel_loop3A_551 = arith.mulf %parallel_loop3A_547, %parallel_loop3A_547 : vector<16xf32>
          %parallel_loop3A_552 = arith.addf %parallel_loop3A_550, %parallel_loop3A_551 : vector<16xf32>
          %parallel_loop3A_553 = arith.addf %parallel_loop3A_531, %parallel_loop3A_552 : vector<16xf32>
          %parallel_loop3A_554 = arith.constant 1.000000e+00 : f32
          %parallel_loop3A_555 = arith.constant 0.000000e+00 : f32
          %parallel_loop3A_556 = vector.broadcast %parallel_loop3A_554 : f32 to vector<16xf32>
          %parallel_loop3A_557 = vector.broadcast %parallel_loop3A_555 : f32 to vector<16xf32>
          %parallel_loop3A_558 = arith.select %parallel_loop3A_537, %parallel_loop3A_556, %parallel_loop3A_557 : vector<16xi1>, vector<16xf32>
          %parallel_loop3A_559 = arith.addf %parallel_loop3A_532, %parallel_loop3A_558 : vector<16xf32>
          scf.yield %parallel_loop3A_548, %parallel_loop3A_549, %parallel_loop3A_553, %parallel_loop3A_559 : vector<16xf32>, vector<16xf32>, vector<16xf32>, vector<16xf32>
        } {sc.loop_unroll_factor = 8 : i64, sc.parallel_access}
        tpu.vector_store_idx %arg13[%add3A_515], %parallel_loop3A_518#0 {add = true} : memref<256xf32, #tpu.memory_space<vmem>>[vector<16xi32>], vector<16xf32>,
        %add3A_519 = arith.constant 64 : i32
        %add3A_520 = vector.broadcast %add3A_519 : i32 to vector<16xi32>
        %add3A_521 = arith.addi %add3A_515, %add3A_520 : vector<16xi32>
        tpu.vector_store_idx %arg13[%add3A_521], %parallel_loop3A_518#1 {add = true} : memref<256xf32, #tpu.memory_space<vmem>>[vector<16xi32>], vector<16xf32>,
        %add3A_522 = arith.constant 128 : i32
        %add3A_523 = vector.broadcast %add3A_522 : i32 to vector<16xi32>
        %add3A_524 = arith.addi %add3A_515, %add3A_523 : vector<16xi32>
        tpu.vector_store_idx %arg13[%add3A_524], %parallel_loop3A_518#2 {add = true} : memref<256xf32, #tpu.memory_space<vmem>>[vector<16xi32>], vector<16xf32>,
        %add3A_525 = arith.constant 192 : i32
        %add3A_526 = vector.broadcast %add3A_525 : i32 to vector<16xi32>
        %add3A_527 = arith.addi %add3A_515, %add3A_526 : vector<16xi32>
        tpu.vector_store_idx %arg13[%add3A_527], %parallel_loop3A_518#3 {add = true} : memref<256xf32, #tpu.memory_space<vmem>>[vector<16xi32>], vector<16xf32>,
      }
      %while3A_510 = arith.constant 1 : i32
      scf.for %while3A_511 = %while3A_508 to %while3A_504 step %while3A_510  : i32 {
        %broadcast_in_dim3A_512 = arith.constant 0 : i32
        %broadcast_in_dim3A_513 = vector.broadcast %broadcast_in_dim3A_512 : i32 to vector<16xi32>
        %add3A_514 = vector.broadcast %while3A_511 : i32 to vector<16xi32>
        %add3A_515 = arith.addi %broadcast_in_dim3A_513, %add3A_514 : vector<16xi32>
        %parallel_loop3A = arith.constant 0 : i32
        %parallel_loop3A_516 = arith.constant 1024 : i32
        %parallel_loop3A_517 = arith.constant 1 : i32
        %parallel_loop3A_518:4 = scf.for %parallel_loop3A_528 = %parallel_loop3A to %parallel_loop3A_516 step %parallel_loop3A_517 iter_args(%parallel_loop3A_529 = %broadcast_in_dim3A_1, %parallel_loop3A_530 = %broadcast_in_dim3A_1, %parallel_loop3A_531 = %broadcast_in_dim3A_1, %parallel_loop3A_532 = %broadcast_in_dim3A_1) -> (vector<16xf32>, vector<16xf32>, vector<16xf32>, vector<16xf32>)  : i32 {
          %parallel_loop3A_533 = arith.constant 16 : i32
          %parallel_loop3A_534 = arith.muli %parallel_loop3A_528, %parallel_loop3A_533 : i32
          %parallel_loop3A_535 = arith.index_cast %parallel_loop3A_534 : i32 to index
          %parallel_loop3A_536 = tpu.vector_load %arg12[%parallel_loop3A_535] {strides = array<i32>} : memref<16384xi32, #tpu.memory_space<vmem>>, vector<16xi32>,
          %parallel_loop3A_537 = arith.cmpi eq, %parallel_loop3A_536, %add3A_515 : vector<16xi32>
          %parallel_loop3A_538 = arith.index_cast %parallel_loop3A_534 : i32 to index
          %parallel_loop3A_539 = tpu.vector_load %arg7[%parallel_loop3A_538] {strides = array<i32>} : memref<16384xf32, #tpu.memory_space<vmem>>, vector<16xf32>,
          %parallel_loop3A_540 = arith.constant 0.000000e+00 : f32
          %parallel_loop3A_541 = vector.broadcast %parallel_loop3A_540 : f32 to vector<16xf32>
          %parallel_loop3A_542 = arith.select %parallel_loop3A_537, %parallel_loop3A_539, %parallel_loop3A_541 : vector<16xi1>, vector<16xf32>
          %parallel_loop3A_543 = arith.index_cast %parallel_loop3A_534 : i32 to index
          %parallel_loop3A_544 = tpu.vector_load %arg9[%parallel_loop3A_543] {strides = array<i32>} : memref<16384xf32, #tpu.memory_space<vmem>>, vector<16xf32>,
          %parallel_loop3A_545 = arith.constant 0.000000e+00 : f32
          %parallel_loop3A_546 = vector.broadcast %parallel_loop3A_545 : f32 to vector<16xf32>
          %parallel_loop3A_547 = arith.select %parallel_loop3A_537, %parallel_loop3A_544, %parallel_loop3A_546 : vector<16xi1>, vector<16xf32>
          %parallel_loop3A_548 = arith.addf %parallel_loop3A_529, %parallel_loop3A_542 : vector<16xf32>
          %parallel_loop3A_549 = arith.addf %parallel_loop3A_530, %parallel_loop3A_547 : vector<16xf32>
          %parallel_loop3A_550 = arith.mulf %parallel_loop3A_542, %parallel_loop3A_542 : vector<16xf32>
          %parallel_loop3A_551 = arith.mulf %parallel_loop3A_547, %parallel_loop3A_547 : vector<16xf32>
          %parallel_loop3A_552 = arith.addf %parallel_loop3A_550, %parallel_loop3A_551 : vector<16xf32>
          %parallel_loop3A_553 = arith.addf %parallel_loop3A_531, %parallel_loop3A_552 : vector<16xf32>
          %parallel_loop3A_554 = arith.constant 1.000000e+00 : f32
          %parallel_loop3A_555 = arith.constant 0.000000e+00 : f32
          %parallel_loop3A_556 = vector.broadcast %parallel_loop3A_554 : f32 to vector<16xf32>
          %parallel_loop3A_557 = vector.broadcast %parallel_loop3A_555 : f32 to vector<16xf32>
          %parallel_loop3A_558 = arith.select %parallel_loop3A_537, %parallel_loop3A_556, %parallel_loop3A_557 : vector<16xi1>, vector<16xf32>
          %parallel_loop3A_559 = arith.addf %parallel_loop3A_532, %parallel_loop3A_558 : vector<16xf32>
          scf.yield %parallel_loop3A_548, %parallel_loop3A_549, %parallel_loop3A_553, %parallel_loop3A_559 : vector<16xf32>, vector<16xf32>, vector<16xf32>, vector<16xf32>
        } {sc.loop_unroll_factor = 8 : i64, sc.parallel_access}
        tpu.vector_store_idx %arg13[%add3A_515], %parallel_loop3A_518#0 {add = true} : memref<256xf32, #tpu.memory_space<vmem>>[vector<16xi32>], vector<16xf32>,
        %add3A_519 = arith.constant 64 : i32
        %add3A_520 = vector.broadcast %add3A_519 : i32 to vector<16xi32>
        %add3A_521 = arith.addi %add3A_515, %add3A_520 : vector<16xi32>
        tpu.vector_store_idx %arg13[%add3A_521], %parallel_loop3A_518#1 {add = true} : memref<256xf32, #tpu.memory_space<vmem>>[vector<16xi32>], vector<16xf32>,
        %add3A_522 = arith.constant 128 : i32
        %add3A_523 = vector.broadcast %add3A_522 : i32 to vector<16xi32>
        %add3A_524 = arith.addi %add3A_515, %add3A_523 : vector<16xi32>
        tpu.vector_store_idx %arg13[%add3A_524], %parallel_loop3A_518#2 {add = true} : memref<256xf32, #tpu.memory_space<vmem>>[vector<16xi32>], vector<16xf32>,
        %add3A_525 = arith.constant 192 : i32
        %add3A_526 = vector.broadcast %add3A_525 : i32 to vector<16xi32>
        %add3A_527 = arith.addi %add3A_515, %add3A_526 : vector<16xi32>
        tpu.vector_store_idx %arg13[%add3A_527], %parallel_loop3A_518#3 {add = true} : memref<256xf32, #tpu.memory_space<vmem>>[vector<16xi32>], vector<16xf32>,
      }
    } else {
    }
    %dma_wait3A_285 = tpu.memref_slice %arg2[%multiple_of3A_248] : memref<4194304xf32, #tpu.memory_space<hbm>> -> memref<16384xf32, #tpu.memory_space<hbm>>
    %dma_wait3A_286 = tpu.memref_slice %arg2[%multiple_of3A_248] : memref<4194304xf32, #tpu.memory_space<hbm>> -> memref<16384xf32, #tpu.memory_space<hbm>>
    tpu.wait_dma2 semaphore(%arg14 : memref<!tpu.dma_semaphore, #tpu.memory_space<semaphore_mem>>) src(%dma_wait3A_286 : memref<16384xf32, #tpu.memory_space<hbm>>) dst(%arg6 : memref<16384xf32, #tpu.memory_space<vmem>>)
    %dma_wait3A_287 = tpu.memref_slice %arg3[%multiple_of3A_248] : memref<4194304xf32, #tpu.memory_space<hbm>> -> memref<16384xf32, #tpu.memory_space<hbm>>
    %dma_wait3A_288 = tpu.memref_slice %arg3[%multiple_of3A_248] : memref<4194304xf32, #tpu.memory_space<hbm>> -> memref<16384xf32, #tpu.memory_space<hbm>>
    tpu.wait_dma2 semaphore(%arg14 : memref<!tpu.dma_semaphore, #tpu.memory_space<semaphore_mem>>) src(%dma_wait3A_288 : memref<16384xf32, #tpu.memory_space<hbm>>) dst(%arg8 : memref<16384xf32, #tpu.memory_space<vmem>>)
    %dma_wait3A_289 = arith.constant 0 : i32
    %dma_wait3A_290 = tpu.memref_slice %arg10[%dma_wait3A_289] : memref<32xi32, #tpu.memory_space<vmem>> -> memref<16xi32, #tpu.memory_space<vmem>>
    %dma_wait3A_291 = tpu.memref_slice %arg4[%multiple_of3A_248] : memref<4194304xi32, #tpu.memory_space<hbm>> -> memref<16xi32, #tpu.memory_space<hbm>>
    %dma_wait3A_292 = arith.constant 0 : i32
    %dma_wait3A_293 = tpu.memref_slice %arg10[%dma_wait3A_292] : memref<32xi32, #tpu.memory_space<vmem>> -> memref<16xi32, #tpu.memory_space<vmem>>
    %dma_wait3A_294 = tpu.memref_slice %arg4[%multiple_of3A_248] : memref<4194304xi32, #tpu.memory_space<hbm>> -> memref<16xi32, #tpu.memory_space<hbm>>
    tpu.wait_dma2 semaphore(%arg14 : memref<!tpu.dma_semaphore, #tpu.memory_space<semaphore_mem>>) src(%dma_wait3A_294 : memref<16xi32, #tpu.memory_space<hbm>>) dst(%dma_wait3A_293 : memref<16xi32, #tpu.memory_space<vmem>>)
    %dma_wait3A_295 = arith.constant 16 : i32
    %dma_wait3A_296 = tpu.memref_slice %arg10[%dma_wait3A_295] : memref<32xi32, #tpu.memory_space<vmem>> -> memref<16xi32, #tpu.memory_space<vmem>>
    %dma_wait3A_297 = tpu.memref_slice %arg4[%sub3A_262] : memref<4194304xi32, #tpu.memory_space<hbm>> -> memref<16xi32, #tpu.memory_space<hbm>>
    %dma_wait3A_298 = arith.constant 16 : i32
    %dma_wait3A_299 = tpu.memref_slice %arg10[%dma_wait3A_298] : memref<32xi32, #tpu.memory_space<vmem>> -> memref<16xi32, #tpu.memory_space<vmem>>
    %dma_wait3A_300 = tpu.memref_slice %arg4[%sub3A_262] : memref<4194304xi32, #tpu.memory_space<hbm>> -> memref<16xi32, #tpu.memory_space<hbm>>
    tpu.wait_dma2 semaphore(%arg14 : memref<!tpu.dma_semaphore, #tpu.memory_space<semaphore_mem>>) src(%dma_wait3A_300 : memref<16xi32, #tpu.memory_space<hbm>>) dst(%dma_wait3A_299 : memref<16xi32, #tpu.memory_space<vmem>>)
    %mul3A_301 = arith.constant 8 : i32
    %mul3A_302 = arith.muli %add3A, %mul3A_301 : i32
    %add3A_303 = arith.constant 5 : i32
    %add3A_304 = arith.addi %mul3A_302, %add3A_303 : i32
    %mul3A_305 = arith.constant 16384 : i32
    %mul3A_306 = arith.muli %add3A_304, %mul3A_305 : i32
    %multiple_of3A_307 = tpu.assume_multiple %mul3A_306, 16384 : i32
    %dma_start3A_308 = tpu.memref_slice %arg2[%multiple_of3A_307] : memref<4194304xf32, #tpu.memory_space<hbm>> -> memref<16384xf32, #tpu.memory_space<hbm>>
    %dma_start3A_309 = tpu.memref_slice %arg2[%multiple_of3A_307] : memref<4194304xf32, #tpu.memory_space<hbm>> -> memref<16384xf32, #tpu.memory_space<hbm>>
    tpu.enqueue_dma source(%dma_start3A_309 : memref<16384xf32, #tpu.memory_space<hbm>>) target(%arg7 : memref<16384xf32, #tpu.memory_space<vmem>>) target_semaphore(%arg15 : memref<!tpu.dma_semaphore, #tpu.memory_space<semaphore_mem>>)
    %dma_start3A_310 = tpu.memref_slice %arg3[%multiple_of3A_307] : memref<4194304xf32, #tpu.memory_space<hbm>> -> memref<16384xf32, #tpu.memory_space<hbm>>
    %dma_start3A_311 = tpu.memref_slice %arg3[%multiple_of3A_307] : memref<4194304xf32, #tpu.memory_space<hbm>> -> memref<16384xf32, #tpu.memory_space<hbm>>
    tpu.enqueue_dma source(%dma_start3A_311 : memref<16384xf32, #tpu.memory_space<hbm>>) target(%arg9 : memref<16384xf32, #tpu.memory_space<vmem>>) target_semaphore(%arg15 : memref<!tpu.dma_semaphore, #tpu.memory_space<semaphore_mem>>)
    %dma_start3A_312 = arith.constant 0 : i32
    %dma_start3A_313 = tpu.memref_slice %arg11[%dma_start3A_312] : memref<32xi32, #tpu.memory_space<vmem>> -> memref<16xi32, #tpu.memory_space<vmem>>
    %dma_start3A_314 = tpu.memref_slice %arg4[%multiple_of3A_307] : memref<4194304xi32, #tpu.memory_space<hbm>> -> memref<16xi32, #tpu.memory_space<hbm>>
    %dma_start3A_315 = arith.constant 0 : i32
    %dma_start3A_316 = tpu.memref_slice %arg11[%dma_start3A_315] : memref<32xi32, #tpu.memory_space<vmem>> -> memref<16xi32, #tpu.memory_space<vmem>>
    %dma_start3A_317 = tpu.memref_slice %arg4[%multiple_of3A_307] : memref<4194304xi32, #tpu.memory_space<hbm>> -> memref<16xi32, #tpu.memory_space<hbm>>
    tpu.enqueue_dma source(%dma_start3A_317 : memref<16xi32, #tpu.memory_space<hbm>>) target(%dma_start3A_316 : memref<16xi32, #tpu.memory_space<vmem>>) target_semaphore(%arg15 : memref<!tpu.dma_semaphore, #tpu.memory_space<semaphore_mem>>)
    %add3A_318 = arith.constant 16384 : i32
    %add3A_319 = arith.addi %multiple_of3A_307, %add3A_318 : i32
    %sub3A_320 = arith.constant 16 : i32
    %sub3A_321 = arith.subi %add3A_319, %sub3A_320 : i32
    %dma_start3A_322 = arith.constant 16 : i32
    %dma_start3A_323 = tpu.memref_slice %arg11[%dma_start3A_322] : memref<32xi32, #tpu.memory_space<vmem>> -> memref<16xi32, #tpu.memory_space<vmem>>
    %dma_start3A_324 = tpu.memref_slice %arg4[%sub3A_321] : memref<4194304xi32, #tpu.memory_space<hbm>> -> memref<16xi32, #tpu.memory_space<hbm>>
    %dma_start3A_325 = arith.constant 16 : i32
    %dma_start3A_326 = tpu.memref_slice %arg11[%dma_start3A_325] : memref<32xi32, #tpu.memory_space<vmem>> -> memref<16xi32, #tpu.memory_space<vmem>>
    %dma_start3A_327 = tpu.memref_slice %arg4[%sub3A_321] : memref<4194304xi32, #tpu.memory_space<hbm>> -> memref<16xi32, #tpu.memory_space<hbm>>
    tpu.enqueue_dma source(%dma_start3A_327 : memref<16xi32, #tpu.memory_space<hbm>>) target(%dma_start3A_326 : memref<16xi32, #tpu.memory_space<vmem>>) target_semaphore(%arg15 : memref<!tpu.dma_semaphore, #tpu.memory_space<semaphore_mem>>)
    %get3A_328 = arith.constant 0 : index
    %get3A_329 = tpu.vector_load %arg10[%get3A_328] {strides = array<i32>} : memref<32xi32, #tpu.memory_space<vmem>>, vector<16xi32>,
    %slice3A_330 = vector.extract_strided_slice %get3A_329 {offsets = [0], sizes = [1], strides = [1]} : vector<16xi32> to vector<1xi32>
    %squeeze3A_331 = vector.extract %slice3A_330[0] : i32 from vector<1xi32>
    %get3A_332 = arith.constant 16 : index
    %get3A_333 = tpu.vector_load %arg10[%get3A_332] {strides = array<i32>} : memref<32xi32, #tpu.memory_space<vmem>>, vector<16xi32>,
    %slice3A_334 = vector.extract_strided_slice %get3A_333 {offsets = [15], sizes = [1], strides = [1]} : vector<16xi32> to vector<1xi32>
    %squeeze3A_335 = vector.extract %slice3A_334[0] : i32 from vector<1xi32>
    %eq3A_336 = arith.cmpi eq, %squeeze3A_331, %squeeze3A_335 : i32
    %convert_element_type3A_337 = arith.extui %eq3A_336 : i1 to i32
    %cond3A_338 = arith.constant 0 : i32
    %cond3A_339 = arith.cmpi ne, %convert_element_type3A_337, %cond3A_338 : i32
    scf.if %cond3A_339 {
      %parallel_loop3A = arith.constant 0 : i32
      %parallel_loop3A_494 = arith.constant 1024 : i32
      %parallel_loop3A_495 = arith.constant 1 : i32
      %parallel_loop3A_496:3 = scf.for %parallel_loop3A_512 = %parallel_loop3A to %parallel_loop3A_494 step %parallel_loop3A_495 iter_args(%parallel_loop3A_513 = %broadcast_in_dim3A_1, %parallel_loop3A_514 = %broadcast_in_dim3A_1, %parallel_loop3A_515 = %broadcast_in_dim3A_1) -> (vector<16xf32>, vector<16xf32>, vector<16xf32>)  : i32 {
        %parallel_loop3A_516 = arith.constant 16 : i32
        %parallel_loop3A_517 = arith.muli %parallel_loop3A_512, %parallel_loop3A_516 : i32
        %parallel_loop3A_518 = arith.index_cast %parallel_loop3A_517 : i32 to index
        %parallel_loop3A_519 = tpu.vector_load %arg6[%parallel_loop3A_518] {strides = array<i32>} : memref<16384xf32, #tpu.memory_space<vmem>>, vector<16xf32>,
        %parallel_loop3A_520 = arith.index_cast %parallel_loop3A_517 : i32 to index
        %parallel_loop3A_521 = tpu.vector_load %arg8[%parallel_loop3A_520] {strides = array<i32>} : memref<16384xf32, #tpu.memory_space<vmem>>, vector<16xf32>,
        %parallel_loop3A_522 = arith.addf %parallel_loop3A_513, %parallel_loop3A_519 : vector<16xf32>
        %parallel_loop3A_523 = arith.addf %parallel_loop3A_514, %parallel_loop3A_521 : vector<16xf32>
        %parallel_loop3A_524 = arith.mulf %parallel_loop3A_519, %parallel_loop3A_519 : vector<16xf32>
        %parallel_loop3A_525 = arith.mulf %parallel_loop3A_521, %parallel_loop3A_521 : vector<16xf32>
        %parallel_loop3A_526 = arith.addf %parallel_loop3A_524, %parallel_loop3A_525 : vector<16xf32>
        %parallel_loop3A_527 = arith.addf %parallel_loop3A_515, %parallel_loop3A_526 : vector<16xf32>
        scf.yield %parallel_loop3A_522, %parallel_loop3A_523, %parallel_loop3A_527 : vector<16xf32>, vector<16xf32>, vector<16xf32>
      } {sc.loop_unroll_factor = 8 : i64, sc.parallel_access}
      %broadcast_in_dim3A_497 = arith.constant 0 : i32
      %broadcast_in_dim3A_498 = vector.broadcast %broadcast_in_dim3A_497 : i32 to vector<16xi32>
      %add3A_499 = vector.broadcast %squeeze3A_331 : i32 to vector<16xi32>
      %add3A_500 = arith.addi %broadcast_in_dim3A_498, %add3A_499 : vector<16xi32>
      tpu.vector_store_idx %arg13[%add3A_500], %parallel_loop3A_496#0 {add = true} : memref<256xf32, #tpu.memory_space<vmem>>[vector<16xi32>], vector<16xf32>,
      %add3A_501 = arith.constant 64 : i32
      %add3A_502 = vector.broadcast %add3A_501 : i32 to vector<16xi32>
      %add3A_503 = arith.addi %add3A_500, %add3A_502 : vector<16xi32>
      tpu.vector_store_idx %arg13[%add3A_503], %parallel_loop3A_496#1 {add = true} : memref<256xf32, #tpu.memory_space<vmem>>[vector<16xi32>], vector<16xf32>,
      %add3A_504 = arith.constant 128 : i32
      %add3A_505 = vector.broadcast %add3A_504 : i32 to vector<16xi32>
      %add3A_506 = arith.addi %add3A_500, %add3A_505 : vector<16xi32>
      tpu.vector_store_idx %arg13[%add3A_506], %parallel_loop3A_496#2 {add = true} : memref<256xf32, #tpu.memory_space<vmem>>[vector<16xi32>], vector<16xf32>,
      %add3A_507 = arith.constant 192 : i32
      %add3A_508 = vector.broadcast %add3A_507 : i32 to vector<16xi32>
      %add3A_509 = arith.addi %add3A_500, %add3A_508 : vector<16xi32>
      %broadcast_in_dim3A_510 = arith.constant 1.024000e+03 : f32
      %broadcast_in_dim3A_511 = vector.broadcast %broadcast_in_dim3A_510 : f32 to vector<16xf32>
      tpu.vector_store_idx %arg13[%add3A_509], %broadcast_in_dim3A_511 {add = true} : memref<256xf32, #tpu.memory_space<vmem>>[vector<16xi32>], vector<16xf32>,
    } else {
    }
    %ne3A_340 = arith.cmpi ne, %squeeze3A_331, %squeeze3A_335 : i32
    %convert_element_type3A_341 = arith.extui %ne3A_340 : i1 to i32
    %cond3A_342 = arith.constant 0 : i32
    %cond3A_343 = arith.cmpi ne, %convert_element_type3A_341, %cond3A_342 : i32
    scf.if %cond3A_343 {
      %mul3A_494 = arith.constant 8 : i32
      %mul3A_495 = arith.muli %add3A, %mul3A_494 : i32
      %add3A_496 = arith.constant 4 : i32
      %add3A_497 = arith.addi %mul3A_495, %add3A_496 : i32
      %mul3A_498 = arith.constant 16384 : i32
      %mul3A_499 = arith.muli %add3A_497, %mul3A_498 : i32
      %multiple_of3A_500 = tpu.assume_multiple %mul3A_499, 16384 : i32
      "tpu.region"() ({
        %run_scoped3A = tpu.sem_alloc : memref<!tpu.dma_semaphore, #tpu.memory_space<semaphore_mem>>
        %dma_start3A_511 = tpu.memref_slice %arg4[%multiple_of3A_500] : memref<4194304xi32, #tpu.memory_space<hbm>> -> memref<16384xi32, #tpu.memory_space<hbm>>
        %dma_start3A_512 = tpu.memref_slice %arg4[%multiple_of3A_500] : memref<4194304xi32, #tpu.memory_space<hbm>> -> memref<16384xi32, #tpu.memory_space<hbm>>
        tpu.enqueue_dma source(%dma_start3A_512 : memref<16384xi32, #tpu.memory_space<hbm>>) target(%arg12 : memref<16384xi32, #tpu.memory_space<vmem>>) target_semaphore(%run_scoped3A : memref<!tpu.dma_semaphore, #tpu.memory_space<semaphore_mem>>)
        %dma_wait3A_513 = tpu.memref_slice %arg4[%multiple_of3A_500] : memref<4194304xi32, #tpu.memory_space<hbm>> -> memref<16384xi32, #tpu.memory_space<hbm>>
        %dma_wait3A_514 = tpu.memref_slice %arg4[%multiple_of3A_500] : memref<4194304xi32, #tpu.memory_space<hbm>> -> memref<16384xi32, #tpu.memory_space<hbm>>
        tpu.wait_dma2 semaphore(%run_scoped3A : memref<!tpu.dma_semaphore, #tpu.memory_space<semaphore_mem>>) src(%dma_wait3A_514 : memref<16384xi32, #tpu.memory_space<hbm>>) dst(%arg12 : memref<16384xi32, #tpu.memory_space<vmem>>)
        tpu.yield
      }) : () -> ()
      %add3A_501 = arith.constant 1 : i32
      %add3A_502 = arith.addi %squeeze3A_335, %add3A_501 : i32
      %while3A = arith.constant 0 : i32
      %while3A_503 = arith.subi %add3A_502, %squeeze3A_331 : i32
      %while3A_504 = arith.addi %squeeze3A_331, %while3A_503 : i32
      %while3A_505 = arith.constant 1 : i32
      %while3A_506 = arith.divsi %while3A_503, %while3A_505 : i32
      %while3A_507 = arith.muli %while3A_506, %while3A_505 : i32
      %while3A_508 = arith.addi %squeeze3A_331, %while3A_507 : i32
      %while3A_509 = arith.constant 1 : i32
      scf.for %while3A_511 = %squeeze3A_331 to %while3A_508 step %while3A_509  : i32 {
        %broadcast_in_dim3A_512 = arith.constant 0 : i32
        %broadcast_in_dim3A_513 = vector.broadcast %broadcast_in_dim3A_512 : i32 to vector<16xi32>
        %add3A_514 = vector.broadcast %while3A_511 : i32 to vector<16xi32>
        %add3A_515 = arith.addi %broadcast_in_dim3A_513, %add3A_514 : vector<16xi32>
        %parallel_loop3A = arith.constant 0 : i32
        %parallel_loop3A_516 = arith.constant 1024 : i32
        %parallel_loop3A_517 = arith.constant 1 : i32
        %parallel_loop3A_518:4 = scf.for %parallel_loop3A_528 = %parallel_loop3A to %parallel_loop3A_516 step %parallel_loop3A_517 iter_args(%parallel_loop3A_529 = %broadcast_in_dim3A_1, %parallel_loop3A_530 = %broadcast_in_dim3A_1, %parallel_loop3A_531 = %broadcast_in_dim3A_1, %parallel_loop3A_532 = %broadcast_in_dim3A_1) -> (vector<16xf32>, vector<16xf32>, vector<16xf32>, vector<16xf32>)  : i32 {
          %parallel_loop3A_533 = arith.constant 16 : i32
          %parallel_loop3A_534 = arith.muli %parallel_loop3A_528, %parallel_loop3A_533 : i32
          %parallel_loop3A_535 = arith.index_cast %parallel_loop3A_534 : i32 to index
          %parallel_loop3A_536 = tpu.vector_load %arg12[%parallel_loop3A_535] {strides = array<i32>} : memref<16384xi32, #tpu.memory_space<vmem>>, vector<16xi32>,
          %parallel_loop3A_537 = arith.cmpi eq, %parallel_loop3A_536, %add3A_515 : vector<16xi32>
          %parallel_loop3A_538 = arith.index_cast %parallel_loop3A_534 : i32 to index
          %parallel_loop3A_539 = tpu.vector_load %arg6[%parallel_loop3A_538] {strides = array<i32>} : memref<16384xf32, #tpu.memory_space<vmem>>, vector<16xf32>,
          %parallel_loop3A_540 = arith.constant 0.000000e+00 : f32
          %parallel_loop3A_541 = vector.broadcast %parallel_loop3A_540 : f32 to vector<16xf32>
          %parallel_loop3A_542 = arith.select %parallel_loop3A_537, %parallel_loop3A_539, %parallel_loop3A_541 : vector<16xi1>, vector<16xf32>
          %parallel_loop3A_543 = arith.index_cast %parallel_loop3A_534 : i32 to index
          %parallel_loop3A_544 = tpu.vector_load %arg8[%parallel_loop3A_543] {strides = array<i32>} : memref<16384xf32, #tpu.memory_space<vmem>>, vector<16xf32>,
          %parallel_loop3A_545 = arith.constant 0.000000e+00 : f32
          %parallel_loop3A_546 = vector.broadcast %parallel_loop3A_545 : f32 to vector<16xf32>
          %parallel_loop3A_547 = arith.select %parallel_loop3A_537, %parallel_loop3A_544, %parallel_loop3A_546 : vector<16xi1>, vector<16xf32>
          %parallel_loop3A_548 = arith.addf %parallel_loop3A_529, %parallel_loop3A_542 : vector<16xf32>
          %parallel_loop3A_549 = arith.addf %parallel_loop3A_530, %parallel_loop3A_547 : vector<16xf32>
          %parallel_loop3A_550 = arith.mulf %parallel_loop3A_542, %parallel_loop3A_542 : vector<16xf32>
          %parallel_loop3A_551 = arith.mulf %parallel_loop3A_547, %parallel_loop3A_547 : vector<16xf32>
          %parallel_loop3A_552 = arith.addf %parallel_loop3A_550, %parallel_loop3A_551 : vector<16xf32>
          %parallel_loop3A_553 = arith.addf %parallel_loop3A_531, %parallel_loop3A_552 : vector<16xf32>
          %parallel_loop3A_554 = arith.constant 1.000000e+00 : f32
          %parallel_loop3A_555 = arith.constant 0.000000e+00 : f32
          %parallel_loop3A_556 = vector.broadcast %parallel_loop3A_554 : f32 to vector<16xf32>
          %parallel_loop3A_557 = vector.broadcast %parallel_loop3A_555 : f32 to vector<16xf32>
          %parallel_loop3A_558 = arith.select %parallel_loop3A_537, %parallel_loop3A_556, %parallel_loop3A_557 : vector<16xi1>, vector<16xf32>
          %parallel_loop3A_559 = arith.addf %parallel_loop3A_532, %parallel_loop3A_558 : vector<16xf32>
          scf.yield %parallel_loop3A_548, %parallel_loop3A_549, %parallel_loop3A_553, %parallel_loop3A_559 : vector<16xf32>, vector<16xf32>, vector<16xf32>, vector<16xf32>
        } {sc.loop_unroll_factor = 8 : i64, sc.parallel_access}
        tpu.vector_store_idx %arg13[%add3A_515], %parallel_loop3A_518#0 {add = true} : memref<256xf32, #tpu.memory_space<vmem>>[vector<16xi32>], vector<16xf32>,
        %add3A_519 = arith.constant 64 : i32
        %add3A_520 = vector.broadcast %add3A_519 : i32 to vector<16xi32>
        %add3A_521 = arith.addi %add3A_515, %add3A_520 : vector<16xi32>
        tpu.vector_store_idx %arg13[%add3A_521], %parallel_loop3A_518#1 {add = true} : memref<256xf32, #tpu.memory_space<vmem>>[vector<16xi32>], vector<16xf32>,
        %add3A_522 = arith.constant 128 : i32
        %add3A_523 = vector.broadcast %add3A_522 : i32 to vector<16xi32>
        %add3A_524 = arith.addi %add3A_515, %add3A_523 : vector<16xi32>
        tpu.vector_store_idx %arg13[%add3A_524], %parallel_loop3A_518#2 {add = true} : memref<256xf32, #tpu.memory_space<vmem>>[vector<16xi32>], vector<16xf32>,
        %add3A_525 = arith.constant 192 : i32
        %add3A_526 = vector.broadcast %add3A_525 : i32 to vector<16xi32>
        %add3A_527 = arith.addi %add3A_515, %add3A_526 : vector<16xi32>
        tpu.vector_store_idx %arg13[%add3A_527], %parallel_loop3A_518#3 {add = true} : memref<256xf32, #tpu.memory_space<vmem>>[vector<16xi32>], vector<16xf32>,
      }
      %while3A_510 = arith.constant 1 : i32
      scf.for %while3A_511 = %while3A_508 to %while3A_504 step %while3A_510  : i32 {
        %broadcast_in_dim3A_512 = arith.constant 0 : i32
        %broadcast_in_dim3A_513 = vector.broadcast %broadcast_in_dim3A_512 : i32 to vector<16xi32>
        %add3A_514 = vector.broadcast %while3A_511 : i32 to vector<16xi32>
        %add3A_515 = arith.addi %broadcast_in_dim3A_513, %add3A_514 : vector<16xi32>
        %parallel_loop3A = arith.constant 0 : i32
        %parallel_loop3A_516 = arith.constant 1024 : i32
        %parallel_loop3A_517 = arith.constant 1 : i32
        %parallel_loop3A_518:4 = scf.for %parallel_loop3A_528 = %parallel_loop3A to %parallel_loop3A_516 step %parallel_loop3A_517 iter_args(%parallel_loop3A_529 = %broadcast_in_dim3A_1, %parallel_loop3A_530 = %broadcast_in_dim3A_1, %parallel_loop3A_531 = %broadcast_in_dim3A_1, %parallel_loop3A_532 = %broadcast_in_dim3A_1) -> (vector<16xf32>, vector<16xf32>, vector<16xf32>, vector<16xf32>)  : i32 {
          %parallel_loop3A_533 = arith.constant 16 : i32
          %parallel_loop3A_534 = arith.muli %parallel_loop3A_528, %parallel_loop3A_533 : i32
          %parallel_loop3A_535 = arith.index_cast %parallel_loop3A_534 : i32 to index
          %parallel_loop3A_536 = tpu.vector_load %arg12[%parallel_loop3A_535] {strides = array<i32>} : memref<16384xi32, #tpu.memory_space<vmem>>, vector<16xi32>,
          %parallel_loop3A_537 = arith.cmpi eq, %parallel_loop3A_536, %add3A_515 : vector<16xi32>
          %parallel_loop3A_538 = arith.index_cast %parallel_loop3A_534 : i32 to index
          %parallel_loop3A_539 = tpu.vector_load %arg6[%parallel_loop3A_538] {strides = array<i32>} : memref<16384xf32, #tpu.memory_space<vmem>>, vector<16xf32>,
          %parallel_loop3A_540 = arith.constant 0.000000e+00 : f32
          %parallel_loop3A_541 = vector.broadcast %parallel_loop3A_540 : f32 to vector<16xf32>
          %parallel_loop3A_542 = arith.select %parallel_loop3A_537, %parallel_loop3A_539, %parallel_loop3A_541 : vector<16xi1>, vector<16xf32>
          %parallel_loop3A_543 = arith.index_cast %parallel_loop3A_534 : i32 to index
          %parallel_loop3A_544 = tpu.vector_load %arg8[%parallel_loop3A_543] {strides = array<i32>} : memref<16384xf32, #tpu.memory_space<vmem>>, vector<16xf32>,
          %parallel_loop3A_545 = arith.constant 0.000000e+00 : f32
          %parallel_loop3A_546 = vector.broadcast %parallel_loop3A_545 : f32 to vector<16xf32>
          %parallel_loop3A_547 = arith.select %parallel_loop3A_537, %parallel_loop3A_544, %parallel_loop3A_546 : vector<16xi1>, vector<16xf32>
          %parallel_loop3A_548 = arith.addf %parallel_loop3A_529, %parallel_loop3A_542 : vector<16xf32>
          %parallel_loop3A_549 = arith.addf %parallel_loop3A_530, %parallel_loop3A_547 : vector<16xf32>
          %parallel_loop3A_550 = arith.mulf %parallel_loop3A_542, %parallel_loop3A_542 : vector<16xf32>
          %parallel_loop3A_551 = arith.mulf %parallel_loop3A_547, %parallel_loop3A_547 : vector<16xf32>
          %parallel_loop3A_552 = arith.addf %parallel_loop3A_550, %parallel_loop3A_551 : vector<16xf32>
          %parallel_loop3A_553 = arith.addf %parallel_loop3A_531, %parallel_loop3A_552 : vector<16xf32>
          %parallel_loop3A_554 = arith.constant 1.000000e+00 : f32
          %parallel_loop3A_555 = arith.constant 0.000000e+00 : f32
          %parallel_loop3A_556 = vector.broadcast %parallel_loop3A_554 : f32 to vector<16xf32>
          %parallel_loop3A_557 = vector.broadcast %parallel_loop3A_555 : f32 to vector<16xf32>
          %parallel_loop3A_558 = arith.select %parallel_loop3A_537, %parallel_loop3A_556, %parallel_loop3A_557 : vector<16xi1>, vector<16xf32>
          %parallel_loop3A_559 = arith.addf %parallel_loop3A_532, %parallel_loop3A_558 : vector<16xf32>
          scf.yield %parallel_loop3A_548, %parallel_loop3A_549, %parallel_loop3A_553, %parallel_loop3A_559 : vector<16xf32>, vector<16xf32>, vector<16xf32>, vector<16xf32>
        } {sc.loop_unroll_factor = 8 : i64, sc.parallel_access}
        tpu.vector_store_idx %arg13[%add3A_515], %parallel_loop3A_518#0 {add = true} : memref<256xf32, #tpu.memory_space<vmem>>[vector<16xi32>], vector<16xf32>,
        %add3A_519 = arith.constant 64 : i32
        %add3A_520 = vector.broadcast %add3A_519 : i32 to vector<16xi32>
        %add3A_521 = arith.addi %add3A_515, %add3A_520 : vector<16xi32>
        tpu.vector_store_idx %arg13[%add3A_521], %parallel_loop3A_518#1 {add = true} : memref<256xf32, #tpu.memory_space<vmem>>[vector<16xi32>], vector<16xf32>,
        %add3A_522 = arith.constant 128 : i32
        %add3A_523 = vector.broadcast %add3A_522 : i32 to vector<16xi32>
        %add3A_524 = arith.addi %add3A_515, %add3A_523 : vector<16xi32>
        tpu.vector_store_idx %arg13[%add3A_524], %parallel_loop3A_518#2 {add = true} : memref<256xf32, #tpu.memory_space<vmem>>[vector<16xi32>], vector<16xf32>,
        %add3A_525 = arith.constant 192 : i32
        %add3A_526 = vector.broadcast %add3A_525 : i32 to vector<16xi32>
        %add3A_527 = arith.addi %add3A_515, %add3A_526 : vector<16xi32>
        tpu.vector_store_idx %arg13[%add3A_527], %parallel_loop3A_518#3 {add = true} : memref<256xf32, #tpu.memory_space<vmem>>[vector<16xi32>], vector<16xf32>,
      }
    } else {
    }
    %dma_wait3A_344 = tpu.memref_slice %arg2[%multiple_of3A_307] : memref<4194304xf32, #tpu.memory_space<hbm>> -> memref<16384xf32, #tpu.memory_space<hbm>>
    %dma_wait3A_345 = tpu.memref_slice %arg2[%multiple_of3A_307] : memref<4194304xf32, #tpu.memory_space<hbm>> -> memref<16384xf32, #tpu.memory_space<hbm>>
    tpu.wait_dma2 semaphore(%arg15 : memref<!tpu.dma_semaphore, #tpu.memory_space<semaphore_mem>>) src(%dma_wait3A_345 : memref<16384xf32, #tpu.memory_space<hbm>>) dst(%arg7 : memref<16384xf32, #tpu.memory_space<vmem>>)
    %dma_wait3A_346 = tpu.memref_slice %arg3[%multiple_of3A_307] : memref<4194304xf32, #tpu.memory_space<hbm>> -> memref<16384xf32, #tpu.memory_space<hbm>>
    %dma_wait3A_347 = tpu.memref_slice %arg3[%multiple_of3A_307] : memref<4194304xf32, #tpu.memory_space<hbm>> -> memref<16384xf32, #tpu.memory_space<hbm>>
    tpu.wait_dma2 semaphore(%arg15 : memref<!tpu.dma_semaphore, #tpu.memory_space<semaphore_mem>>) src(%dma_wait3A_347 : memref<16384xf32, #tpu.memory_space<hbm>>) dst(%arg9 : memref<16384xf32, #tpu.memory_space<vmem>>)
    %dma_wait3A_348 = arith.constant 0 : i32
    %dma_wait3A_349 = tpu.memref_slice %arg11[%dma_wait3A_348] : memref<32xi32, #tpu.memory_space<vmem>> -> memref<16xi32, #tpu.memory_space<vmem>>
    %dma_wait3A_350 = tpu.memref_slice %arg4[%multiple_of3A_307] : memref<4194304xi32, #tpu.memory_space<hbm>> -> memref<16xi32, #tpu.memory_space<hbm>>
    %dma_wait3A_351 = arith.constant 0 : i32
    %dma_wait3A_352 = tpu.memref_slice %arg11[%dma_wait3A_351] : memref<32xi32, #tpu.memory_space<vmem>> -> memref<16xi32, #tpu.memory_space<vmem>>
    %dma_wait3A_353 = tpu.memref_slice %arg4[%multiple_of3A_307] : memref<4194304xi32, #tpu.memory_space<hbm>> -> memref<16xi32, #tpu.memory_space<hbm>>
    tpu.wait_dma2 semaphore(%arg15 : memref<!tpu.dma_semaphore, #tpu.memory_space<semaphore_mem>>) src(%dma_wait3A_353 : memref<16xi32, #tpu.memory_space<hbm>>) dst(%dma_wait3A_352 : memref<16xi32, #tpu.memory_space<vmem>>)
    %dma_wait3A_354 = arith.constant 16 : i32
    %dma_wait3A_355 = tpu.memref_slice %arg11[%dma_wait3A_354] : memref<32xi32, #tpu.memory_space<vmem>> -> memref<16xi32, #tpu.memory_space<vmem>>
    %dma_wait3A_356 = tpu.memref_slice %arg4[%sub3A_321] : memref<4194304xi32, #tpu.memory_space<hbm>> -> memref<16xi32, #tpu.memory_space<hbm>>
    %dma_wait3A_357 = arith.constant 16 : i32
    %dma_wait3A_358 = tpu.memref_slice %arg11[%dma_wait3A_357] : memref<32xi32, #tpu.memory_space<vmem>> -> memref<16xi32, #tpu.memory_space<vmem>>
    %dma_wait3A_359 = tpu.memref_slice %arg4[%sub3A_321] : memref<4194304xi32, #tpu.memory_space<hbm>> -> memref<16xi32, #tpu.memory_space<hbm>>
    tpu.wait_dma2 semaphore(%arg15 : memref<!tpu.dma_semaphore, #tpu.memory_space<semaphore_mem>>) src(%dma_wait3A_359 : memref<16xi32, #tpu.memory_space<hbm>>) dst(%dma_wait3A_358 : memref<16xi32, #tpu.memory_space<vmem>>)
    %mul3A_360 = arith.constant 8 : i32
    %mul3A_361 = arith.muli %add3A, %mul3A_360 : i32
    %add3A_362 = arith.constant 6 : i32
    %add3A_363 = arith.addi %mul3A_361, %add3A_362 : i32
    %mul3A_364 = arith.constant 16384 : i32
    %mul3A_365 = arith.muli %add3A_363, %mul3A_364 : i32
    %multiple_of3A_366 = tpu.assume_multiple %mul3A_365, 16384 : i32
    %dma_start3A_367 = tpu.memref_slice %arg2[%multiple_of3A_366] : memref<4194304xf32, #tpu.memory_space<hbm>> -> memref<16384xf32, #tpu.memory_space<hbm>>
    %dma_start3A_368 = tpu.memref_slice %arg2[%multiple_of3A_366] : memref<4194304xf32, #tpu.memory_space<hbm>> -> memref<16384xf32, #tpu.memory_space<hbm>>
    tpu.enqueue_dma source(%dma_start3A_368 : memref<16384xf32, #tpu.memory_space<hbm>>) target(%arg6 : memref<16384xf32, #tpu.memory_space<vmem>>) target_semaphore(%arg14 : memref<!tpu.dma_semaphore, #tpu.memory_space<semaphore_mem>>)
    %dma_start3A_369 = tpu.memref_slice %arg3[%multiple_of3A_366] : memref<4194304xf32, #tpu.memory_space<hbm>> -> memref<16384xf32, #tpu.memory_space<hbm>>
    %dma_start3A_370 = tpu.memref_slice %arg3[%multiple_of3A_366] : memref<4194304xf32, #tpu.memory_space<hbm>> -> memref<16384xf32, #tpu.memory_space<hbm>>
    tpu.enqueue_dma source(%dma_start3A_370 : memref<16384xf32, #tpu.memory_space<hbm>>) target(%arg8 : memref<16384xf32, #tpu.memory_space<vmem>>) target_semaphore(%arg14 : memref<!tpu.dma_semaphore, #tpu.memory_space<semaphore_mem>>)
    %dma_start3A_371 = arith.constant 0 : i32
    %dma_start3A_372 = tpu.memref_slice %arg10[%dma_start3A_371] : memref<32xi32, #tpu.memory_space<vmem>> -> memref<16xi32, #tpu.memory_space<vmem>>
    %dma_start3A_373 = tpu.memref_slice %arg4[%multiple_of3A_366] : memref<4194304xi32, #tpu.memory_space<hbm>> -> memref<16xi32, #tpu.memory_space<hbm>>
    %dma_start3A_374 = arith.constant 0 : i32
    %dma_start3A_375 = tpu.memref_slice %arg10[%dma_start3A_374] : memref<32xi32, #tpu.memory_space<vmem>> -> memref<16xi32, #tpu.memory_space<vmem>>
    %dma_start3A_376 = tpu.memref_slice %arg4[%multiple_of3A_366] : memref<4194304xi32, #tpu.memory_space<hbm>> -> memref<16xi32, #tpu.memory_space<hbm>>
    tpu.enqueue_dma source(%dma_start3A_376 : memref<16xi32, #tpu.memory_space<hbm>>) target(%dma_start3A_375 : memref<16xi32, #tpu.memory_space<vmem>>) target_semaphore(%arg14 : memref<!tpu.dma_semaphore, #tpu.memory_space<semaphore_mem>>)
    %add3A_377 = arith.constant 16384 : i32
    %add3A_378 = arith.addi %multiple_of3A_366, %add3A_377 : i32
    %sub3A_379 = arith.constant 16 : i32
    %sub3A_380 = arith.subi %add3A_378, %sub3A_379 : i32
    %dma_start3A_381 = arith.constant 16 : i32
    %dma_start3A_382 = tpu.memref_slice %arg10[%dma_start3A_381] : memref<32xi32, #tpu.memory_space<vmem>> -> memref<16xi32, #tpu.memory_space<vmem>>
    %dma_start3A_383 = tpu.memref_slice %arg4[%sub3A_380] : memref<4194304xi32, #tpu.memory_space<hbm>> -> memref<16xi32, #tpu.memory_space<hbm>>
    %dma_start3A_384 = arith.constant 16 : i32
    %dma_start3A_385 = tpu.memref_slice %arg10[%dma_start3A_384] : memref<32xi32, #tpu.memory_space<vmem>> -> memref<16xi32, #tpu.memory_space<vmem>>
    %dma_start3A_386 = tpu.memref_slice %arg4[%sub3A_380] : memref<4194304xi32, #tpu.memory_space<hbm>> -> memref<16xi32, #tpu.memory_space<hbm>>
    tpu.enqueue_dma source(%dma_start3A_386 : memref<16xi32, #tpu.memory_space<hbm>>) target(%dma_start3A_385 : memref<16xi32, #tpu.memory_space<vmem>>) target_semaphore(%arg14 : memref<!tpu.dma_semaphore, #tpu.memory_space<semaphore_mem>>)
    %get3A_387 = arith.constant 0 : index
    %get3A_388 = tpu.vector_load %arg11[%get3A_387] {strides = array<i32>} : memref<32xi32, #tpu.memory_space<vmem>>, vector<16xi32>,
    %slice3A_389 = vector.extract_strided_slice %get3A_388 {offsets = [0], sizes = [1], strides = [1]} : vector<16xi32> to vector<1xi32>
    %squeeze3A_390 = vector.extract %slice3A_389[0] : i32 from vector<1xi32>
    %get3A_391 = arith.constant 16 : index
    %get3A_392 = tpu.vector_load %arg11[%get3A_391] {strides = array<i32>} : memref<32xi32, #tpu.memory_space<vmem>>, vector<16xi32>,
    %slice3A_393 = vector.extract_strided_slice %get3A_392 {offsets = [15], sizes = [1], strides = [1]} : vector<16xi32> to vector<1xi32>
    %squeeze3A_394 = vector.extract %slice3A_393[0] : i32 from vector<1xi32>
    %eq3A_395 = arith.cmpi eq, %squeeze3A_390, %squeeze3A_394 : i32
    %convert_element_type3A_396 = arith.extui %eq3A_395 : i1 to i32
    %cond3A_397 = arith.constant 0 : i32
    %cond3A_398 = arith.cmpi ne, %convert_element_type3A_396, %cond3A_397 : i32
    scf.if %cond3A_398 {
      %parallel_loop3A = arith.constant 0 : i32
      %parallel_loop3A_494 = arith.constant 1024 : i32
      %parallel_loop3A_495 = arith.constant 1 : i32
      %parallel_loop3A_496:3 = scf.for %parallel_loop3A_512 = %parallel_loop3A to %parallel_loop3A_494 step %parallel_loop3A_495 iter_args(%parallel_loop3A_513 = %broadcast_in_dim3A_1, %parallel_loop3A_514 = %broadcast_in_dim3A_1, %parallel_loop3A_515 = %broadcast_in_dim3A_1) -> (vector<16xf32>, vector<16xf32>, vector<16xf32>)  : i32 {
        %parallel_loop3A_516 = arith.constant 16 : i32
        %parallel_loop3A_517 = arith.muli %parallel_loop3A_512, %parallel_loop3A_516 : i32
        %parallel_loop3A_518 = arith.index_cast %parallel_loop3A_517 : i32 to index
        %parallel_loop3A_519 = tpu.vector_load %arg7[%parallel_loop3A_518] {strides = array<i32>} : memref<16384xf32, #tpu.memory_space<vmem>>, vector<16xf32>,
        %parallel_loop3A_520 = arith.index_cast %parallel_loop3A_517 : i32 to index
        %parallel_loop3A_521 = tpu.vector_load %arg9[%parallel_loop3A_520] {strides = array<i32>} : memref<16384xf32, #tpu.memory_space<vmem>>, vector<16xf32>,
        %parallel_loop3A_522 = arith.addf %parallel_loop3A_513, %parallel_loop3A_519 : vector<16xf32>
        %parallel_loop3A_523 = arith.addf %parallel_loop3A_514, %parallel_loop3A_521 : vector<16xf32>
        %parallel_loop3A_524 = arith.mulf %parallel_loop3A_519, %parallel_loop3A_519 : vector<16xf32>
        %parallel_loop3A_525 = arith.mulf %parallel_loop3A_521, %parallel_loop3A_521 : vector<16xf32>
        %parallel_loop3A_526 = arith.addf %parallel_loop3A_524, %parallel_loop3A_525 : vector<16xf32>
        %parallel_loop3A_527 = arith.addf %parallel_loop3A_515, %parallel_loop3A_526 : vector<16xf32>
        scf.yield %parallel_loop3A_522, %parallel_loop3A_523, %parallel_loop3A_527 : vector<16xf32>, vector<16xf32>, vector<16xf32>
      } {sc.loop_unroll_factor = 8 : i64, sc.parallel_access}
      %broadcast_in_dim3A_497 = arith.constant 0 : i32
      %broadcast_in_dim3A_498 = vector.broadcast %broadcast_in_dim3A_497 : i32 to vector<16xi32>
      %add3A_499 = vector.broadcast %squeeze3A_390 : i32 to vector<16xi32>
      %add3A_500 = arith.addi %broadcast_in_dim3A_498, %add3A_499 : vector<16xi32>
      tpu.vector_store_idx %arg13[%add3A_500], %parallel_loop3A_496#0 {add = true} : memref<256xf32, #tpu.memory_space<vmem>>[vector<16xi32>], vector<16xf32>,
      %add3A_501 = arith.constant 64 : i32
      %add3A_502 = vector.broadcast %add3A_501 : i32 to vector<16xi32>
      %add3A_503 = arith.addi %add3A_500, %add3A_502 : vector<16xi32>
      tpu.vector_store_idx %arg13[%add3A_503], %parallel_loop3A_496#1 {add = true} : memref<256xf32, #tpu.memory_space<vmem>>[vector<16xi32>], vector<16xf32>,
      %add3A_504 = arith.constant 128 : i32
      %add3A_505 = vector.broadcast %add3A_504 : i32 to vector<16xi32>
      %add3A_506 = arith.addi %add3A_500, %add3A_505 : vector<16xi32>
      tpu.vector_store_idx %arg13[%add3A_506], %parallel_loop3A_496#2 {add = true} : memref<256xf32, #tpu.memory_space<vmem>>[vector<16xi32>], vector<16xf32>,
      %add3A_507 = arith.constant 192 : i32
      %add3A_508 = vector.broadcast %add3A_507 : i32 to vector<16xi32>
      %add3A_509 = arith.addi %add3A_500, %add3A_508 : vector<16xi32>
      %broadcast_in_dim3A_510 = arith.constant 1.024000e+03 : f32
      %broadcast_in_dim3A_511 = vector.broadcast %broadcast_in_dim3A_510 : f32 to vector<16xf32>
      tpu.vector_store_idx %arg13[%add3A_509], %broadcast_in_dim3A_511 {add = true} : memref<256xf32, #tpu.memory_space<vmem>>[vector<16xi32>], vector<16xf32>,
    } else {
    }
    %ne3A_399 = arith.cmpi ne, %squeeze3A_390, %squeeze3A_394 : i32
    %convert_element_type3A_400 = arith.extui %ne3A_399 : i1 to i32
    %cond3A_401 = arith.constant 0 : i32
    %cond3A_402 = arith.cmpi ne, %convert_element_type3A_400, %cond3A_401 : i32
    scf.if %cond3A_402 {
      %mul3A_494 = arith.constant 8 : i32
      %mul3A_495 = arith.muli %add3A, %mul3A_494 : i32
      %add3A_496 = arith.constant 5 : i32
      %add3A_497 = arith.addi %mul3A_495, %add3A_496 : i32
      %mul3A_498 = arith.constant 16384 : i32
      %mul3A_499 = arith.muli %add3A_497, %mul3A_498 : i32
      %multiple_of3A_500 = tpu.assume_multiple %mul3A_499, 16384 : i32
      "tpu.region"() ({
        %run_scoped3A = tpu.sem_alloc : memref<!tpu.dma_semaphore, #tpu.memory_space<semaphore_mem>>
        %dma_start3A_511 = tpu.memref_slice %arg4[%multiple_of3A_500] : memref<4194304xi32, #tpu.memory_space<hbm>> -> memref<16384xi32, #tpu.memory_space<hbm>>
        %dma_start3A_512 = tpu.memref_slice %arg4[%multiple_of3A_500] : memref<4194304xi32, #tpu.memory_space<hbm>> -> memref<16384xi32, #tpu.memory_space<hbm>>
        tpu.enqueue_dma source(%dma_start3A_512 : memref<16384xi32, #tpu.memory_space<hbm>>) target(%arg12 : memref<16384xi32, #tpu.memory_space<vmem>>) target_semaphore(%run_scoped3A : memref<!tpu.dma_semaphore, #tpu.memory_space<semaphore_mem>>)
        %dma_wait3A_513 = tpu.memref_slice %arg4[%multiple_of3A_500] : memref<4194304xi32, #tpu.memory_space<hbm>> -> memref<16384xi32, #tpu.memory_space<hbm>>
        %dma_wait3A_514 = tpu.memref_slice %arg4[%multiple_of3A_500] : memref<4194304xi32, #tpu.memory_space<hbm>> -> memref<16384xi32, #tpu.memory_space<hbm>>
        tpu.wait_dma2 semaphore(%run_scoped3A : memref<!tpu.dma_semaphore, #tpu.memory_space<semaphore_mem>>) src(%dma_wait3A_514 : memref<16384xi32, #tpu.memory_space<hbm>>) dst(%arg12 : memref<16384xi32, #tpu.memory_space<vmem>>)
        tpu.yield
      }) : () -> ()
      %add3A_501 = arith.constant 1 : i32
      %add3A_502 = arith.addi %squeeze3A_394, %add3A_501 : i32
      %while3A = arith.constant 0 : i32
      %while3A_503 = arith.subi %add3A_502, %squeeze3A_390 : i32
      %while3A_504 = arith.addi %squeeze3A_390, %while3A_503 : i32
      %while3A_505 = arith.constant 1 : i32
      %while3A_506 = arith.divsi %while3A_503, %while3A_505 : i32
      %while3A_507 = arith.muli %while3A_506, %while3A_505 : i32
      %while3A_508 = arith.addi %squeeze3A_390, %while3A_507 : i32
      %while3A_509 = arith.constant 1 : i32
      scf.for %while3A_511 = %squeeze3A_390 to %while3A_508 step %while3A_509  : i32 {
        %broadcast_in_dim3A_512 = arith.constant 0 : i32
        %broadcast_in_dim3A_513 = vector.broadcast %broadcast_in_dim3A_512 : i32 to vector<16xi32>
        %add3A_514 = vector.broadcast %while3A_511 : i32 to vector<16xi32>
        %add3A_515 = arith.addi %broadcast_in_dim3A_513, %add3A_514 : vector<16xi32>
        %parallel_loop3A = arith.constant 0 : i32
        %parallel_loop3A_516 = arith.constant 1024 : i32
        %parallel_loop3A_517 = arith.constant 1 : i32
        %parallel_loop3A_518:4 = scf.for %parallel_loop3A_528 = %parallel_loop3A to %parallel_loop3A_516 step %parallel_loop3A_517 iter_args(%parallel_loop3A_529 = %broadcast_in_dim3A_1, %parallel_loop3A_530 = %broadcast_in_dim3A_1, %parallel_loop3A_531 = %broadcast_in_dim3A_1, %parallel_loop3A_532 = %broadcast_in_dim3A_1) -> (vector<16xf32>, vector<16xf32>, vector<16xf32>, vector<16xf32>)  : i32 {
          %parallel_loop3A_533 = arith.constant 16 : i32
          %parallel_loop3A_534 = arith.muli %parallel_loop3A_528, %parallel_loop3A_533 : i32
          %parallel_loop3A_535 = arith.index_cast %parallel_loop3A_534 : i32 to index
          %parallel_loop3A_536 = tpu.vector_load %arg12[%parallel_loop3A_535] {strides = array<i32>} : memref<16384xi32, #tpu.memory_space<vmem>>, vector<16xi32>,
          %parallel_loop3A_537 = arith.cmpi eq, %parallel_loop3A_536, %add3A_515 : vector<16xi32>
          %parallel_loop3A_538 = arith.index_cast %parallel_loop3A_534 : i32 to index
          %parallel_loop3A_539 = tpu.vector_load %arg7[%parallel_loop3A_538] {strides = array<i32>} : memref<16384xf32, #tpu.memory_space<vmem>>, vector<16xf32>,
          %parallel_loop3A_540 = arith.constant 0.000000e+00 : f32
          %parallel_loop3A_541 = vector.broadcast %parallel_loop3A_540 : f32 to vector<16xf32>
          %parallel_loop3A_542 = arith.select %parallel_loop3A_537, %parallel_loop3A_539, %parallel_loop3A_541 : vector<16xi1>, vector<16xf32>
          %parallel_loop3A_543 = arith.index_cast %parallel_loop3A_534 : i32 to index
          %parallel_loop3A_544 = tpu.vector_load %arg9[%parallel_loop3A_543] {strides = array<i32>} : memref<16384xf32, #tpu.memory_space<vmem>>, vector<16xf32>,
          %parallel_loop3A_545 = arith.constant 0.000000e+00 : f32
          %parallel_loop3A_546 = vector.broadcast %parallel_loop3A_545 : f32 to vector<16xf32>
          %parallel_loop3A_547 = arith.select %parallel_loop3A_537, %parallel_loop3A_544, %parallel_loop3A_546 : vector<16xi1>, vector<16xf32>
          %parallel_loop3A_548 = arith.addf %parallel_loop3A_529, %parallel_loop3A_542 : vector<16xf32>
          %parallel_loop3A_549 = arith.addf %parallel_loop3A_530, %parallel_loop3A_547 : vector<16xf32>
          %parallel_loop3A_550 = arith.mulf %parallel_loop3A_542, %parallel_loop3A_542 : vector<16xf32>
          %parallel_loop3A_551 = arith.mulf %parallel_loop3A_547, %parallel_loop3A_547 : vector<16xf32>
          %parallel_loop3A_552 = arith.addf %parallel_loop3A_550, %parallel_loop3A_551 : vector<16xf32>
          %parallel_loop3A_553 = arith.addf %parallel_loop3A_531, %parallel_loop3A_552 : vector<16xf32>
          %parallel_loop3A_554 = arith.constant 1.000000e+00 : f32
          %parallel_loop3A_555 = arith.constant 0.000000e+00 : f32
          %parallel_loop3A_556 = vector.broadcast %parallel_loop3A_554 : f32 to vector<16xf32>
          %parallel_loop3A_557 = vector.broadcast %parallel_loop3A_555 : f32 to vector<16xf32>
          %parallel_loop3A_558 = arith.select %parallel_loop3A_537, %parallel_loop3A_556, %parallel_loop3A_557 : vector<16xi1>, vector<16xf32>
          %parallel_loop3A_559 = arith.addf %parallel_loop3A_532, %parallel_loop3A_558 : vector<16xf32>
          scf.yield %parallel_loop3A_548, %parallel_loop3A_549, %parallel_loop3A_553, %parallel_loop3A_559 : vector<16xf32>, vector<16xf32>, vector<16xf32>, vector<16xf32>
        } {sc.loop_unroll_factor = 8 : i64, sc.parallel_access}
        tpu.vector_store_idx %arg13[%add3A_515], %parallel_loop3A_518#0 {add = true} : memref<256xf32, #tpu.memory_space<vmem>>[vector<16xi32>], vector<16xf32>,
        %add3A_519 = arith.constant 64 : i32
        %add3A_520 = vector.broadcast %add3A_519 : i32 to vector<16xi32>
        %add3A_521 = arith.addi %add3A_515, %add3A_520 : vector<16xi32>
        tpu.vector_store_idx %arg13[%add3A_521], %parallel_loop3A_518#1 {add = true} : memref<256xf32, #tpu.memory_space<vmem>>[vector<16xi32>], vector<16xf32>,
        %add3A_522 = arith.constant 128 : i32
        %add3A_523 = vector.broadcast %add3A_522 : i32 to vector<16xi32>
        %add3A_524 = arith.addi %add3A_515, %add3A_523 : vector<16xi32>
        tpu.vector_store_idx %arg13[%add3A_524], %parallel_loop3A_518#2 {add = true} : memref<256xf32, #tpu.memory_space<vmem>>[vector<16xi32>], vector<16xf32>,
        %add3A_525 = arith.constant 192 : i32
        %add3A_526 = vector.broadcast %add3A_525 : i32 to vector<16xi32>
        %add3A_527 = arith.addi %add3A_515, %add3A_526 : vector<16xi32>
        tpu.vector_store_idx %arg13[%add3A_527], %parallel_loop3A_518#3 {add = true} : memref<256xf32, #tpu.memory_space<vmem>>[vector<16xi32>], vector<16xf32>,
      }
      %while3A_510 = arith.constant 1 : i32
      scf.for %while3A_511 = %while3A_508 to %while3A_504 step %while3A_510  : i32 {
        %broadcast_in_dim3A_512 = arith.constant 0 : i32
        %broadcast_in_dim3A_513 = vector.broadcast %broadcast_in_dim3A_512 : i32 to vector<16xi32>
        %add3A_514 = vector.broadcast %while3A_511 : i32 to vector<16xi32>
        %add3A_515 = arith.addi %broadcast_in_dim3A_513, %add3A_514 : vector<16xi32>
        %parallel_loop3A = arith.constant 0 : i32
        %parallel_loop3A_516 = arith.constant 1024 : i32
        %parallel_loop3A_517 = arith.constant 1 : i32
        %parallel_loop3A_518:4 = scf.for %parallel_loop3A_528 = %parallel_loop3A to %parallel_loop3A_516 step %parallel_loop3A_517 iter_args(%parallel_loop3A_529 = %broadcast_in_dim3A_1, %parallel_loop3A_530 = %broadcast_in_dim3A_1, %parallel_loop3A_531 = %broadcast_in_dim3A_1, %parallel_loop3A_532 = %broadcast_in_dim3A_1) -> (vector<16xf32>, vector<16xf32>, vector<16xf32>, vector<16xf32>)  : i32 {
          %parallel_loop3A_533 = arith.constant 16 : i32
          %parallel_loop3A_534 = arith.muli %parallel_loop3A_528, %parallel_loop3A_533 : i32
          %parallel_loop3A_535 = arith.index_cast %parallel_loop3A_534 : i32 to index
          %parallel_loop3A_536 = tpu.vector_load %arg12[%parallel_loop3A_535] {strides = array<i32>} : memref<16384xi32, #tpu.memory_space<vmem>>, vector<16xi32>,
          %parallel_loop3A_537 = arith.cmpi eq, %parallel_loop3A_536, %add3A_515 : vector<16xi32>
          %parallel_loop3A_538 = arith.index_cast %parallel_loop3A_534 : i32 to index
          %parallel_loop3A_539 = tpu.vector_load %arg7[%parallel_loop3A_538] {strides = array<i32>} : memref<16384xf32, #tpu.memory_space<vmem>>, vector<16xf32>,
          %parallel_loop3A_540 = arith.constant 0.000000e+00 : f32
          %parallel_loop3A_541 = vector.broadcast %parallel_loop3A_540 : f32 to vector<16xf32>
          %parallel_loop3A_542 = arith.select %parallel_loop3A_537, %parallel_loop3A_539, %parallel_loop3A_541 : vector<16xi1>, vector<16xf32>
          %parallel_loop3A_543 = arith.index_cast %parallel_loop3A_534 : i32 to index
          %parallel_loop3A_544 = tpu.vector_load %arg9[%parallel_loop3A_543] {strides = array<i32>} : memref<16384xf32, #tpu.memory_space<vmem>>, vector<16xf32>,
          %parallel_loop3A_545 = arith.constant 0.000000e+00 : f32
          %parallel_loop3A_546 = vector.broadcast %parallel_loop3A_545 : f32 to vector<16xf32>
          %parallel_loop3A_547 = arith.select %parallel_loop3A_537, %parallel_loop3A_544, %parallel_loop3A_546 : vector<16xi1>, vector<16xf32>
          %parallel_loop3A_548 = arith.addf %parallel_loop3A_529, %parallel_loop3A_542 : vector<16xf32>
          %parallel_loop3A_549 = arith.addf %parallel_loop3A_530, %parallel_loop3A_547 : vector<16xf32>
          %parallel_loop3A_550 = arith.mulf %parallel_loop3A_542, %parallel_loop3A_542 : vector<16xf32>
          %parallel_loop3A_551 = arith.mulf %parallel_loop3A_547, %parallel_loop3A_547 : vector<16xf32>
          %parallel_loop3A_552 = arith.addf %parallel_loop3A_550, %parallel_loop3A_551 : vector<16xf32>
          %parallel_loop3A_553 = arith.addf %parallel_loop3A_531, %parallel_loop3A_552 : vector<16xf32>
          %parallel_loop3A_554 = arith.constant 1.000000e+00 : f32
          %parallel_loop3A_555 = arith.constant 0.000000e+00 : f32
          %parallel_loop3A_556 = vector.broadcast %parallel_loop3A_554 : f32 to vector<16xf32>
          %parallel_loop3A_557 = vector.broadcast %parallel_loop3A_555 : f32 to vector<16xf32>
          %parallel_loop3A_558 = arith.select %parallel_loop3A_537, %parallel_loop3A_556, %parallel_loop3A_557 : vector<16xi1>, vector<16xf32>
          %parallel_loop3A_559 = arith.addf %parallel_loop3A_532, %parallel_loop3A_558 : vector<16xf32>
          scf.yield %parallel_loop3A_548, %parallel_loop3A_549, %parallel_loop3A_553, %parallel_loop3A_559 : vector<16xf32>, vector<16xf32>, vector<16xf32>, vector<16xf32>
        } {sc.loop_unroll_factor = 8 : i64, sc.parallel_access}
        tpu.vector_store_idx %arg13[%add3A_515], %parallel_loop3A_518#0 {add = true} : memref<256xf32, #tpu.memory_space<vmem>>[vector<16xi32>], vector<16xf32>,
        %add3A_519 = arith.constant 64 : i32
        %add3A_520 = vector.broadcast %add3A_519 : i32 to vector<16xi32>
        %add3A_521 = arith.addi %add3A_515, %add3A_520 : vector<16xi32>
        tpu.vector_store_idx %arg13[%add3A_521], %parallel_loop3A_518#1 {add = true} : memref<256xf32, #tpu.memory_space<vmem>>[vector<16xi32>], vector<16xf32>,
        %add3A_522 = arith.constant 128 : i32
        %add3A_523 = vector.broadcast %add3A_522 : i32 to vector<16xi32>
        %add3A_524 = arith.addi %add3A_515, %add3A_523 : vector<16xi32>
        tpu.vector_store_idx %arg13[%add3A_524], %parallel_loop3A_518#2 {add = true} : memref<256xf32, #tpu.memory_space<vmem>>[vector<16xi32>], vector<16xf32>,
        %add3A_525 = arith.constant 192 : i32
        %add3A_526 = vector.broadcast %add3A_525 : i32 to vector<16xi32>
        %add3A_527 = arith.addi %add3A_515, %add3A_526 : vector<16xi32>
        tpu.vector_store_idx %arg13[%add3A_527], %parallel_loop3A_518#3 {add = true} : memref<256xf32, #tpu.memory_space<vmem>>[vector<16xi32>], vector<16xf32>,
      }
    } else {
    }
    %dma_wait3A_403 = tpu.memref_slice %arg2[%multiple_of3A_366] : memref<4194304xf32, #tpu.memory_space<hbm>> -> memref<16384xf32, #tpu.memory_space<hbm>>
    %dma_wait3A_404 = tpu.memref_slice %arg2[%multiple_of3A_366] : memref<4194304xf32, #tpu.memory_space<hbm>> -> memref<16384xf32, #tpu.memory_space<hbm>>
    tpu.wait_dma2 semaphore(%arg14 : memref<!tpu.dma_semaphore, #tpu.memory_space<semaphore_mem>>) src(%dma_wait3A_404 : memref<16384xf32, #tpu.memory_space<hbm>>) dst(%arg6 : memref<16384xf32, #tpu.memory_space<vmem>>)
    %dma_wait3A_405 = tpu.memref_slice %arg3[%multiple_of3A_366] : memref<4194304xf32, #tpu.memory_space<hbm>> -> memref<16384xf32, #tpu.memory_space<hbm>>
    %dma_wait3A_406 = tpu.memref_slice %arg3[%multiple_of3A_366] : memref<4194304xf32, #tpu.memory_space<hbm>> -> memref<16384xf32, #tpu.memory_space<hbm>>
    tpu.wait_dma2 semaphore(%arg14 : memref<!tpu.dma_semaphore, #tpu.memory_space<semaphore_mem>>) src(%dma_wait3A_406 : memref<16384xf32, #tpu.memory_space<hbm>>) dst(%arg8 : memref<16384xf32, #tpu.memory_space<vmem>>)
    %dma_wait3A_407 = arith.constant 0 : i32
    %dma_wait3A_408 = tpu.memref_slice %arg10[%dma_wait3A_407] : memref<32xi32, #tpu.memory_space<vmem>> -> memref<16xi32, #tpu.memory_space<vmem>>
    %dma_wait3A_409 = tpu.memref_slice %arg4[%multiple_of3A_366] : memref<4194304xi32, #tpu.memory_space<hbm>> -> memref<16xi32, #tpu.memory_space<hbm>>
    %dma_wait3A_410 = arith.constant 0 : i32
    %dma_wait3A_411 = tpu.memref_slice %arg10[%dma_wait3A_410] : memref<32xi32, #tpu.memory_space<vmem>> -> memref<16xi32, #tpu.memory_space<vmem>>
    %dma_wait3A_412 = tpu.memref_slice %arg4[%multiple_of3A_366] : memref<4194304xi32, #tpu.memory_space<hbm>> -> memref<16xi32, #tpu.memory_space<hbm>>
    tpu.wait_dma2 semaphore(%arg14 : memref<!tpu.dma_semaphore, #tpu.memory_space<semaphore_mem>>) src(%dma_wait3A_412 : memref<16xi32, #tpu.memory_space<hbm>>) dst(%dma_wait3A_411 : memref<16xi32, #tpu.memory_space<vmem>>)
    %dma_wait3A_413 = arith.constant 16 : i32
    %dma_wait3A_414 = tpu.memref_slice %arg10[%dma_wait3A_413] : memref<32xi32, #tpu.memory_space<vmem>> -> memref<16xi32, #tpu.memory_space<vmem>>
    %dma_wait3A_415 = tpu.memref_slice %arg4[%sub3A_380] : memref<4194304xi32, #tpu.memory_space<hbm>> -> memref<16xi32, #tpu.memory_space<hbm>>
    %dma_wait3A_416 = arith.constant 16 : i32
    %dma_wait3A_417 = tpu.memref_slice %arg10[%dma_wait3A_416] : memref<32xi32, #tpu.memory_space<vmem>> -> memref<16xi32, #tpu.memory_space<vmem>>
    %dma_wait3A_418 = tpu.memref_slice %arg4[%sub3A_380] : memref<4194304xi32, #tpu.memory_space<hbm>> -> memref<16xi32, #tpu.memory_space<hbm>>
    tpu.wait_dma2 semaphore(%arg14 : memref<!tpu.dma_semaphore, #tpu.memory_space<semaphore_mem>>) src(%dma_wait3A_418 : memref<16xi32, #tpu.memory_space<hbm>>) dst(%dma_wait3A_417 : memref<16xi32, #tpu.memory_space<vmem>>)
    %mul3A_419 = arith.constant 8 : i32
    %mul3A_420 = arith.muli %add3A, %mul3A_419 : i32
    %add3A_421 = arith.constant 7 : i32
    %add3A_422 = arith.addi %mul3A_420, %add3A_421 : i32
    %mul3A_423 = arith.constant 16384 : i32
    %mul3A_424 = arith.muli %add3A_422, %mul3A_423 : i32
    %multiple_of3A_425 = tpu.assume_multiple %mul3A_424, 16384 : i32
    %dma_start3A_426 = tpu.memref_slice %arg2[%multiple_of3A_425] : memref<4194304xf32, #tpu.memory_space<hbm>> -> memref<16384xf32, #tpu.memory_space<hbm>>
    %dma_start3A_427 = tpu.memref_slice %arg2[%multiple_of3A_425] : memref<4194304xf32, #tpu.memory_space<hbm>> -> memref<16384xf32, #tpu.memory_space<hbm>>
    tpu.enqueue_dma source(%dma_start3A_427 : memref<16384xf32, #tpu.memory_space<hbm>>) target(%arg7 : memref<16384xf32, #tpu.memory_space<vmem>>) target_semaphore(%arg15 : memref<!tpu.dma_semaphore, #tpu.memory_space<semaphore_mem>>)
    %dma_start3A_428 = tpu.memref_slice %arg3[%multiple_of3A_425] : memref<4194304xf32, #tpu.memory_space<hbm>> -> memref<16384xf32, #tpu.memory_space<hbm>>
    %dma_start3A_429 = tpu.memref_slice %arg3[%multiple_of3A_425] : memref<4194304xf32, #tpu.memory_space<hbm>> -> memref<16384xf32, #tpu.memory_space<hbm>>
    tpu.enqueue_dma source(%dma_start3A_429 : memref<16384xf32, #tpu.memory_space<hbm>>) target(%arg9 : memref<16384xf32, #tpu.memory_space<vmem>>) target_semaphore(%arg15 : memref<!tpu.dma_semaphore, #tpu.memory_space<semaphore_mem>>)
    %dma_start3A_430 = arith.constant 0 : i32
    %dma_start3A_431 = tpu.memref_slice %arg11[%dma_start3A_430] : memref<32xi32, #tpu.memory_space<vmem>> -> memref<16xi32, #tpu.memory_space<vmem>>
    %dma_start3A_432 = tpu.memref_slice %arg4[%multiple_of3A_425] : memref<4194304xi32, #tpu.memory_space<hbm>> -> memref<16xi32, #tpu.memory_space<hbm>>
    %dma_start3A_433 = arith.constant 0 : i32
    %dma_start3A_434 = tpu.memref_slice %arg11[%dma_start3A_433] : memref<32xi32, #tpu.memory_space<vmem>> -> memref<16xi32, #tpu.memory_space<vmem>>
    %dma_start3A_435 = tpu.memref_slice %arg4[%multiple_of3A_425] : memref<4194304xi32, #tpu.memory_space<hbm>> -> memref<16xi32, #tpu.memory_space<hbm>>
    tpu.enqueue_dma source(%dma_start3A_435 : memref<16xi32, #tpu.memory_space<hbm>>) target(%dma_start3A_434 : memref<16xi32, #tpu.memory_space<vmem>>) target_semaphore(%arg15 : memref<!tpu.dma_semaphore, #tpu.memory_space<semaphore_mem>>)
    %add3A_436 = arith.constant 16384 : i32
    %add3A_437 = arith.addi %multiple_of3A_425, %add3A_436 : i32
    %sub3A_438 = arith.constant 16 : i32
    %sub3A_439 = arith.subi %add3A_437, %sub3A_438 : i32
    %dma_start3A_440 = arith.constant 16 : i32
    %dma_start3A_441 = tpu.memref_slice %arg11[%dma_start3A_440] : memref<32xi32, #tpu.memory_space<vmem>> -> memref<16xi32, #tpu.memory_space<vmem>>
    %dma_start3A_442 = tpu.memref_slice %arg4[%sub3A_439] : memref<4194304xi32, #tpu.memory_space<hbm>> -> memref<16xi32, #tpu.memory_space<hbm>>
    %dma_start3A_443 = arith.constant 16 : i32
    %dma_start3A_444 = tpu.memref_slice %arg11[%dma_start3A_443] : memref<32xi32, #tpu.memory_space<vmem>> -> memref<16xi32, #tpu.memory_space<vmem>>
    %dma_start3A_445 = tpu.memref_slice %arg4[%sub3A_439] : memref<4194304xi32, #tpu.memory_space<hbm>> -> memref<16xi32, #tpu.memory_space<hbm>>
    tpu.enqueue_dma source(%dma_start3A_445 : memref<16xi32, #tpu.memory_space<hbm>>) target(%dma_start3A_444 : memref<16xi32, #tpu.memory_space<vmem>>) target_semaphore(%arg15 : memref<!tpu.dma_semaphore, #tpu.memory_space<semaphore_mem>>)
    %get3A_446 = arith.constant 0 : index
    %get3A_447 = tpu.vector_load %arg10[%get3A_446] {strides = array<i32>} : memref<32xi32, #tpu.memory_space<vmem>>, vector<16xi32>,
    %slice3A_448 = vector.extract_strided_slice %get3A_447 {offsets = [0], sizes = [1], strides = [1]} : vector<16xi32> to vector<1xi32>
    %squeeze3A_449 = vector.extract %slice3A_448[0] : i32 from vector<1xi32>
    %get3A_450 = arith.constant 16 : index
    %get3A_451 = tpu.vector_load %arg10[%get3A_450] {strides = array<i32>} : memref<32xi32, #tpu.memory_space<vmem>>, vector<16xi32>,
    %slice3A_452 = vector.extract_strided_slice %get3A_451 {offsets = [15], sizes = [1], strides = [1]} : vector<16xi32> to vector<1xi32>
    %squeeze3A_453 = vector.extract %slice3A_452[0] : i32 from vector<1xi32>
    %eq3A_454 = arith.cmpi eq, %squeeze3A_449, %squeeze3A_453 : i32
    %convert_element_type3A_455 = arith.extui %eq3A_454 : i1 to i32
    %cond3A_456 = arith.constant 0 : i32
    %cond3A_457 = arith.cmpi ne, %convert_element_type3A_455, %cond3A_456 : i32
    scf.if %cond3A_457 {
      %parallel_loop3A = arith.constant 0 : i32
      %parallel_loop3A_494 = arith.constant 1024 : i32
      %parallel_loop3A_495 = arith.constant 1 : i32
      %parallel_loop3A_496:3 = scf.for %parallel_loop3A_512 = %parallel_loop3A to %parallel_loop3A_494 step %parallel_loop3A_495 iter_args(%parallel_loop3A_513 = %broadcast_in_dim3A_1, %parallel_loop3A_514 = %broadcast_in_dim3A_1, %parallel_loop3A_515 = %broadcast_in_dim3A_1) -> (vector<16xf32>, vector<16xf32>, vector<16xf32>)  : i32 {
        %parallel_loop3A_516 = arith.constant 16 : i32
        %parallel_loop3A_517 = arith.muli %parallel_loop3A_512, %parallel_loop3A_516 : i32
        %parallel_loop3A_518 = arith.index_cast %parallel_loop3A_517 : i32 to index
        %parallel_loop3A_519 = tpu.vector_load %arg6[%parallel_loop3A_518] {strides = array<i32>} : memref<16384xf32, #tpu.memory_space<vmem>>, vector<16xf32>,
        %parallel_loop3A_520 = arith.index_cast %parallel_loop3A_517 : i32 to index
        %parallel_loop3A_521 = tpu.vector_load %arg8[%parallel_loop3A_520] {strides = array<i32>} : memref<16384xf32, #tpu.memory_space<vmem>>, vector<16xf32>,
        %parallel_loop3A_522 = arith.addf %parallel_loop3A_513, %parallel_loop3A_519 : vector<16xf32>
        %parallel_loop3A_523 = arith.addf %parallel_loop3A_514, %parallel_loop3A_521 : vector<16xf32>
        %parallel_loop3A_524 = arith.mulf %parallel_loop3A_519, %parallel_loop3A_519 : vector<16xf32>
        %parallel_loop3A_525 = arith.mulf %parallel_loop3A_521, %parallel_loop3A_521 : vector<16xf32>
        %parallel_loop3A_526 = arith.addf %parallel_loop3A_524, %parallel_loop3A_525 : vector<16xf32>
        %parallel_loop3A_527 = arith.addf %parallel_loop3A_515, %parallel_loop3A_526 : vector<16xf32>
        scf.yield %parallel_loop3A_522, %parallel_loop3A_523, %parallel_loop3A_527 : vector<16xf32>, vector<16xf32>, vector<16xf32>
      } {sc.loop_unroll_factor = 8 : i64, sc.parallel_access}
      %broadcast_in_dim3A_497 = arith.constant 0 : i32
      %broadcast_in_dim3A_498 = vector.broadcast %broadcast_in_dim3A_497 : i32 to vector<16xi32>
      %add3A_499 = vector.broadcast %squeeze3A_449 : i32 to vector<16xi32>
      %add3A_500 = arith.addi %broadcast_in_dim3A_498, %add3A_499 : vector<16xi32>
      tpu.vector_store_idx %arg13[%add3A_500], %parallel_loop3A_496#0 {add = true} : memref<256xf32, #tpu.memory_space<vmem>>[vector<16xi32>], vector<16xf32>,
      %add3A_501 = arith.constant 64 : i32
      %add3A_502 = vector.broadcast %add3A_501 : i32 to vector<16xi32>
      %add3A_503 = arith.addi %add3A_500, %add3A_502 : vector<16xi32>
      tpu.vector_store_idx %arg13[%add3A_503], %parallel_loop3A_496#1 {add = true} : memref<256xf32, #tpu.memory_space<vmem>>[vector<16xi32>], vector<16xf32>,
      %add3A_504 = arith.constant 128 : i32
      %add3A_505 = vector.broadcast %add3A_504 : i32 to vector<16xi32>
      %add3A_506 = arith.addi %add3A_500, %add3A_505 : vector<16xi32>
      tpu.vector_store_idx %arg13[%add3A_506], %parallel_loop3A_496#2 {add = true} : memref<256xf32, #tpu.memory_space<vmem>>[vector<16xi32>], vector<16xf32>,
      %add3A_507 = arith.constant 192 : i32
      %add3A_508 = vector.broadcast %add3A_507 : i32 to vector<16xi32>
      %add3A_509 = arith.addi %add3A_500, %add3A_508 : vector<16xi32>
      %broadcast_in_dim3A_510 = arith.constant 1.024000e+03 : f32
      %broadcast_in_dim3A_511 = vector.broadcast %broadcast_in_dim3A_510 : f32 to vector<16xf32>
      tpu.vector_store_idx %arg13[%add3A_509], %broadcast_in_dim3A_511 {add = true} : memref<256xf32, #tpu.memory_space<vmem>>[vector<16xi32>], vector<16xf32>,
    } else {
    }
    %ne3A_458 = arith.cmpi ne, %squeeze3A_449, %squeeze3A_453 : i32
    %convert_element_type3A_459 = arith.extui %ne3A_458 : i1 to i32
    %cond3A_460 = arith.constant 0 : i32
    %cond3A_461 = arith.cmpi ne, %convert_element_type3A_459, %cond3A_460 : i32
    scf.if %cond3A_461 {
      %mul3A_494 = arith.constant 8 : i32
      %mul3A_495 = arith.muli %add3A, %mul3A_494 : i32
      %add3A_496 = arith.constant 6 : i32
      %add3A_497 = arith.addi %mul3A_495, %add3A_496 : i32
      %mul3A_498 = arith.constant 16384 : i32
      %mul3A_499 = arith.muli %add3A_497, %mul3A_498 : i32
      %multiple_of3A_500 = tpu.assume_multiple %mul3A_499, 16384 : i32
      "tpu.region"() ({
        %run_scoped3A = tpu.sem_alloc : memref<!tpu.dma_semaphore, #tpu.memory_space<semaphore_mem>>
        %dma_start3A_511 = tpu.memref_slice %arg4[%multiple_of3A_500] : memref<4194304xi32, #tpu.memory_space<hbm>> -> memref<16384xi32, #tpu.memory_space<hbm>>
        %dma_start3A_512 = tpu.memref_slice %arg4[%multiple_of3A_500] : memref<4194304xi32, #tpu.memory_space<hbm>> -> memref<16384xi32, #tpu.memory_space<hbm>>
        tpu.enqueue_dma source(%dma_start3A_512 : memref<16384xi32, #tpu.memory_space<hbm>>) target(%arg12 : memref<16384xi32, #tpu.memory_space<vmem>>) target_semaphore(%run_scoped3A : memref<!tpu.dma_semaphore, #tpu.memory_space<semaphore_mem>>)
        %dma_wait3A_513 = tpu.memref_slice %arg4[%multiple_of3A_500] : memref<4194304xi32, #tpu.memory_space<hbm>> -> memref<16384xi32, #tpu.memory_space<hbm>>
        %dma_wait3A_514 = tpu.memref_slice %arg4[%multiple_of3A_500] : memref<4194304xi32, #tpu.memory_space<hbm>> -> memref<16384xi32, #tpu.memory_space<hbm>>
        tpu.wait_dma2 semaphore(%run_scoped3A : memref<!tpu.dma_semaphore, #tpu.memory_space<semaphore_mem>>) src(%dma_wait3A_514 : memref<16384xi32, #tpu.memory_space<hbm>>) dst(%arg12 : memref<16384xi32, #tpu.memory_space<vmem>>)
        tpu.yield
      }) : () -> ()
      %add3A_501 = arith.constant 1 : i32
      %add3A_502 = arith.addi %squeeze3A_453, %add3A_501 : i32
      %while3A = arith.constant 0 : i32
      %while3A_503 = arith.subi %add3A_502, %squeeze3A_449 : i32
      %while3A_504 = arith.addi %squeeze3A_449, %while3A_503 : i32
      %while3A_505 = arith.constant 1 : i32
      %while3A_506 = arith.divsi %while3A_503, %while3A_505 : i32
      %while3A_507 = arith.muli %while3A_506, %while3A_505 : i32
      %while3A_508 = arith.addi %squeeze3A_449, %while3A_507 : i32
      %while3A_509 = arith.constant 1 : i32
      scf.for %while3A_511 = %squeeze3A_449 to %while3A_508 step %while3A_509  : i32 {
        %broadcast_in_dim3A_512 = arith.constant 0 : i32
        %broadcast_in_dim3A_513 = vector.broadcast %broadcast_in_dim3A_512 : i32 to vector<16xi32>
        %add3A_514 = vector.broadcast %while3A_511 : i32 to vector<16xi32>
        %add3A_515 = arith.addi %broadcast_in_dim3A_513, %add3A_514 : vector<16xi32>
        %parallel_loop3A = arith.constant 0 : i32
        %parallel_loop3A_516 = arith.constant 1024 : i32
        %parallel_loop3A_517 = arith.constant 1 : i32
        %parallel_loop3A_518:4 = scf.for %parallel_loop3A_528 = %parallel_loop3A to %parallel_loop3A_516 step %parallel_loop3A_517 iter_args(%parallel_loop3A_529 = %broadcast_in_dim3A_1, %parallel_loop3A_530 = %broadcast_in_dim3A_1, %parallel_loop3A_531 = %broadcast_in_dim3A_1, %parallel_loop3A_532 = %broadcast_in_dim3A_1) -> (vector<16xf32>, vector<16xf32>, vector<16xf32>, vector<16xf32>)  : i32 {
          %parallel_loop3A_533 = arith.constant 16 : i32
          %parallel_loop3A_534 = arith.muli %parallel_loop3A_528, %parallel_loop3A_533 : i32
          %parallel_loop3A_535 = arith.index_cast %parallel_loop3A_534 : i32 to index
          %parallel_loop3A_536 = tpu.vector_load %arg12[%parallel_loop3A_535] {strides = array<i32>} : memref<16384xi32, #tpu.memory_space<vmem>>, vector<16xi32>,
          %parallel_loop3A_537 = arith.cmpi eq, %parallel_loop3A_536, %add3A_515 : vector<16xi32>
          %parallel_loop3A_538 = arith.index_cast %parallel_loop3A_534 : i32 to index
          %parallel_loop3A_539 = tpu.vector_load %arg6[%parallel_loop3A_538] {strides = array<i32>} : memref<16384xf32, #tpu.memory_space<vmem>>, vector<16xf32>,
          %parallel_loop3A_540 = arith.constant 0.000000e+00 : f32
          %parallel_loop3A_541 = vector.broadcast %parallel_loop3A_540 : f32 to vector<16xf32>
          %parallel_loop3A_542 = arith.select %parallel_loop3A_537, %parallel_loop3A_539, %parallel_loop3A_541 : vector<16xi1>, vector<16xf32>
          %parallel_loop3A_543 = arith.index_cast %parallel_loop3A_534 : i32 to index
          %parallel_loop3A_544 = tpu.vector_load %arg8[%parallel_loop3A_543] {strides = array<i32>} : memref<16384xf32, #tpu.memory_space<vmem>>, vector<16xf32>,
          %parallel_loop3A_545 = arith.constant 0.000000e+00 : f32
          %parallel_loop3A_546 = vector.broadcast %parallel_loop3A_545 : f32 to vector<16xf32>
          %parallel_loop3A_547 = arith.select %parallel_loop3A_537, %parallel_loop3A_544, %parallel_loop3A_546 : vector<16xi1>, vector<16xf32>
          %parallel_loop3A_548 = arith.addf %parallel_loop3A_529, %parallel_loop3A_542 : vector<16xf32>
          %parallel_loop3A_549 = arith.addf %parallel_loop3A_530, %parallel_loop3A_547 : vector<16xf32>
          %parallel_loop3A_550 = arith.mulf %parallel_loop3A_542, %parallel_loop3A_542 : vector<16xf32>
          %parallel_loop3A_551 = arith.mulf %parallel_loop3A_547, %parallel_loop3A_547 : vector<16xf32>
          %parallel_loop3A_552 = arith.addf %parallel_loop3A_550, %parallel_loop3A_551 : vector<16xf32>
          %parallel_loop3A_553 = arith.addf %parallel_loop3A_531, %parallel_loop3A_552 : vector<16xf32>
          %parallel_loop3A_554 = arith.constant 1.000000e+00 : f32
          %parallel_loop3A_555 = arith.constant 0.000000e+00 : f32
          %parallel_loop3A_556 = vector.broadcast %parallel_loop3A_554 : f32 to vector<16xf32>
          %parallel_loop3A_557 = vector.broadcast %parallel_loop3A_555 : f32 to vector<16xf32>
          %parallel_loop3A_558 = arith.select %parallel_loop3A_537, %parallel_loop3A_556, %parallel_loop3A_557 : vector<16xi1>, vector<16xf32>
          %parallel_loop3A_559 = arith.addf %parallel_loop3A_532, %parallel_loop3A_558 : vector<16xf32>
          scf.yield %parallel_loop3A_548, %parallel_loop3A_549, %parallel_loop3A_553, %parallel_loop3A_559 : vector<16xf32>, vector<16xf32>, vector<16xf32>, vector<16xf32>
        } {sc.loop_unroll_factor = 8 : i64, sc.parallel_access}
        tpu.vector_store_idx %arg13[%add3A_515], %parallel_loop3A_518#0 {add = true} : memref<256xf32, #tpu.memory_space<vmem>>[vector<16xi32>], vector<16xf32>,
        %add3A_519 = arith.constant 64 : i32
        %add3A_520 = vector.broadcast %add3A_519 : i32 to vector<16xi32>
        %add3A_521 = arith.addi %add3A_515, %add3A_520 : vector<16xi32>
        tpu.vector_store_idx %arg13[%add3A_521], %parallel_loop3A_518#1 {add = true} : memref<256xf32, #tpu.memory_space<vmem>>[vector<16xi32>], vector<16xf32>,
        %add3A_522 = arith.constant 128 : i32
        %add3A_523 = vector.broadcast %add3A_522 : i32 to vector<16xi32>
        %add3A_524 = arith.addi %add3A_515, %add3A_523 : vector<16xi32>
        tpu.vector_store_idx %arg13[%add3A_524], %parallel_loop3A_518#2 {add = true} : memref<256xf32, #tpu.memory_space<vmem>>[vector<16xi32>], vector<16xf32>,
        %add3A_525 = arith.constant 192 : i32
        %add3A_526 = vector.broadcast %add3A_525 : i32 to vector<16xi32>
        %add3A_527 = arith.addi %add3A_515, %add3A_526 : vector<16xi32>
        tpu.vector_store_idx %arg13[%add3A_527], %parallel_loop3A_518#3 {add = true} : memref<256xf32, #tpu.memory_space<vmem>>[vector<16xi32>], vector<16xf32>,
      }
      %while3A_510 = arith.constant 1 : i32
      scf.for %while3A_511 = %while3A_508 to %while3A_504 step %while3A_510  : i32 {
        %broadcast_in_dim3A_512 = arith.constant 0 : i32
        %broadcast_in_dim3A_513 = vector.broadcast %broadcast_in_dim3A_512 : i32 to vector<16xi32>
        %add3A_514 = vector.broadcast %while3A_511 : i32 to vector<16xi32>
        %add3A_515 = arith.addi %broadcast_in_dim3A_513, %add3A_514 : vector<16xi32>
        %parallel_loop3A = arith.constant 0 : i32
        %parallel_loop3A_516 = arith.constant 1024 : i32
        %parallel_loop3A_517 = arith.constant 1 : i32
        %parallel_loop3A_518:4 = scf.for %parallel_loop3A_528 = %parallel_loop3A to %parallel_loop3A_516 step %parallel_loop3A_517 iter_args(%parallel_loop3A_529 = %broadcast_in_dim3A_1, %parallel_loop3A_530 = %broadcast_in_dim3A_1, %parallel_loop3A_531 = %broadcast_in_dim3A_1, %parallel_loop3A_532 = %broadcast_in_dim3A_1) -> (vector<16xf32>, vector<16xf32>, vector<16xf32>, vector<16xf32>)  : i32 {
          %parallel_loop3A_533 = arith.constant 16 : i32
          %parallel_loop3A_534 = arith.muli %parallel_loop3A_528, %parallel_loop3A_533 : i32
          %parallel_loop3A_535 = arith.index_cast %parallel_loop3A_534 : i32 to index
          %parallel_loop3A_536 = tpu.vector_load %arg12[%parallel_loop3A_535] {strides = array<i32>} : memref<16384xi32, #tpu.memory_space<vmem>>, vector<16xi32>,
          %parallel_loop3A_537 = arith.cmpi eq, %parallel_loop3A_536, %add3A_515 : vector<16xi32>
          %parallel_loop3A_538 = arith.index_cast %parallel_loop3A_534 : i32 to index
          %parallel_loop3A_539 = tpu.vector_load %arg6[%parallel_loop3A_538] {strides = array<i32>} : memref<16384xf32, #tpu.memory_space<vmem>>, vector<16xf32>,
          %parallel_loop3A_540 = arith.constant 0.000000e+00 : f32
          %parallel_loop3A_541 = vector.broadcast %parallel_loop3A_540 : f32 to vector<16xf32>
          %parallel_loop3A_542 = arith.select %parallel_loop3A_537, %parallel_loop3A_539, %parallel_loop3A_541 : vector<16xi1>, vector<16xf32>
          %parallel_loop3A_543 = arith.index_cast %parallel_loop3A_534 : i32 to index
          %parallel_loop3A_544 = tpu.vector_load %arg8[%parallel_loop3A_543] {strides = array<i32>} : memref<16384xf32, #tpu.memory_space<vmem>>, vector<16xf32>,
          %parallel_loop3A_545 = arith.constant 0.000000e+00 : f32
          %parallel_loop3A_546 = vector.broadcast %parallel_loop3A_545 : f32 to vector<16xf32>
          %parallel_loop3A_547 = arith.select %parallel_loop3A_537, %parallel_loop3A_544, %parallel_loop3A_546 : vector<16xi1>, vector<16xf32>
          %parallel_loop3A_548 = arith.addf %parallel_loop3A_529, %parallel_loop3A_542 : vector<16xf32>
          %parallel_loop3A_549 = arith.addf %parallel_loop3A_530, %parallel_loop3A_547 : vector<16xf32>
          %parallel_loop3A_550 = arith.mulf %parallel_loop3A_542, %parallel_loop3A_542 : vector<16xf32>
          %parallel_loop3A_551 = arith.mulf %parallel_loop3A_547, %parallel_loop3A_547 : vector<16xf32>
          %parallel_loop3A_552 = arith.addf %parallel_loop3A_550, %parallel_loop3A_551 : vector<16xf32>
          %parallel_loop3A_553 = arith.addf %parallel_loop3A_531, %parallel_loop3A_552 : vector<16xf32>
          %parallel_loop3A_554 = arith.constant 1.000000e+00 : f32
          %parallel_loop3A_555 = arith.constant 0.000000e+00 : f32
          %parallel_loop3A_556 = vector.broadcast %parallel_loop3A_554 : f32 to vector<16xf32>
          %parallel_loop3A_557 = vector.broadcast %parallel_loop3A_555 : f32 to vector<16xf32>
          %parallel_loop3A_558 = arith.select %parallel_loop3A_537, %parallel_loop3A_556, %parallel_loop3A_557 : vector<16xi1>, vector<16xf32>
          %parallel_loop3A_559 = arith.addf %parallel_loop3A_532, %parallel_loop3A_558 : vector<16xf32>
          scf.yield %parallel_loop3A_548, %parallel_loop3A_549, %parallel_loop3A_553, %parallel_loop3A_559 : vector<16xf32>, vector<16xf32>, vector<16xf32>, vector<16xf32>
        } {sc.loop_unroll_factor = 8 : i64, sc.parallel_access}
        tpu.vector_store_idx %arg13[%add3A_515], %parallel_loop3A_518#0 {add = true} : memref<256xf32, #tpu.memory_space<vmem>>[vector<16xi32>], vector<16xf32>,
        %add3A_519 = arith.constant 64 : i32
        %add3A_520 = vector.broadcast %add3A_519 : i32 to vector<16xi32>
        %add3A_521 = arith.addi %add3A_515, %add3A_520 : vector<16xi32>
        tpu.vector_store_idx %arg13[%add3A_521], %parallel_loop3A_518#1 {add = true} : memref<256xf32, #tpu.memory_space<vmem>>[vector<16xi32>], vector<16xf32>,
        %add3A_522 = arith.constant 128 : i32
        %add3A_523 = vector.broadcast %add3A_522 : i32 to vector<16xi32>
        %add3A_524 = arith.addi %add3A_515, %add3A_523 : vector<16xi32>
        tpu.vector_store_idx %arg13[%add3A_524], %parallel_loop3A_518#2 {add = true} : memref<256xf32, #tpu.memory_space<vmem>>[vector<16xi32>], vector<16xf32>,
        %add3A_525 = arith.constant 192 : i32
        %add3A_526 = vector.broadcast %add3A_525 : i32 to vector<16xi32>
        %add3A_527 = arith.addi %add3A_515, %add3A_526 : vector<16xi32>
        tpu.vector_store_idx %arg13[%add3A_527], %parallel_loop3A_518#3 {add = true} : memref<256xf32, #tpu.memory_space<vmem>>[vector<16xi32>], vector<16xf32>,
      }
    } else {
    }
    %dma_wait3A_462 = tpu.memref_slice %arg2[%multiple_of3A_425] : memref<4194304xf32, #tpu.memory_space<hbm>> -> memref<16384xf32, #tpu.memory_space<hbm>>
    %dma_wait3A_463 = tpu.memref_slice %arg2[%multiple_of3A_425] : memref<4194304xf32, #tpu.memory_space<hbm>> -> memref<16384xf32, #tpu.memory_space<hbm>>
    tpu.wait_dma2 semaphore(%arg15 : memref<!tpu.dma_semaphore, #tpu.memory_space<semaphore_mem>>) src(%dma_wait3A_463 : memref<16384xf32, #tpu.memory_space<hbm>>) dst(%arg7 : memref<16384xf32, #tpu.memory_space<vmem>>)
    %dma_wait3A_464 = tpu.memref_slice %arg3[%multiple_of3A_425] : memref<4194304xf32, #tpu.memory_space<hbm>> -> memref<16384xf32, #tpu.memory_space<hbm>>
    %dma_wait3A_465 = tpu.memref_slice %arg3[%multiple_of3A_425] : memref<4194304xf32, #tpu.memory_space<hbm>> -> memref<16384xf32, #tpu.memory_space<hbm>>
    tpu.wait_dma2 semaphore(%arg15 : memref<!tpu.dma_semaphore, #tpu.memory_space<semaphore_mem>>) src(%dma_wait3A_465 : memref<16384xf32, #tpu.memory_space<hbm>>) dst(%arg9 : memref<16384xf32, #tpu.memory_space<vmem>>)
    %dma_wait3A_466 = arith.constant 0 : i32
    %dma_wait3A_467 = tpu.memref_slice %arg11[%dma_wait3A_466] : memref<32xi32, #tpu.memory_space<vmem>> -> memref<16xi32, #tpu.memory_space<vmem>>
    %dma_wait3A_468 = tpu.memref_slice %arg4[%multiple_of3A_425] : memref<4194304xi32, #tpu.memory_space<hbm>> -> memref<16xi32, #tpu.memory_space<hbm>>
    %dma_wait3A_469 = arith.constant 0 : i32
    %dma_wait3A_470 = tpu.memref_slice %arg11[%dma_wait3A_469] : memref<32xi32, #tpu.memory_space<vmem>> -> memref<16xi32, #tpu.memory_space<vmem>>
    %dma_wait3A_471 = tpu.memref_slice %arg4[%multiple_of3A_425] : memref<4194304xi32, #tpu.memory_space<hbm>> -> memref<16xi32, #tpu.memory_space<hbm>>
    tpu.wait_dma2 semaphore(%arg15 : memref<!tpu.dma_semaphore, #tpu.memory_space<semaphore_mem>>) src(%dma_wait3A_471 : memref<16xi32, #tpu.memory_space<hbm>>) dst(%dma_wait3A_470 : memref<16xi32, #tpu.memory_space<vmem>>)
    %dma_wait3A_472 = arith.constant 16 : i32
    %dma_wait3A_473 = tpu.memref_slice %arg11[%dma_wait3A_472] : memref<32xi32, #tpu.memory_space<vmem>> -> memref<16xi32, #tpu.memory_space<vmem>>
    %dma_wait3A_474 = tpu.memref_slice %arg4[%sub3A_439] : memref<4194304xi32, #tpu.memory_space<hbm>> -> memref<16xi32, #tpu.memory_space<hbm>>
    %dma_wait3A_475 = arith.constant 16 : i32
    %dma_wait3A_476 = tpu.memref_slice %arg11[%dma_wait3A_475] : memref<32xi32, #tpu.memory_space<vmem>> -> memref<16xi32, #tpu.memory_space<vmem>>
    %dma_wait3A_477 = tpu.memref_slice %arg4[%sub3A_439] : memref<4194304xi32, #tpu.memory_space<hbm>> -> memref<16xi32, #tpu.memory_space<hbm>>
    tpu.wait_dma2 semaphore(%arg15 : memref<!tpu.dma_semaphore, #tpu.memory_space<semaphore_mem>>) src(%dma_wait3A_477 : memref<16xi32, #tpu.memory_space<hbm>>) dst(%dma_wait3A_476 : memref<16xi32, #tpu.memory_space<vmem>>)
    %get3A_478 = arith.constant 0 : index
    %get3A_479 = tpu.vector_load %arg11[%get3A_478] {strides = array<i32>} : memref<32xi32, #tpu.memory_space<vmem>>, vector<16xi32>,
    %slice3A_480 = vector.extract_strided_slice %get3A_479 {offsets = [0], sizes = [1], strides = [1]} : vector<16xi32> to vector<1xi32>
    %squeeze3A_481 = vector.extract %slice3A_480[0] : i32 from vector<1xi32>
    %get3A_482 = arith.constant 16 : index
    %get3A_483 = tpu.vector_load %arg11[%get3A_482] {strides = array<i32>} : memref<32xi32, #tpu.memory_space<vmem>>, vector<16xi32>,
    %slice3A_484 = vector.extract_strided_slice %get3A_483 {offsets = [15], sizes = [1], strides = [1]} : vector<16xi32> to vector<1xi32>
    %squeeze3A_485 = vector.extract %slice3A_484[0] : i32 from vector<1xi32>
    %eq3A_486 = arith.cmpi eq, %squeeze3A_481, %squeeze3A_485 : i32
    %convert_element_type3A_487 = arith.extui %eq3A_486 : i1 to i32
    %cond3A_488 = arith.constant 0 : i32
    %cond3A_489 = arith.cmpi ne, %convert_element_type3A_487, %cond3A_488 : i32
    scf.if %cond3A_489 {
      %parallel_loop3A = arith.constant 0 : i32
      %parallel_loop3A_494 = arith.constant 1024 : i32
      %parallel_loop3A_495 = arith.constant 1 : i32
      %parallel_loop3A_496:3 = scf.for %parallel_loop3A_512 = %parallel_loop3A to %parallel_loop3A_494 step %parallel_loop3A_495 iter_args(%parallel_loop3A_513 = %broadcast_in_dim3A_1, %parallel_loop3A_514 = %broadcast_in_dim3A_1, %parallel_loop3A_515 = %broadcast_in_dim3A_1) -> (vector<16xf32>, vector<16xf32>, vector<16xf32>)  : i32 {
        %parallel_loop3A_516 = arith.constant 16 : i32
        %parallel_loop3A_517 = arith.muli %parallel_loop3A_512, %parallel_loop3A_516 : i32
        %parallel_loop3A_518 = arith.index_cast %parallel_loop3A_517 : i32 to index
        %parallel_loop3A_519 = tpu.vector_load %arg7[%parallel_loop3A_518] {strides = array<i32>} : memref<16384xf32, #tpu.memory_space<vmem>>, vector<16xf32>,
        %parallel_loop3A_520 = arith.index_cast %parallel_loop3A_517 : i32 to index
        %parallel_loop3A_521 = tpu.vector_load %arg9[%parallel_loop3A_520] {strides = array<i32>} : memref<16384xf32, #tpu.memory_space<vmem>>, vector<16xf32>,
        %parallel_loop3A_522 = arith.addf %parallel_loop3A_513, %parallel_loop3A_519 : vector<16xf32>
        %parallel_loop3A_523 = arith.addf %parallel_loop3A_514, %parallel_loop3A_521 : vector<16xf32>
        %parallel_loop3A_524 = arith.mulf %parallel_loop3A_519, %parallel_loop3A_519 : vector<16xf32>
        %parallel_loop3A_525 = arith.mulf %parallel_loop3A_521, %parallel_loop3A_521 : vector<16xf32>
        %parallel_loop3A_526 = arith.addf %parallel_loop3A_524, %parallel_loop3A_525 : vector<16xf32>
        %parallel_loop3A_527 = arith.addf %parallel_loop3A_515, %parallel_loop3A_526 : vector<16xf32>
        scf.yield %parallel_loop3A_522, %parallel_loop3A_523, %parallel_loop3A_527 : vector<16xf32>, vector<16xf32>, vector<16xf32>
      } {sc.loop_unroll_factor = 8 : i64, sc.parallel_access}
      %broadcast_in_dim3A_497 = arith.constant 0 : i32
      %broadcast_in_dim3A_498 = vector.broadcast %broadcast_in_dim3A_497 : i32 to vector<16xi32>
      %add3A_499 = vector.broadcast %squeeze3A_481 : i32 to vector<16xi32>
      %add3A_500 = arith.addi %broadcast_in_dim3A_498, %add3A_499 : vector<16xi32>
      tpu.vector_store_idx %arg13[%add3A_500], %parallel_loop3A_496#0 {add = true} : memref<256xf32, #tpu.memory_space<vmem>>[vector<16xi32>], vector<16xf32>,
      %add3A_501 = arith.constant 64 : i32
      %add3A_502 = vector.broadcast %add3A_501 : i32 to vector<16xi32>
      %add3A_503 = arith.addi %add3A_500, %add3A_502 : vector<16xi32>
      tpu.vector_store_idx %arg13[%add3A_503], %parallel_loop3A_496#1 {add = true} : memref<256xf32, #tpu.memory_space<vmem>>[vector<16xi32>], vector<16xf32>,
      %add3A_504 = arith.constant 128 : i32
      %add3A_505 = vector.broadcast %add3A_504 : i32 to vector<16xi32>
      %add3A_506 = arith.addi %add3A_500, %add3A_505 : vector<16xi32>
      tpu.vector_store_idx %arg13[%add3A_506], %parallel_loop3A_496#2 {add = true} : memref<256xf32, #tpu.memory_space<vmem>>[vector<16xi32>], vector<16xf32>,
      %add3A_507 = arith.constant 192 : i32
      %add3A_508 = vector.broadcast %add3A_507 : i32 to vector<16xi32>
      %add3A_509 = arith.addi %add3A_500, %add3A_508 : vector<16xi32>
      %broadcast_in_dim3A_510 = arith.constant 1.024000e+03 : f32
      %broadcast_in_dim3A_511 = vector.broadcast %broadcast_in_dim3A_510 : f32 to vector<16xf32>
      tpu.vector_store_idx %arg13[%add3A_509], %broadcast_in_dim3A_511 {add = true} : memref<256xf32, #tpu.memory_space<vmem>>[vector<16xi32>], vector<16xf32>,
    } else {
    }
    %ne3A_490 = arith.cmpi ne, %squeeze3A_481, %squeeze3A_485 : i32
    %convert_element_type3A_491 = arith.extui %ne3A_490 : i1 to i32
    %cond3A_492 = arith.constant 0 : i32
    %cond3A_493 = arith.cmpi ne, %convert_element_type3A_491, %cond3A_492 : i32
    scf.if %cond3A_493 {
      %mul3A_494 = arith.constant 8 : i32
      %mul3A_495 = arith.muli %add3A, %mul3A_494 : i32
      %add3A_496 = arith.constant 7 : i32
      %add3A_497 = arith.addi %mul3A_495, %add3A_496 : i32
      %mul3A_498 = arith.constant 16384 : i32
      %mul3A_499 = arith.muli %add3A_497, %mul3A_498 : i32
      %multiple_of3A_500 = tpu.assume_multiple %mul3A_499, 16384 : i32
      "tpu.region"() ({
        %run_scoped3A = tpu.sem_alloc : memref<!tpu.dma_semaphore, #tpu.memory_space<semaphore_mem>>
        %dma_start3A_511 = tpu.memref_slice %arg4[%multiple_of3A_500] : memref<4194304xi32, #tpu.memory_space<hbm>> -> memref<16384xi32, #tpu.memory_space<hbm>>
        %dma_start3A_512 = tpu.memref_slice %arg4[%multiple_of3A_500] : memref<4194304xi32, #tpu.memory_space<hbm>> -> memref<16384xi32, #tpu.memory_space<hbm>>
        tpu.enqueue_dma source(%dma_start3A_512 : memref<16384xi32, #tpu.memory_space<hbm>>) target(%arg12 : memref<16384xi32, #tpu.memory_space<vmem>>) target_semaphore(%run_scoped3A : memref<!tpu.dma_semaphore, #tpu.memory_space<semaphore_mem>>)
        %dma_wait3A_513 = tpu.memref_slice %arg4[%multiple_of3A_500] : memref<4194304xi32, #tpu.memory_space<hbm>> -> memref<16384xi32, #tpu.memory_space<hbm>>
        %dma_wait3A_514 = tpu.memref_slice %arg4[%multiple_of3A_500] : memref<4194304xi32, #tpu.memory_space<hbm>> -> memref<16384xi32, #tpu.memory_space<hbm>>
        tpu.wait_dma2 semaphore(%run_scoped3A : memref<!tpu.dma_semaphore, #tpu.memory_space<semaphore_mem>>) src(%dma_wait3A_514 : memref<16384xi32, #tpu.memory_space<hbm>>) dst(%arg12 : memref<16384xi32, #tpu.memory_space<vmem>>)
        tpu.yield
      }) : () -> ()
      %add3A_501 = arith.constant 1 : i32
      %add3A_502 = arith.addi %squeeze3A_485, %add3A_501 : i32
      %while3A = arith.constant 0 : i32
      %while3A_503 = arith.subi %add3A_502, %squeeze3A_481 : i32
      %while3A_504 = arith.addi %squeeze3A_481, %while3A_503 : i32
      %while3A_505 = arith.constant 1 : i32
      %while3A_506 = arith.divsi %while3A_503, %while3A_505 : i32
      %while3A_507 = arith.muli %while3A_506, %while3A_505 : i32
      %while3A_508 = arith.addi %squeeze3A_481, %while3A_507 : i32
      %while3A_509 = arith.constant 1 : i32
      scf.for %while3A_511 = %squeeze3A_481 to %while3A_508 step %while3A_509  : i32 {
        %broadcast_in_dim3A_512 = arith.constant 0 : i32
        %broadcast_in_dim3A_513 = vector.broadcast %broadcast_in_dim3A_512 : i32 to vector<16xi32>
        %add3A_514 = vector.broadcast %while3A_511 : i32 to vector<16xi32>
        %add3A_515 = arith.addi %broadcast_in_dim3A_513, %add3A_514 : vector<16xi32>
        %parallel_loop3A = arith.constant 0 : i32
        %parallel_loop3A_516 = arith.constant 1024 : i32
        %parallel_loop3A_517 = arith.constant 1 : i32
        %parallel_loop3A_518:4 = scf.for %parallel_loop3A_528 = %parallel_loop3A to %parallel_loop3A_516 step %parallel_loop3A_517 iter_args(%parallel_loop3A_529 = %broadcast_in_dim3A_1, %parallel_loop3A_530 = %broadcast_in_dim3A_1, %parallel_loop3A_531 = %broadcast_in_dim3A_1, %parallel_loop3A_532 = %broadcast_in_dim3A_1) -> (vector<16xf32>, vector<16xf32>, vector<16xf32>, vector<16xf32>)  : i32 {
          %parallel_loop3A_533 = arith.constant 16 : i32
          %parallel_loop3A_534 = arith.muli %parallel_loop3A_528, %parallel_loop3A_533 : i32
          %parallel_loop3A_535 = arith.index_cast %parallel_loop3A_534 : i32 to index
          %parallel_loop3A_536 = tpu.vector_load %arg12[%parallel_loop3A_535] {strides = array<i32>} : memref<16384xi32, #tpu.memory_space<vmem>>, vector<16xi32>,
          %parallel_loop3A_537 = arith.cmpi eq, %parallel_loop3A_536, %add3A_515 : vector<16xi32>
          %parallel_loop3A_538 = arith.index_cast %parallel_loop3A_534 : i32 to index
          %parallel_loop3A_539 = tpu.vector_load %arg7[%parallel_loop3A_538] {strides = array<i32>} : memref<16384xf32, #tpu.memory_space<vmem>>, vector<16xf32>,
          %parallel_loop3A_540 = arith.constant 0.000000e+00 : f32
          %parallel_loop3A_541 = vector.broadcast %parallel_loop3A_540 : f32 to vector<16xf32>
          %parallel_loop3A_542 = arith.select %parallel_loop3A_537, %parallel_loop3A_539, %parallel_loop3A_541 : vector<16xi1>, vector<16xf32>
          %parallel_loop3A_543 = arith.index_cast %parallel_loop3A_534 : i32 to index
          %parallel_loop3A_544 = tpu.vector_load %arg9[%parallel_loop3A_543] {strides = array<i32>} : memref<16384xf32, #tpu.memory_space<vmem>>, vector<16xf32>,
          %parallel_loop3A_545 = arith.constant 0.000000e+00 : f32
          %parallel_loop3A_546 = vector.broadcast %parallel_loop3A_545 : f32 to vector<16xf32>
          %parallel_loop3A_547 = arith.select %parallel_loop3A_537, %parallel_loop3A_544, %parallel_loop3A_546 : vector<16xi1>, vector<16xf32>
          %parallel_loop3A_548 = arith.addf %parallel_loop3A_529, %parallel_loop3A_542 : vector<16xf32>
          %parallel_loop3A_549 = arith.addf %parallel_loop3A_530, %parallel_loop3A_547 : vector<16xf32>
          %parallel_loop3A_550 = arith.mulf %parallel_loop3A_542, %parallel_loop3A_542 : vector<16xf32>
          %parallel_loop3A_551 = arith.mulf %parallel_loop3A_547, %parallel_loop3A_547 : vector<16xf32>
          %parallel_loop3A_552 = arith.addf %parallel_loop3A_550, %parallel_loop3A_551 : vector<16xf32>
          %parallel_loop3A_553 = arith.addf %parallel_loop3A_531, %parallel_loop3A_552 : vector<16xf32>
          %parallel_loop3A_554 = arith.constant 1.000000e+00 : f32
          %parallel_loop3A_555 = arith.constant 0.000000e+00 : f32
          %parallel_loop3A_556 = vector.broadcast %parallel_loop3A_554 : f32 to vector<16xf32>
          %parallel_loop3A_557 = vector.broadcast %parallel_loop3A_555 : f32 to vector<16xf32>
          %parallel_loop3A_558 = arith.select %parallel_loop3A_537, %parallel_loop3A_556, %parallel_loop3A_557 : vector<16xi1>, vector<16xf32>
          %parallel_loop3A_559 = arith.addf %parallel_loop3A_532, %parallel_loop3A_558 : vector<16xf32>
          scf.yield %parallel_loop3A_548, %parallel_loop3A_549, %parallel_loop3A_553, %parallel_loop3A_559 : vector<16xf32>, vector<16xf32>, vector<16xf32>, vector<16xf32>
        } {sc.loop_unroll_factor = 8 : i64, sc.parallel_access}
        tpu.vector_store_idx %arg13[%add3A_515], %parallel_loop3A_518#0 {add = true} : memref<256xf32, #tpu.memory_space<vmem>>[vector<16xi32>], vector<16xf32>,
        %add3A_519 = arith.constant 64 : i32
        %add3A_520 = vector.broadcast %add3A_519 : i32 to vector<16xi32>
        %add3A_521 = arith.addi %add3A_515, %add3A_520 : vector<16xi32>
        tpu.vector_store_idx %arg13[%add3A_521], %parallel_loop3A_518#1 {add = true} : memref<256xf32, #tpu.memory_space<vmem>>[vector<16xi32>], vector<16xf32>,
        %add3A_522 = arith.constant 128 : i32
        %add3A_523 = vector.broadcast %add3A_522 : i32 to vector<16xi32>
        %add3A_524 = arith.addi %add3A_515, %add3A_523 : vector<16xi32>
        tpu.vector_store_idx %arg13[%add3A_524], %parallel_loop3A_518#2 {add = true} : memref<256xf32, #tpu.memory_space<vmem>>[vector<16xi32>], vector<16xf32>,
        %add3A_525 = arith.constant 192 : i32
        %add3A_526 = vector.broadcast %add3A_525 : i32 to vector<16xi32>
        %add3A_527 = arith.addi %add3A_515, %add3A_526 : vector<16xi32>
        tpu.vector_store_idx %arg13[%add3A_527], %parallel_loop3A_518#3 {add = true} : memref<256xf32, #tpu.memory_space<vmem>>[vector<16xi32>], vector<16xf32>,
      }
      %while3A_510 = arith.constant 1 : i32
      scf.for %while3A_511 = %while3A_508 to %while3A_504 step %while3A_510  : i32 {
        %broadcast_in_dim3A_512 = arith.constant 0 : i32
        %broadcast_in_dim3A_513 = vector.broadcast %broadcast_in_dim3A_512 : i32 to vector<16xi32>
        %add3A_514 = vector.broadcast %while3A_511 : i32 to vector<16xi32>
        %add3A_515 = arith.addi %broadcast_in_dim3A_513, %add3A_514 : vector<16xi32>
        %parallel_loop3A = arith.constant 0 : i32
        %parallel_loop3A_516 = arith.constant 1024 : i32
        %parallel_loop3A_517 = arith.constant 1 : i32
        %parallel_loop3A_518:4 = scf.for %parallel_loop3A_528 = %parallel_loop3A to %parallel_loop3A_516 step %parallel_loop3A_517 iter_args(%parallel_loop3A_529 = %broadcast_in_dim3A_1, %parallel_loop3A_530 = %broadcast_in_dim3A_1, %parallel_loop3A_531 = %broadcast_in_dim3A_1, %parallel_loop3A_532 = %broadcast_in_dim3A_1) -> (vector<16xf32>, vector<16xf32>, vector<16xf32>, vector<16xf32>)  : i32 {
          %parallel_loop3A_533 = arith.constant 16 : i32
          %parallel_loop3A_534 = arith.muli %parallel_loop3A_528, %parallel_loop3A_533 : i32
          %parallel_loop3A_535 = arith.index_cast %parallel_loop3A_534 : i32 to index
          %parallel_loop3A_536 = tpu.vector_load %arg12[%parallel_loop3A_535] {strides = array<i32>} : memref<16384xi32, #tpu.memory_space<vmem>>, vector<16xi32>,
          %parallel_loop3A_537 = arith.cmpi eq, %parallel_loop3A_536, %add3A_515 : vector<16xi32>
          %parallel_loop3A_538 = arith.index_cast %parallel_loop3A_534 : i32 to index
          %parallel_loop3A_539 = tpu.vector_load %arg7[%parallel_loop3A_538] {strides = array<i32>} : memref<16384xf32, #tpu.memory_space<vmem>>, vector<16xf32>,
          %parallel_loop3A_540 = arith.constant 0.000000e+00 : f32
          %parallel_loop3A_541 = vector.broadcast %parallel_loop3A_540 : f32 to vector<16xf32>
          %parallel_loop3A_542 = arith.select %parallel_loop3A_537, %parallel_loop3A_539, %parallel_loop3A_541 : vector<16xi1>, vector<16xf32>
          %parallel_loop3A_543 = arith.index_cast %parallel_loop3A_534 : i32 to index
          %parallel_loop3A_544 = tpu.vector_load %arg9[%parallel_loop3A_543] {strides = array<i32>} : memref<16384xf32, #tpu.memory_space<vmem>>, vector<16xf32>,
          %parallel_loop3A_545 = arith.constant 0.000000e+00 : f32
          %parallel_loop3A_546 = vector.broadcast %parallel_loop3A_545 : f32 to vector<16xf32>
          %parallel_loop3A_547 = arith.select %parallel_loop3A_537, %parallel_loop3A_544, %parallel_loop3A_546 : vector<16xi1>, vector<16xf32>
          %parallel_loop3A_548 = arith.addf %parallel_loop3A_529, %parallel_loop3A_542 : vector<16xf32>
          %parallel_loop3A_549 = arith.addf %parallel_loop3A_530, %parallel_loop3A_547 : vector<16xf32>
          %parallel_loop3A_550 = arith.mulf %parallel_loop3A_542, %parallel_loop3A_542 : vector<16xf32>
          %parallel_loop3A_551 = arith.mulf %parallel_loop3A_547, %parallel_loop3A_547 : vector<16xf32>
          %parallel_loop3A_552 = arith.addf %parallel_loop3A_550, %parallel_loop3A_551 : vector<16xf32>
          %parallel_loop3A_553 = arith.addf %parallel_loop3A_531, %parallel_loop3A_552 : vector<16xf32>
          %parallel_loop3A_554 = arith.constant 1.000000e+00 : f32
          %parallel_loop3A_555 = arith.constant 0.000000e+00 : f32
          %parallel_loop3A_556 = vector.broadcast %parallel_loop3A_554 : f32 to vector<16xf32>
          %parallel_loop3A_557 = vector.broadcast %parallel_loop3A_555 : f32 to vector<16xf32>
          %parallel_loop3A_558 = arith.select %parallel_loop3A_537, %parallel_loop3A_556, %parallel_loop3A_557 : vector<16xi1>, vector<16xf32>
          %parallel_loop3A_559 = arith.addf %parallel_loop3A_532, %parallel_loop3A_558 : vector<16xf32>
          scf.yield %parallel_loop3A_548, %parallel_loop3A_549, %parallel_loop3A_553, %parallel_loop3A_559 : vector<16xf32>, vector<16xf32>, vector<16xf32>, vector<16xf32>
        } {sc.loop_unroll_factor = 8 : i64, sc.parallel_access}
        tpu.vector_store_idx %arg13[%add3A_515], %parallel_loop3A_518#0 {add = true} : memref<256xf32, #tpu.memory_space<vmem>>[vector<16xi32>], vector<16xf32>,
        %add3A_519 = arith.constant 64 : i32
        %add3A_520 = vector.broadcast %add3A_519 : i32 to vector<16xi32>
        %add3A_521 = arith.addi %add3A_515, %add3A_520 : vector<16xi32>
        tpu.vector_store_idx %arg13[%add3A_521], %parallel_loop3A_518#1 {add = true} : memref<256xf32, #tpu.memory_space<vmem>>[vector<16xi32>], vector<16xf32>,
        %add3A_522 = arith.constant 128 : i32
        %add3A_523 = vector.broadcast %add3A_522 : i32 to vector<16xi32>
        %add3A_524 = arith.addi %add3A_515, %add3A_523 : vector<16xi32>
        tpu.vector_store_idx %arg13[%add3A_524], %parallel_loop3A_518#2 {add = true} : memref<256xf32, #tpu.memory_space<vmem>>[vector<16xi32>], vector<16xf32>,
        %add3A_525 = arith.constant 192 : i32
        %add3A_526 = vector.broadcast %add3A_525 : i32 to vector<16xi32>
        %add3A_527 = arith.addi %add3A_515, %add3A_526 : vector<16xi32>
        tpu.vector_store_idx %arg13[%add3A_527], %parallel_loop3A_518#3 {add = true} : memref<256xf32, #tpu.memory_space<vmem>>[vector<16xi32>], vector<16xf32>,
      }
    } else {
    }
    "tpu.region"() ({
      %run_scoped3A = tpu.sem_alloc : memref<!tpu.dma_semaphore, #tpu.memory_space<semaphore_mem>>
      %dma_start3A_494 = arith.constant 0 : i32
      %dma_start3A_495 = tpu.memref_slice %arg5[%add3A, %dma_start3A_494] : memref<32x256xf32, #tpu.memory_space<hbm>> -> memref<1x256xf32, #tpu.memory_space<hbm>>
      %dma_start3A_496 = tpu.memref_squeeze %dma_start3A_495 : memref<1x256xf32, #tpu.memory_space<hbm>> -> memref<256xf32, #tpu.memory_space<hbm>>
      %dma_start3A_497 = arith.constant 0 : i32
      %dma_start3A_498 = tpu.memref_slice %arg5[%add3A, %dma_start3A_497] : memref<32x256xf32, #tpu.memory_space<hbm>> -> memref<1x256xf32, #tpu.memory_space<hbm>>
      %dma_start3A_499 = tpu.memref_squeeze %dma_start3A_498 : memref<1x256xf32, #tpu.memory_space<hbm>> -> memref<256xf32, #tpu.memory_space<hbm>>
      tpu.enqueue_dma source(%arg13 : memref<256xf32, #tpu.memory_space<vmem>>) target(%dma_start3A_499 : memref<256xf32, #tpu.memory_space<hbm>>) target_semaphore(%run_scoped3A : memref<!tpu.dma_semaphore, #tpu.memory_space<semaphore_mem>>)
      %dma_wait3A_500 = arith.constant 0 : i32
      %dma_wait3A_501 = tpu.memref_slice %arg5[%add3A, %dma_wait3A_500] : memref<32x256xf32, #tpu.memory_space<hbm>> -> memref<1x256xf32, #tpu.memory_space<hbm>>
      %dma_wait3A_502 = tpu.memref_squeeze %dma_wait3A_501 : memref<1x256xf32, #tpu.memory_space<hbm>> -> memref<256xf32, #tpu.memory_space<hbm>>
      %dma_wait3A_503 = arith.constant 0 : i32
      %dma_wait3A_504 = tpu.memref_slice %arg5[%add3A, %dma_wait3A_503] : memref<32x256xf32, #tpu.memory_space<hbm>> -> memref<1x256xf32, #tpu.memory_space<hbm>>
      %dma_wait3A_505 = tpu.memref_squeeze %dma_wait3A_504 : memref<1x256xf32, #tpu.memory_space<hbm>> -> memref<256xf32, #tpu.memory_space<hbm>>
      tpu.wait_dma2 semaphore(%run_scoped3A : memref<!tpu.dma_semaphore, #tpu.memory_space<semaphore_mem>>) src(%arg13 : memref<256xf32, #tpu.memory_space<vmem>>) dst(%dma_wait3A_505 : memref<256xf32, #tpu.memory_space<hbm>>)
      tpu.yield
    }) : () -> ()
    return
  }
}

module attributes {stable_mosaic.version = 14 : i64} {
  func.func @_combine_kernel(%arg0: memref<32x256xf32, #tpu.memory_space<vmem>>, %arg1: memref<8x128xf32, #tpu.memory_space<vmem>>) attributes {dimension_semantics = [], scalar_prefetch = 0 : i64, scratch_operands = 0 : i64, tpu.core_type = #tpu.core_type<tc>} {
    %get3A = arith.constant 0 : index
    %get3A_0 = arith.constant 0 : index
    %get3A_1 = vector.load %arg0[%get3A, %get3A_0] : memref<32x256xf32, #tpu.memory_space<vmem>>, vector<32x256xf32>
    %reduce_sum3A = arith.constant dense<0.000000e+00> : vector<256xf32>
    %reduce_sum3A_2 = vector.multi_reduction <add>, %get3A_1, %reduce_sum3A [0] : vector<32x256xf32> to vector<256xf32>
    %slice3A = vector.extract_strided_slice %reduce_sum3A_2 {offsets = [0], sizes = [64], strides = [1]} : vector<256xf32> to vector<64xf32>
    %slice3A_3 = vector.extract_strided_slice %reduce_sum3A_2 {offsets = [64], sizes = [64], strides = [1]} : vector<256xf32> to vector<64xf32>
    %slice3A_4 = vector.extract_strided_slice %reduce_sum3A_2 {offsets = [128], sizes = [64], strides = [1]} : vector<256xf32> to vector<64xf32>
    %slice3A_5 = vector.extract_strided_slice %reduce_sum3A_2 {offsets = [192], sizes = [64], strides = [1]} : vector<256xf32> to vector<64xf32>
    %max3A = arith.constant 1.000000e+00 : f32
    %max3A_6 = vector.broadcast %max3A : f32 to vector<64xf32>
    %max3A_7 = arith.maximumf %slice3A_5, %max3A_6 : vector<64xf32>
    %div3A = arith.divf %slice3A_4, %max3A_7 : vector<64xf32>
    %mul3A = arith.mulf %slice3A, %slice3A : vector<64xf32>
    %mul3A_8 = arith.mulf %slice3A_3, %slice3A_3 : vector<64xf32>
    %add3A = arith.addf %mul3A, %mul3A_8 : vector<64xf32>
    %mul3A_9 = arith.mulf %max3A_7, %max3A_7 : vector<64xf32>
    %div3A_10 = arith.divf %add3A, %mul3A_9 : vector<64xf32>
    %sub3A = arith.subf %div3A, %div3A_10 : vector<64xf32>
    %max3A_11 = arith.constant 0.000000e+00 : f32
    %max3A_12 = vector.broadcast %max3A_11 : f32 to vector<64xf32>
    %max3A_13 = arith.maximumf %sub3A, %max3A_12 : vector<64xf32>
    %sqrt3A = math.sqrt %max3A_13 : vector<64xf32>
    %broadcast_in_dim3A = arith.constant 0.000000e+00 : f32
    %broadcast_in_dim3A_14 = vector.broadcast %broadcast_in_dim3A : f32 to vector<8x128xf32>
    %reduce_sum3A_15 = vector.shape_cast %sqrt3A : vector<64xf32> to vector<1x64xf32>
    %reduce_sum3A_16 = arith.constant dense<0.000000e+00> : vector<1xf32>
    %reduce_sum3A_17 = vector.multi_reduction <add>, %reduce_sum3A_15, %reduce_sum3A_16 [1] : vector<1x64xf32> to vector<1xf32>
    %reduce_sum3A_18 = vector.shape_cast %reduce_sum3A_17 : vector<1xf32> to vector<1x1xf32>
    %reduce_sum3A_19 = vector.extract %reduce_sum3A_18[0, 0] : f32 from vector<1x1xf32>
    %mul3A_20 = arith.constant 1.562500e-02 : f32
    %mul3A_21 = arith.mulf %reduce_sum3A_19, %mul3A_20 : f32
    %add3A_22 = vector.broadcast %mul3A_21 : f32 to vector<8x128xf32>
    %add3A_23 = arith.addf %broadcast_in_dim3A_14, %add3A_22 : vector<8x128xf32>
    %swap3A = arith.constant 0 : index
    %swap3A_24 = arith.constant 0 : index
    %swap3A_25 = vector.load %arg1[%swap3A, %swap3A_24] : memref<8x128xf32, #tpu.memory_space<vmem>>, vector<8x128xf32>
    tpu.vector_store %arg1[%swap3A, %swap3A_24], %add3A_23 {strides = array<i32>} : memref<8x128xf32, #tpu.memory_space<vmem>>, vector<8x128xf32>,
    return
  }
}

</mosaic_0001>

<sc_bundles>
// kernel: kernel.4.cloned.1.call-start
scs
__scs_entry_jumppad:
0x0: {  	(pc) =	sbr.rel $0x88, $3  }
0x1: {  	(tag) =	ssettag $0x0;
	lr =	simm.s32 $0x1  }
0x2: {  	[smem:$0x3F9F] =	sst lr;
	_ =	strace $0xD0000000  }
0x3: {  	_ = 	snop  }
0x4: {  	_ = 	snop  }
0x5: {  	_ = 	snop  }
0x6: {  	_ = 	snop  }
0x7: {  	_ = 	snop  }
__scs_overlays_trampoline_lowered:
0x8: {  	[smem:$0x3FAE] =	sst s0  }
0x9: {  	[smem:$0x3FAF] =	sst s1  }
0xa: {  	[smem:$0x3FB0] =	sst s2  }
0xb: {  	[smem:$0x3FB1] =	sst s3  }
0xc: {  	[smem:$0x3FB2] =	sst s4  }
0xd: {  	[smem:$0x3FB3] =	sst s5  }
0xe: {  	[smem:$0x3FB4] =	sst s6  }
0xf: {  	[smem:$0x3FB5] =	sst s7  }
0x10: {  	[smem:$0x3FB6] =	sst s8  }
0x11: {  	[smem:$0x3FB7] =	sst s9;
	s0 =	simm.s32 @!p0 $0x0  }
0x12: {  	s1 =	sld [smem:$0x3F9D];
	s0 =	simm.s32 @p0 $0x1  }
0x13: {  	[smem:$0x3FB8] =	sst s0;
	s0 =	simm.s32 @!p1 $0x0  }
0x14: {  	s2 =	sld [smem:$0x3F9C];
	s0 =	simm.s32 @p1 $0x1  }
0x15: {  	[smem:$0x3FB9] =	sst s0;
	s0 =	simm.s32 @!p2 $0x0  }
0x16: {  	s3 =	sld [smem:$0x3FDB];
	s0 =	simm.s32 @p2 $0x1  }
0x17: {  	s4 =	simm.s32 $0x1BF5;
	[smem:$0x3FBB] =	sst s0  }
0x18: {  	s0 =	sld [smem:$0x3F9E];
	_ =	swait.ge [sflag:s4], $0x0  }
0x19: {  	s7 =	sld [smem:$0x3F9F]  }
0x1a: {  	s8 =	sadd.s32 $0xFFFFE003, lr  }
0x1b: {  	s9 =	sadd.s32 $0xFFFFFEF7, lr;
	s5 =	simm.s32 $0xFFFFFFFF;
	p2 =	slt.u32 s8, $0xFFFFF086  }
0x1c: {  	p1 =	slt.u32 s9, $0xF7A;
	s5 =	simm.s32 @!p2 $0x0  }
0x1d: {  	s5 =	simm.s32 @p1 $0x1;
	p0 =	seq.s32 s7, s2  }
0x1e: {  	s7 =	smul.u32 @!p0 $0xF7A, s2;
	p2 =	seq.s32 @!p0 s5, $0x0  }
0x1f: {  	s9 =	smul.u32 $0xF7A, s1;
	s8 =	simm.s32 @!p0 $0x1BF5;
	p2 =	por !p2, p0  }
0x20: {  	[sflag:s8] =	ssyncset.s32 @!p0 $0xFFFFF086;
	s6 =	sadd.s32 @!p0 s3, s7;
	s7 =	simm.s32 @!p0 $0x108  }
0x21: {  	s3 =	sadd.s32 s3, s9;
	s6 =	sadd.s32 @!p0 $0x88, s6;
	s7 =	simm.s32 @p2 $0x1082  }
0x22: {  	[simem:s7], [sflag:s8] =	dma.local @!p0 [hbm:s6], $0xF7A  }
0x23: {  	s9 =	sor.u32 $0xD0000000, s2;
	s6 =	simm.s32 $0x108;
	_ =	swait.ge @!p0 [sflag:s8], $0x0  }
0x24: {  	s3 =	sadd.s32 $0x88, s3;
	s6 =	simm.s32 @!p1 $0x1082;
	[sflag:s4] =	ssyncset.s32 $0xFFFFF086  }
0x25: {  	[simem:s6], [sflag:s4] =	dma.local [hbm:s3], $0xF7A  }
0x26: {  	[smem:$0x3F9F] =	sst s1;
	(tag) =	ssettag s2;
	_ =	strace s9  }
0x27: {  	s1 =	sld [smem:$0x3FAF]  }
0x28: {  	s2 =	sld [smem:$0x3FB0]  }
0x29: {  	s4 =	sld [smem:$0x3FB2]  }
0x2a: {  	p0 =	seq.s32 s5, $0x0;
	s5 =	sld [smem:$0x3FB3]  }
0x2b: {  	s6 =	sld [smem:$0x3FB4]  }
0x2c: {  	s7 =	sld [smem:$0x3FB5]  }
0x2d: {  	s3 =	simm.s32 $0x108;
	s8 =	sld [smem:$0x3FB6]  }
0x2e: {  	s3 =	simm.s32 @!p0 $0x1082;
	s9 =	sld [smem:$0x3FB7]  }
0x2f: {  	lr =	sadd.s32 s0, s3;
	s0 =	sld [smem:$0x3FAE]  }
0x30: {  	s3 =	sld [smem:$0x3FB1]  }
0x31: {  	[smem:$0x3FBA] =	sst s10  }
0x32: {  	s10 =	sld [smem:$0x3FB8];
	_ =	sdelay $0x3  }
0x33: {  	p0 =	seq.s32 s10, $0x1;
	s10 =	sld [smem:$0x3FBA];
	_ =	sdelay $0x3  }
0x34: {  	[smem:$0x3FBA] =	sst s10  }
0x35: {  	s10 =	sld [smem:$0x3FB9];
	_ =	sdelay $0x3  }
0x36: {  	p1 =	seq.s32 s10, $0x1;
	s10 =	sld [smem:$0x3FBA];
	_ =	sdelay $0x3  }
0x37: {  	[smem:$0x3FBA] =	sst s10  }
0x38: {  	s10 =	sld [smem:$0x3FBB]  }
0x39: {  	_ = 	snop;
	(pc) =	sbr.ind lr, $3  }
0x3a: {  	_ = 	snop  }
0x3b: {  	_ = 	snop  }
0x3c: {  	p2 =	seq.s32 s10, $0x1;
	s10 =	sld [smem:$0x3FBA]  }
0x3d: {  	_ =	shalt  }
0x3e: {  	_ =	shalt  }
0x3f: {  	_ =	shalt  }
0x40: {  	_ =	shalt  }
0x41: {  	_ =	shalt  }
0x42: {  	_ =	shalt  }
0x43: {  	_ =	shalt  }
0x44: {  	_ =	shalt  }
0x45: {  	_ =	shalt  }
0x46: {  	_ =	shalt  }
0x47: {  	_ =	shalt  }
0x48: {  	_ =	shalt  }
0x49: {  	_ =	shalt  }
0x4a: {  	_ =	shalt  }
0x4b: {  	_ =	shalt  }
0x4c: {  	_ =	shalt  }
0x4d: {  	_ =	shalt  }
0x4e: {  	_ =	shalt  }
0x4f: {  	_ =	shalt  }
0x50: {  	_ =	shalt  }
0x51: {  	_ =	shalt  }
0x52: {  	_ =	shalt  }
0x53: {  	_ =	shalt  }
0x54: {  	_ =	shalt  }
0x55: {  	_ =	shalt  }
0x56: {  	_ =	shalt  }
0x57: {  	_ =	shalt  }
0x58: {  	_ =	shalt  }
0x59: {  	_ =	shalt  }
0x5a: {  	_ =	shalt  }
0x5b: {  	_ =	shalt  }
0x5c: {  	_ =	shalt  }
0x5d: {  	_ =	shalt  }
0x5e: {  	_ =	shalt  }
0x5f: {  	_ =	shalt  }
0x60: {  	_ =	shalt  }
0x61: {  	_ =	shalt  }
0x62: {  	_ =	shalt  }
0x63: {  	_ =	shalt  }
0x64: {  	_ =	shalt  }
0x65: {  	_ =	shalt  }
0x66: {  	_ =	shalt  }
0x67: {  	_ =	shalt  }
0x68: {  	_ =	shalt  }
0x69: {  	_ =	shalt  }
0x6a: {  	_ =	shalt  }
0x6b: {  	_ =	shalt  }
0x6c: {  	_ =	shalt  }
0x6d: {  	_ =	shalt  }
0x6e: {  	_ =	shalt  }
0x6f: {  	_ =	shalt  }
0x70: {  	_ =	shalt  }
0x71: {  	_ =	shalt  }
0x72: {  	_ =	shalt  }
0x73: {  	_ =	shalt  }
0x74: {  	_ =	shalt  }
0x75: {  	_ =	shalt  }
0x76: {  	_ =	shalt  }
0x77: {  	_ =	shalt  }
0x78: {  	_ =	shalt  }
0x79: {  	_ =	shalt  }
0x7a: {  	_ =	shalt  }
0x7b: {  	_ =	shalt  }
0x7c: {  	_ =	shalt  }
0x7d: {  	_ =	shalt  }
0x7e: {  	_ =	shalt  }
0x7f: {  	_ =	shalt  }
0x80: {  	_ =	shalt  }
0x81: {  	_ =	shalt  }
0x82: {  	_ =	shalt  }
0x83: {  	_ =	shalt  }
0x84: {  	_ =	shalt  }
0x85: {  	_ =	shalt  }
0x86: {  	_ =	shalt  }
0x87: {  	_ =	shalt  }
.Lfunc_end0:
.L_simem_size_0:
called_computation_lowered:
.L_overlay_start_0:
0x88: {  	s2 =	sld [smem:$0x3FD9]  }
0x89: {  	s3 =	sld [smem:$0x3FFE];
	_ =	sdelay $0x1  }
0x8a: {  	s1 =	srdreg.scid  }
0x8b: {  	s0 =	sand.u32 $0x1, s1  }
0x8c: {  	s17 =	sshll.u32 s0, $0xA;
	s2 =	sadd.s32 s3, s2  }
0x8d: {  	s2 =	sadd.s32 s2, s17  }
0x8e: {  	[smem:$0x3FC6] =	sst s2  }
0x8f: {  	_ = 	snop  }
0x90: {  	s2 =	sld [smem:$0x3FC8];
	(tm) =	ssettm $0x1  }
0x91: {  	s18 =	sld [smem:$0x3FFB];
	_ =	sdelay $0x3  }
0x92: {  	_ =	strace s18  }
0x93: {  	s3 =	sld [smem:$0x3FFC];
	_ =	sdelay $0x3  }
0x94: {  	_ =	strace s3  }
0x95: {  	s3 =	sld [smem:$0x3FFD];
	_ =	sdelay $0x3  }
0x96: {  	_ =	strace s3  }
0x97: {  	_ =	strace $0x8FFFFFFF  }
0x98: {  	s19 =	sld [smem:$0x3FDB];
	_ =	sdelay $0x1  }
0x99: {  	s4 =	simm.s32 $_scs_section_size  }
0x9a: {  	s5 =	simm.s32 $_size__tile_overlayer_lowered;
	s6 =	simm.s32 $_tile_overlayer_lowered  }
0x9b: {  	s22 =	simm.s32 $0x1BFF;
	s21 =	sshll.u32 s6, $0x1;
	s3 =	sadd.s32 s4, s19  }
0x9c: {  	s7 =	simm.s32 $0x0;
	s20 =	sshll.u32 s5, $0x1;
	s5 =	sadd.s32 s21, s3  }
0x9d: {  	[timem:s7], [sflag:s22] =	dma.local [hbm:s5], s20  }
0x9e: {  	_ =	swait.ge [sflag:s22], s20  }
0x9f: {  	s4 =	ssub.s32 $0x0, s20;
	[sflag:s22] =	ssyncset.done $0x0  }
0xa0: {  	[sflag:s22] =	ssyncadd.s32 s4;
	_ =	sdelay $0x1  }
0xa1: {  	s23 =	simm.s32 $0x1B8B  }
0xa2: {  	_ =	swait.ge [sflag:s23], $0x1  }
0xa3: {  	[sflag:s23] =	ssyncset.done $0x0  }
0xa4: {  	s25 =	simm.s32 $0x1B8E;
	s24 =	sld [smem:$0x3FFE];
	[sflag:s23] =	ssyncadd.s32 $0xFFFFFFFF  }
0xa5: {  	s26 =	simm.s32 $execute0_lowered;
	[smem:$0x3FD2] =	sst s25  }
0xa6: {  	s5 =	sshll.u32 s26, $0x1;
	_ =	strace $0x80000046;
	[dreg:$0x1] =	wrdreg $0xFFFFFFFF  }
0xa7: {  	s28 =	simm.s32 $_size_execute0_lowered;
	s3 =	sadd.s32 s3, s5;
	[dreg:$0x0] =	wrdreg $0x0  }
0xa8: {  	s5 =	sshll.u32 s28, $0x1;
	[dreg:$0x2] =	wrdreg s3  }
0xa9: {  	[dreg:$0x3] =	wrdreg s5  }
0xaa: {  	[dreg:$0x4] =	wrdreg $0xC0  }
0xab: {  	_ =	task [dreg:s7], $0x5FFFF  }
0xac: {  	[dreg:$0x1] =	wrdreg $0xFFFFFFFF  }
0xad: {  	[dreg:$0x0] =	wrdreg $0x60  }
0xae: {  	[dreg:$0x2] =	wrdreg s24  }
0xaf: {  	[dreg:$0x3] =	wrdreg s2  }
0xb0: {  	[dreg:$0x4] =	wrdreg $0x9  }
0xb1: {  	_ =	task.clear_ibuf [dreg:s7], $0x5FFFF;
	_ =	strace $0x90000046  }
0xb2: {  	s29 =	simm.s32 $0x9;
	_ =	strace $0x80000048  }
0xb3: {  	_ =	swait.ge [sflag:s29], $0x1  }
0xb4: {  	[sflag:s29] =	ssyncadd.s32 $0xFFFFFFFF  }
0xb5: {  	_ =	strace $0x90000048  }
0xb6: {  	_ =	sfence  }
0xb7: {  	s30 =	sld [smem:$0x0];
	_ =	sdelay $0x2  }
0xb8: {  	s31 =	sshll.u32 s1, $0xD;
	s1 =	sshrl.u32 s1, $0x2  }
0xb9: {  	s3 =	sand.u32 $0x4000, s31;
	s1 =	sadd.s32 s1, s30  }
0xba: {  	s0 =	sor.u32 s3, s0;
	s1 =	sshll.u32 s1, $0x11  }
0xbb: {  	s0 =	sor.u32 s1, s0  }
0xbc: {  	s0 =	sadd.s32 $0x8F2B, s0  }
0xbd: {  	[sflag:s0] =	ssyncadd.remote.s32 $0x1  }
0xbe: {  	_ =	sfence.sel $0xFFFF  }
0xbf: {  	[dreg:$0x0] =	wrdreg $0xFFFFFFFF;
	(pc) =	sbr.abs _section_cstart, $3  }
0xc0: {  	[dreg:$0x1] =	wrdreg $0xFFFFFFFF  }
0xc1: {  	_ =	task.clear_ibuf [dreg:s7], $0x2FFFF;
	_ =	strace $0x9FFFFFFF  }
0xc2: {  	(tm) =	ssettm $0x7FFFFFFF  }
0xc3: {  	_ =	shalt  }
tec
execute0_lowered:
.L_overlay_start_1:
0x0: {  	(tag) =	ssettag $0x1  }
0x1: {  	s0 =	rddreg [dreg:$0x0]  }
0x2: {  	s2 =	rddreg [dreg:$0x1];
	s1 =	simm.s32 $0x0;
	s7 =	stileid.u32  }
0x3: {  	s4 =	srdreg.scid;
	s28 =	simm.s32 $0x0;
	[smem:$0x7FF] =	sst s1  }
0x4: {  	s3 =	sadd.s32 $0x80800, s0;
	s4 =	sand.u32 $0x1, s4;
	s6 =	sshll.u32 s7, $0x1  }
0x5: {  	s5 =	sadd.s32 $0x800, s0;
	s7 =	sshll.u32 s7, $0x6;
	s6 =	sor.u32 s4, s6  }
0x6: {  	s8 =	ssub.s32 $0x2, s4;
	s15 =	sand.u32 $0x300, s7;
	s9 =	sshll.u32 s6, $0xE  }
0x7: {  	s16 =	sshrl.u32 s8, $0x1;
	s0 =	sadd.s32 s15, s0;
	s17 =	sor.u32 $0x800, s9  }
0x8: {  	s6 =	sshll.u32 s6, $0x4;
	s8 =	ssub.s32 s8, s16;
	s18 =	sadd.s32 s3, s17  }
0x9: {  	s20 =	sor.u32 $0x1000, s9;
	s19 =	sadd.s32 s5, s17;
	[dreg:$0x3] =	wrdreg s18  }
0xa: {  	s21 =	sor.u32 $0x1800, s9;
	s10 =	sadd.s32 s3, s20;
	[dreg:$0x4] =	wrdreg s19  }
0xb: {  	s24 =	sor.u32 $0x2000, s9;
	s11 =	sadd.s32 s5, s20;
	[dreg:$0x5] =	wrdreg s10  }
0xc: {  	s26 =	sor.u32 $0x2800, s9;
	s22 =	sadd.s32 s3, s21;
	[dreg:$0x6] =	wrdreg s11  }
0xd: {  	s31 =	sor.u32 $0x3000, s9;
	s23 =	sadd.s32 s5, s21;
	[dreg:$0x7] =	wrdreg s22  }
0xe: {  	s6 =	sand.u32 $0x70, s6;
	s12 =	sadd.s32 s3, s24;
	[dreg:$0x8] =	wrdreg s23  }
0xf: {  	s4 =	sadd.s32 s2, s17;
	s25 =	sadd.s32 s5, s24;
	[dreg:$0x9] =	wrdreg s12  }
0x10: {  	s7 =	sadd.s32 s2, s20;
	s29 =	sadd.s32 s3, s26;
	[dreg:$0xa] =	wrdreg s25  }
0x11: {  	s13 =	sadd.s32 s2, s24;
	s30 =	sadd.s32 s5, s26;
	[dreg:$0xb] =	wrdreg s29  }
0x12: {  	s16 =	sadd.s32 s2, s26;
	s14 =	sadd.s32 s3, s31;
	[dreg:$0xc] =	wrdreg s30  }
0x13: {  	s0 =	sadd.s32 s6, s0;
	s15 =	sadd.s32 s5, s31;
	[dreg:$0xd] =	wrdreg s14  }
0x14: {  	s17 =	sadd.s32 s3, s9;
	s20 =	sor.u32 $0x3800, s9;
	[dreg:$0xe] =	wrdreg s15  }
0x15: {  	s10 =	sadd.s32 s2, s21;
	s19 =	sadd.s32 s2, s31;
	[dreg:$0xf] =	wrdreg s17  }
0x16: {  	s18 =	sadd.s32 s5, s9;
	s23 =	sadd.s32 s2, s9;
	s3 =	sadd.s32 s3, s20  }
0x17: {  	s21 =	sadd.s32 s5, s20;
	s26 =	sadd.s32 s2, s20;
	s0 =	sadd.s32 $0x100800, s0  }
0x18: {  	s22 =	smax.u32 s8, $0x1;
	s8 =	simm.s32 $0x8000;
	[dreg:$0x10] =	wrdreg s18  }
0x19: {  	s9 =	simm.s32 $0x10000;
	s11 =	simm.s32 $0x10010;
	[dreg:$0x11] =	wrdreg s3  }
0x1a: {  	s12 =	simm.s32 $0x1;
	s14 =	simm.s32 $0x4000;
	[dreg:$0x12] =	wrdreg s21  }
0x1b: {  	s15 =	simm.s32 $0xC000;
	_ =	strace $0x80000047;
	[dreg:$0x13] =	wrdreg s0  }
0x1c: {  	s17 =	simm.s32 $0x10080;
	s24 =	sadd.s32 $0x7FE, s23;
	[dreg:$0x14] =	wrdreg s22  }
0x1d: {  	s25 =	sadd.s32 $0xFFE, s23;
	s29 =	sadd.s32 $0x17FE, s23;
	[dreg:$0x15] =	wrdreg s24  }
.Ltmp0:
0x1e: {  	s30 =	sadd.s32 $0x1FFE, s23;
	[dreg:$0x16] =	wrdreg s25;
	(pc) =	sbr.rel .LBB2_1-.Ltmp0, $4  }
0x1f: {  	s31 =	sadd.s32 $0x27FE, s23;
	s3 =	sadd.s32 $0x2FFE, s23;
	[dreg:$0x17] =	wrdreg s29  }
0x20: {  	s5 =	sadd.s32 $0x37FE, s23;
	s6 =	sadd.s32 $0x3FFE, s23;
	[dreg:$0x18] =	wrdreg s30  }
0x21: {  	s18 =	simm.s32 $0x10090;
	s21 =	simm.s32 $0x14100;
	[dreg:$0x19] =	wrdreg s31  }
0x22: {  	v0 =	vimm.f32 $1.024000000e+03;
	v1 =	vimm.f32 $0.0e+00;
	s22 =	simm.s32 $0x2;
	s24 =	simm.s32 $0x3;
	s25 =	simm.s32 $0x10100  }
.LBB2_65:
0x23: {  	s0 =	rddreg [dreg:$0x13];
	s2 =	simm.s32 $0x80;
	s20 =	simm.s32 $0x400  }
0x24: {  	[hbm4b:s0+s2] =	stream.strided.scatter [tilespmem:s21], [sflag:$0x3], $0x100, s20, s2, $0x38;
	[tilespmem:$0x14200] =	vst v63  }
0x25: {  	_ =	swait.ge [sflag:s24], $0x100  }
0x26: {  	s28 =	sadd.s32 $0x1, s28;
	s31 =	rddreg [dreg:$0x14]  }
0x27: {  	p0 =	sne.s32 s28, s31  }
.Ltmp1:
0x28: {  	_ = 	snop;
	(pc) =	sbr.rel @!p0 .LBB2_66-.Ltmp1, $3  }
0x29: {  	_ =	sdelay $0x1  }
0x2a: {  	[sflag:s24] =	ssyncset.done $0x0  }
0x2b: {  	[sflag:s24] =	ssyncadd.s32 $0xFFFFFF00  }
.LBB2_1:
0x2c: {  	[tilespmem:$0x14100] =	vst v1  }
0x2d: {  	[tilespmem:$0x14110] =	vst v1  }
0x2e: {  	[tilespmem:$0x14120] =	vst v1  }
0x2f: {  	[tilespmem:$0x14130] =	vst v1  }
0x30: {  	[tilespmem:$0x14140] =	vst v1  }
0x31: {  	[tilespmem:$0x14150] =	vst v1  }
0x32: {  	[tilespmem:$0x14160] =	vst v1  }
0x33: {  	[tilespmem:$0x14170] =	vst v1  }
0x34: {  	[tilespmem:$0x14180] =	vst v1  }
0x35: {  	[tilespmem:$0x14190] =	vst v1  }
0x36: {  	[tilespmem:$0x141A0] =	vst v1  }
0x37: {  	[tilespmem:$0x141B0] =	vst v1  }
0x38: {  	[tilespmem:$0x141C0] =	vst v1  }
0x39: {  	[tilespmem:$0x141D0] =	vst v1  }
0x3a: {  	[tilespmem:$0x141E0] =	vst v1  }
0x3b: {  	[tilespmem:$0x141F0] =	vst v1;
	s0 =	rddreg [dreg:$0xf]  }
0x3c: {  	[tilespmem:s1], [sflag:$0x1] =	stream.linear.gather [hbm4b:s0+s1], $0x4000, $0x38;
	[tilespmem:$0x14200] =	vst v63  }
0x3d: {  	s20 =	rddreg [dreg:$0x10]  }
0x3e: {  	[tilespmem:s8], [sflag:$0x1] =	stream.linear.gather [hbm4b:s20+s1], $0x4000, $0x38;
	[tilespmem:$0x14200] =	vst v63  }
0x3f: {  	_ = 	snop  }
0x40: {  	[tilespmem:s9], [sflag:$0x1] =	stream.linear.gather [hbm4b:s23+s1], $0x10, $0x38;
	[tilespmem:$0x14200] =	vst v63  }
0x41: {  	s31 =	rddreg [dreg:$0x15]  }
0x42: {  	[tilespmem:s11], [sflag:$0x1] =	stream.linear.gather [hbm4b:s31+s1], $0x10, $0x38;
	[tilespmem:$0x14200] =	vst v63  }
0x43: {  	_ =	swait.ge [sflag:s12], $0x4000  }
0x44: {  	[sflag:s12] =	ssyncset.done $0x0  }
0x45: {  	[sflag:s12] =	ssyncadd.s32 $0xFFFFC000  }
0x46: {  	_ =	swait.ge [sflag:s12], $0x4000  }
0x47: {  	[sflag:s12] =	ssyncset.done $0x0  }
0x48: {  	[sflag:s12] =	ssyncadd.s32 $0xFFFFC000  }
0x49: {  	_ =	swait.ge [sflag:s12], $0x10  }
0x4a: {  	[sflag:s12] =	ssyncset.done $0x0  }
0x4b: {  	[sflag:s12] =	ssyncadd.s32 $0xFFFFFFF0  }
0x4c: {  	_ =	swait.ge [sflag:s12], $0x10  }
0x4d: {  	[sflag:s12] =	ssyncset.done $0x0  }
0x4e: {  	s2 =	rddreg [dreg:$0x3];
	[sflag:s12] =	ssyncadd.s32 $0xFFFFFFF0  }
0x4f: {  	[tilespmem:s14], [sflag:$0x2] =	stream.linear.gather [hbm4b:s2+s1], $0x4000, $0x38;
	[tilespmem:$0x14200] =	vst v63  }
0x50: {  	s20 =	rddreg [dreg:$0x4]  }
0x51: {  	[tilespmem:s15], [sflag:$0x2] =	stream.linear.gather [hbm4b:s20+s1], $0x4000, $0x38;
	[tilespmem:$0x14200] =	vst v63  }
0x52: {  	_ = 	snop  }
0x53: {  	[tilespmem:s17], [sflag:$0x2] =	stream.linear.gather [hbm4b:s4+s1], $0x10, $0x38;
	[tilespmem:$0x14200] =	vst v63  }
0x54: {  	s31 =	rddreg [dreg:$0x16]  }
0x55: {  	[tilespmem:s18], [sflag:$0x2] =	stream.linear.gather [hbm4b:s31+s1], $0x10, $0x38;
	[tilespmem:$0x14200] =	vst v63  }
0x56: {  	v2 =	vld [tilespmem:$0x10000]  }
0x57: {  	v3 =	vld [tilespmem:$0x10010];
	_ =	sdelay $0x3  }
0x58: {  	(v2sf) =	vpush v2, $0x0  }
0x59: {  	(v2sf) =	vpush v3, $0xF;
	_ =	sdelay $0xd  }
0x5a: {  	s30 =	spop (v2sf)  }
0x5b: {  	s29 =	spop (v2sf)  }
0x5c: {  	p0 =	sne.s32 s30, s29  }
.Ltmp2:
0x5d: {  	_ = 	snop;
	(pc) =	sbr.rel @p0 .LBB2_5-.Ltmp2, $1  }
0x5e: {  	_ =	sdelay $0x3  }
0x5f: {  	s2 =	simm.s32 $0x40  }
0x60: {  	s0 =	simm.s32 $0x8040;
	v4 =	vld [tilespmem:s2+$0xFFFFFFC0]  }
0x61: {  	v9 =	vld [tilespmem:s0+$0xFFFFFFC0]  }
0x62: {  	v10 =	vld [tilespmem:s2+$0xFFFFFFD0]  }
0x63: {  	v11 =	vld [tilespmem:s0+$0xFFFFFFD0]  }
0x64: {  	v12 =	vld [tilespmem:s2+$0xFFFFFFE0]  }
0x65: {  	v15 =	vld [tilespmem:s0+$0xFFFFFFE0]  }
0x66: {  	v7 =	vld [tilespmem:s2+$0xFFFFFFF0]  }
0x67: {  	v5 =	vld [tilespmem:s0+$0xFFFFFFF0];
	v3 =	vmul.f32 v4, v4;
	v8 =	vmul.f32 v9, v9  }
0x68: {  	v6 =	vld [tilespmem:s2+$0x0];
	v13 =	vmul.f32 v10, v10;
	v14 =	vmul.f32 v11, v11  }
0x69: {  	v17 =	vmul.f32 v12, v12;
	v16 =	vadd.f32 v8, v3;
	v3 =	vld [tilespmem:s0+$0x0]  }
0x6a: {  	v18 =	vadd.f32 v4, v1;
	v13 =	vadd.f32 v14, v13;
	v14 =	vmul.f32 v15, v15;
	v8 =	vld [tilespmem:s2+$0x10]  }
0x6b: {  	v19 =	vadd.f32 v9, v1;
	v20 =	vmul.f32 v7, v7;
	v4 =	vld [tilespmem:s0+$0x10];
	v16 =	vadd.f32 v16, v1  }
0x6c: {  	v9 =	vld [tilespmem:s2+$0x20];
	v18 =	vadd.f32 v10, v18;
	v21 =	vadd.f32 v14, v17;
	v17 =	vmul.f32 v5, v5  }
0x6d: {  	v22 =	vadd.f32 v11, v19;
	v10 =	vld [tilespmem:s0+$0x20];
	v14 =	vmul.f32 v6, v6;
	v23 =	vadd.f32 v13, v16  }
0x6e: {  	v11 =	vld [tilespmem:s2+$0x30];
	v16 =	vadd.f32 v12, v18;
	v13 =	vadd.f32 v17, v20;
	v19 =	vmul.f32 v3, v3  }
0x6f: {  	s20 =	simm.s32 $0xC0;
	s2 =	simm.s32 $0x0;
	v17 =	vadd.f32 v15, v22;
	v12 =	vld [tilespmem:s0+$0x30];
	v15 =	vmul.f32 v8, v8;
	v18 =	vadd.f32 v21, v23  }
.LBB2_3:
0x70: {  	v20 =	vld [tilespmem:s20+$0xFFFFFFC0];
	v7 =	vadd.f32 v7, v16;
	v14 =	vadd.f32 v19, v14;
	v16 =	vmul.f32 v4, v4;
	s0 =	sadd.s32 $0x80, s0  }
0x71: {  	v19 =	vld [tilespmem:s0+$0xFFFFFFC0];
	v5 =	vadd.f32 v5, v17;
	v13 =	vadd.f32 v13, v18;
	v17 =	vmul.f32 v9, v9  }
0x72: {  	s2 =	sadd.s32 $0x8, s2;
	v18 =	vld [tilespmem:s20+$0xFFFFFFD0];
	v6 =	vadd.f32 v6, v7;
	v7 =	vadd.f32 v16, v15;
	v15 =	vmul.f32 v10, v10  }
0x73: {  	p0 =	slt.u32 s2, $0x3F8;
	v16 =	vld [tilespmem:s0+$0xFFFFFFD0];
	v3 =	vadd.f32 v3, v5;
	v5 =	vadd.f32 v14, v13;
	v13 =	vmul.f32 v11, v11  }
0x74: {  	v21 =	vld [tilespmem:s20+$0xFFFFFFE0];
	v6 =	vadd.f32 v8, v6;
	v8 =	vadd.f32 v15, v17;
	v14 =	vmul.f32 v12, v12  }
0x75: {  	v15 =	vmul.f32 v20, v20;
	v17 =	vld [tilespmem:s0+$0xFFFFFFE0];
	v3 =	vadd.f32 v4, v3;
	v4 =	vadd.f32 v7, v5  }
0x76: {  	v22 =	vmul.f32 v19, v19;
	v7 =	vld [tilespmem:s20+$0xFFFFFFF0];
	v9 =	vadd.f32 v9, v6;
	v13 =	vadd.f32 v14, v13  }
0x77: {  	v14 =	vmul.f32 v18, v18;
	v5 =	vld [tilespmem:s0+$0xFFFFFFF0];
	v10 =	vadd.f32 v10, v3;
	v4 =	vadd.f32 v8, v4  }
0x78: {  	v15 =	vadd.f32 v22, v15;
	v8 =	vmul.f32 v16, v16;
	v6 =	vld [tilespmem:s20+$0x0];
	v9 =	vadd.f32 v11, v9  }
0x79: {  	v11 =	vmul.f32 v21, v21;
	v3 =	vld [tilespmem:s0+$0x0];
	v10 =	vadd.f32 v12, v10;
	v4 =	vadd.f32 v13, v4  }
0x7a: {  	v9 =	vadd.f32 v20, v9;
	v12 =	vadd.f32 v8, v14;
	v13 =	vmul.f32 v17, v17;
	v8 =	vld [tilespmem:s20+$0x10]  }
.Ltmp3:
0x7b: {  	v10 =	vadd.f32 v19, v10;
	v14 =	vadd.f32 v15, v4;
	v15 =	vmul.f32 v7, v7;
	v4 =	vld [tilespmem:s0+$0x10];
	(pc) =	sbr.rel @p0 .LBB2_3-.Ltmp3, $4  }
0x7c: {  	v18 =	vadd.f32 v18, v9;
	v20 =	vadd.f32 v13, v11;
	v11 =	vmul.f32 v5, v5;
	v9 =	vld [tilespmem:s20+$0x20]  }
0x7d: {  	v22 =	vadd.f32 v16, v10;
	v12 =	vadd.f32 v12, v14;
	v14 =	vmul.f32 v6, v6;
	v10 =	vld [tilespmem:s0+$0x20]  }
0x7e: {  	v16 =	vadd.f32 v21, v18;
	v13 =	vadd.f32 v11, v15;
	v19 =	vmul.f32 v3, v3;
	v11 =	vld [tilespmem:s20+$0x30]  }
0x7f: {  	s20 =	sadd.s32 $0x80, s20;
	v17 =	vadd.f32 v17, v22;
	v18 =	vadd.f32 v20, v12;
	v15 =	vmul.f32 v8, v8;
	v12 =	vld [tilespmem:s0+$0x30]  }
0x80: {  	v7 =	vadd.f32 v7, v16;
	v14 =	vadd.f32 v19, v14  }
0x81: {  	v50 =	vmul.f32 v4, v4;
	v2 =	vbroadcast v2, $0x0;
	v5 =	vadd.f32 v5, v17  }
0x82: {  	v13 =	vadd.f32 v13, v18;
	v51 =	vmul.f32 v9, v9;
	v6 =	vadd.f32 v6, v7  }
0x83: {  	v52 =	vadd.f32 v50, v15;
	v53 =	vmul.f32 v10, v10;
	v3 =	vadd.f32 v3, v5  }
0x84: {  	v54 =	vadd.f32 v14, v13;
	v55 =	vmul.f32 v11, v11;
	v6 =	vadd.f32 v8, v6  }
0x85: {  	v56 =	vadd.f32 v53, v51;
	v57 =	vmul.f32 v12, v12;
	v3 =	vadd.f32 v4, v3  }
0x86: {  	v60 =	vadd.s32 $0x40, v2;
	v58 =	vadd.f32 v52, v54;
	v59 =	vadd.f32 v9, v6  }
0x87: {  	v62 =	vadd.s32 $0x80, v2;
	v61 =	vadd.f32 v57, v55;
	v3 =	vadd.f32 v10, v3  }
0x88: {  	v63 =	vadd.s32 $0xC0, v2;
	v4 =	vadd.f32 v56, v58;
	v5 =	vadd.f32 v11, v59  }
.Ltmp4:
0x89: {  	v3 =	vadd.f32 v12, v3;
	(pc) =	sbr.rel .LBB2_9-.Ltmp4, $4  }
0x8a: {  	v4 =	vadd.f32 v61, v4;
	[tilespmem:v2+s21+$0x0] =	vst.idx.add.f32.msk $0xffff, v5  }
0x8b: {  	[tilespmem:v60+s21+$0x0] =	vst.idx.add.f32.msk $0xffff, v3  }
0x8c: {  	[tilespmem:v62+s21+$0x0] =	vst.idx.add.f32.msk $0xffff, v4  }
0x8d: {  	[tilespmem:v63+s21+$0x0] =	vst.idx.add.f32.msk $0xffff, v0  }
.LBB2_5:
0x8e: {  	s0 =	sadd.s32 $0x1, s29  }
0x8f: {  	p0 =	sge.s32 s30, s0  }
.Ltmp5:
0x90: {  	_ = 	snop;
	(pc) =	sbr.rel @p0 .LBB2_9-.Ltmp5, $4  }
0x91: {  	[tilespmem:s25], [sflag:$0x3] =	stream.linear.gather [hbm4b:s23+s1], $0x4000, $0x38;
	[tilespmem:$0x14200] =	vst v63  }
0x92: {  	_ =	swait.ge [sflag:s24], $0x4000  }
0x93: {  	[sflag:s24] =	ssyncset.done $0x0  }
0x94: {  	[sflag:s24] =	ssyncadd.s32 $0xFFFFC000  }
.LBB2_6:
0x95: {  	s0 =	simm.s32 $0x10140  }
0x96: {  	v3 =	vld [tilespmem:s0+$0x30]  }
0x97: {  	s31 =	simm.s32 $0x40;
	v4 =	vld [tilespmem:s0+$0x20]  }
0x98: {  	v6 =	vld [tilespmem:s31+$0x30]  }
0x99: {  	s20 =	simm.s32 $0x8040;
	v5 =	vld [tilespmem:s0+$0x10]  }
0x9a: {  	v7 =	vld [tilespmem:s20+$0x30]  }
0x9b: {  	v8 =	vld [tilespmem:s0+$0x0]  }
0x9c: {  	v9 =	vld [tilespmem:s31+$0x20]  }
0x9d: {  	v10 =	vld [tilespmem:s0+$0xFFFFFFF0]  }
0x9e: {  	v11 =	vld [tilespmem:s20+$0x20]  }
0x9f: {  	v13 =	vld [tilespmem:s0+$0xFFFFFFE0]  }
0xa0: {  	v14 =	vld [tilespmem:s31+$0x10]  }
0xa1: {  	v15 =	vld [tilespmem:s0+$0xFFFFFFD0]  }
0xa2: {  	v16 =	vld [tilespmem:s20+$0x10]  }
0xa3: {  	v17 =	vld [tilespmem:s0+$0xFFFFFFC0]  }
0xa4: {  	v18 =	vld [tilespmem:s31+$0x0]  }
0xa5: {  	v2 =	vmov s30;
	v20 =	vld [tilespmem:s31+$0xFFFFFFF0]  }
0xa6: {  	v12 =	vimm.f32 $0.0e+00;
	v21 =	vld [tilespmem:s20+$0xFFFFFFF0];
	vm0 =	veq.s32 v3, v2;
	vm3 =	veq.s32 v4, v2  }
0xa7: {  	v19 =	vld [tilespmem:s20+$0x0];
	vm2 =	veq.s32 v5, v2;
	vm4 =	veq.s32 v8, v2;
	vm1 =	veq.s32 v10, v2  }
0xa8: {  	v24 =	vld [tilespmem:s31+$0xFFFFFFD0];
	vm5 =	veq.s32 v13, v2;
	vm6 =	veq.s32 v15, v2;
	vm7 =	veq.s32 v17, v2  }
0xa9: {  	v28 =	vld [tilespmem:s20+$0xFFFFFFC0];
	v5 =	vnsel vm3, $0x0, v9;
	v4 =	vnsel vm0, $0x0, v6;
	v3 =	vnsel vm0, $0x0, v7  }
0xaa: {  	v15 =	vld [tilespmem:s31+$0xFFFFFFE0];
	v7 =	vnsel vm2, $0x0, v14;
	v8 =	vnsel vm2, $0x0, v16;
	v6 =	vnsel vm3, $0x0, v11  }
0xab: {  	v17 =	vld [tilespmem:s20+$0xFFFFFFE0];
	v11 =	vnsel vm1, $0x0, v20;
	v13 =	vnsel vm1, $0x0, v21;
	v21 =	vmul.f32 v4, v4  }
0xac: {  	v16 =	vld [tilespmem:s20+$0xFFFFFFD0];
	v9 =	vnsel vm4, $0x0, v18;
	v22 =	vmul.f32 v3, v3;
	v26 =	vmul.f32 v5, v5  }
0xad: {  	v10 =	vnsel vm4, $0x0, v19;
	v18 =	vld [tilespmem:s31+$0xFFFFFFC0];
	v27 =	vmul.f32 v6, v6;
	v23 =	vmul.f32 v7, v7  }
0xae: {  	v19 =	vnsel vm6, $0x0, v24;
	v25 =	vmul.f32 v8, v8;
	v30 =	vmul.f32 v9, v9  }
0xaf: {  	v28 =	vnsel vm7, $0x0, v28;
	v32 =	vmul.f32 v10, v10;
	v29 =	vmul.f32 v11, v11  }
0xb0: {  	v31 =	vmul.f32 v13, v13;
	v33 =	vmul.f32 v19, v19;
	v14 =	vnsel vm5, $0x0, v15  }
0xb1: {  	v15 =	vnsel vm5, $0x0, v17;
	v17 =	vimm.f32 $0.0e+00;
	v20 =	vnsel vm6, $0x0, v16  }
0xb2: {  	v24 =	vnsel vm7, $0x0, v18;
	v35 =	vmul.f32 v14, v14;
	v36 =	vmul.f32 v15, v15  }
0xb3: {  	s2 =	simm.s32 $0x101C0;
	s0 =	simm.s32 $0x0;
	v18 =	vimm.f32 $0.0e+00;
	v16 =	vimm.f32 $0.0e+00;
	v34 =	vmul.f32 v20, v20  }
.LBB2_7:
0xb4: {  	v38 =	vmul.f32 v24, v24;
	v26 =	vadd.f32 v27, v26;
	v21 =	vadd.f32 v22, v21  }
0xb5: {  	v37 =	vld [tilespmem:s2+$0x30];
	vm8 =	vmmov vm0;
	vm9 =	vmmov vm3;
	vm10 =	vmmov vm2  }
0xb6: {  	v22 =	vmul.f32 v28, v28;
	v27 =	vadd.f32 v32, v30;
	v23 =	vadd.f32 v25, v23  }
0xb7: {  	v30 =	vadd.f32 v36, v35;
	v29 =	vadd.f32 v31, v29;
	s31 =	sadd.s32 $0x80, s31;
	vm11 =	vmmov vm4;
	v25 =	vld [tilespmem:s2+$0x20]  }
0xb8: {  	v32 =	vadd.f32 v34, v33;
	v22 =	vadd.f32 v22, v38;
	v31 =	vld [tilespmem:s31+$0x30]  }
0xb9: {  	v12 =	vadd.f32 v24, v12;
	v18 =	vadd.f32 v28, v18;
	v24 =	vsel vm7, $0x3F800000, v1;
	s20 =	sadd.s32 $0x80, s20;
	v33 =	vld [tilespmem:s2+$0x10]  }
0xba: {  	v17 =	vadd.f32 v24, v17;
	v16 =	vadd.f32 v22, v16;
	vm0 =	veq.s32 v37, v2;
	v28 =	vld [tilespmem:s20+$0x30]  }
0xbb: {  	v12 =	vadd.f32 v19, v12;
	v18 =	vadd.f32 v20, v18;
	v19 =	vsel vm6, $0x3F800000, v1;
	v22 =	vld [tilespmem:s2+$0x0]  }
0xbc: {  	v17 =	vadd.f32 v19, v17;
	v16 =	vadd.f32 v32, v16;
	vm3 =	veq.s32 v25, v2;
	v20 =	vld [tilespmem:s31+$0x20]  }
0xbd: {  	v12 =	vadd.f32 v14, v12;
	v14 =	vadd.f32 v15, v18;
	v15 =	vsel vm5, $0x3F800000, v1;
	v19 =	vld [tilespmem:s2+$0xFFFFFFF0]  }
0xbe: {  	v15 =	vadd.f32 v15, v17;
	v16 =	vadd.f32 v30, v16;
	vm2 =	veq.s32 v33, v2;
	v24 =	vld [tilespmem:s20+$0x20]  }
0xbf: {  	v11 =	vadd.f32 v11, v12;
	v12 =	vadd.f32 v13, v14;
	v13 =	vsel vm1, $0x3F800000, v1;
	v17 =	vld [tilespmem:s2+$0xFFFFFFE0]  }
0xc0: {  	v13 =	vadd.f32 v13, v15;
	v16 =	vadd.f32 v29, v16;
	vm4 =	veq.s32 v22, v2;
	v14 =	vld [tilespmem:s31+$0x10]  }
0xc1: {  	v9 =	vadd.f32 v9, v11;
	v10 =	vadd.f32 v10, v12;
	v11 =	vsel vm11, $0x3F800000, v1;
	v15 =	vld [tilespmem:s2+$0xFFFFFFD0]  }
0xc2: {  	v11 =	vadd.f32 v11, v13;
	v12 =	vadd.f32 v27, v16;
	vm1 =	veq.s32 v19, v2;
	v19 =	vld [tilespmem:s20+$0x10]  }
0xc3: {  	v7 =	vadd.f32 v7, v9;
	v8 =	vadd.f32 v8, v10;
	v9 =	vsel vm10, $0x3F800000, v1;
	v13 =	vld [tilespmem:s2+$0xFFFFFFC0]  }
0xc4: {  	v9 =	vadd.f32 v9, v11;
	v12 =	vadd.f32 v23, v12;
	vm5 =	veq.s32 v17, v2;
	v10 =	vld [tilespmem:s31+$0x0]  }
0xc5: {  	v5 =	vadd.f32 v5, v7;
	v6 =	vadd.f32 v6, v8;
	v7 =	vsel vm9, $0x3F800000, v1;
	v22 =	vld [tilespmem:s20+$0x0]  }
0xc6: {  	v7 =	vadd.f32 v7, v9;
	v8 =	vadd.f32 v26, v12;
	vm6 =	veq.s32 v15, v2;
	v11 =	vld [tilespmem:s31+$0xFFFFFFF0]  }
0xc7: {  	v18 =	vadd.f32 v3, v6;
	v3 =	vsel vm8, $0x3F800000, v1;
	v12 =	vadd.f32 v4, v5;
	v15 =	vld [tilespmem:s20+$0xFFFFFFF0]  }
0xc8: {  	v17 =	vadd.f32 v3, v7;
	v16 =	vadd.f32 v21, v8;
	vm7 =	veq.s32 v13, v2;
	v23 =	vld [tilespmem:s31+$0xFFFFFFE0]  }
0xc9: {  	v3 =	vnsel vm0, $0x0, v28;
	v5 =	vnsel vm3, $0x0, v20;
	v4 =	vnsel vm0, $0x0, v31;
	v25 =	vld [tilespmem:s20+$0xFFFFFFE0]  }
0xca: {  	v6 =	vnsel vm3, $0x0, v24;
	v7 =	vnsel vm2, $0x0, v14;
	v8 =	vnsel vm2, $0x0, v19;
	v20 =	vld [tilespmem:s31+$0xFFFFFFD0]  }
0xcb: {  	v9 =	vnsel vm4, $0x0, v10;
	v10 =	vnsel vm4, $0x0, v22;
	v24 =	vld [tilespmem:s20+$0xFFFFFFD0];
	v11 =	vnsel vm1, $0x0, v11  }
0xcc: {  	s0 =	sadd.s32 $0x8, s0;
	v21 =	vmul.f32 v4, v4;
	v22 =	vmul.f32 v3, v3;
	v28 =	vld [tilespmem:s31+$0xFFFFFFC0];
	v13 =	vnsel vm1, $0x0, v15  }
0xcd: {  	p0 =	slt.u32 s0, $0x3F8;
	v27 =	vmul.f32 v6, v6;
	v26 =	vmul.f32 v5, v5;
	v33 =	vld [tilespmem:s20+$0xFFFFFFC0];
	v14 =	vnsel vm5, $0x0, v23  }
.Ltmp6:
0xce: {  	v23 =	vmul.f32 v7, v7;
	v15 =	vnsel vm5, $0x0, v25;
	v25 =	vmul.f32 v8, v8;
	(pc) =	sbr.rel @p0 .LBB2_7-.Ltmp6, $4  }
0xcf: {  	v30 =	vmul.f32 v9, v9;
	v32 =	vmul.f32 v10, v10;
	v19 =	vnsel vm6, $0x0, v20  }
0xd0: {  	v29 =	vmul.f32 v11, v11;
	v31 =	vmul.f32 v13, v13;
	v20 =	vnsel vm6, $0x0, v24  }
0xd1: {  	v35 =	vmul.f32 v14, v14;
	v36 =	vmul.f32 v15, v15;
	v24 =	vnsel vm7, $0x0, v28  }
0xd2: {  	s2 =	sadd.s32 $0x80, s2;
	v34 =	vmul.f32 v20, v20;
	v28 =	vnsel vm7, $0x0, v33;
	v33 =	vmul.f32 v19, v19  }
0xd3: {  	v37 =	vmul.f32 v24, v24;
	v26 =	vadd.f32 v27, v26;
	v21 =	vadd.f32 v22, v21  }
0xd4: {  	v43 =	vmul.f32 v28, v28;
	v44 =	vadd.f32 v32, v30;
	v23 =	vadd.f32 v25, v23  }
0xd5: {  	v45 =	vadd.f32 v36, v35;
	v29 =	vadd.f32 v31, v29  }
0xd6: {  	v12 =	vadd.f32 v24, v12;
	v22 =	vadd.f32 v43, v37  }
0xd7: {  	v18 =	vadd.f32 v28, v18;
	v46 =	vadd.f32 v34, v33  }
0xd8: {  	v47 =	vsel vm7, $0x3F800000, v1;
	v12 =	vadd.f32 v19, v12;
	v16 =	vadd.f32 v22, v16  }
0xd9: {  	v48 =	vsel vm6, $0x3F800000, v1;
	v17 =	vadd.f32 v47, v17;
	v18 =	vadd.f32 v20, v18  }
0xda: {  	v50 =	vsel vm5, $0x3F800000, v1;
	v12 =	vadd.f32 v14, v12;
	v16 =	vadd.f32 v46, v16  }
0xdb: {  	vm3 =	vmmov vm3;
	v17 =	vadd.f32 v48, v17;
	v49 =	vadd.f32 v15, v18  }
0xdc: {  	v52 =	vsel vm1, $0x3F800000, v1;
	v11 =	vadd.f32 v11, v12;
	v16 =	vadd.f32 v45, v16  }
0xdd: {  	vm14 =	vmmov vm4;
	v15 =	vadd.f32 v50, v17;
	v51 =	vadd.f32 v13, v49  }
0xde: {  	vm15 =	vmmov vm2;
	v9 =	vadd.f32 v9, v11;
	v53 =	vadd.f32 v29, v16  }
0xdf: {  	v58 =	vadd.s32 $0x40, v2;
	v13 =	vadd.f32 v52, v15;
	v10 =	vadd.f32 v10, v51  }
0xe0: {  	v54 =	vsel vm14, $0x3F800000, v1;
	v7 =	vadd.f32 v7, v9;
	v55 =	vadd.f32 v44, v53  }
0xe1: {  	v60 =	vadd.s32 $0x80, v2;
	v11 =	vadd.f32 v54, v13;
	v8 =	vadd.f32 v8, v10  }
0xe2: {  	v56 =	vsel vm15, $0x3F800000, v1;
	v5 =	vadd.f32 v5, v7;
	v57 =	vadd.f32 v23, v55  }
0xe3: {  	v61 =	vadd.s32 $0xC0, v2;
	v9 =	vadd.f32 v56, v11;
	v6 =	vadd.f32 v6, v8  }
0xe4: {  	p0 =	sne.s32 s30, s29;
	v59 =	vsel vm3, $0x3F800000, v1;
	v4 =	vadd.f32 v4, v5;
	v10 =	vadd.f32 v26, v57  }
.Ltmp7:
0xe5: {  	vm0 =	vmmov vm0;
	v8 =	vadd.f32 v59, v9;
	v3 =	vadd.f32 v3, v6;
	(pc) =	sbr.rel @p0 .LBB2_6-.Ltmp7, $4  }
0xe6: {  	v62 =	vsel vm0, $0x3F800000, v1;
	[tilespmem:v2+s21+$0x0] =	vst.idx.add.f32.msk $0xffff, v4;
	v63 =	vadd.f32 v21, v10  }
0xe7: {  	v2 =	vadd.f32 v62, v8;
	[tilespmem:v58+s21+$0x0] =	vst.idx.add.f32.msk $0xffff, v3  }
0xe8: {  	s0 =	sadd.s32 $0x1, s30;
	[tilespmem:v60+s21+$0x0] =	vst.idx.add.f32.msk $0xffff, v63  }
0xe9: {  	s30 =	smov.u32 s0;
	[tilespmem:v61+s21+$0x0] =	vst.idx.add.f32.msk $0xffff, v2  }
.LBB2_9:
0xea: {  	_ =	swait.ge [sflag:s22], $0x4000  }
0xeb: {  	[sflag:s22] =	ssyncset.done $0x0  }
0xec: {  	[sflag:s22] =	ssyncadd.s32 $0xFFFFC000  }
0xed: {  	_ =	swait.ge [sflag:s22], $0x4000  }
0xee: {  	[sflag:s22] =	ssyncset.done $0x0  }
0xef: {  	[sflag:s22] =	ssyncadd.s32 $0xFFFFC000  }
0xf0: {  	_ =	swait.ge [sflag:s22], $0x10  }
0xf1: {  	[sflag:s22] =	ssyncset.done $0x0  }
0xf2: {  	[sflag:s22] =	ssyncadd.s32 $0xFFFFFFF0  }
0xf3: {  	_ =	swait.ge [sflag:s22], $0x10  }
0xf4: {  	[sflag:s22] =	ssyncset.done $0x0  }
0xf5: {  	s0 =	rddreg [dreg:$0x5];
	[sflag:s22] =	ssyncadd.s32 $0xFFFFFFF0  }
0xf6: {  	[tilespmem:s1], [sflag:$0x1] =	stream.linear.gather [hbm4b:s0+s1], $0x4000, $0x38;
	[tilespmem:$0x14200] =	vst v63  }
0xf7: {  	s20 =	rddreg [dreg:$0x6]  }
0xf8: {  	[tilespmem:s8], [sflag:$0x1] =	stream.linear.gather [hbm4b:s20+s1], $0x4000, $0x38;
	[tilespmem:$0x14200] =	vst v63  }
0xf9: {  	_ = 	snop  }
0xfa: {  	[tilespmem:s9], [sflag:$0x1] =	stream.linear.gather [hbm4b:s7+s1], $0x10, $0x38;
	[tilespmem:$0x14200] =	vst v63  }
0xfb: {  	s31 =	rddreg [dreg:$0x17]  }
0xfc: {  	[tilespmem:s11], [sflag:$0x1] =	stream.linear.gather [hbm4b:s31+s1], $0x10, $0x38;
	[tilespmem:$0x14200] =	vst v63  }
0xfd: {  	v2 =	vld [tilespmem:$0x10080]  }
0xfe: {  	v3 =	vld [tilespmem:$0x10090];
	_ =	sdelay $0x3  }
0xff: {  	(v2sf) =	vpush v2, $0x0  }
0x100: {  	(v2sf) =	vpush v3, $0xF;
	_ =	sdelay $0xd  }
0x101: {  	s30 =	spop (v2sf)  }
0x102: {  	s29 =	spop (v2sf)  }
0x103: {  	p0 =	sne.s32 s30, s29  }
.Ltmp8:
0x104: {  	_ = 	snop;
	(pc) =	sbr.rel @p0 .LBB2_13-.Ltmp8, $1  }
0x105: {  	_ =	sdelay $0x3  }
0x106: {  	s2 =	simm.s32 $0x4040  }
0x107: {  	s0 =	simm.s32 $0xC040;
	v7 =	vld [tilespmem:s2+$0xFFFFFFC0]  }
0x108: {  	v9 =	vld [tilespmem:s0+$0xFFFFFFC0]  }
0x109: {  	v10 =	vld [tilespmem:s2+$0xFFFFFFD0]  }
0x10a: {  	v11 =	vld [tilespmem:s0+$0xFFFFFFD0]  }
0x10b: {  	v12 =	vld [tilespmem:s2+$0xFFFFFFE0]  }
0x10c: {  	v4 =	vld [tilespmem:s0+$0xFFFFFFF0]  }
0x10d: {  	v15 =	vld [tilespmem:s0+$0xFFFFFFE0]  }
0x10e: {  	v6 =	vld [tilespmem:s2+$0xFFFFFFF0];
	v3 =	vmul.f32 v7, v7;
	v8 =	vmul.f32 v9, v9  }
0x10f: {  	v16 =	vimm.f32 $0.0e+00;
	v5 =	vld [tilespmem:s2+$0x0];
	v13 =	vmul.f32 v10, v10  }
0x110: {  	v14 =	vmul.f32 v11, v11;
	v18 =	vmul.f32 v12, v12;
	v17 =	vadd.f32 v8, v3;
	v3 =	vld [tilespmem:s0+$0x0]  }
0x111: {  	v19 =	vadd.f32 v7, v16;
	v20 =	vadd.f32 v9, v16;
	v21 =	vmul.f32 v4, v4;
	v8 =	vld [tilespmem:s2+$0x10]  }
0x112: {  	v7 =	vld [tilespmem:s0+$0x10];
	v13 =	vadd.f32 v14, v13;
	v14 =	vmul.f32 v15, v15;
	v16 =	vadd.f32 v17, v16  }
0x113: {  	v9 =	vld [tilespmem:s2+$0x20];
	v19 =	vadd.f32 v10, v19;
	v20 =	vadd.f32 v11, v20;
	v17 =	vmul.f32 v6, v6  }
0x114: {  	v10 =	vld [tilespmem:s0+$0x20];
	v18 =	vadd.f32 v14, v18;
	v14 =	vmul.f32 v5, v5;
	v22 =	vadd.f32 v13, v16  }
0x115: {  	v11 =	vld [tilespmem:s2+$0x30];
	v16 =	vadd.f32 v12, v19;
	v13 =	vadd.f32 v21, v17;
	v19 =	vmul.f32 v3, v3  }
0x116: {  	s20 =	simm.s32 $0x40C0;
	s2 =	simm.s32 $0x0;
	v17 =	vadd.f32 v15, v20;
	v12 =	vld [tilespmem:s0+$0x30];
	v15 =	vmul.f32 v8, v8;
	v18 =	vadd.f32 v18, v22  }
.LBB2_11:
0x117: {  	v20 =	vld [tilespmem:s20+$0xFFFFFFC0];
	v6 =	vadd.f32 v6, v16;
	v14 =	vadd.f32 v19, v14;
	v16 =	vmul.f32 v7, v7;
	s0 =	sadd.s32 $0x80, s0  }
0x118: {  	v19 =	vld [tilespmem:s0+$0xFFFFFFC0];
	v4 =	vadd.f32 v4, v17;
	v13 =	vadd.f32 v13, v18;
	v17 =	vmul.f32 v9, v9  }
0x119: {  	s2 =	sadd.s32 $0x8, s2;
	v18 =	vld [tilespmem:s20+$0xFFFFFFD0];
	v5 =	vadd.f32 v5, v6;
	v6 =	vadd.f32 v16, v15;
	v15 =	vmul.f32 v10, v10  }
0x11a: {  	p0 =	slt.u32 s2, $0x3F8;
	v16 =	vld [tilespmem:s0+$0xFFFFFFD0];
	v3 =	vadd.f32 v3, v4;
	v4 =	vadd.f32 v14, v13;
	v13 =	vmul.f32 v11, v11  }
0x11b: {  	v21 =	vld [tilespmem:s20+$0xFFFFFFE0];
	v5 =	vadd.f32 v8, v5;
	v8 =	vadd.f32 v15, v17;
	v14 =	vmul.f32 v12, v12  }
0x11c: {  	v15 =	vmul.f32 v20, v20;
	v17 =	vld [tilespmem:s0+$0xFFFFFFE0];
	v3 =	vadd.f32 v7, v3;
	v7 =	vadd.f32 v6, v4  }
0x11d: {  	v22 =	vmul.f32 v19, v19;
	v6 =	vld [tilespmem:s20+$0xFFFFFFF0];
	v9 =	vadd.f32 v9, v5;
	v13 =	vadd.f32 v14, v13  }
0x11e: {  	v14 =	vmul.f32 v18, v18;
	v4 =	vld [tilespmem:s0+$0xFFFFFFF0];
	v10 =	vadd.f32 v10, v3;
	v7 =	vadd.f32 v8, v7  }
0x11f: {  	v15 =	vadd.f32 v22, v15;
	v8 =	vmul.f32 v16, v16;
	v5 =	vld [tilespmem:s20+$0x0];
	v9 =	vadd.f32 v11, v9  }
0x120: {  	v11 =	vmul.f32 v21, v21;
	v3 =	vld [tilespmem:s0+$0x0];
	v10 =	vadd.f32 v12, v10;
	v7 =	vadd.f32 v13, v7  }
0x121: {  	v9 =	vadd.f32 v20, v9;
	v12 =	vadd.f32 v8, v14;
	v13 =	vmul.f32 v17, v17;
	v8 =	vld [tilespmem:s20+$0x10]  }
.Ltmp9:
0x122: {  	v10 =	vadd.f32 v19, v10;
	v14 =	vadd.f32 v15, v7;
	v15 =	vmul.f32 v6, v6;
	v7 =	vld [tilespmem:s0+$0x10];
	(pc) =	sbr.rel @p0 .LBB2_11-.Ltmp9, $4  }
0x123: {  	v18 =	vadd.f32 v18, v9;
	v20 =	vadd.f32 v13, v11;
	v11 =	vmul.f32 v4, v4;
	v9 =	vld [tilespmem:s20+$0x20]  }
0x124: {  	v22 =	vadd.f32 v16, v10;
	v12 =	vadd.f32 v12, v14;
	v14 =	vmul.f32 v5, v5;
	v10 =	vld [tilespmem:s0+$0x20]  }
0x125: {  	v16 =	vadd.f32 v21, v18;
	v13 =	vadd.f32 v11, v15;
	v19 =	vmul.f32 v3, v3;
	v11 =	vld [tilespmem:s20+$0x30]  }
0x126: {  	s20 =	sadd.s32 $0x80, s20;
	v17 =	vadd.f32 v17, v22;
	v18 =	vadd.f32 v20, v12;
	v15 =	vmul.f32 v8, v8;
	v12 =	vld [tilespmem:s0+$0x30]  }
0x127: {  	v6 =	vadd.f32 v6, v16;
	v14 =	vadd.f32 v19, v14  }
0x128: {  	v52 =	vmul.f32 v7, v7;
	v2 =	vbroadcast v2, $0x0;
	v4 =	vadd.f32 v4, v17  }
0x129: {  	v13 =	vadd.f32 v13, v18;
	v53 =	vmul.f32 v9, v9;
	v5 =	vadd.f32 v5, v6  }
0x12a: {  	v54 =	vadd.f32 v52, v15;
	v55 =	vmul.f32 v10, v10;
	v3 =	vadd.f32 v3, v4  }
0x12b: {  	v56 =	vadd.f32 v14, v13;
	v57 =	vmul.f32 v11, v11;
	v5 =	vadd.f32 v8, v5  }
0x12c: {  	v58 =	vadd.f32 v55, v53;
	v59 =	vmul.f32 v12, v12;
	v3 =	vadd.f32 v7, v3  }
0x12d: {  	v60 =	vadd.s32 $0x40, v2;
	v4 =	vadd.f32 v54, v56;
	v5 =	vadd.f32 v9, v5  }
0x12e: {  	v62 =	vadd.s32 $0x80, v2;
	v61 =	vadd.f32 v59, v57;
	v3 =	vadd.f32 v10, v3  }
0x12f: {  	v63 =	vadd.s32 $0xC0, v2;
	v4 =	vadd.f32 v58, v4;
	v5 =	vadd.f32 v11, v5  }
.Ltmp10:
0x130: {  	v3 =	vadd.f32 v12, v3;
	(pc) =	sbr.rel .LBB2_17-.Ltmp10, $4  }
0x131: {  	v4 =	vadd.f32 v61, v4;
	[tilespmem:v2+s21+$0x0] =	vst.idx.add.f32.msk $0xffff, v5  }
0x132: {  	[tilespmem:v60+s21+$0x0] =	vst.idx.add.f32.msk $0xffff, v3  }
0x133: {  	[tilespmem:v62+s21+$0x0] =	vst.idx.add.f32.msk $0xffff, v4  }
0x134: {  	[tilespmem:v63+s21+$0x0] =	vst.idx.add.f32.msk $0xffff, v0  }
.LBB2_13:
0x135: {  	s0 =	sadd.s32 $0x1, s29  }
0x136: {  	p0 =	sge.s32 s30, s0  }
.Ltmp11:
0x137: {  	_ = 	snop;
	(pc) =	sbr.rel @p0 .LBB2_17-.Ltmp11, $4  }
0x138: {  	[tilespmem:s25], [sflag:$0x3] =	stream.linear.gather [hbm4b:s4+s1], $0x4000, $0x38;
	[tilespmem:$0x14200] =	vst v63  }
0x139: {  	_ =	swait.ge [sflag:s24], $0x4000  }
0x13a: {  	[sflag:s24] =	ssyncset.done $0x0  }
0x13b: {  	[sflag:s24] =	ssyncadd.s32 $0xFFFFC000  }
.LBB2_14:
0x13c: {  	s0 =	simm.s32 $0x10140  }
0x13d: {  	v3 =	vld [tilespmem:s0+$0x30]  }
0x13e: {  	s31 =	simm.s32 $0x4040;
	v4 =	vld [tilespmem:s0+$0x20]  }
0x13f: {  	v6 =	vld [tilespmem:s31+$0x30]  }
0x140: {  	s20 =	simm.s32 $0xC040;
	v5 =	vld [tilespmem:s0+$0x10]  }
0x141: {  	v7 =	vld [tilespmem:s20+$0x30]  }
0x142: {  	v8 =	vld [tilespmem:s0+$0x0]  }
0x143: {  	v9 =	vld [tilespmem:s31+$0x20]  }
0x144: {  	v10 =	vld [tilespmem:s0+$0xFFFFFFF0]  }
0x145: {  	v11 =	vld [tilespmem:s20+$0x20]  }
0x146: {  	v13 =	vld [tilespmem:s0+$0xFFFFFFE0]  }
0x147: {  	v14 =	vld [tilespmem:s31+$0x10]  }
0x148: {  	v15 =	vld [tilespmem:s0+$0xFFFFFFD0]  }
0x149: {  	v16 =	vld [tilespmem:s20+$0x10]  }
0x14a: {  	v17 =	vld [tilespmem:s0+$0xFFFFFFC0]  }
0x14b: {  	v18 =	vld [tilespmem:s31+$0x0]  }
0x14c: {  	v2 =	vmov s30;
	v20 =	vld [tilespmem:s31+$0xFFFFFFF0]  }
0x14d: {  	v12 =	vimm.f32 $0.0e+00;
	v21 =	vld [tilespmem:s20+$0xFFFFFFF0];
	vm0 =	veq.s32 v3, v2;
	vm3 =	veq.s32 v4, v2  }
0x14e: {  	v19 =	vld [tilespmem:s20+$0x0];
	vm2 =	veq.s32 v5, v2;
	vm4 =	veq.s32 v8, v2;
	vm1 =	veq.s32 v10, v2  }
0x14f: {  	v24 =	vld [tilespmem:s31+$0xFFFFFFD0];
	vm5 =	veq.s32 v13, v2;
	vm6 =	veq.s32 v15, v2;
	vm7 =	veq.s32 v17, v2  }
0x150: {  	v28 =	vld [tilespmem:s20+$0xFFFFFFC0];
	v5 =	vnsel vm3, $0x0, v9;
	v4 =	vnsel vm0, $0x0, v6;
	v3 =	vnsel vm0, $0x0, v7  }
0x151: {  	v15 =	vld [tilespmem:s31+$0xFFFFFFE0];
	v7 =	vnsel vm2, $0x0, v14;
	v8 =	vnsel vm2, $0x0, v16;
	v6 =	vnsel vm3, $0x0, v11  }
0x152: {  	v17 =	vld [tilespmem:s20+$0xFFFFFFE0];
	v11 =	vnsel vm1, $0x0, v20;
	v13 =	vnsel vm1, $0x0, v21;
	v21 =	vmul.f32 v4, v4  }
0x153: {  	v16 =	vld [tilespmem:s20+$0xFFFFFFD0];
	v9 =	vnsel vm4, $0x0, v18;
	v22 =	vmul.f32 v3, v3;
	v26 =	vmul.f32 v5, v5  }
0x154: {  	v10 =	vnsel vm4, $0x0, v19;
	v18 =	vld [tilespmem:s31+$0xFFFFFFC0];
	v27 =	vmul.f32 v6, v6;
	v23 =	vmul.f32 v7, v7  }
0x155: {  	v19 =	vnsel vm6, $0x0, v24;
	v25 =	vmul.f32 v8, v8;
	v30 =	vmul.f32 v9, v9  }
0x156: {  	v28 =	vnsel vm7, $0x0, v28;
	v32 =	vmul.f32 v10, v10;
	v29 =	vmul.f32 v11, v11  }
0x157: {  	v31 =	vmul.f32 v13, v13;
	v33 =	vmul.f32 v19, v19;
	v14 =	vnsel vm5, $0x0, v15  }
0x158: {  	v15 =	vnsel vm5, $0x0, v17;
	v17 =	vimm.f32 $0.0e+00;
	v20 =	vnsel vm6, $0x0, v16  }
0x159: {  	v24 =	vnsel vm7, $0x0, v18;
	v35 =	vmul.f32 v14, v14;
	v36 =	vmul.f32 v15, v15  }
0x15a: {  	s2 =	simm.s32 $0x101C0;
	s0 =	simm.s32 $0x0;
	v18 =	vimm.f32 $0.0e+00;
	v16 =	vimm.f32 $0.0e+00;
	v34 =	vmul.f32 v20, v20  }
.LBB2_15:
0x15b: {  	v38 =	vmul.f32 v24, v24;
	v26 =	vadd.f32 v27, v26;
	v21 =	vadd.f32 v22, v21  }
0x15c: {  	v37 =	vld [tilespmem:s2+$0x30];
	vm8 =	vmmov vm0;
	vm9 =	vmmov vm3;
	vm10 =	vmmov vm2  }
0x15d: {  	v22 =	vmul.f32 v28, v28;
	v27 =	vadd.f32 v32, v30;
	v23 =	vadd.f32 v25, v23  }
0x15e: {  	v30 =	vadd.f32 v36, v35;
	v29 =	vadd.f32 v31, v29;
	s31 =	sadd.s32 $0x80, s31;
	vm11 =	vmmov vm4;
	v25 =	vld [tilespmem:s2+$0x20]  }
0x15f: {  	v32 =	vadd.f32 v34, v33;
	v22 =	vadd.f32 v22, v38;
	v31 =	vld [tilespmem:s31+$0x30]  }
0x160: {  	v12 =	vadd.f32 v24, v12;
	v18 =	vadd.f32 v28, v18;
	v24 =	vsel vm7, $0x3F800000, v1;
	s20 =	sadd.s32 $0x80, s20;
	v33 =	vld [tilespmem:s2+$0x10]  }
0x161: {  	v17 =	vadd.f32 v24, v17;
	v16 =	vadd.f32 v22, v16;
	vm0 =	veq.s32 v37, v2;
	v28 =	vld [tilespmem:s20+$0x30]  }
0x162: {  	v12 =	vadd.f32 v19, v12;
	v18 =	vadd.f32 v20, v18;
	v19 =	vsel vm6, $0x3F800000, v1;
	v22 =	vld [tilespmem:s2+$0x0]  }
0x163: {  	v17 =	vadd.f32 v19, v17;
	v16 =	vadd.f32 v32, v16;
	vm3 =	veq.s32 v25, v2;
	v20 =	vld [tilespmem:s31+$0x20]  }
0x164: {  	v12 =	vadd.f32 v14, v12;
	v14 =	vadd.f32 v15, v18;
	v15 =	vsel vm5, $0x3F800000, v1;
	v19 =	vld [tilespmem:s2+$0xFFFFFFF0]  }
0x165: {  	v15 =	vadd.f32 v15, v17;
	v16 =	vadd.f32 v30, v16;
	vm2 =	veq.s32 v33, v2;
	v24 =	vld [tilespmem:s20+$0x20]  }
0x166: {  	v11 =	vadd.f32 v11, v12;
	v12 =	vadd.f32 v13, v14;
	v13 =	vsel vm1, $0x3F800000, v1;
	v17 =	vld [tilespmem:s2+$0xFFFFFFE0]  }
0x167: {  	v13 =	vadd.f32 v13, v15;
	v16 =	vadd.f32 v29, v16;
	vm4 =	veq.s32 v22, v2;
	v14 =	vld [tilespmem:s31+$0x10]  }
0x168: {  	v9 =	vadd.f32 v9, v11;
	v10 =	vadd.f32 v10, v12;
	v11 =	vsel vm11, $0x3F800000, v1;
	v15 =	vld [tilespmem:s2+$0xFFFFFFD0]  }
0x169: {  	v11 =	vadd.f32 v11, v13;
	v12 =	vadd.f32 v27, v16;
	vm1 =	veq.s32 v19, v2;
	v19 =	vld [tilespmem:s20+$0x10]  }
0x16a: {  	v7 =	vadd.f32 v7, v9;
	v8 =	vadd.f32 v8, v10;
	v9 =	vsel vm10, $0x3F800000, v1;
	v13 =	vld [tilespmem:s2+$0xFFFFFFC0]  }
0x16b: {  	v9 =	vadd.f32 v9, v11;
	v12 =	vadd.f32 v23, v12;
	vm5 =	veq.s32 v17, v2;
	v10 =	vld [tilespmem:s31+$0x0]  }
0x16c: {  	v5 =	vadd.f32 v5, v7;
	v6 =	vadd.f32 v6, v8;
	v7 =	vsel vm9, $0x3F800000, v1;
	v22 =	vld [tilespmem:s20+$0x0]  }
0x16d: {  	v7 =	vadd.f32 v7, v9;
	v8 =	vadd.f32 v26, v12;
	vm6 =	veq.s32 v15, v2;
	v11 =	vld [tilespmem:s31+$0xFFFFFFF0]  }
0x16e: {  	v18 =	vadd.f32 v3, v6;
	v3 =	vsel vm8, $0x3F800000, v1;
	v12 =	vadd.f32 v4, v5;
	v15 =	vld [tilespmem:s20+$0xFFFFFFF0]  }
0x16f: {  	v17 =	vadd.f32 v3, v7;
	v16 =	vadd.f32 v21, v8;
	vm7 =	veq.s32 v13, v2;
	v23 =	vld [tilespmem:s31+$0xFFFFFFE0]  }
0x170: {  	v3 =	vnsel vm0, $0x0, v28;
	v5 =	vnsel vm3, $0x0, v20;
	v4 =	vnsel vm0, $0x0, v31;
	v25 =	vld [tilespmem:s20+$0xFFFFFFE0]  }
0x171: {  	v6 =	vnsel vm3, $0x0, v24;
	v7 =	vnsel vm2, $0x0, v14;
	v8 =	vnsel vm2, $0x0, v19;
	v20 =	vld [tilespmem:s31+$0xFFFFFFD0]  }
0x172: {  	v9 =	vnsel vm4, $0x0, v10;
	v10 =	vnsel vm4, $0x0, v22;
	v24 =	vld [tilespmem:s20+$0xFFFFFFD0];
	v11 =	vnsel vm1, $0x0, v11  }
0x173: {  	s0 =	sadd.s32 $0x8, s0;
	v21 =	vmul.f32 v4, v4;
	v22 =	vmul.f32 v3, v3;
	v28 =	vld [tilespmem:s31+$0xFFFFFFC0];
	v13 =	vnsel vm1, $0x0, v15  }
0x174: {  	p0 =	slt.u32 s0, $0x3F8;
	v27 =	vmul.f32 v6, v6;
	v26 =	vmul.f32 v5, v5;
	v33 =	vld [tilespmem:s20+$0xFFFFFFC0];
	v14 =	vnsel vm5, $0x0, v23  }
.Ltmp12:
0x175: {  	v23 =	vmul.f32 v7, v7;
	v15 =	vnsel vm5, $0x0, v25;
	v25 =	vmul.f32 v8, v8;
	(pc) =	sbr.rel @p0 .LBB2_15-.Ltmp12, $4  }
0x176: {  	v30 =	vmul.f32 v9, v9;
	v32 =	vmul.f32 v10, v10;
	v19 =	vnsel vm6, $0x0, v20  }
0x177: {  	v29 =	vmul.f32 v11, v11;
	v31 =	vmul.f32 v13, v13;
	v20 =	vnsel vm6, $0x0, v24  }
0x178: {  	v35 =	vmul.f32 v14, v14;
	v36 =	vmul.f32 v15, v15;
	v24 =	vnsel vm7, $0x0, v28  }
0x179: {  	s2 =	sadd.s32 $0x80, s2;
	v34 =	vmul.f32 v20, v20;
	v28 =	vnsel vm7, $0x0, v33;
	v33 =	vmul.f32 v19, v19  }
0x17a: {  	v37 =	vmul.f32 v24, v24;
	v26 =	vadd.f32 v27, v26;
	v21 =	vadd.f32 v22, v21  }
0x17b: {  	v43 =	vmul.f32 v28, v28;
	v44 =	vadd.f32 v32, v30;
	v23 =	vadd.f32 v25, v23  }
0x17c: {  	v45 =	vadd.f32 v36, v35;
	v29 =	vadd.f32 v31, v29  }
0x17d: {  	v12 =	vadd.f32 v24, v12;
	v22 =	vadd.f32 v43, v37  }
0x17e: {  	v18 =	vadd.f32 v28, v18;
	v46 =	vadd.f32 v34, v33  }
0x17f: {  	v47 =	vsel vm7, $0x3F800000, v1;
	v12 =	vadd.f32 v19, v12;
	v16 =	vadd.f32 v22, v16  }
0x180: {  	v48 =	vsel vm6, $0x3F800000, v1;
	v17 =	vadd.f32 v47, v17;
	v18 =	vadd.f32 v20, v18  }
0x181: {  	v50 =	vsel vm5, $0x3F800000, v1;
	v12 =	vadd.f32 v14, v12;
	v16 =	vadd.f32 v46, v16  }
0x182: {  	vm3 =	vmmov vm3;
	v17 =	vadd.f32 v48, v17;
	v49 =	vadd.f32 v15, v18  }
0x183: {  	v52 =	vsel vm1, $0x3F800000, v1;
	v11 =	vadd.f32 v11, v12;
	v16 =	vadd.f32 v45, v16  }
0x184: {  	vm14 =	vmmov vm4;
	v15 =	vadd.f32 v50, v17;
	v51 =	vadd.f32 v13, v49  }
0x185: {  	vm15 =	vmmov vm2;
	v9 =	vadd.f32 v9, v11;
	v53 =	vadd.f32 v29, v16  }
0x186: {  	v58 =	vadd.s32 $0x40, v2;
	v13 =	vadd.f32 v52, v15;
	v10 =	vadd.f32 v10, v51  }
0x187: {  	v54 =	vsel vm14, $0x3F800000, v1;
	v7 =	vadd.f32 v7, v9;
	v55 =	vadd.f32 v44, v53  }
0x188: {  	v60 =	vadd.s32 $0x80, v2;
	v11 =	vadd.f32 v54, v13;
	v8 =	vadd.f32 v8, v10  }
0x189: {  	v56 =	vsel vm15, $0x3F800000, v1;
	v5 =	vadd.f32 v5, v7;
	v57 =	vadd.f32 v23, v55  }
0x18a: {  	v61 =	vadd.s32 $0xC0, v2;
	v9 =	vadd.f32 v56, v11;
	v6 =	vadd.f32 v6, v8  }
0x18b: {  	p0 =	sne.s32 s30, s29;
	v59 =	vsel vm3, $0x3F800000, v1;
	v4 =	vadd.f32 v4, v5;
	v10 =	vadd.f32 v26, v57  }
.Ltmp13:
0x18c: {  	vm0 =	vmmov vm0;
	v8 =	vadd.f32 v59, v9;
	v3 =	vadd.f32 v3, v6;
	(pc) =	sbr.rel @p0 .LBB2_14-.Ltmp13, $4  }
0x18d: {  	v62 =	vsel vm0, $0x3F800000, v1;
	[tilespmem:v2+s21+$0x0] =	vst.idx.add.f32.msk $0xffff, v4;
	v63 =	vadd.f32 v21, v10  }
0x18e: {  	v2 =	vadd.f32 v62, v8;
	[tilespmem:v58+s21+$0x0] =	vst.idx.add.f32.msk $0xffff, v3  }
0x18f: {  	s0 =	sadd.s32 $0x1, s30;
	[tilespmem:v60+s21+$0x0] =	vst.idx.add.f32.msk $0xffff, v63  }
0x190: {  	s30 =	smov.u32 s0;
	[tilespmem:v61+s21+$0x0] =	vst.idx.add.f32.msk $0xffff, v2  }
.LBB2_17:
0x191: {  	_ =	swait.ge [sflag:s12], $0x4000  }
0x192: {  	[sflag:s12] =	ssyncset.done $0x0  }
0x193: {  	[sflag:s12] =	ssyncadd.s32 $0xFFFFC000  }
0x194: {  	_ =	swait.ge [sflag:s12], $0x4000  }
0x195: {  	[sflag:s12] =	ssyncset.done $0x0  }
0x196: {  	[sflag:s12] =	ssyncadd.s32 $0xFFFFC000  }
0x197: {  	_ =	swait.ge [sflag:s12], $0x10  }
0x198: {  	[sflag:s12] =	ssyncset.done $0x0  }
0x199: {  	[sflag:s12] =	ssyncadd.s32 $0xFFFFFFF0  }
0x19a: {  	_ =	swait.ge [sflag:s12], $0x10  }
0x19b: {  	[sflag:s12] =	ssyncset.done $0x0  }
0x19c: {  	s0 =	rddreg [dreg:$0x7];
	[sflag:s12] =	ssyncadd.s32 $0xFFFFFFF0  }
0x19d: {  	[tilespmem:s14], [sflag:$0x2] =	stream.linear.gather [hbm4b:s0+s1], $0x4000, $0x38;
	[tilespmem:$0x14200] =	vst v63  }
0x19e: {  	s20 =	rddreg [dreg:$0x8]  }
0x19f: {  	[tilespmem:s15], [sflag:$0x2] =	stream.linear.gather [hbm4b:s20+s1], $0x4000, $0x38;
	[tilespmem:$0x14200] =	vst v63  }
0x1a0: {  	_ = 	snop  }
0x1a1: {  	[tilespmem:s17], [sflag:$0x2] =	stream.linear.gather [hbm4b:s10+s1], $0x10, $0x38;
	[tilespmem:$0x14200] =	vst v63  }
0x1a2: {  	s31 =	rddreg [dreg:$0x18]  }
0x1a3: {  	[tilespmem:s18], [sflag:$0x2] =	stream.linear.gather [hbm4b:s31+s1], $0x10, $0x38;
	[tilespmem:$0x14200] =	vst v63  }
0x1a4: {  	v2 =	vld [tilespmem:$0x10000]  }
0x1a5: {  	v3 =	vld [tilespmem:$0x10010];
	_ =	sdelay $0x3  }
0x1a6: {  	(v2sf) =	vpush v2, $0x0  }
0x1a7: {  	(v2sf) =	vpush v3, $0xF;
	_ =	sdelay $0xd  }
0x1a8: {  	s30 =	spop (v2sf)  }
0x1a9: {  	s29 =	spop (v2sf)  }
0x1aa: {  	p0 =	sne.s32 s30, s29  }
.Ltmp14:
0x1ab: {  	_ = 	snop;
	(pc) =	sbr.rel @p0 .LBB2_21-.Ltmp14, $1  }
0x1ac: {  	_ =	sdelay $0x3  }
0x1ad: {  	s2 =	simm.s32 $0x40  }
0x1ae: {  	s0 =	simm.s32 $0x8040;
	v7 =	vld [tilespmem:s2+$0xFFFFFFC0]  }
0x1af: {  	v9 =	vld [tilespmem:s0+$0xFFFFFFC0]  }
0x1b0: {  	v10 =	vld [tilespmem:s2+$0xFFFFFFD0]  }
0x1b1: {  	v11 =	vld [tilespmem:s0+$0xFFFFFFD0]  }
0x1b2: {  	v12 =	vld [tilespmem:s2+$0xFFFFFFE0]  }
0x1b3: {  	v4 =	vld [tilespmem:s0+$0xFFFFFFF0]  }
0x1b4: {  	v15 =	vld [tilespmem:s0+$0xFFFFFFE0]  }
0x1b5: {  	v6 =	vld [tilespmem:s2+$0xFFFFFFF0];
	v3 =	vmul.f32 v7, v7;
	v8 =	vmul.f32 v9, v9  }
0x1b6: {  	v16 =	vimm.f32 $0.0e+00;
	v5 =	vld [tilespmem:s2+$0x0];
	v13 =	vmul.f32 v10, v10  }
0x1b7: {  	v14 =	vmul.f32 v11, v11;
	v18 =	vmul.f32 v12, v12;
	v17 =	vadd.f32 v8, v3;
	v3 =	vld [tilespmem:s0+$0x0]  }
0x1b8: {  	v19 =	vadd.f32 v7, v16;
	v20 =	vadd.f32 v9, v16;
	v21 =	vmul.f32 v4, v4;
	v8 =	vld [tilespmem:s2+$0x10]  }
0x1b9: {  	v7 =	vld [tilespmem:s0+$0x10];
	v13 =	vadd.f32 v14, v13;
	v14 =	vmul.f32 v15, v15;
	v16 =	vadd.f32 v17, v16  }
0x1ba: {  	v9 =	vld [tilespmem:s2+$0x20];
	v19 =	vadd.f32 v10, v19;
	v20 =	vadd.f32 v11, v20;
	v17 =	vmul.f32 v6, v6  }
0x1bb: {  	v10 =	vld [tilespmem:s0+$0x20];
	v18 =	vadd.f32 v14, v18;
	v14 =	vmul.f32 v5, v5;
	v22 =	vadd.f32 v13, v16  }
0x1bc: {  	v11 =	vld [tilespmem:s2+$0x30];
	v16 =	vadd.f32 v12, v19;
	v13 =	vadd.f32 v21, v17;
	v19 =	vmul.f32 v3, v3  }
0x1bd: {  	s20 =	simm.s32 $0xC0;
	s2 =	simm.s32 $0x0;
	v17 =	vadd.f32 v15, v20;
	v12 =	vld [tilespmem:s0+$0x30];
	v15 =	vmul.f32 v8, v8;
	v18 =	vadd.f32 v18, v22  }
.LBB2_19:
0x1be: {  	v20 =	vld [tilespmem:s20+$0xFFFFFFC0];
	v6 =	vadd.f32 v6, v16;
	v14 =	vadd.f32 v19, v14;
	v16 =	vmul.f32 v7, v7;
	s0 =	sadd.s32 $0x80, s0  }
0x1bf: {  	v19 =	vld [tilespmem:s0+$0xFFFFFFC0];
	v4 =	vadd.f32 v4, v17;
	v13 =	vadd.f32 v13, v18;
	v17 =	vmul.f32 v9, v9  }
0x1c0: {  	s2 =	sadd.s32 $0x8, s2;
	v18 =	vld [tilespmem:s20+$0xFFFFFFD0];
	v5 =	vadd.f32 v5, v6;
	v6 =	vadd.f32 v16, v15;
	v15 =	vmul.f32 v10, v10  }
0x1c1: {  	p0 =	slt.u32 s2, $0x3F8;
	v16 =	vld [tilespmem:s0+$0xFFFFFFD0];
	v3 =	vadd.f32 v3, v4;
	v4 =	vadd.f32 v14, v13;
	v13 =	vmul.f32 v11, v11  }
0x1c2: {  	v21 =	vld [tilespmem:s20+$0xFFFFFFE0];
	v5 =	vadd.f32 v8, v5;
	v8 =	vadd.f32 v15, v17;
	v14 =	vmul.f32 v12, v12  }
0x1c3: {  	v15 =	vmul.f32 v20, v20;
	v17 =	vld [tilespmem:s0+$0xFFFFFFE0];
	v3 =	vadd.f32 v7, v3;
	v7 =	vadd.f32 v6, v4  }
0x1c4: {  	v22 =	vmul.f32 v19, v19;
	v6 =	vld [tilespmem:s20+$0xFFFFFFF0];
	v9 =	vadd.f32 v9, v5;
	v13 =	vadd.f32 v14, v13  }
0x1c5: {  	v14 =	vmul.f32 v18, v18;
	v4 =	vld [tilespmem:s0+$0xFFFFFFF0];
	v10 =	vadd.f32 v10, v3;
	v7 =	vadd.f32 v8, v7  }
0x1c6: {  	v15 =	vadd.f32 v22, v15;
	v8 =	vmul.f32 v16, v16;
	v5 =	vld [tilespmem:s20+$0x0];
	v9 =	vadd.f32 v11, v9  }
0x1c7: {  	v11 =	vmul.f32 v21, v21;
	v3 =	vld [tilespmem:s0+$0x0];
	v10 =	vadd.f32 v12, v10;
	v7 =	vadd.f32 v13, v7  }
0x1c8: {  	v9 =	vadd.f32 v20, v9;
	v12 =	vadd.f32 v8, v14;
	v13 =	vmul.f32 v17, v17;
	v8 =	vld [tilespmem:s20+$0x10]  }
.Ltmp15:
0x1c9: {  	v10 =	vadd.f32 v19, v10;
	v14 =	vadd.f32 v15, v7;
	v15 =	vmul.f32 v6, v6;
	v7 =	vld [tilespmem:s0+$0x10];
	(pc) =	sbr.rel @p0 .LBB2_19-.Ltmp15, $4  }
0x1ca: {  	v18 =	vadd.f32 v18, v9;
	v20 =	vadd.f32 v13, v11;
	v11 =	vmul.f32 v4, v4;
	v9 =	vld [tilespmem:s20+$0x20]  }
0x1cb: {  	v22 =	vadd.f32 v16, v10;
	v12 =	vadd.f32 v12, v14;
	v14 =	vmul.f32 v5, v5;
	v10 =	vld [tilespmem:s0+$0x20]  }
0x1cc: {  	v16 =	vadd.f32 v21, v18;
	v13 =	vadd.f32 v11, v15;
	v19 =	vmul.f32 v3, v3;
	v11 =	vld [tilespmem:s20+$0x30]  }
0x1cd: {  	s20 =	sadd.s32 $0x80, s20;
	v17 =	vadd.f32 v17, v22;
	v18 =	vadd.f32 v20, v12;
	v15 =	vmul.f32 v8, v8;
	v12 =	vld [tilespmem:s0+$0x30]  }
0x1ce: {  	v6 =	vadd.f32 v6, v16;
	v14 =	vadd.f32 v19, v14  }
0x1cf: {  	v52 =	vmul.f32 v7, v7;
	v2 =	vbroadcast v2, $0x0;
	v4 =	vadd.f32 v4, v17  }
0x1d0: {  	v13 =	vadd.f32 v13, v18;
	v53 =	vmul.f32 v9, v9;
	v5 =	vadd.f32 v5, v6  }
0x1d1: {  	v54 =	vadd.f32 v52, v15;
	v55 =	vmul.f32 v10, v10;
	v3 =	vadd.f32 v3, v4  }
0x1d2: {  	v56 =	vadd.f32 v14, v13;
	v57 =	vmul.f32 v11, v11;
	v5 =	vadd.f32 v8, v5  }
0x1d3: {  	v58 =	vadd.f32 v55, v53;
	v59 =	vmul.f32 v12, v12;
	v3 =	vadd.f32 v7, v3  }
0x1d4: {  	v60 =	vadd.s32 $0x40, v2;
	v4 =	vadd.f32 v54, v56;
	v5 =	vadd.f32 v9, v5  }
0x1d5: {  	v62 =	vadd.s32 $0x80, v2;
	v61 =	vadd.f32 v59, v57;
	v3 =	vadd.f32 v10, v3  }
0x1d6: {  	v63 =	vadd.s32 $0xC0, v2;
	v4 =	vadd.f32 v58, v4;
	v5 =	vadd.f32 v11, v5  }
.Ltmp16:
0x1d7: {  	v3 =	vadd.f32 v12, v3;
	(pc) =	sbr.rel .LBB2_25-.Ltmp16, $4  }
0x1d8: {  	v4 =	vadd.f32 v61, v4;
	[tilespmem:v2+s21+$0x0] =	vst.idx.add.f32.msk $0xffff, v5  }
0x1d9: {  	[tilespmem:v60+s21+$0x0] =	vst.idx.add.f32.msk $0xffff, v3  }
0x1da: {  	[tilespmem:v62+s21+$0x0] =	vst.idx.add.f32.msk $0xffff, v4  }
0x1db: {  	[tilespmem:v63+s21+$0x0] =	vst.idx.add.f32.msk $0xffff, v0  }
.LBB2_21:
0x1dc: {  	s0 =	sadd.s32 $0x1, s29  }
0x1dd: {  	p0 =	sge.s32 s30, s0  }
.Ltmp17:
0x1de: {  	_ = 	snop;
	(pc) =	sbr.rel @p0 .LBB2_25-.Ltmp17, $4  }
0x1df: {  	[tilespmem:s25], [sflag:$0x3] =	stream.linear.gather [hbm4b:s7+s1], $0x4000, $0x38;
	[tilespmem:$0x14200] =	vst v63  }
0x1e0: {  	_ =	swait.ge [sflag:s24], $0x4000  }
0x1e1: {  	[sflag:s24] =	ssyncset.done $0x0  }
0x1e2: {  	[sflag:s24] =	ssyncadd.s32 $0xFFFFC000  }
.LBB2_22:
0x1e3: {  	s0 =	simm.s32 $0x10140  }
0x1e4: {  	v3 =	vld [tilespmem:s0+$0x30]  }
0x1e5: {  	s31 =	simm.s32 $0x40;
	v4 =	vld [tilespmem:s0+$0x20]  }
0x1e6: {  	v6 =	vld [tilespmem:s31+$0x30]  }
0x1e7: {  	s20 =	simm.s32 $0x8040;
	v5 =	vld [tilespmem:s0+$0x10]  }
0x1e8: {  	v7 =	vld [tilespmem:s20+$0x30]  }
0x1e9: {  	v8 =	vld [tilespmem:s0+$0x0]  }
0x1ea: {  	v9 =	vld [tilespmem:s31+$0x20]  }
0x1eb: {  	v10 =	vld [tilespmem:s0+$0xFFFFFFF0]  }
0x1ec: {  	v11 =	vld [tilespmem:s20+$0x20]  }
0x1ed: {  	v13 =	vld [tilespmem:s0+$0xFFFFFFE0]  }
0x1ee: {  	v14 =	vld [tilespmem:s31+$0x10]  }
0x1ef: {  	v15 =	vld [tilespmem:s0+$0xFFFFFFD0]  }
0x1f0: {  	v16 =	vld [tilespmem:s20+$0x10]  }
0x1f1: {  	v17 =	vld [tilespmem:s0+$0xFFFFFFC0]  }
0x1f2: {  	v18 =	vld [tilespmem:s31+$0x0]  }
0x1f3: {  	v2 =	vmov s30;
	v20 =	vld [tilespmem:s31+$0xFFFFFFF0]  }
0x1f4: {  	v12 =	vimm.f32 $0.0e+00;
	v21 =	vld [tilespmem:s20+$0xFFFFFFF0];
	vm0 =	veq.s32 v3, v2;
	vm3 =	veq.s32 v4, v2  }
0x1f5: {  	v19 =	vld [tilespmem:s20+$0x0];
	vm2 =	veq.s32 v5, v2;
	vm4 =	veq.s32 v8, v2;
	vm1 =	veq.s32 v10, v2  }
0x1f6: {  	v24 =	vld [tilespmem:s31+$0xFFFFFFD0];
	vm5 =	veq.s32 v13, v2;
	vm6 =	veq.s32 v15, v2;
	vm7 =	veq.s32 v17, v2  }
0x1f7: {  	v28 =	vld [tilespmem:s20+$0xFFFFFFC0];
	v5 =	vnsel vm3, $0x0, v9;
	v4 =	vnsel vm0, $0x0, v6;
	v3 =	vnsel vm0, $0x0, v7  }
0x1f8: {  	v15 =	vld [tilespmem:s31+$0xFFFFFFE0];
	v7 =	vnsel vm2, $0x0, v14;
	v8 =	vnsel vm2, $0x0, v16;
	v6 =	vnsel vm3, $0x0, v11  }
0x1f9: {  	v17 =	vld [tilespmem:s20+$0xFFFFFFE0];
	v11 =	vnsel vm1, $0x0, v20;
	v13 =	vnsel vm1, $0x0, v21;
	v21 =	vmul.f32 v4, v4  }
0x1fa: {  	v16 =	vld [tilespmem:s20+$0xFFFFFFD0];
	v9 =	vnsel vm4, $0x0, v18;
	v22 =	vmul.f32 v3, v3;
	v26 =	vmul.f32 v5, v5  }
0x1fb: {  	v10 =	vnsel vm4, $0x0, v19;
	v18 =	vld [tilespmem:s31+$0xFFFFFFC0];
	v27 =	vmul.f32 v6, v6;
	v23 =	vmul.f32 v7, v7  }
0x1fc: {  	v19 =	vnsel vm6, $0x0, v24;
	v25 =	vmul.f32 v8, v8;
	v30 =	vmul.f32 v9, v9  }
0x1fd: {  	v28 =	vnsel vm7, $0x0, v28;
	v32 =	vmul.f32 v10, v10;
	v29 =	vmul.f32 v11, v11  }
0x1fe: {  	v31 =	vmul.f32 v13, v13;
	v33 =	vmul.f32 v19, v19;
	v14 =	vnsel vm5, $0x0, v15  }
0x1ff: {  	v15 =	vnsel vm5, $0x0, v17;
	v17 =	vimm.f32 $0.0e+00;
	v20 =	vnsel vm6, $0x0, v16  }
0x200: {  	v24 =	vnsel vm7, $0x0, v18;
	v35 =	vmul.f32 v14, v14;
	v36 =	vmul.f32 v15, v15  }
0x201: {  	s2 =	simm.s32 $0x101C0;
	s0 =	simm.s32 $0x0;
	v18 =	vimm.f32 $0.0e+00;
	v16 =	vimm.f32 $0.0e+00;
	v34 =	vmul.f32 v20, v20  }
.LBB2_23:
0x202: {  	v38 =	vmul.f32 v24, v24;
	v26 =	vadd.f32 v27, v26;
	v21 =	vadd.f32 v22, v21  }
0x203: {  	v37 =	vld [tilespmem:s2+$0x30];
	vm8 =	vmmov vm0;
	vm9 =	vmmov vm3;
	vm10 =	vmmov vm2  }
0x204: {  	v22 =	vmul.f32 v28, v28;
	v27 =	vadd.f32 v32, v30;
	v23 =	vadd.f32 v25, v23  }
0x205: {  	v30 =	vadd.f32 v36, v35;
	v29 =	vadd.f32 v31, v29;
	s31 =	sadd.s32 $0x80, s31;
	vm11 =	vmmov vm4;
	v25 =	vld [tilespmem:s2+$0x20]  }
0x206: {  	v32 =	vadd.f32 v34, v33;
	v22 =	vadd.f32 v22, v38;
	v31 =	vld [tilespmem:s31+$0x30]  }
0x207: {  	v12 =	vadd.f32 v24, v12;
	v18 =	vadd.f32 v28, v18;
	v24 =	vsel vm7, $0x3F800000, v1;
	s20 =	sadd.s32 $0x80, s20;
	v33 =	vld [tilespmem:s2+$0x10]  }
0x208: {  	v17 =	vadd.f32 v24, v17;
	v16 =	vadd.f32 v22, v16;
	vm0 =	veq.s32 v37, v2;
	v28 =	vld [tilespmem:s20+$0x30]  }
0x209: {  	v12 =	vadd.f32 v19, v12;
	v18 =	vadd.f32 v20, v18;
	v19 =	vsel vm6, $0x3F800000, v1;
	v22 =	vld [tilespmem:s2+$0x0]  }
0x20a: {  	v17 =	vadd.f32 v19, v17;
	v16 =	vadd.f32 v32, v16;
	vm3 =	veq.s32 v25, v2;
	v20 =	vld [tilespmem:s31+$0x20]  }
0x20b: {  	v12 =	vadd.f32 v14, v12;
	v14 =	vadd.f32 v15, v18;
	v15 =	vsel vm5, $0x3F800000, v1;
	v19 =	vld [tilespmem:s2+$0xFFFFFFF0]  }
0x20c: {  	v15 =	vadd.f32 v15, v17;
	v16 =	vadd.f32 v30, v16;
	vm2 =	veq.s32 v33, v2;
	v24 =	vld [tilespmem:s20+$0x20]  }
0x20d: {  	v11 =	vadd.f32 v11, v12;
	v12 =	vadd.f32 v13, v14;
	v13 =	vsel vm1, $0x3F800000, v1;
	v17 =	vld [tilespmem:s2+$0xFFFFFFE0]  }
0x20e: {  	v13 =	vadd.f32 v13, v15;
	v16 =	vadd.f32 v29, v16;
	vm4 =	veq.s32 v22, v2;
	v14 =	vld [tilespmem:s31+$0x10]  }
0x20f: {  	v9 =	vadd.f32 v9, v11;
	v10 =	vadd.f32 v10, v12;
	v11 =	vsel vm11, $0x3F800000, v1;
	v15 =	vld [tilespmem:s2+$0xFFFFFFD0]  }
0x210: {  	v11 =	vadd.f32 v11, v13;
	v12 =	vadd.f32 v27, v16;
	vm1 =	veq.s32 v19, v2;
	v19 =	vld [tilespmem:s20+$0x10]  }
0x211: {  	v7 =	vadd.f32 v7, v9;
	v8 =	vadd.f32 v8, v10;
	v9 =	vsel vm10, $0x3F800000, v1;
	v13 =	vld [tilespmem:s2+$0xFFFFFFC0]  }
0x212: {  	v9 =	vadd.f32 v9, v11;
	v12 =	vadd.f32 v23, v12;
	vm5 =	veq.s32 v17, v2;
	v10 =	vld [tilespmem:s31+$0x0]  }
0x213: {  	v5 =	vadd.f32 v5, v7;
	v6 =	vadd.f32 v6, v8;
	v7 =	vsel vm9, $0x3F800000, v1;
	v22 =	vld [tilespmem:s20+$0x0]  }
0x214: {  	v7 =	vadd.f32 v7, v9;
	v8 =	vadd.f32 v26, v12;
	vm6 =	veq.s32 v15, v2;
	v11 =	vld [tilespmem:s31+$0xFFFFFFF0]  }
0x215: {  	v18 =	vadd.f32 v3, v6;
	v3 =	vsel vm8, $0x3F800000, v1;
	v12 =	vadd.f32 v4, v5;
	v15 =	vld [tilespmem:s20+$0xFFFFFFF0]  }
0x216: {  	v17 =	vadd.f32 v3, v7;
	v16 =	vadd.f32 v21, v8;
	vm7 =	veq.s32 v13, v2;
	v23 =	vld [tilespmem:s31+$0xFFFFFFE0]  }
0x217: {  	v3 =	vnsel vm0, $0x0, v28;
	v5 =	vnsel vm3, $0x0, v20;
	v4 =	vnsel vm0, $0x0, v31;
	v25 =	vld [tilespmem:s20+$0xFFFFFFE0]  }
0x218: {  	v6 =	vnsel vm3, $0x0, v24;
	v7 =	vnsel vm2, $0x0, v14;
	v8 =	vnsel vm2, $0x0, v19;
	v20 =	vld [tilespmem:s31+$0xFFFFFFD0]  }
0x219: {  	v9 =	vnsel vm4, $0x0, v10;
	v10 =	vnsel vm4, $0x0, v22;
	v24 =	vld [tilespmem:s20+$0xFFFFFFD0];
	v11 =	vnsel vm1, $0x0, v11  }
0x21a: {  	s0 =	sadd.s32 $0x8, s0;
	v21 =	vmul.f32 v4, v4;
	v22 =	vmul.f32 v3, v3;
	v28 =	vld [tilespmem:s31+$0xFFFFFFC0];
	v13 =	vnsel vm1, $0x0, v15  }
0x21b: {  	p0 =	slt.u32 s0, $0x3F8;
	v27 =	vmul.f32 v6, v6;
	v26 =	vmul.f32 v5, v5;
	v33 =	vld [tilespmem:s20+$0xFFFFFFC0];
	v14 =	vnsel vm5, $0x0, v23  }
.Ltmp18:
0x21c: {  	v23 =	vmul.f32 v7, v7;
	v15 =	vnsel vm5, $0x0, v25;
	v25 =	vmul.f32 v8, v8;
	(pc) =	sbr.rel @p0 .LBB2_23-.Ltmp18, $4  }
0x21d: {  	v30 =	vmul.f32 v9, v9;
	v32 =	vmul.f32 v10, v10;
	v19 =	vnsel vm6, $0x0, v20  }
0x21e: {  	v29 =	vmul.f32 v11, v11;
	v31 =	vmul.f32 v13, v13;
	v20 =	vnsel vm6, $0x0, v24  }
0x21f: {  	v35 =	vmul.f32 v14, v14;
	v36 =	vmul.f32 v15, v15;
	v24 =	vnsel vm7, $0x0, v28  }
0x220: {  	s2 =	sadd.s32 $0x80, s2;
	v34 =	vmul.f32 v20, v20;
	v28 =	vnsel vm7, $0x0, v33;
	v33 =	vmul.f32 v19, v19  }
0x221: {  	v37 =	vmul.f32 v24, v24;
	v26 =	vadd.f32 v27, v26;
	v21 =	vadd.f32 v22, v21  }
0x222: {  	v43 =	vmul.f32 v28, v28;
	v44 =	vadd.f32 v32, v30;
	v23 =	vadd.f32 v25, v23  }
0x223: {  	v45 =	vadd.f32 v36, v35;
	v29 =	vadd.f32 v31, v29  }
0x224: {  	v12 =	vadd.f32 v24, v12;
	v22 =	vadd.f32 v43, v37  }
0x225: {  	v18 =	vadd.f32 v28, v18;
	v46 =	vadd.f32 v34, v33  }
0x226: {  	v47 =	vsel vm7, $0x3F800000, v1;
	v12 =	vadd.f32 v19, v12;
	v16 =	vadd.f32 v22, v16  }
0x227: {  	v48 =	vsel vm6, $0x3F800000, v1;
	v17 =	vadd.f32 v47, v17;
	v18 =	vadd.f32 v20, v18  }
0x228: {  	v50 =	vsel vm5, $0x3F800000, v1;
	v12 =	vadd.f32 v14, v12;
	v16 =	vadd.f32 v46, v16  }
0x229: {  	vm3 =	vmmov vm3;
	v17 =	vadd.f32 v48, v17;
	v49 =	vadd.f32 v15, v18  }
0x22a: {  	v52 =	vsel vm1, $0x3F800000, v1;
	v11 =	vadd.f32 v11, v12;
	v16 =	vadd.f32 v45, v16  }
0x22b: {  	vm14 =	vmmov vm4;
	v15 =	vadd.f32 v50, v17;
	v51 =	vadd.f32 v13, v49  }
0x22c: {  	vm15 =	vmmov vm2;
	v9 =	vadd.f32 v9, v11;
	v53 =	vadd.f32 v29, v16  }
0x22d: {  	v58 =	vadd.s32 $0x40, v2;
	v13 =	vadd.f32 v52, v15;
	v10 =	vadd.f32 v10, v51  }
0x22e: {  	v54 =	vsel vm14, $0x3F800000, v1;
	v7 =	vadd.f32 v7, v9;
	v55 =	vadd.f32 v44, v53  }
0x22f: {  	v60 =	vadd.s32 $0x80, v2;
	v11 =	vadd.f32 v54, v13;
	v8 =	vadd.f32 v8, v10  }
0x230: {  	v56 =	vsel vm15, $0x3F800000, v1;
	v5 =	vadd.f32 v5, v7;
	v57 =	vadd.f32 v23, v55  }
0x231: {  	v61 =	vadd.s32 $0xC0, v2;
	v9 =	vadd.f32 v56, v11;
	v6 =	vadd.f32 v6, v8  }
0x232: {  	p0 =	sne.s32 s30, s29;
	v59 =	vsel vm3, $0x3F800000, v1;
	v4 =	vadd.f32 v4, v5;
	v10 =	vadd.f32 v26, v57  }
.Ltmp19:
0x233: {  	vm0 =	vmmov vm0;
	v8 =	vadd.f32 v59, v9;
	v3 =	vadd.f32 v3, v6;
	(pc) =	sbr.rel @p0 .LBB2_22-.Ltmp19, $4  }
0x234: {  	v62 =	vsel vm0, $0x3F800000, v1;
	[tilespmem:v2+s21+$0x0] =	vst.idx.add.f32.msk $0xffff, v4;
	v63 =	vadd.f32 v21, v10  }
0x235: {  	v2 =	vadd.f32 v62, v8;
	[tilespmem:v58+s21+$0x0] =	vst.idx.add.f32.msk $0xffff, v3  }
0x236: {  	s0 =	sadd.s32 $0x1, s30;
	[tilespmem:v60+s21+$0x0] =	vst.idx.add.f32.msk $0xffff, v63  }
0x237: {  	s30 =	smov.u32 s0;
	[tilespmem:v61+s21+$0x0] =	vst.idx.add.f32.msk $0xffff, v2  }
.LBB2_25:
0x238: {  	_ =	swait.ge [sflag:s22], $0x4000  }
0x239: {  	[sflag:s22] =	ssyncset.done $0x0  }
0x23a: {  	[sflag:s22] =	ssyncadd.s32 $0xFFFFC000  }
0x23b: {  	_ =	swait.ge [sflag:s22], $0x4000  }
0x23c: {  	[sflag:s22] =	ssyncset.done $0x0  }
0x23d: {  	[sflag:s22] =	ssyncadd.s32 $0xFFFFC000  }
0x23e: {  	_ =	swait.ge [sflag:s22], $0x10  }
0x23f: {  	[sflag:s22] =	ssyncset.done $0x0  }
0x240: {  	[sflag:s22] =	ssyncadd.s32 $0xFFFFFFF0  }
0x241: {  	_ =	swait.ge [sflag:s22], $0x10  }
0x242: {  	[sflag:s22] =	ssyncset.done $0x0  }
0x243: {  	s0 =	rddreg [dreg:$0x9];
	[sflag:s22] =	ssyncadd.s32 $0xFFFFFFF0  }
0x244: {  	[tilespmem:s1], [sflag:$0x1] =	stream.linear.gather [hbm4b:s0+s1], $0x4000, $0x38;
	[tilespmem:$0x14200] =	vst v63  }
0x245: {  	s20 =	rddreg [dreg:$0xa]  }
0x246: {  	[tilespmem:s8], [sflag:$0x1] =	stream.linear.gather [hbm4b:s20+s1], $0x4000, $0x38;
	[tilespmem:$0x14200] =	vst v63  }
0x247: {  	_ = 	snop  }
0x248: {  	[tilespmem:s9], [sflag:$0x1] =	stream.linear.gather [hbm4b:s13+s1], $0x10, $0x38;
	[tilespmem:$0x14200] =	vst v63  }
0x249: {  	s31 =	rddreg [dreg:$0x19]  }
0x24a: {  	[tilespmem:s11], [sflag:$0x1] =	stream.linear.gather [hbm4b:s31+s1], $0x10, $0x38;
	[tilespmem:$0x14200] =	vst v63  }
0x24b: {  	v2 =	vld [tilespmem:$0x10080]  }
0x24c: {  	v3 =	vld [tilespmem:$0x10090];
	_ =	sdelay $0x3  }
0x24d: {  	(v2sf) =	vpush v2, $0x0  }
0x24e: {  	(v2sf) =	vpush v3, $0xF;
	_ =	sdelay $0xd  }
0x24f: {  	s30 =	spop (v2sf)  }
0x250: {  	s29 =	spop (v2sf)  }
0x251: {  	p0 =	sne.s32 s30, s29  }
.Ltmp20:
0x252: {  	_ = 	snop;
	(pc) =	sbr.rel @p0 .LBB2_29-.Ltmp20, $1  }
0x253: {  	_ =	sdelay $0x3  }
0x254: {  	s2 =	simm.s32 $0x4040  }
0x255: {  	s0 =	simm.s32 $0xC040;
	v7 =	vld [tilespmem:s2+$0xFFFFFFC0]  }
0x256: {  	v9 =	vld [tilespmem:s0+$0xFFFFFFC0]  }
0x257: {  	v10 =	vld [tilespmem:s2+$0xFFFFFFD0]  }
0x258: {  	v11 =	vld [tilespmem:s0+$0xFFFFFFD0]  }
0x259: {  	v12 =	vld [tilespmem:s2+$0xFFFFFFE0]  }
0x25a: {  	v4 =	vld [tilespmem:s0+$0xFFFFFFF0]  }
0x25b: {  	v15 =	vld [tilespmem:s0+$0xFFFFFFE0]  }
0x25c: {  	v6 =	vld [tilespmem:s2+$0xFFFFFFF0];
	v3 =	vmul.f32 v7, v7;
	v8 =	vmul.f32 v9, v9  }
0x25d: {  	v16 =	vimm.f32 $0.0e+00;
	v5 =	vld [tilespmem:s2+$0x0];
	v13 =	vmul.f32 v10, v10  }
0x25e: {  	v14 =	vmul.f32 v11, v11;
	v18 =	vmul.f32 v12, v12;
	v17 =	vadd.f32 v8, v3;
	v3 =	vld [tilespmem:s0+$0x0]  }
0x25f: {  	v19 =	vadd.f32 v7, v16;
	v20 =	vadd.f32 v9, v16;
	v21 =	vmul.f32 v4, v4;
	v8 =	vld [tilespmem:s2+$0x10]  }
0x260: {  	v7 =	vld [tilespmem:s0+$0x10];
	v13 =	vadd.f32 v14, v13;
	v14 =	vmul.f32 v15, v15;
	v16 =	vadd.f32 v17, v16  }
0x261: {  	v9 =	vld [tilespmem:s2+$0x20];
	v19 =	vadd.f32 v10, v19;
	v20 =	vadd.f32 v11, v20;
	v17 =	vmul.f32 v6, v6  }
0x262: {  	v10 =	vld [tilespmem:s0+$0x20];
	v18 =	vadd.f32 v14, v18;
	v14 =	vmul.f32 v5, v5;
	v22 =	vadd.f32 v13, v16  }
0x263: {  	v11 =	vld [tilespmem:s2+$0x30];
	v16 =	vadd.f32 v12, v19;
	v13 =	vadd.f32 v21, v17;
	v19 =	vmul.f32 v3, v3  }
0x264: {  	s20 =	simm.s32 $0x40C0;
	s2 =	simm.s32 $0x0;
	v17 =	vadd.f32 v15, v20;
	v12 =	vld [tilespmem:s0+$0x30];
	v15 =	vmul.f32 v8, v8;
	v18 =	vadd.f32 v18, v22  }
.LBB2_27:
0x265: {  	v20 =	vld [tilespmem:s20+$0xFFFFFFC0];
	v6 =	vadd.f32 v6, v16;
	v14 =	vadd.f32 v19, v14;
	v16 =	vmul.f32 v7, v7;
	s0 =	sadd.s32 $0x80, s0  }
0x266: {  	v19 =	vld [tilespmem:s0+$0xFFFFFFC0];
	v4 =	vadd.f32 v4, v17;
	v13 =	vadd.f32 v13, v18;
	v17 =	vmul.f32 v9, v9  }
0x267: {  	s2 =	sadd.s32 $0x8, s2;
	v18 =	vld [tilespmem:s20+$0xFFFFFFD0];
	v5 =	vadd.f32 v5, v6;
	v6 =	vadd.f32 v16, v15;
	v15 =	vmul.f32 v10, v10  }
0x268: {  	p0 =	slt.u32 s2, $0x3F8;
	v16 =	vld [tilespmem:s0+$0xFFFFFFD0];
	v3 =	vadd.f32 v3, v4;
	v4 =	vadd.f32 v14, v13;
	v13 =	vmul.f32 v11, v11  }
0x269: {  	v21 =	vld [tilespmem:s20+$0xFFFFFFE0];
	v5 =	vadd.f32 v8, v5;
	v8 =	vadd.f32 v15, v17;
	v14 =	vmul.f32 v12, v12  }
0x26a: {  	v15 =	vmul.f32 v20, v20;
	v17 =	vld [tilespmem:s0+$0xFFFFFFE0];
	v3 =	vadd.f32 v7, v3;
	v7 =	vadd.f32 v6, v4  }
0x26b: {  	v22 =	vmul.f32 v19, v19;
	v6 =	vld [tilespmem:s20+$0xFFFFFFF0];
	v9 =	vadd.f32 v9, v5;
	v13 =	vadd.f32 v14, v13  }
0x26c: {  	v14 =	vmul.f32 v18, v18;
	v4 =	vld [tilespmem:s0+$0xFFFFFFF0];
	v10 =	vadd.f32 v10, v3;
	v7 =	vadd.f32 v8, v7  }
0x26d: {  	v15 =	vadd.f32 v22, v15;
	v8 =	vmul.f32 v16, v16;
	v5 =	vld [tilespmem:s20+$0x0];
	v9 =	vadd.f32 v11, v9  }
0x26e: {  	v11 =	vmul.f32 v21, v21;
	v3 =	vld [tilespmem:s0+$0x0];
	v10 =	vadd.f32 v12, v10;
	v7 =	vadd.f32 v13, v7  }
0x26f: {  	v9 =	vadd.f32 v20, v9;
	v12 =	vadd.f32 v8, v14;
	v13 =	vmul.f32 v17, v17;
	v8 =	vld [tilespmem:s20+$0x10]  }
.Ltmp21:
0x270: {  	v10 =	vadd.f32 v19, v10;
	v14 =	vadd.f32 v15, v7;
	v15 =	vmul.f32 v6, v6;
	v7 =	vld [tilespmem:s0+$0x10];
	(pc) =	sbr.rel @p0 .LBB2_27-.Ltmp21, $4  }
0x271: {  	v18 =	vadd.f32 v18, v9;
	v20 =	vadd.f32 v13, v11;
	v11 =	vmul.f32 v4, v4;
	v9 =	vld [tilespmem:s20+$0x20]  }
0x272: {  	v22 =	vadd.f32 v16, v10;
	v12 =	vadd.f32 v12, v14;
	v14 =	vmul.f32 v5, v5;
	v10 =	vld [tilespmem:s0+$0x20]  }
0x273: {  	v16 =	vadd.f32 v21, v18;
	v13 =	vadd.f32 v11, v15;
	v19 =	vmul.f32 v3, v3;
	v11 =	vld [tilespmem:s20+$0x30]  }
0x274: {  	s20 =	sadd.s32 $0x80, s20;
	v17 =	vadd.f32 v17, v22;
	v18 =	vadd.f32 v20, v12;
	v15 =	vmul.f32 v8, v8;
	v12 =	vld [tilespmem:s0+$0x30]  }
0x275: {  	v6 =	vadd.f32 v6, v16;
	v14 =	vadd.f32 v19, v14  }
0x276: {  	v52 =	vmul.f32 v7, v7;
	v2 =	vbroadcast v2, $0x0;
	v4 =	vadd.f32 v4, v17  }
0x277: {  	v13 =	vadd.f32 v13, v18;
	v53 =	vmul.f32 v9, v9;
	v5 =	vadd.f32 v5, v6  }
0x278: {  	v54 =	vadd.f32 v52, v15;
	v55 =	vmul.f32 v10, v10;
	v3 =	vadd.f32 v3, v4  }
0x279: {  	v56 =	vadd.f32 v14, v13;
	v57 =	vmul.f32 v11, v11;
	v5 =	vadd.f32 v8, v5  }
0x27a: {  	v58 =	vadd.f32 v55, v53;
	v59 =	vmul.f32 v12, v12;
	v3 =	vadd.f32 v7, v3  }
0x27b: {  	v60 =	vadd.s32 $0x40, v2;
	v4 =	vadd.f32 v54, v56;
	v5 =	vadd.f32 v9, v5  }
0x27c: {  	v62 =	vadd.s32 $0x80, v2;
	v61 =	vadd.f32 v59, v57;
	v3 =	vadd.f32 v10, v3  }
0x27d: {  	v63 =	vadd.s32 $0xC0, v2;
	v4 =	vadd.f32 v58, v4;
	v5 =	vadd.f32 v11, v5  }
.Ltmp22:
0x27e: {  	v3 =	vadd.f32 v12, v3;
	(pc) =	sbr.rel .LBB2_33-.Ltmp22, $4  }
0x27f: {  	v4 =	vadd.f32 v61, v4;
	[tilespmem:v2+s21+$0x0] =	vst.idx.add.f32.msk $0xffff, v5  }
0x280: {  	[tilespmem:v60+s21+$0x0] =	vst.idx.add.f32.msk $0xffff, v3  }
0x281: {  	[tilespmem:v62+s21+$0x0] =	vst.idx.add.f32.msk $0xffff, v4  }
0x282: {  	[tilespmem:v63+s21+$0x0] =	vst.idx.add.f32.msk $0xffff, v0  }
.LBB2_29:
0x283: {  	s0 =	sadd.s32 $0x1, s29  }
0x284: {  	p0 =	sge.s32 s30, s0  }
.Ltmp23:
0x285: {  	_ = 	snop;
	(pc) =	sbr.rel @p0 .LBB2_33-.Ltmp23, $4  }
0x286: {  	[tilespmem:s25], [sflag:$0x3] =	stream.linear.gather [hbm4b:s10+s1], $0x4000, $0x38;
	[tilespmem:$0x14200] =	vst v63  }
0x287: {  	_ =	swait.ge [sflag:s24], $0x4000  }
0x288: {  	[sflag:s24] =	ssyncset.done $0x0  }
0x289: {  	[sflag:s24] =	ssyncadd.s32 $0xFFFFC000  }
.LBB2_30:
0x28a: {  	s0 =	simm.s32 $0x10140  }
0x28b: {  	v3 =	vld [tilespmem:s0+$0x30]  }
0x28c: {  	s31 =	simm.s32 $0x4040;
	v4 =	vld [tilespmem:s0+$0x20]  }
0x28d: {  	v6 =	vld [tilespmem:s31+$0x30]  }
0x28e: {  	s20 =	simm.s32 $0xC040;
	v5 =	vld [tilespmem:s0+$0x10]  }
0x28f: {  	v7 =	vld [tilespmem:s20+$0x30]  }
0x290: {  	v8 =	vld [tilespmem:s0+$0x0]  }
0x291: {  	v9 =	vld [tilespmem:s31+$0x20]  }
0x292: {  	v10 =	vld [tilespmem:s0+$0xFFFFFFF0]  }
0x293: {  	v11 =	vld [tilespmem:s20+$0x20]  }
0x294: {  	v13 =	vld [tilespmem:s0+$0xFFFFFFE0]  }
0x295: {  	v14 =	vld [tilespmem:s31+$0x10]  }
0x296: {  	v15 =	vld [tilespmem:s0+$0xFFFFFFD0]  }
0x297: {  	v16 =	vld [tilespmem:s20+$0x10]  }
0x298: {  	v17 =	vld [tilespmem:s0+$0xFFFFFFC0]  }
0x299: {  	v18 =	vld [tilespmem:s31+$0x0]  }
0x29a: {  	v2 =	vmov s30;
	v20 =	vld [tilespmem:s31+$0xFFFFFFF0]  }
0x29b: {  	v12 =	vimm.f32 $0.0e+00;
	v21 =	vld [tilespmem:s20+$0xFFFFFFF0];
	vm0 =	veq.s32 v3, v2;
	vm3 =	veq.s32 v4, v2  }
0x29c: {  	v19 =	vld [tilespmem:s20+$0x0];
	vm2 =	veq.s32 v5, v2;
	vm4 =	veq.s32 v8, v2;
	vm1 =	veq.s32 v10, v2  }
0x29d: {  	v24 =	vld [tilespmem:s31+$0xFFFFFFD0];
	vm5 =	veq.s32 v13, v2;
	vm6 =	veq.s32 v15, v2;
	vm7 =	veq.s32 v17, v2  }
0x29e: {  	v28 =	vld [tilespmem:s20+$0xFFFFFFC0];
	v5 =	vnsel vm3, $0x0, v9;
	v4 =	vnsel vm0, $0x0, v6;
	v3 =	vnsel vm0, $0x0, v7  }
0x29f: {  	v15 =	vld [tilespmem:s31+$0xFFFFFFE0];
	v7 =	vnsel vm2, $0x0, v14;
	v8 =	vnsel vm2, $0x0, v16;
	v6 =	vnsel vm3, $0x0, v11  }
0x2a0: {  	v17 =	vld [tilespmem:s20+$0xFFFFFFE0];
	v11 =	vnsel vm1, $0x0, v20;
	v13 =	vnsel vm1, $0x0, v21;
	v21 =	vmul.f32 v4, v4  }
0x2a1: {  	v16 =	vld [tilespmem:s20+$0xFFFFFFD0];
	v9 =	vnsel vm4, $0x0, v18;
	v22 =	vmul.f32 v3, v3;
	v26 =	vmul.f32 v5, v5  }
0x2a2: {  	v10 =	vnsel vm4, $0x0, v19;
	v18 =	vld [tilespmem:s31+$0xFFFFFFC0];
	v27 =	vmul.f32 v6, v6;
	v23 =	vmul.f32 v7, v7  }
0x2a3: {  	v19 =	vnsel vm6, $0x0, v24;
	v25 =	vmul.f32 v8, v8;
	v30 =	vmul.f32 v9, v9  }
0x2a4: {  	v28 =	vnsel vm7, $0x0, v28;
	v32 =	vmul.f32 v10, v10;
	v29 =	vmul.f32 v11, v11  }
0x2a5: {  	v31 =	vmul.f32 v13, v13;
	v33 =	vmul.f32 v19, v19;
	v14 =	vnsel vm5, $0x0, v15  }
0x2a6: {  	v15 =	vnsel vm5, $0x0, v17;
	v17 =	vimm.f32 $0.0e+00;
	v20 =	vnsel vm6, $0x0, v16  }
0x2a7: {  	v24 =	vnsel vm7, $0x0, v18;
	v35 =	vmul.f32 v14, v14;
	v36 =	vmul.f32 v15, v15  }
0x2a8: {  	s2 =	simm.s32 $0x101C0;
	s0 =	simm.s32 $0x0;
	v18 =	vimm.f32 $0.0e+00;
	v16 =	vimm.f32 $0.0e+00;
	v34 =	vmul.f32 v20, v20  }
.LBB2_31:
0x2a9: {  	v38 =	vmul.f32 v24, v24;
	v26 =	vadd.f32 v27, v26;
	v21 =	vadd.f32 v22, v21  }
0x2aa: {  	v37 =	vld [tilespmem:s2+$0x30];
	vm8 =	vmmov vm0;
	vm9 =	vmmov vm3;
	vm10 =	vmmov vm2  }
0x2ab: {  	v22 =	vmul.f32 v28, v28;
	v27 =	vadd.f32 v32, v30;
	v23 =	vadd.f32 v25, v23  }
0x2ac: {  	v30 =	vadd.f32 v36, v35;
	v29 =	vadd.f32 v31, v29;
	s31 =	sadd.s32 $0x80, s31;
	vm11 =	vmmov vm4;
	v25 =	vld [tilespmem:s2+$0x20]  }
0x2ad: {  	v32 =	vadd.f32 v34, v33;
	v22 =	vadd.f32 v22, v38;
	v31 =	vld [tilespmem:s31+$0x30]  }
0x2ae: {  	v12 =	vadd.f32 v24, v12;
	v18 =	vadd.f32 v28, v18;
	v24 =	vsel vm7, $0x3F800000, v1;
	s20 =	sadd.s32 $0x80, s20;
	v33 =	vld [tilespmem:s2+$0x10]  }
0x2af: {  	v17 =	vadd.f32 v24, v17;
	v16 =	vadd.f32 v22, v16;
	vm0 =	veq.s32 v37, v2;
	v28 =	vld [tilespmem:s20+$0x30]  }
0x2b0: {  	v12 =	vadd.f32 v19, v12;
	v18 =	vadd.f32 v20, v18;
	v19 =	vsel vm6, $0x3F800000, v1;
	v22 =	vld [tilespmem:s2+$0x0]  }
0x2b1: {  	v17 =	vadd.f32 v19, v17;
	v16 =	vadd.f32 v32, v16;
	vm3 =	veq.s32 v25, v2;
	v20 =	vld [tilespmem:s31+$0x20]  }
0x2b2: {  	v12 =	vadd.f32 v14, v12;
	v14 =	vadd.f32 v15, v18;
	v15 =	vsel vm5, $0x3F800000, v1;
	v19 =	vld [tilespmem:s2+$0xFFFFFFF0]  }
0x2b3: {  	v15 =	vadd.f32 v15, v17;
	v16 =	vadd.f32 v30, v16;
	vm2 =	veq.s32 v33, v2;
	v24 =	vld [tilespmem:s20+$0x20]  }
0x2b4: {  	v11 =	vadd.f32 v11, v12;
	v12 =	vadd.f32 v13, v14;
	v13 =	vsel vm1, $0x3F800000, v1;
	v17 =	vld [tilespmem:s2+$0xFFFFFFE0]  }
0x2b5: {  	v13 =	vadd.f32 v13, v15;
	v16 =	vadd.f32 v29, v16;
	vm4 =	veq.s32 v22, v2;
	v14 =	vld [tilespmem:s31+$0x10]  }
0x2b6: {  	v9 =	vadd.f32 v9, v11;
	v10 =	vadd.f32 v10, v12;
	v11 =	vsel vm11, $0x3F800000, v1;
	v15 =	vld [tilespmem:s2+$0xFFFFFFD0]  }
0x2b7: {  	v11 =	vadd.f32 v11, v13;
	v12 =	vadd.f32 v27, v16;
	vm1 =	veq.s32 v19, v2;
	v19 =	vld [tilespmem:s20+$0x10]  }
0x2b8: {  	v7 =	vadd.f32 v7, v9;
	v8 =	vadd.f32 v8, v10;
	v9 =	vsel vm10, $0x3F800000, v1;
	v13 =	vld [tilespmem:s2+$0xFFFFFFC0]  }
0x2b9: {  	v9 =	vadd.f32 v9, v11;
	v12 =	vadd.f32 v23, v12;
	vm5 =	veq.s32 v17, v2;
	v10 =	vld [tilespmem:s31+$0x0]  }
0x2ba: {  	v5 =	vadd.f32 v5, v7;
	v6 =	vadd.f32 v6, v8;
	v7 =	vsel vm9, $0x3F800000, v1;
	v22 =	vld [tilespmem:s20+$0x0]  }
0x2bb: {  	v7 =	vadd.f32 v7, v9;
	v8 =	vadd.f32 v26, v12;
	vm6 =	veq.s32 v15, v2;
	v11 =	vld [tilespmem:s31+$0xFFFFFFF0]  }
0x2bc: {  	v18 =	vadd.f32 v3, v6;
	v3 =	vsel vm8, $0x3F800000, v1;
	v12 =	vadd.f32 v4, v5;
	v15 =	vld [tilespmem:s20+$0xFFFFFFF0]  }
0x2bd: {  	v17 =	vadd.f32 v3, v7;
	v16 =	vadd.f32 v21, v8;
	vm7 =	veq.s32 v13, v2;
	v23 =	vld [tilespmem:s31+$0xFFFFFFE0]  }
0x2be: {  	v3 =	vnsel vm0, $0x0, v28;
	v5 =	vnsel vm3, $0x0, v20;
	v4 =	vnsel vm0, $0x0, v31;
	v25 =	vld [tilespmem:s20+$0xFFFFFFE0]  }
0x2bf: {  	v6 =	vnsel vm3, $0x0, v24;
	v7 =	vnsel vm2, $0x0, v14;
	v8 =	vnsel vm2, $0x0, v19;
	v20 =	vld [tilespmem:s31+$0xFFFFFFD0]  }
0x2c0: {  	v9 =	vnsel vm4, $0x0, v10;
	v10 =	vnsel vm4, $0x0, v22;
	v24 =	vld [tilespmem:s20+$0xFFFFFFD0];
	v11 =	vnsel vm1, $0x0, v11  }
0x2c1: {  	s0 =	sadd.s32 $0x8, s0;
	v21 =	vmul.f32 v4, v4;
	v22 =	vmul.f32 v3, v3;
	v28 =	vld [tilespmem:s31+$0xFFFFFFC0];
	v13 =	vnsel vm1, $0x0, v15  }
0x2c2: {  	p0 =	slt.u32 s0, $0x3F8;
	v27 =	vmul.f32 v6, v6;
	v26 =	vmul.f32 v5, v5;
	v33 =	vld [tilespmem:s20+$0xFFFFFFC0];
	v14 =	vnsel vm5, $0x0, v23  }
.Ltmp24:
0x2c3: {  	v23 =	vmul.f32 v7, v7;
	v15 =	vnsel vm5, $0x0, v25;
	v25 =	vmul.f32 v8, v8;
	(pc) =	sbr.rel @p0 .LBB2_31-.Ltmp24, $4  }
0x2c4: {  	v30 =	vmul.f32 v9, v9;
	v32 =	vmul.f32 v10, v10;
	v19 =	vnsel vm6, $0x0, v20  }
0x2c5: {  	v29 =	vmul.f32 v11, v11;
	v31 =	vmul.f32 v13, v13;
	v20 =	vnsel vm6, $0x0, v24  }
0x2c6: {  	v35 =	vmul.f32 v14, v14;
	v36 =	vmul.f32 v15, v15;
	v24 =	vnsel vm7, $0x0, v28  }
0x2c7: {  	s2 =	sadd.s32 $0x80, s2;
	v34 =	vmul.f32 v20, v20;
	v28 =	vnsel vm7, $0x0, v33;
	v33 =	vmul.f32 v19, v19  }
0x2c8: {  	v37 =	vmul.f32 v24, v24;
	v26 =	vadd.f32 v27, v26;
	v21 =	vadd.f32 v22, v21  }
0x2c9: {  	v43 =	vmul.f32 v28, v28;
	v44 =	vadd.f32 v32, v30;
	v23 =	vadd.f32 v25, v23  }
0x2ca: {  	v45 =	vadd.f32 v36, v35;
	v29 =	vadd.f32 v31, v29  }
0x2cb: {  	v12 =	vadd.f32 v24, v12;
	v22 =	vadd.f32 v43, v37  }
0x2cc: {  	v18 =	vadd.f32 v28, v18;
	v46 =	vadd.f32 v34, v33  }
0x2cd: {  	v47 =	vsel vm7, $0x3F800000, v1;
	v12 =	vadd.f32 v19, v12;
	v16 =	vadd.f32 v22, v16  }
0x2ce: {  	v48 =	vsel vm6, $0x3F800000, v1;
	v17 =	vadd.f32 v47, v17;
	v18 =	vadd.f32 v20, v18  }
0x2cf: {  	v50 =	vsel vm5, $0x3F800000, v1;
	v12 =	vadd.f32 v14, v12;
	v16 =	vadd.f32 v46, v16  }
0x2d0: {  	vm3 =	vmmov vm3;
	v17 =	vadd.f32 v48, v17;
	v49 =	vadd.f32 v15, v18  }
0x2d1: {  	v52 =	vsel vm1, $0x3F800000, v1;
	v11 =	vadd.f32 v11, v12;
	v16 =	vadd.f32 v45, v16  }
0x2d2: {  	vm14 =	vmmov vm4;
	v15 =	vadd.f32 v50, v17;
	v51 =	vadd.f32 v13, v49  }
0x2d3: {  	vm15 =	vmmov vm2;
	v9 =	vadd.f32 v9, v11;
	v53 =	vadd.f32 v29, v16  }
0x2d4: {  	v58 =	vadd.s32 $0x40, v2;
	v13 =	vadd.f32 v52, v15;
	v10 =	vadd.f32 v10, v51  }
0x2d5: {  	v54 =	vsel vm14, $0x3F800000, v1;
	v7 =	vadd.f32 v7, v9;
	v55 =	vadd.f32 v44, v53  }
0x2d6: {  	v60 =	vadd.s32 $0x80, v2;
	v11 =	vadd.f32 v54, v13;
	v8 =	vadd.f32 v8, v10  }
0x2d7: {  	v56 =	vsel vm15, $0x3F800000, v1;
	v5 =	vadd.f32 v5, v7;
	v57 =	vadd.f32 v23, v55  }
0x2d8: {  	v61 =	vadd.s32 $0xC0, v2;
	v9 =	vadd.f32 v56, v11;
	v6 =	vadd.f32 v6, v8  }
0x2d9: {  	p0 =	sne.s32 s30, s29;
	v59 =	vsel vm3, $0x3F800000, v1;
	v4 =	vadd.f32 v4, v5;
	v10 =	vadd.f32 v26, v57  }
.Ltmp25:
0x2da: {  	vm0 =	vmmov vm0;
	v8 =	vadd.f32 v59, v9;
	v3 =	vadd.f32 v3, v6;
	(pc) =	sbr.rel @p0 .LBB2_30-.Ltmp25, $4  }
0x2db: {  	v62 =	vsel vm0, $0x3F800000, v1;
	[tilespmem:v2+s21+$0x0] =	vst.idx.add.f32.msk $0xffff, v4;
	v63 =	vadd.f32 v21, v10  }
0x2dc: {  	v2 =	vadd.f32 v62, v8;
	[tilespmem:v58+s21+$0x0] =	vst.idx.add.f32.msk $0xffff, v3  }
0x2dd: {  	s0 =	sadd.s32 $0x1, s30;
	[tilespmem:v60+s21+$0x0] =	vst.idx.add.f32.msk $0xffff, v63  }
0x2de: {  	s30 =	smov.u32 s0;
	[tilespmem:v61+s21+$0x0] =	vst.idx.add.f32.msk $0xffff, v2  }
.LBB2_33:
0x2df: {  	_ =	swait.ge [sflag:s12], $0x4000  }
0x2e0: {  	[sflag:s12] =	ssyncset.done $0x0  }
0x2e1: {  	[sflag:s12] =	ssyncadd.s32 $0xFFFFC000  }
0x2e2: {  	_ =	swait.ge [sflag:s12], $0x4000  }
0x2e3: {  	[sflag:s12] =	ssyncset.done $0x0  }
0x2e4: {  	[sflag:s12] =	ssyncadd.s32 $0xFFFFC000  }
0x2e5: {  	_ =	swait.ge [sflag:s12], $0x10  }
0x2e6: {  	[sflag:s12] =	ssyncset.done $0x0  }
0x2e7: {  	[sflag:s12] =	ssyncadd.s32 $0xFFFFFFF0  }
0x2e8: {  	_ =	swait.ge [sflag:s12], $0x10  }
0x2e9: {  	[sflag:s12] =	ssyncset.done $0x0  }
0x2ea: {  	s0 =	rddreg [dreg:$0xb];
	[sflag:s12] =	ssyncadd.s32 $0xFFFFFFF0  }
0x2eb: {  	[tilespmem:s14], [sflag:$0x2] =	stream.linear.gather [hbm4b:s0+s1], $0x4000, $0x38;
	[tilespmem:$0x14200] =	vst v63  }
0x2ec: {  	s31 =	rddreg [dreg:$0xc]  }
0x2ed: {  	[tilespmem:s15], [sflag:$0x2] =	stream.linear.gather [hbm4b:s31+s1], $0x4000, $0x38;
	[tilespmem:$0x14200] =	vst v63  }
0x2ee: {  	_ = 	snop  }
0x2ef: {  	[tilespmem:s17], [sflag:$0x2] =	stream.linear.gather [hbm4b:s16+s1], $0x10, $0x38;
	[tilespmem:$0x14200] =	vst v63  }
0x2f0: {  	_ = 	snop  }
0x2f1: {  	[tilespmem:s18], [sflag:$0x2] =	stream.linear.gather [hbm4b:s3+s1], $0x10, $0x38;
	[tilespmem:$0x14200] =	vst v63  }
0x2f2: {  	v2 =	vld [tilespmem:$0x10000]  }
0x2f3: {  	v3 =	vld [tilespmem:$0x10010];
	_ =	sdelay $0x3  }
0x2f4: {  	(v2sf) =	vpush v2, $0x0  }
0x2f5: {  	(v2sf) =	vpush v3, $0xF;
	_ =	sdelay $0xd  }
0x2f6: {  	s30 =	spop (v2sf)  }
0x2f7: {  	s29 =	spop (v2sf)  }
0x2f8: {  	p0 =	sne.s32 s30, s29  }
.Ltmp26:
0x2f9: {  	_ = 	snop;
	(pc) =	sbr.rel @p0 .LBB2_37-.Ltmp26, $1  }
0x2fa: {  	_ =	sdelay $0x3  }
0x2fb: {  	s2 =	simm.s32 $0x40  }
0x2fc: {  	s0 =	simm.s32 $0x8040;
	v7 =	vld [tilespmem:s2+$0xFFFFFFC0]  }
0x2fd: {  	v9 =	vld [tilespmem:s0+$0xFFFFFFC0]  }
0x2fe: {  	v10 =	vld [tilespmem:s2+$0xFFFFFFD0]  }
0x2ff: {  	v11 =	vld [tilespmem:s0+$0xFFFFFFD0]  }
0x300: {  	v12 =	vld [tilespmem:s2+$0xFFFFFFE0]  }
0x301: {  	v4 =	vld [tilespmem:s0+$0xFFFFFFF0]  }
0x302: {  	v15 =	vld [tilespmem:s0+$0xFFFFFFE0]  }
0x303: {  	v6 =	vld [tilespmem:s2+$0xFFFFFFF0];
	v3 =	vmul.f32 v7, v7;
	v8 =	vmul.f32 v9, v9  }
0x304: {  	v16 =	vimm.f32 $0.0e+00;
	v5 =	vld [tilespmem:s2+$0x0];
	v13 =	vmul.f32 v10, v10  }
0x305: {  	v14 =	vmul.f32 v11, v11;
	v18 =	vmul.f32 v12, v12;
	v17 =	vadd.f32 v8, v3;
	v3 =	vld [tilespmem:s0+$0x0]  }
0x306: {  	v19 =	vadd.f32 v7, v16;
	v20 =	vadd.f32 v9, v16;
	v21 =	vmul.f32 v4, v4;
	v8 =	vld [tilespmem:s2+$0x10]  }
0x307: {  	v7 =	vld [tilespmem:s0+$0x10];
	v13 =	vadd.f32 v14, v13;
	v14 =	vmul.f32 v15, v15;
	v16 =	vadd.f32 v17, v16  }
0x308: {  	v9 =	vld [tilespmem:s2+$0x20];
	v19 =	vadd.f32 v10, v19;
	v20 =	vadd.f32 v11, v20;
	v17 =	vmul.f32 v6, v6  }
0x309: {  	v10 =	vld [tilespmem:s0+$0x20];
	v18 =	vadd.f32 v14, v18;
	v14 =	vmul.f32 v5, v5;
	v22 =	vadd.f32 v13, v16  }
0x30a: {  	v11 =	vld [tilespmem:s2+$0x30];
	v16 =	vadd.f32 v12, v19;
	v13 =	vadd.f32 v21, v17;
	v19 =	vmul.f32 v3, v3  }
0x30b: {  	s20 =	simm.s32 $0xC0;
	s2 =	simm.s32 $0x0;
	v17 =	vadd.f32 v15, v20;
	v12 =	vld [tilespmem:s0+$0x30];
	v15 =	vmul.f32 v8, v8;
	v18 =	vadd.f32 v18, v22  }
.LBB2_35:
0x30c: {  	v20 =	vld [tilespmem:s20+$0xFFFFFFC0];
	v6 =	vadd.f32 v6, v16;
	v14 =	vadd.f32 v19, v14;
	v16 =	vmul.f32 v7, v7;
	s0 =	sadd.s32 $0x80, s0  }
0x30d: {  	v19 =	vld [tilespmem:s0+$0xFFFFFFC0];
	v4 =	vadd.f32 v4, v17;
	v13 =	vadd.f32 v13, v18;
	v17 =	vmul.f32 v9, v9  }
0x30e: {  	s2 =	sadd.s32 $0x8, s2;
	v18 =	vld [tilespmem:s20+$0xFFFFFFD0];
	v5 =	vadd.f32 v5, v6;
	v6 =	vadd.f32 v16, v15;
	v15 =	vmul.f32 v10, v10  }
0x30f: {  	p0 =	slt.u32 s2, $0x3F8;
	v16 =	vld [tilespmem:s0+$0xFFFFFFD0];
	v3 =	vadd.f32 v3, v4;
	v4 =	vadd.f32 v14, v13;
	v13 =	vmul.f32 v11, v11  }
0x310: {  	v21 =	vld [tilespmem:s20+$0xFFFFFFE0];
	v5 =	vadd.f32 v8, v5;
	v8 =	vadd.f32 v15, v17;
	v14 =	vmul.f32 v12, v12  }
0x311: {  	v15 =	vmul.f32 v20, v20;
	v17 =	vld [tilespmem:s0+$0xFFFFFFE0];
	v3 =	vadd.f32 v7, v3;
	v7 =	vadd.f32 v6, v4  }
0x312: {  	v22 =	vmul.f32 v19, v19;
	v6 =	vld [tilespmem:s20+$0xFFFFFFF0];
	v9 =	vadd.f32 v9, v5;
	v13 =	vadd.f32 v14, v13  }
0x313: {  	v14 =	vmul.f32 v18, v18;
	v4 =	vld [tilespmem:s0+$0xFFFFFFF0];
	v10 =	vadd.f32 v10, v3;
	v7 =	vadd.f32 v8, v7  }
0x314: {  	v15 =	vadd.f32 v22, v15;
	v8 =	vmul.f32 v16, v16;
	v5 =	vld [tilespmem:s20+$0x0];
	v9 =	vadd.f32 v11, v9  }
0x315: {  	v11 =	vmul.f32 v21, v21;
	v3 =	vld [tilespmem:s0+$0x0];
	v10 =	vadd.f32 v12, v10;
	v7 =	vadd.f32 v13, v7  }
0x316: {  	v9 =	vadd.f32 v20, v9;
	v12 =	vadd.f32 v8, v14;
	v13 =	vmul.f32 v17, v17;
	v8 =	vld [tilespmem:s20+$0x10]  }
.Ltmp27:
0x317: {  	v10 =	vadd.f32 v19, v10;
	v14 =	vadd.f32 v15, v7;
	v15 =	vmul.f32 v6, v6;
	v7 =	vld [tilespmem:s0+$0x10];
	(pc) =	sbr.rel @p0 .LBB2_35-.Ltmp27, $4  }
0x318: {  	v18 =	vadd.f32 v18, v9;
	v20 =	vadd.f32 v13, v11;
	v11 =	vmul.f32 v4, v4;
	v9 =	vld [tilespmem:s20+$0x20]  }
0x319: {  	v22 =	vadd.f32 v16, v10;
	v12 =	vadd.f32 v12, v14;
	v14 =	vmul.f32 v5, v5;
	v10 =	vld [tilespmem:s0+$0x20]  }
0x31a: {  	v16 =	vadd.f32 v21, v18;
	v13 =	vadd.f32 v11, v15;
	v19 =	vmul.f32 v3, v3;
	v11 =	vld [tilespmem:s20+$0x30]  }
0x31b: {  	s20 =	sadd.s32 $0x80, s20;
	v17 =	vadd.f32 v17, v22;
	v18 =	vadd.f32 v20, v12;
	v15 =	vmul.f32 v8, v8;
	v12 =	vld [tilespmem:s0+$0x30]  }
0x31c: {  	v6 =	vadd.f32 v6, v16;
	v14 =	vadd.f32 v19, v14  }
0x31d: {  	v52 =	vmul.f32 v7, v7;
	v2 =	vbroadcast v2, $0x0;
	v4 =	vadd.f32 v4, v17  }
0x31e: {  	v13 =	vadd.f32 v13, v18;
	v53 =	vmul.f32 v9, v9;
	v5 =	vadd.f32 v5, v6  }
0x31f: {  	v54 =	vadd.f32 v52, v15;
	v55 =	vmul.f32 v10, v10;
	v3 =	vadd.f32 v3, v4  }
0x320: {  	v56 =	vadd.f32 v14, v13;
	v57 =	vmul.f32 v11, v11;
	v5 =	vadd.f32 v8, v5  }
0x321: {  	v58 =	vadd.f32 v55, v53;
	v59 =	vmul.f32 v12, v12;
	v3 =	vadd.f32 v7, v3  }
0x322: {  	v60 =	vadd.s32 $0x40, v2;
	v4 =	vadd.f32 v54, v56;
	v5 =	vadd.f32 v9, v5  }
0x323: {  	v62 =	vadd.s32 $0x80, v2;
	v61 =	vadd.f32 v59, v57;
	v3 =	vadd.f32 v10, v3  }
0x324: {  	v63 =	vadd.s32 $0xC0, v2;
	v4 =	vadd.f32 v58, v4;
	v5 =	vadd.f32 v11, v5  }
.Ltmp28:
0x325: {  	v3 =	vadd.f32 v12, v3;
	(pc) =	sbr.rel .LBB2_41-.Ltmp28, $4  }
0x326: {  	v4 =	vadd.f32 v61, v4;
	[tilespmem:v2+s21+$0x0] =	vst.idx.add.f32.msk $0xffff, v5  }
0x327: {  	[tilespmem:v60+s21+$0x0] =	vst.idx.add.f32.msk $0xffff, v3  }
0x328: {  	[tilespmem:v62+s21+$0x0] =	vst.idx.add.f32.msk $0xffff, v4  }
0x329: {  	[tilespmem:v63+s21+$0x0] =	vst.idx.add.f32.msk $0xffff, v0  }
.LBB2_37:
0x32a: {  	s0 =	sadd.s32 $0x1, s29  }
0x32b: {  	p0 =	sge.s32 s30, s0  }
.Ltmp29:
0x32c: {  	_ = 	snop;
	(pc) =	sbr.rel @p0 .LBB2_41-.Ltmp29, $4  }
0x32d: {  	[tilespmem:s25], [sflag:$0x3] =	stream.linear.gather [hbm4b:s13+s1], $0x4000, $0x38;
	[tilespmem:$0x14200] =	vst v63  }
0x32e: {  	_ =	swait.ge [sflag:s24], $0x4000  }
0x32f: {  	[sflag:s24] =	ssyncset.done $0x0  }
0x330: {  	[sflag:s24] =	ssyncadd.s32 $0xFFFFC000  }
.LBB2_38:
0x331: {  	s0 =	simm.s32 $0x10140  }
0x332: {  	v3 =	vld [tilespmem:s0+$0x30]  }
0x333: {  	s31 =	simm.s32 $0x40;
	v4 =	vld [tilespmem:s0+$0x20]  }
0x334: {  	v6 =	vld [tilespmem:s31+$0x30]  }
0x335: {  	s20 =	simm.s32 $0x8040;
	v5 =	vld [tilespmem:s0+$0x10]  }
0x336: {  	v7 =	vld [tilespmem:s20+$0x30]  }
0x337: {  	v8 =	vld [tilespmem:s0+$0x0]  }
0x338: {  	v9 =	vld [tilespmem:s31+$0x20]  }
0x339: {  	v10 =	vld [tilespmem:s0+$0xFFFFFFF0]  }
0x33a: {  	v11 =	vld [tilespmem:s20+$0x20]  }
0x33b: {  	v13 =	vld [tilespmem:s0+$0xFFFFFFE0]  }
0x33c: {  	v14 =	vld [tilespmem:s31+$0x10]  }
0x33d: {  	v15 =	vld [tilespmem:s0+$0xFFFFFFD0]  }
0x33e: {  	v16 =	vld [tilespmem:s20+$0x10]  }
0x33f: {  	v17 =	vld [tilespmem:s0+$0xFFFFFFC0]  }
0x340: {  	v18 =	vld [tilespmem:s31+$0x0]  }
0x341: {  	v2 =	vmov s30;
	v20 =	vld [tilespmem:s31+$0xFFFFFFF0]  }
0x342: {  	v12 =	vimm.f32 $0.0e+00;
	v21 =	vld [tilespmem:s20+$0xFFFFFFF0];
	vm0 =	veq.s32 v3, v2;
	vm3 =	veq.s32 v4, v2  }
0x343: {  	v19 =	vld [tilespmem:s20+$0x0];
	vm2 =	veq.s32 v5, v2;
	vm4 =	veq.s32 v8, v2;
	vm1 =	veq.s32 v10, v2  }
0x344: {  	v24 =	vld [tilespmem:s31+$0xFFFFFFD0];
	vm5 =	veq.s32 v13, v2;
	vm6 =	veq.s32 v15, v2;
	vm7 =	veq.s32 v17, v2  }
0x345: {  	v28 =	vld [tilespmem:s20+$0xFFFFFFC0];
	v5 =	vnsel vm3, $0x0, v9;
	v4 =	vnsel vm0, $0x0, v6;
	v3 =	vnsel vm0, $0x0, v7  }
0x346: {  	v15 =	vld [tilespmem:s31+$0xFFFFFFE0];
	v7 =	vnsel vm2, $0x0, v14;
	v8 =	vnsel vm2, $0x0, v16;
	v6 =	vnsel vm3, $0x0, v11  }
0x347: {  	v17 =	vld [tilespmem:s20+$0xFFFFFFE0];
	v11 =	vnsel vm1, $0x0, v20;
	v13 =	vnsel vm1, $0x0, v21;
	v21 =	vmul.f32 v4, v4  }
0x348: {  	v16 =	vld [tilespmem:s20+$0xFFFFFFD0];
	v9 =	vnsel vm4, $0x0, v18;
	v22 =	vmul.f32 v3, v3;
	v26 =	vmul.f32 v5, v5  }
0x349: {  	v10 =	vnsel vm4, $0x0, v19;
	v18 =	vld [tilespmem:s31+$0xFFFFFFC0];
	v27 =	vmul.f32 v6, v6;
	v23 =	vmul.f32 v7, v7  }
0x34a: {  	v19 =	vnsel vm6, $0x0, v24;
	v25 =	vmul.f32 v8, v8;
	v30 =	vmul.f32 v9, v9  }
0x34b: {  	v28 =	vnsel vm7, $0x0, v28;
	v32 =	vmul.f32 v10, v10;
	v29 =	vmul.f32 v11, v11  }
0x34c: {  	v31 =	vmul.f32 v13, v13;
	v33 =	vmul.f32 v19, v19;
	v14 =	vnsel vm5, $0x0, v15  }
0x34d: {  	v15 =	vnsel vm5, $0x0, v17;
	v17 =	vimm.f32 $0.0e+00;
	v20 =	vnsel vm6, $0x0, v16  }
0x34e: {  	v24 =	vnsel vm7, $0x0, v18;
	v35 =	vmul.f32 v14, v14;
	v36 =	vmul.f32 v15, v15  }
0x34f: {  	s2 =	simm.s32 $0x101C0;
	s0 =	simm.s32 $0x0;
	v18 =	vimm.f32 $0.0e+00;
	v16 =	vimm.f32 $0.0e+00;
	v34 =	vmul.f32 v20, v20  }
.LBB2_39:
0x350: {  	v38 =	vmul.f32 v24, v24;
	v26 =	vadd.f32 v27, v26;
	v21 =	vadd.f32 v22, v21  }
0x351: {  	v37 =	vld [tilespmem:s2+$0x30];
	vm8 =	vmmov vm0;
	vm9 =	vmmov vm3;
	vm10 =	vmmov vm2  }
0x352: {  	v22 =	vmul.f32 v28, v28;
	v27 =	vadd.f32 v32, v30;
	v23 =	vadd.f32 v25, v23  }
0x353: {  	v30 =	vadd.f32 v36, v35;
	v29 =	vadd.f32 v31, v29;
	s31 =	sadd.s32 $0x80, s31;
	vm11 =	vmmov vm4;
	v25 =	vld [tilespmem:s2+$0x20]  }
0x354: {  	v32 =	vadd.f32 v34, v33;
	v22 =	vadd.f32 v22, v38;
	v31 =	vld [tilespmem:s31+$0x30]  }
0x355: {  	v12 =	vadd.f32 v24, v12;
	v18 =	vadd.f32 v28, v18;
	v24 =	vsel vm7, $0x3F800000, v1;
	s20 =	sadd.s32 $0x80, s20;
	v33 =	vld [tilespmem:s2+$0x10]  }
0x356: {  	v17 =	vadd.f32 v24, v17;
	v16 =	vadd.f32 v22, v16;
	vm0 =	veq.s32 v37, v2;
	v28 =	vld [tilespmem:s20+$0x30]  }
0x357: {  	v12 =	vadd.f32 v19, v12;
	v18 =	vadd.f32 v20, v18;
	v19 =	vsel vm6, $0x3F800000, v1;
	v22 =	vld [tilespmem:s2+$0x0]  }
0x358: {  	v17 =	vadd.f32 v19, v17;
	v16 =	vadd.f32 v32, v16;
	vm3 =	veq.s32 v25, v2;
	v20 =	vld [tilespmem:s31+$0x20]  }
0x359: {  	v12 =	vadd.f32 v14, v12;
	v14 =	vadd.f32 v15, v18;
	v15 =	vsel vm5, $0x3F800000, v1;
	v19 =	vld [tilespmem:s2+$0xFFFFFFF0]  }
0x35a: {  	v15 =	vadd.f32 v15, v17;
	v16 =	vadd.f32 v30, v16;
	vm2 =	veq.s32 v33, v2;
	v24 =	vld [tilespmem:s20+$0x20]  }
0x35b: {  	v11 =	vadd.f32 v11, v12;
	v12 =	vadd.f32 v13, v14;
	v13 =	vsel vm1, $0x3F800000, v1;
	v17 =	vld [tilespmem:s2+$0xFFFFFFE0]  }
0x35c: {  	v13 =	vadd.f32 v13, v15;
	v16 =	vadd.f32 v29, v16;
	vm4 =	veq.s32 v22, v2;
	v14 =	vld [tilespmem:s31+$0x10]  }
0x35d: {  	v9 =	vadd.f32 v9, v11;
	v10 =	vadd.f32 v10, v12;
	v11 =	vsel vm11, $0x3F800000, v1;
	v15 =	vld [tilespmem:s2+$0xFFFFFFD0]  }
0x35e: {  	v11 =	vadd.f32 v11, v13;
	v12 =	vadd.f32 v27, v16;
	vm1 =	veq.s32 v19, v2;
	v19 =	vld [tilespmem:s20+$0x10]  }
0x35f: {  	v7 =	vadd.f32 v7, v9;
	v8 =	vadd.f32 v8, v10;
	v9 =	vsel vm10, $0x3F800000, v1;
	v13 =	vld [tilespmem:s2+$0xFFFFFFC0]  }
0x360: {  	v9 =	vadd.f32 v9, v11;
	v12 =	vadd.f32 v23, v12;
	vm5 =	veq.s32 v17, v2;
	v10 =	vld [tilespmem:s31+$0x0]  }
0x361: {  	v5 =	vadd.f32 v5, v7;
	v6 =	vadd.f32 v6, v8;
	v7 =	vsel vm9, $0x3F800000, v1;
	v22 =	vld [tilespmem:s20+$0x0]  }
0x362: {  	v7 =	vadd.f32 v7, v9;
	v8 =	vadd.f32 v26, v12;
	vm6 =	veq.s32 v15, v2;
	v11 =	vld [tilespmem:s31+$0xFFFFFFF0]  }
0x363: {  	v18 =	vadd.f32 v3, v6;
	v3 =	vsel vm8, $0x3F800000, v1;
	v12 =	vadd.f32 v4, v5;
	v15 =	vld [tilespmem:s20+$0xFFFFFFF0]  }
0x364: {  	v17 =	vadd.f32 v3, v7;
	v16 =	vadd.f32 v21, v8;
	vm7 =	veq.s32 v13, v2;
	v23 =	vld [tilespmem:s31+$0xFFFFFFE0]  }
0x365: {  	v3 =	vnsel vm0, $0x0, v28;
	v5 =	vnsel vm3, $0x0, v20;
	v4 =	vnsel vm0, $0x0, v31;
	v25 =	vld [tilespmem:s20+$0xFFFFFFE0]  }
0x366: {  	v6 =	vnsel vm3, $0x0, v24;
	v7 =	vnsel vm2, $0x0, v14;
	v8 =	vnsel vm2, $0x0, v19;
	v20 =	vld [tilespmem:s31+$0xFFFFFFD0]  }
0x367: {  	v9 =	vnsel vm4, $0x0, v10;
	v10 =	vnsel vm4, $0x0, v22;
	v24 =	vld [tilespmem:s20+$0xFFFFFFD0];
	v11 =	vnsel vm1, $0x0, v11  }
0x368: {  	s0 =	sadd.s32 $0x8, s0;
	v21 =	vmul.f32 v4, v4;
	v22 =	vmul.f32 v3, v3;
	v28 =	vld [tilespmem:s31+$0xFFFFFFC0];
	v13 =	vnsel vm1, $0x0, v15  }
0x369: {  	p0 =	slt.u32 s0, $0x3F8;
	v27 =	vmul.f32 v6, v6;
	v26 =	vmul.f32 v5, v5;
	v33 =	vld [tilespmem:s20+$0xFFFFFFC0];
	v14 =	vnsel vm5, $0x0, v23  }
.Ltmp30:
0x36a: {  	v23 =	vmul.f32 v7, v7;
	v15 =	vnsel vm5, $0x0, v25;
	v25 =	vmul.f32 v8, v8;
	(pc) =	sbr.rel @p0 .LBB2_39-.Ltmp30, $4  }
0x36b: {  	v30 =	vmul.f32 v9, v9;
	v32 =	vmul.f32 v10, v10;
	v19 =	vnsel vm6, $0x0, v20  }
0x36c: {  	v29 =	vmul.f32 v11, v11;
	v31 =	vmul.f32 v13, v13;
	v20 =	vnsel vm6, $0x0, v24  }
0x36d: {  	v35 =	vmul.f32 v14, v14;
	v36 =	vmul.f32 v15, v15;
	v24 =	vnsel vm7, $0x0, v28  }
0x36e: {  	s2 =	sadd.s32 $0x80, s2;
	v34 =	vmul.f32 v20, v20;
	v28 =	vnsel vm7, $0x0, v33;
	v33 =	vmul.f32 v19, v19  }
0x36f: {  	v37 =	vmul.f32 v24, v24;
	v26 =	vadd.f32 v27, v26;
	v21 =	vadd.f32 v22, v21  }
0x370: {  	v43 =	vmul.f32 v28, v28;
	v44 =	vadd.f32 v32, v30;
	v23 =	vadd.f32 v25, v23  }
0x371: {  	v45 =	vadd.f32 v36, v35;
	v29 =	vadd.f32 v31, v29  }
0x372: {  	v12 =	vadd.f32 v24, v12;
	v22 =	vadd.f32 v43, v37  }
0x373: {  	v18 =	vadd.f32 v28, v18;
	v46 =	vadd.f32 v34, v33  }
0x374: {  	v47 =	vsel vm7, $0x3F800000, v1;
	v12 =	vadd.f32 v19, v12;
	v16 =	vadd.f32 v22, v16  }
0x375: {  	v48 =	vsel vm6, $0x3F800000, v1;
	v17 =	vadd.f32 v47, v17;
	v18 =	vadd.f32 v20, v18  }
0x376: {  	v50 =	vsel vm5, $0x3F800000, v1;
	v12 =	vadd.f32 v14, v12;
	v16 =	vadd.f32 v46, v16  }
0x377: {  	vm3 =	vmmov vm3;
	v17 =	vadd.f32 v48, v17;
	v49 =	vadd.f32 v15, v18  }
0x378: {  	v52 =	vsel vm1, $0x3F800000, v1;
	v11 =	vadd.f32 v11, v12;
	v16 =	vadd.f32 v45, v16  }
0x379: {  	vm14 =	vmmov vm4;
	v15 =	vadd.f32 v50, v17;
	v51 =	vadd.f32 v13, v49  }
0x37a: {  	vm15 =	vmmov vm2;
	v9 =	vadd.f32 v9, v11;
	v53 =	vadd.f32 v29, v16  }
0x37b: {  	v58 =	vadd.s32 $0x40, v2;
	v13 =	vadd.f32 v52, v15;
	v10 =	vadd.f32 v10, v51  }
0x37c: {  	v54 =	vsel vm14, $0x3F800000, v1;
	v7 =	vadd.f32 v7, v9;
	v55 =	vadd.f32 v44, v53  }
0x37d: {  	v60 =	vadd.s32 $0x80, v2;
	v11 =	vadd.f32 v54, v13;
	v8 =	vadd.f32 v8, v10  }
0x37e: {  	v56 =	vsel vm15, $0x3F800000, v1;
	v5 =	vadd.f32 v5, v7;
	v57 =	vadd.f32 v23, v55  }
0x37f: {  	v61 =	vadd.s32 $0xC0, v2;
	v9 =	vadd.f32 v56, v11;
	v6 =	vadd.f32 v6, v8  }
0x380: {  	p0 =	sne.s32 s30, s29;
	v59 =	vsel vm3, $0x3F800000, v1;
	v4 =	vadd.f32 v4, v5;
	v10 =	vadd.f32 v26, v57  }
.Ltmp31:
0x381: {  	vm0 =	vmmov vm0;
	v8 =	vadd.f32 v59, v9;
	v3 =	vadd.f32 v3, v6;
	(pc) =	sbr.rel @p0 .LBB2_38-.Ltmp31, $4  }
0x382: {  	v62 =	vsel vm0, $0x3F800000, v1;
	[tilespmem:v2+s21+$0x0] =	vst.idx.add.f32.msk $0xffff, v4;
	v63 =	vadd.f32 v21, v10  }
0x383: {  	v2 =	vadd.f32 v62, v8;
	[tilespmem:v58+s21+$0x0] =	vst.idx.add.f32.msk $0xffff, v3  }
0x384: {  	s0 =	sadd.s32 $0x1, s30;
	[tilespmem:v60+s21+$0x0] =	vst.idx.add.f32.msk $0xffff, v63  }
0x385: {  	s30 =	smov.u32 s0;
	[tilespmem:v61+s21+$0x0] =	vst.idx.add.f32.msk $0xffff, v2  }
.LBB2_41:
0x386: {  	_ =	swait.ge [sflag:s22], $0x4000  }
0x387: {  	[sflag:s22] =	ssyncset.done $0x0  }
0x388: {  	[sflag:s22] =	ssyncadd.s32 $0xFFFFC000  }
0x389: {  	_ =	swait.ge [sflag:s22], $0x4000  }
0x38a: {  	[sflag:s22] =	ssyncset.done $0x0  }
0x38b: {  	[sflag:s22] =	ssyncadd.s32 $0xFFFFC000  }
0x38c: {  	_ =	swait.ge [sflag:s22], $0x10  }
0x38d: {  	[sflag:s22] =	ssyncset.done $0x0  }
0x38e: {  	[sflag:s22] =	ssyncadd.s32 $0xFFFFFFF0  }
0x38f: {  	_ =	swait.ge [sflag:s22], $0x10  }
0x390: {  	[sflag:s22] =	ssyncset.done $0x0  }
0x391: {  	s0 =	rddreg [dreg:$0xd];
	[sflag:s22] =	ssyncadd.s32 $0xFFFFFFF0  }
0x392: {  	[tilespmem:s1], [sflag:$0x1] =	stream.linear.gather [hbm4b:s0+s1], $0x4000, $0x38;
	[tilespmem:$0x14200] =	vst v63  }
0x393: {  	s31 =	rddreg [dreg:$0xe]  }
0x394: {  	[tilespmem:s8], [sflag:$0x1] =	stream.linear.gather [hbm4b:s31+s1], $0x4000, $0x38;
	[tilespmem:$0x14200] =	vst v63  }
0x395: {  	_ = 	snop  }
0x396: {  	[tilespmem:s9], [sflag:$0x1] =	stream.linear.gather [hbm4b:s19+s1], $0x10, $0x38;
	[tilespmem:$0x14200] =	vst v63  }
0x397: {  	_ = 	snop  }
0x398: {  	[tilespmem:s11], [sflag:$0x1] =	stream.linear.gather [hbm4b:s5+s1], $0x10, $0x38;
	[tilespmem:$0x14200] =	vst v63  }
0x399: {  	v2 =	vld [tilespmem:$0x10080]  }
0x39a: {  	v3 =	vld [tilespmem:$0x10090];
	_ =	sdelay $0x3  }
0x39b: {  	(v2sf) =	vpush v2, $0x0  }
0x39c: {  	(v2sf) =	vpush v3, $0xF;
	_ =	sdelay $0xd  }
0x39d: {  	s30 =	spop (v2sf)  }
0x39e: {  	s29 =	spop (v2sf)  }
0x39f: {  	p0 =	sne.s32 s30, s29  }
.Ltmp32:
0x3a0: {  	_ = 	snop;
	(pc) =	sbr.rel @p0 .LBB2_45-.Ltmp32, $1  }
0x3a1: {  	_ =	sdelay $0x3  }
0x3a2: {  	s2 =	simm.s32 $0x4040  }
0x3a3: {  	s0 =	simm.s32 $0xC040;
	v7 =	vld [tilespmem:s2+$0xFFFFFFC0]  }
0x3a4: {  	v9 =	vld [tilespmem:s0+$0xFFFFFFC0]  }
0x3a5: {  	v10 =	vld [tilespmem:s2+$0xFFFFFFD0]  }
0x3a6: {  	v11 =	vld [tilespmem:s0+$0xFFFFFFD0]  }
0x3a7: {  	v12 =	vld [tilespmem:s2+$0xFFFFFFE0]  }
0x3a8: {  	v4 =	vld [tilespmem:s0+$0xFFFFFFF0]  }
0x3a9: {  	v15 =	vld [tilespmem:s0+$0xFFFFFFE0]  }
0x3aa: {  	v6 =	vld [tilespmem:s2+$0xFFFFFFF0];
	v3 =	vmul.f32 v7, v7;
	v8 =	vmul.f32 v9, v9  }
0x3ab: {  	v16 =	vimm.f32 $0.0e+00;
	v5 =	vld [tilespmem:s2+$0x0];
	v13 =	vmul.f32 v10, v10  }
0x3ac: {  	v14 =	vmul.f32 v11, v11;
	v18 =	vmul.f32 v12, v12;
	v17 =	vadd.f32 v8, v3;
	v3 =	vld [tilespmem:s0+$0x0]  }
0x3ad: {  	v19 =	vadd.f32 v7, v16;
	v20 =	vadd.f32 v9, v16;
	v21 =	vmul.f32 v4, v4;
	v8 =	vld [tilespmem:s2+$0x10]  }
0x3ae: {  	v7 =	vld [tilespmem:s0+$0x10];
	v13 =	vadd.f32 v14, v13;
	v14 =	vmul.f32 v15, v15;
	v16 =	vadd.f32 v17, v16  }
0x3af: {  	v9 =	vld [tilespmem:s2+$0x20];
	v19 =	vadd.f32 v10, v19;
	v20 =	vadd.f32 v11, v20;
	v17 =	vmul.f32 v6, v6  }
0x3b0: {  	v10 =	vld [tilespmem:s0+$0x20];
	v18 =	vadd.f32 v14, v18;
	v14 =	vmul.f32 v5, v5;
	v22 =	vadd.f32 v13, v16  }
0x3b1: {  	v11 =	vld [tilespmem:s2+$0x30];
	v16 =	vadd.f32 v12, v19;
	v13 =	vadd.f32 v21, v17;
	v19 =	vmul.f32 v3, v3  }
0x3b2: {  	s20 =	simm.s32 $0x40C0;
	s2 =	simm.s32 $0x0;
	v17 =	vadd.f32 v15, v20;
	v12 =	vld [tilespmem:s0+$0x30];
	v15 =	vmul.f32 v8, v8;
	v18 =	vadd.f32 v18, v22  }
.LBB2_43:
0x3b3: {  	v20 =	vld [tilespmem:s20+$0xFFFFFFC0];
	v6 =	vadd.f32 v6, v16;
	v14 =	vadd.f32 v19, v14;
	v16 =	vmul.f32 v7, v7;
	s0 =	sadd.s32 $0x80, s0  }
0x3b4: {  	v19 =	vld [tilespmem:s0+$0xFFFFFFC0];
	v4 =	vadd.f32 v4, v17;
	v13 =	vadd.f32 v13, v18;
	v17 =	vmul.f32 v9, v9  }
0x3b5: {  	s2 =	sadd.s32 $0x8, s2;
	v18 =	vld [tilespmem:s20+$0xFFFFFFD0];
	v5 =	vadd.f32 v5, v6;
	v6 =	vadd.f32 v16, v15;
	v15 =	vmul.f32 v10, v10  }
0x3b6: {  	p0 =	slt.u32 s2, $0x3F8;
	v16 =	vld [tilespmem:s0+$0xFFFFFFD0];
	v3 =	vadd.f32 v3, v4;
	v4 =	vadd.f32 v14, v13;
	v13 =	vmul.f32 v11, v11  }
0x3b7: {  	v21 =	vld [tilespmem:s20+$0xFFFFFFE0];
	v5 =	vadd.f32 v8, v5;
	v8 =	vadd.f32 v15, v17;
	v14 =	vmul.f32 v12, v12  }
0x3b8: {  	v15 =	vmul.f32 v20, v20;
	v17 =	vld [tilespmem:s0+$0xFFFFFFE0];
	v3 =	vadd.f32 v7, v3;
	v7 =	vadd.f32 v6, v4  }
0x3b9: {  	v22 =	vmul.f32 v19, v19;
	v6 =	vld [tilespmem:s20+$0xFFFFFFF0];
	v9 =	vadd.f32 v9, v5;
	v13 =	vadd.f32 v14, v13  }
0x3ba: {  	v14 =	vmul.f32 v18, v18;
	v4 =	vld [tilespmem:s0+$0xFFFFFFF0];
	v10 =	vadd.f32 v10, v3;
	v7 =	vadd.f32 v8, v7  }
0x3bb: {  	v15 =	vadd.f32 v22, v15;
	v8 =	vmul.f32 v16, v16;
	v5 =	vld [tilespmem:s20+$0x0];
	v9 =	vadd.f32 v11, v9  }
0x3bc: {  	v11 =	vmul.f32 v21, v21;
	v3 =	vld [tilespmem:s0+$0x0];
	v10 =	vadd.f32 v12, v10;
	v7 =	vadd.f32 v13, v7  }
0x3bd: {  	v9 =	vadd.f32 v20, v9;
	v12 =	vadd.f32 v8, v14;
	v13 =	vmul.f32 v17, v17;
	v8 =	vld [tilespmem:s20+$0x10]  }
.Ltmp33:
0x3be: {  	v10 =	vadd.f32 v19, v10;
	v14 =	vadd.f32 v15, v7;
	v15 =	vmul.f32 v6, v6;
	v7 =	vld [tilespmem:s0+$0x10];
	(pc) =	sbr.rel @p0 .LBB2_43-.Ltmp33, $4  }
0x3bf: {  	v18 =	vadd.f32 v18, v9;
	v20 =	vadd.f32 v13, v11;
	v11 =	vmul.f32 v4, v4;
	v9 =	vld [tilespmem:s20+$0x20]  }
0x3c0: {  	v22 =	vadd.f32 v16, v10;
	v12 =	vadd.f32 v12, v14;
	v14 =	vmul.f32 v5, v5;
	v10 =	vld [tilespmem:s0+$0x20]  }
0x3c1: {  	v16 =	vadd.f32 v21, v18;
	v13 =	vadd.f32 v11, v15;
	v19 =	vmul.f32 v3, v3;
	v11 =	vld [tilespmem:s20+$0x30]  }
0x3c2: {  	s20 =	sadd.s32 $0x80, s20;
	v17 =	vadd.f32 v17, v22;
	v18 =	vadd.f32 v20, v12;
	v15 =	vmul.f32 v8, v8;
	v12 =	vld [tilespmem:s0+$0x30]  }
0x3c3: {  	v6 =	vadd.f32 v6, v16;
	v14 =	vadd.f32 v19, v14  }
0x3c4: {  	v52 =	vmul.f32 v7, v7;
	v2 =	vbroadcast v2, $0x0;
	v4 =	vadd.f32 v4, v17  }
0x3c5: {  	v13 =	vadd.f32 v13, v18;
	v53 =	vmul.f32 v9, v9;
	v5 =	vadd.f32 v5, v6  }
0x3c6: {  	v54 =	vadd.f32 v52, v15;
	v55 =	vmul.f32 v10, v10;
	v3 =	vadd.f32 v3, v4  }
0x3c7: {  	v56 =	vadd.f32 v14, v13;
	v57 =	vmul.f32 v11, v11;
	v5 =	vadd.f32 v8, v5  }
0x3c8: {  	v58 =	vadd.f32 v55, v53;
	v59 =	vmul.f32 v12, v12;
	v3 =	vadd.f32 v7, v3  }
0x3c9: {  	v60 =	vadd.s32 $0x40, v2;
	v4 =	vadd.f32 v54, v56;
	v5 =	vadd.f32 v9, v5  }
0x3ca: {  	v62 =	vadd.s32 $0x80, v2;
	v61 =	vadd.f32 v59, v57;
	v3 =	vadd.f32 v10, v3  }
0x3cb: {  	v63 =	vadd.s32 $0xC0, v2;
	v4 =	vadd.f32 v58, v4;
	v5 =	vadd.f32 v11, v5  }
.Ltmp34:
0x3cc: {  	v3 =	vadd.f32 v12, v3;
	(pc) =	sbr.rel .LBB2_49-.Ltmp34, $4  }
0x3cd: {  	v4 =	vadd.f32 v61, v4;
	[tilespmem:v2+s21+$0x0] =	vst.idx.add.f32.msk $0xffff, v5  }
0x3ce: {  	[tilespmem:v60+s21+$0x0] =	vst.idx.add.f32.msk $0xffff, v3  }
0x3cf: {  	[tilespmem:v62+s21+$0x0] =	vst.idx.add.f32.msk $0xffff, v4  }
0x3d0: {  	[tilespmem:v63+s21+$0x0] =	vst.idx.add.f32.msk $0xffff, v0  }
.LBB2_45:
0x3d1: {  	s0 =	sadd.s32 $0x1, s29  }
0x3d2: {  	p0 =	sge.s32 s30, s0  }
.Ltmp35:
0x3d3: {  	_ = 	snop;
	(pc) =	sbr.rel @p0 .LBB2_49-.Ltmp35, $4  }
0x3d4: {  	[tilespmem:s25], [sflag:$0x3] =	stream.linear.gather [hbm4b:s16+s1], $0x4000, $0x38;
	[tilespmem:$0x14200] =	vst v63  }
0x3d5: {  	_ =	swait.ge [sflag:s24], $0x4000  }
0x3d6: {  	[sflag:s24] =	ssyncset.done $0x0  }
0x3d7: {  	[sflag:s24] =	ssyncadd.s32 $0xFFFFC000  }
.LBB2_46:
0x3d8: {  	s0 =	simm.s32 $0x10140  }
0x3d9: {  	v3 =	vld [tilespmem:s0+$0x30]  }
0x3da: {  	s31 =	simm.s32 $0x4040;
	v4 =	vld [tilespmem:s0+$0x20]  }
0x3db: {  	v6 =	vld [tilespmem:s31+$0x30]  }
0x3dc: {  	s20 =	simm.s32 $0xC040;
	v5 =	vld [tilespmem:s0+$0x10]  }
0x3dd: {  	v7 =	vld [tilespmem:s20+$0x30]  }
0x3de: {  	v8 =	vld [tilespmem:s0+$0x0]  }
0x3df: {  	v9 =	vld [tilespmem:s31+$0x20]  }
0x3e0: {  	v10 =	vld [tilespmem:s0+$0xFFFFFFF0]  }
0x3e1: {  	v11 =	vld [tilespmem:s20+$0x20]  }
0x3e2: {  	v13 =	vld [tilespmem:s0+$0xFFFFFFE0]  }
0x3e3: {  	v14 =	vld [tilespmem:s31+$0x10]  }
0x3e4: {  	v15 =	vld [tilespmem:s0+$0xFFFFFFD0]  }
0x3e5: {  	v16 =	vld [tilespmem:s20+$0x10]  }
0x3e6: {  	v17 =	vld [tilespmem:s0+$0xFFFFFFC0]  }
0x3e7: {  	v18 =	vld [tilespmem:s31+$0x0]  }
0x3e8: {  	v2 =	vmov s30;
	v20 =	vld [tilespmem:s31+$0xFFFFFFF0]  }
0x3e9: {  	v12 =	vimm.f32 $0.0e+00;
	v21 =	vld [tilespmem:s20+$0xFFFFFFF0];
	vm0 =	veq.s32 v3, v2;
	vm3 =	veq.s32 v4, v2  }
0x3ea: {  	v19 =	vld [tilespmem:s20+$0x0];
	vm2 =	veq.s32 v5, v2;
	vm4 =	veq.s32 v8, v2;
	vm1 =	veq.s32 v10, v2  }
0x3eb: {  	v24 =	vld [tilespmem:s31+$0xFFFFFFD0];
	vm5 =	veq.s32 v13, v2;
	vm6 =	veq.s32 v15, v2;
	vm7 =	veq.s32 v17, v2  }
0x3ec: {  	v28 =	vld [tilespmem:s20+$0xFFFFFFC0];
	v5 =	vnsel vm3, $0x0, v9;
	v4 =	vnsel vm0, $0x0, v6;
	v3 =	vnsel vm0, $0x0, v7  }
0x3ed: {  	v15 =	vld [tilespmem:s31+$0xFFFFFFE0];
	v7 =	vnsel vm2, $0x0, v14;
	v8 =	vnsel vm2, $0x0, v16;
	v6 =	vnsel vm3, $0x0, v11  }
0x3ee: {  	v17 =	vld [tilespmem:s20+$0xFFFFFFE0];
	v11 =	vnsel vm1, $0x0, v20;
	v13 =	vnsel vm1, $0x0, v21;
	v21 =	vmul.f32 v4, v4  }
0x3ef: {  	v16 =	vld [tilespmem:s20+$0xFFFFFFD0];
	v9 =	vnsel vm4, $0x0, v18;
	v22 =	vmul.f32 v3, v3;
	v26 =	vmul.f32 v5, v5  }
0x3f0: {  	v10 =	vnsel vm4, $0x0, v19;
	v18 =	vld [tilespmem:s31+$0xFFFFFFC0];
	v27 =	vmul.f32 v6, v6;
	v23 =	vmul.f32 v7, v7  }
0x3f1: {  	v19 =	vnsel vm6, $0x0, v24;
	v25 =	vmul.f32 v8, v8;
	v30 =	vmul.f32 v9, v9  }
0x3f2: {  	v28 =	vnsel vm7, $0x0, v28;
	v32 =	vmul.f32 v10, v10;
	v29 =	vmul.f32 v11, v11  }
0x3f3: {  	v31 =	vmul.f32 v13, v13;
	v33 =	vmul.f32 v19, v19;
	v14 =	vnsel vm5, $0x0, v15  }
0x3f4: {  	v15 =	vnsel vm5, $0x0, v17;
	v17 =	vimm.f32 $0.0e+00;
	v20 =	vnsel vm6, $0x0, v16  }
0x3f5: {  	v24 =	vnsel vm7, $0x0, v18;
	v35 =	vmul.f32 v14, v14;
	v36 =	vmul.f32 v15, v15  }
0x3f6: {  	s2 =	simm.s32 $0x101C0;
	s0 =	simm.s32 $0x0;
	v18 =	vimm.f32 $0.0e+00;
	v16 =	vimm.f32 $0.0e+00;
	v34 =	vmul.f32 v20, v20  }
.LBB2_47:
0x3f7: {  	v38 =	vmul.f32 v24, v24;
	v26 =	vadd.f32 v27, v26;
	v21 =	vadd.f32 v22, v21  }
0x3f8: {  	v37 =	vld [tilespmem:s2+$0x30];
	vm8 =	vmmov vm0;
	vm9 =	vmmov vm3;
	vm10 =	vmmov vm2  }
0x3f9: {  	v22 =	vmul.f32 v28, v28;
	v27 =	vadd.f32 v32, v30;
	v23 =	vadd.f32 v25, v23  }
0x3fa: {  	v30 =	vadd.f32 v36, v35;
	v29 =	vadd.f32 v31, v29;
	s31 =	sadd.s32 $0x80, s31;
	vm11 =	vmmov vm4;
	v25 =	vld [tilespmem:s2+$0x20]  }
0x3fb: {  	v32 =	vadd.f32 v34, v33;
	v22 =	vadd.f32 v22, v38;
	v31 =	vld [tilespmem:s31+$0x30]  }
0x3fc: {  	v12 =	vadd.f32 v24, v12;
	v18 =	vadd.f32 v28, v18;
	v24 =	vsel vm7, $0x3F800000, v1;
	s20 =	sadd.s32 $0x80, s20;
	v33 =	vld [tilespmem:s2+$0x10]  }
0x3fd: {  	v17 =	vadd.f32 v24, v17;
	v16 =	vadd.f32 v22, v16;
	vm0 =	veq.s32 v37, v2;
	v28 =	vld [tilespmem:s20+$0x30]  }
0x3fe: {  	v12 =	vadd.f32 v19, v12;
	v18 =	vadd.f32 v20, v18;
	v19 =	vsel vm6, $0x3F800000, v1;
	v22 =	vld [tilespmem:s2+$0x0]  }
0x3ff: {  	v17 =	vadd.f32 v19, v17;
	v16 =	vadd.f32 v32, v16;
	vm3 =	veq.s32 v25, v2;
	v20 =	vld [tilespmem:s31+$0x20]  }
0x400: {  	v12 =	vadd.f32 v14, v12;
	v14 =	vadd.f32 v15, v18;
	v15 =	vsel vm5, $0x3F800000, v1;
	v19 =	vld [tilespmem:s2+$0xFFFFFFF0]  }
0x401: {  	v15 =	vadd.f32 v15, v17;
	v16 =	vadd.f32 v30, v16;
	vm2 =	veq.s32 v33, v2;
	v24 =	vld [tilespmem:s20+$0x20]  }
0x402: {  	v11 =	vadd.f32 v11, v12;
	v12 =	vadd.f32 v13, v14;
	v13 =	vsel vm1, $0x3F800000, v1;
	v17 =	vld [tilespmem:s2+$0xFFFFFFE0]  }
0x403: {  	v13 =	vadd.f32 v13, v15;
	v16 =	vadd.f32 v29, v16;
	vm4 =	veq.s32 v22, v2;
	v14 =	vld [tilespmem:s31+$0x10]  }
0x404: {  	v9 =	vadd.f32 v9, v11;
	v10 =	vadd.f32 v10, v12;
	v11 =	vsel vm11, $0x3F800000, v1;
	v15 =	vld [tilespmem:s2+$0xFFFFFFD0]  }
0x405: {  	v11 =	vadd.f32 v11, v13;
	v12 =	vadd.f32 v27, v16;
	vm1 =	veq.s32 v19, v2;
	v19 =	vld [tilespmem:s20+$0x10]  }
0x406: {  	v7 =	vadd.f32 v7, v9;
	v8 =	vadd.f32 v8, v10;
	v9 =	vsel vm10, $0x3F800000, v1;
	v13 =	vld [tilespmem:s2+$0xFFFFFFC0]  }
0x407: {  	v9 =	vadd.f32 v9, v11;
	v12 =	vadd.f32 v23, v12;
	vm5 =	veq.s32 v17, v2;
	v10 =	vld [tilespmem:s31+$0x0]  }
0x408: {  	v5 =	vadd.f32 v5, v7;
	v6 =	vadd.f32 v6, v8;
	v7 =	vsel vm9, $0x3F800000, v1;
	v22 =	vld [tilespmem:s20+$0x0]  }
0x409: {  	v7 =	vadd.f32 v7, v9;
	v8 =	vadd.f32 v26, v12;
	vm6 =	veq.s32 v15, v2;
	v11 =	vld [tilespmem:s31+$0xFFFFFFF0]  }
0x40a: {  	v18 =	vadd.f32 v3, v6;
	v3 =	vsel vm8, $0x3F800000, v1;
	v12 =	vadd.f32 v4, v5;
	v15 =	vld [tilespmem:s20+$0xFFFFFFF0]  }
0x40b: {  	v17 =	vadd.f32 v3, v7;
	v16 =	vadd.f32 v21, v8;
	vm7 =	veq.s32 v13, v2;
	v23 =	vld [tilespmem:s31+$0xFFFFFFE0]  }
0x40c: {  	v3 =	vnsel vm0, $0x0, v28;
	v5 =	vnsel vm3, $0x0, v20;
	v4 =	vnsel vm0, $0x0, v31;
	v25 =	vld [tilespmem:s20+$0xFFFFFFE0]  }
0x40d: {  	v6 =	vnsel vm3, $0x0, v24;
	v7 =	vnsel vm2, $0x0, v14;
	v8 =	vnsel vm2, $0x0, v19;
	v20 =	vld [tilespmem:s31+$0xFFFFFFD0]  }
0x40e: {  	v9 =	vnsel vm4, $0x0, v10;
	v10 =	vnsel vm4, $0x0, v22;
	v24 =	vld [tilespmem:s20+$0xFFFFFFD0];
	v11 =	vnsel vm1, $0x0, v11  }
0x40f: {  	s0 =	sadd.s32 $0x8, s0;
	v21 =	vmul.f32 v4, v4;
	v22 =	vmul.f32 v3, v3;
	v28 =	vld [tilespmem:s31+$0xFFFFFFC0];
	v13 =	vnsel vm1, $0x0, v15  }
0x410: {  	p0 =	slt.u32 s0, $0x3F8;
	v27 =	vmul.f32 v6, v6;
	v26 =	vmul.f32 v5, v5;
	v33 =	vld [tilespmem:s20+$0xFFFFFFC0];
	v14 =	vnsel vm5, $0x0, v23  }
.Ltmp36:
0x411: {  	v23 =	vmul.f32 v7, v7;
	v15 =	vnsel vm5, $0x0, v25;
	v25 =	vmul.f32 v8, v8;
	(pc) =	sbr.rel @p0 .LBB2_47-.Ltmp36, $4  }
0x412: {  	v30 =	vmul.f32 v9, v9;
	v32 =	vmul.f32 v10, v10;
	v19 =	vnsel vm6, $0x0, v20  }
0x413: {  	v29 =	vmul.f32 v11, v11;
	v31 =	vmul.f32 v13, v13;
	v20 =	vnsel vm6, $0x0, v24  }
0x414: {  	v35 =	vmul.f32 v14, v14;
	v36 =	vmul.f32 v15, v15;
	v24 =	vnsel vm7, $0x0, v28  }
0x415: {  	s2 =	sadd.s32 $0x80, s2;
	v34 =	vmul.f32 v20, v20;
	v28 =	vnsel vm7, $0x0, v33;
	v33 =	vmul.f32 v19, v19  }
0x416: {  	v37 =	vmul.f32 v24, v24;
	v26 =	vadd.f32 v27, v26;
	v21 =	vadd.f32 v22, v21  }
0x417: {  	v43 =	vmul.f32 v28, v28;
	v44 =	vadd.f32 v32, v30;
	v23 =	vadd.f32 v25, v23  }
0x418: {  	v45 =	vadd.f32 v36, v35;
	v29 =	vadd.f32 v31, v29  }
0x419: {  	v12 =	vadd.f32 v24, v12;
	v22 =	vadd.f32 v43, v37  }
0x41a: {  	v18 =	vadd.f32 v28, v18;
	v46 =	vadd.f32 v34, v33  }
0x41b: {  	v47 =	vsel vm7, $0x3F800000, v1;
	v12 =	vadd.f32 v19, v12;
	v16 =	vadd.f32 v22, v16  }
0x41c: {  	v48 =	vsel vm6, $0x3F800000, v1;
	v17 =	vadd.f32 v47, v17;
	v18 =	vadd.f32 v20, v18  }
0x41d: {  	v50 =	vsel vm5, $0x3F800000, v1;
	v12 =	vadd.f32 v14, v12;
	v16 =	vadd.f32 v46, v16  }
0x41e: {  	vm3 =	vmmov vm3;
	v17 =	vadd.f32 v48, v17;
	v49 =	vadd.f32 v15, v18  }
0x41f: {  	v52 =	vsel vm1, $0x3F800000, v1;
	v11 =	vadd.f32 v11, v12;
	v16 =	vadd.f32 v45, v16  }
0x420: {  	vm14 =	vmmov vm4;
	v15 =	vadd.f32 v50, v17;
	v51 =	vadd.f32 v13, v49  }
0x421: {  	vm15 =	vmmov vm2;
	v9 =	vadd.f32 v9, v11;
	v53 =	vadd.f32 v29, v16  }
0x422: {  	v58 =	vadd.s32 $0x40, v2;
	v13 =	vadd.f32 v52, v15;
	v10 =	vadd.f32 v10, v51  }
0x423: {  	v54 =	vsel vm14, $0x3F800000, v1;
	v7 =	vadd.f32 v7, v9;
	v55 =	vadd.f32 v44, v53  }
0x424: {  	v60 =	vadd.s32 $0x80, v2;
	v11 =	vadd.f32 v54, v13;
	v8 =	vadd.f32 v8, v10  }
0x425: {  	v56 =	vsel vm15, $0x3F800000, v1;
	v5 =	vadd.f32 v5, v7;
	v57 =	vadd.f32 v23, v55  }
0x426: {  	v61 =	vadd.s32 $0xC0, v2;
	v9 =	vadd.f32 v56, v11;
	v6 =	vadd.f32 v6, v8  }
0x427: {  	p0 =	sne.s32 s30, s29;
	v59 =	vsel vm3, $0x3F800000, v1;
	v4 =	vadd.f32 v4, v5;
	v10 =	vadd.f32 v26, v57  }
.Ltmp37:
0x428: {  	vm0 =	vmmov vm0;
	v8 =	vadd.f32 v59, v9;
	v3 =	vadd.f32 v3, v6;
	(pc) =	sbr.rel @p0 .LBB2_46-.Ltmp37, $4  }
0x429: {  	v62 =	vsel vm0, $0x3F800000, v1;
	[tilespmem:v2+s21+$0x0] =	vst.idx.add.f32.msk $0xffff, v4;
	v63 =	vadd.f32 v21, v10  }
0x42a: {  	v2 =	vadd.f32 v62, v8;
	[tilespmem:v58+s21+$0x0] =	vst.idx.add.f32.msk $0xffff, v3  }
0x42b: {  	s0 =	sadd.s32 $0x1, s30;
	[tilespmem:v60+s21+$0x0] =	vst.idx.add.f32.msk $0xffff, v63  }
0x42c: {  	s30 =	smov.u32 s0;
	[tilespmem:v61+s21+$0x0] =	vst.idx.add.f32.msk $0xffff, v2  }
.LBB2_49:
0x42d: {  	_ =	swait.ge [sflag:s12], $0x4000  }
0x42e: {  	[sflag:s12] =	ssyncset.done $0x0  }
0x42f: {  	[sflag:s12] =	ssyncadd.s32 $0xFFFFC000  }
0x430: {  	_ =	swait.ge [sflag:s12], $0x4000  }
0x431: {  	[sflag:s12] =	ssyncset.done $0x0  }
0x432: {  	[sflag:s12] =	ssyncadd.s32 $0xFFFFC000  }
0x433: {  	_ =	swait.ge [sflag:s12], $0x10  }
0x434: {  	[sflag:s12] =	ssyncset.done $0x0  }
0x435: {  	[sflag:s12] =	ssyncadd.s32 $0xFFFFFFF0  }
0x436: {  	_ =	swait.ge [sflag:s12], $0x10  }
0x437: {  	[sflag:s12] =	ssyncset.done $0x0  }
0x438: {  	s0 =	rddreg [dreg:$0x11];
	[sflag:s12] =	ssyncadd.s32 $0xFFFFFFF0  }
0x439: {  	[tilespmem:s14], [sflag:$0x2] =	stream.linear.gather [hbm4b:s0+s1], $0x4000, $0x38;
	[tilespmem:$0x14200] =	vst v63  }
0x43a: {  	s31 =	rddreg [dreg:$0x12]  }
0x43b: {  	[tilespmem:s15], [sflag:$0x2] =	stream.linear.gather [hbm4b:s31+s1], $0x4000, $0x38;
	[tilespmem:$0x14200] =	vst v63  }
0x43c: {  	_ = 	snop  }
0x43d: {  	[tilespmem:s17], [sflag:$0x2] =	stream.linear.gather [hbm4b:s26+s1], $0x10, $0x38;
	[tilespmem:$0x14200] =	vst v63  }
0x43e: {  	_ = 	snop  }
0x43f: {  	[tilespmem:s18], [sflag:$0x2] =	stream.linear.gather [hbm4b:s6+s1], $0x10, $0x38;
	[tilespmem:$0x14200] =	vst v63  }
0x440: {  	v2 =	vld [tilespmem:$0x10000]  }
0x441: {  	v3 =	vld [tilespmem:$0x10010];
	_ =	sdelay $0x3  }
0x442: {  	(v2sf) =	vpush v2, $0x0  }
0x443: {  	(v2sf) =	vpush v3, $0xF;
	_ =	sdelay $0xd  }
0x444: {  	s30 =	spop (v2sf)  }
0x445: {  	s29 =	spop (v2sf)  }
0x446: {  	p0 =	sne.s32 s30, s29  }
.Ltmp38:
0x447: {  	_ = 	snop;
	(pc) =	sbr.rel @p0 .LBB2_53-.Ltmp38, $1  }
0x448: {  	_ =	sdelay $0x3  }
0x449: {  	s2 =	simm.s32 $0x40  }
0x44a: {  	s0 =	simm.s32 $0x8040;
	v7 =	vld [tilespmem:s2+$0xFFFFFFC0]  }
0x44b: {  	v9 =	vld [tilespmem:s0+$0xFFFFFFC0]  }
0x44c: {  	v10 =	vld [tilespmem:s2+$0xFFFFFFD0]  }
0x44d: {  	v11 =	vld [tilespmem:s0+$0xFFFFFFD0]  }
0x44e: {  	v12 =	vld [tilespmem:s2+$0xFFFFFFE0]  }
0x44f: {  	v4 =	vld [tilespmem:s0+$0xFFFFFFF0]  }
0x450: {  	v15 =	vld [tilespmem:s0+$0xFFFFFFE0]  }
0x451: {  	v6 =	vld [tilespmem:s2+$0xFFFFFFF0];
	v3 =	vmul.f32 v7, v7;
	v8 =	vmul.f32 v9, v9  }
0x452: {  	v16 =	vimm.f32 $0.0e+00;
	v5 =	vld [tilespmem:s2+$0x0];
	v13 =	vmul.f32 v10, v10  }
0x453: {  	v14 =	vmul.f32 v11, v11;
	v18 =	vmul.f32 v12, v12;
	v17 =	vadd.f32 v8, v3;
	v3 =	vld [tilespmem:s0+$0x0]  }
0x454: {  	v19 =	vadd.f32 v7, v16;
	v20 =	vadd.f32 v9, v16;
	v21 =	vmul.f32 v4, v4;
	v8 =	vld [tilespmem:s2+$0x10]  }
0x455: {  	v7 =	vld [tilespmem:s0+$0x10];
	v13 =	vadd.f32 v14, v13;
	v14 =	vmul.f32 v15, v15;
	v16 =	vadd.f32 v17, v16  }
0x456: {  	v9 =	vld [tilespmem:s2+$0x20];
	v19 =	vadd.f32 v10, v19;
	v20 =	vadd.f32 v11, v20;
	v17 =	vmul.f32 v6, v6  }
0x457: {  	v10 =	vld [tilespmem:s0+$0x20];
	v18 =	vadd.f32 v14, v18;
	v14 =	vmul.f32 v5, v5;
	v22 =	vadd.f32 v13, v16  }
0x458: {  	v11 =	vld [tilespmem:s2+$0x30];
	v16 =	vadd.f32 v12, v19;
	v13 =	vadd.f32 v21, v17;
	v19 =	vmul.f32 v3, v3  }
0x459: {  	s20 =	simm.s32 $0xC0;
	s2 =	simm.s32 $0x0;
	v17 =	vadd.f32 v15, v20;
	v12 =	vld [tilespmem:s0+$0x30];
	v15 =	vmul.f32 v8, v8;
	v18 =	vadd.f32 v18, v22  }
.LBB2_51:
0x45a: {  	v20 =	vld [tilespmem:s20+$0xFFFFFFC0];
	v6 =	vadd.f32 v6, v16;
	v14 =	vadd.f32 v19, v14;
	v16 =	vmul.f32 v7, v7;
	s0 =	sadd.s32 $0x80, s0  }
0x45b: {  	v19 =	vld [tilespmem:s0+$0xFFFFFFC0];
	v4 =	vadd.f32 v4, v17;
	v13 =	vadd.f32 v13, v18;
	v17 =	vmul.f32 v9, v9  }
0x45c: {  	s2 =	sadd.s32 $0x8, s2;
	v18 =	vld [tilespmem:s20+$0xFFFFFFD0];
	v5 =	vadd.f32 v5, v6;
	v6 =	vadd.f32 v16, v15;
	v15 =	vmul.f32 v10, v10  }
0x45d: {  	p0 =	slt.u32 s2, $0x3F8;
	v16 =	vld [tilespmem:s0+$0xFFFFFFD0];
	v3 =	vadd.f32 v3, v4;
	v4 =	vadd.f32 v14, v13;
	v13 =	vmul.f32 v11, v11  }
0x45e: {  	v21 =	vld [tilespmem:s20+$0xFFFFFFE0];
	v5 =	vadd.f32 v8, v5;
	v8 =	vadd.f32 v15, v17;
	v14 =	vmul.f32 v12, v12  }
0x45f: {  	v15 =	vmul.f32 v20, v20;
	v17 =	vld [tilespmem:s0+$0xFFFFFFE0];
	v3 =	vadd.f32 v7, v3;
	v7 =	vadd.f32 v6, v4  }
0x460: {  	v22 =	vmul.f32 v19, v19;
	v6 =	vld [tilespmem:s20+$0xFFFFFFF0];
	v9 =	vadd.f32 v9, v5;
	v13 =	vadd.f32 v14, v13  }
0x461: {  	v14 =	vmul.f32 v18, v18;
	v4 =	vld [tilespmem:s0+$0xFFFFFFF0];
	v10 =	vadd.f32 v10, v3;
	v7 =	vadd.f32 v8, v7  }
0x462: {  	v15 =	vadd.f32 v22, v15;
	v8 =	vmul.f32 v16, v16;
	v5 =	vld [tilespmem:s20+$0x0];
	v9 =	vadd.f32 v11, v9  }
0x463: {  	v11 =	vmul.f32 v21, v21;
	v3 =	vld [tilespmem:s0+$0x0];
	v10 =	vadd.f32 v12, v10;
	v7 =	vadd.f32 v13, v7  }
0x464: {  	v9 =	vadd.f32 v20, v9;
	v12 =	vadd.f32 v8, v14;
	v13 =	vmul.f32 v17, v17;
	v8 =	vld [tilespmem:s20+$0x10]  }
.Ltmp39:
0x465: {  	v10 =	vadd.f32 v19, v10;
	v14 =	vadd.f32 v15, v7;
	v15 =	vmul.f32 v6, v6;
	v7 =	vld [tilespmem:s0+$0x10];
	(pc) =	sbr.rel @p0 .LBB2_51-.Ltmp39, $4  }
0x466: {  	v18 =	vadd.f32 v18, v9;
	v20 =	vadd.f32 v13, v11;
	v11 =	vmul.f32 v4, v4;
	v9 =	vld [tilespmem:s20+$0x20]  }
0x467: {  	v22 =	vadd.f32 v16, v10;
	v12 =	vadd.f32 v12, v14;
	v14 =	vmul.f32 v5, v5;
	v10 =	vld [tilespmem:s0+$0x20]  }
0x468: {  	v16 =	vadd.f32 v21, v18;
	v13 =	vadd.f32 v11, v15;
	v19 =	vmul.f32 v3, v3;
	v11 =	vld [tilespmem:s20+$0x30]  }
0x469: {  	s20 =	sadd.s32 $0x80, s20;
	v17 =	vadd.f32 v17, v22;
	v18 =	vadd.f32 v20, v12;
	v15 =	vmul.f32 v8, v8;
	v12 =	vld [tilespmem:s0+$0x30]  }
0x46a: {  	v6 =	vadd.f32 v6, v16;
	v14 =	vadd.f32 v19, v14  }
0x46b: {  	v52 =	vmul.f32 v7, v7;
	v2 =	vbroadcast v2, $0x0;
	v4 =	vadd.f32 v4, v17  }
0x46c: {  	v13 =	vadd.f32 v13, v18;
	v53 =	vmul.f32 v9, v9;
	v5 =	vadd.f32 v5, v6  }
0x46d: {  	v54 =	vadd.f32 v52, v15;
	v55 =	vmul.f32 v10, v10;
	v3 =	vadd.f32 v3, v4  }
0x46e: {  	v56 =	vadd.f32 v14, v13;
	v57 =	vmul.f32 v11, v11;
	v5 =	vadd.f32 v8, v5  }
0x46f: {  	v58 =	vadd.f32 v55, v53;
	v59 =	vmul.f32 v12, v12;
	v3 =	vadd.f32 v7, v3  }
0x470: {  	v60 =	vadd.s32 $0x40, v2;
	v4 =	vadd.f32 v54, v56;
	v5 =	vadd.f32 v9, v5  }
0x471: {  	v62 =	vadd.s32 $0x80, v2;
	v61 =	vadd.f32 v59, v57;
	v3 =	vadd.f32 v10, v3  }
0x472: {  	v63 =	vadd.s32 $0xC0, v2;
	v4 =	vadd.f32 v58, v4;
	v5 =	vadd.f32 v11, v5  }
.Ltmp40:
0x473: {  	v3 =	vadd.f32 v12, v3;
	(pc) =	sbr.rel .LBB2_57-.Ltmp40, $4  }
0x474: {  	v4 =	vadd.f32 v61, v4;
	[tilespmem:v2+s21+$0x0] =	vst.idx.add.f32.msk $0xffff, v5  }
0x475: {  	[tilespmem:v60+s21+$0x0] =	vst.idx.add.f32.msk $0xffff, v3  }
0x476: {  	[tilespmem:v62+s21+$0x0] =	vst.idx.add.f32.msk $0xffff, v4  }
0x477: {  	[tilespmem:v63+s21+$0x0] =	vst.idx.add.f32.msk $0xffff, v0  }
.LBB2_53:
0x478: {  	s0 =	sadd.s32 $0x1, s29  }
0x479: {  	p0 =	sge.s32 s30, s0  }
.Ltmp41:
0x47a: {  	_ = 	snop;
	(pc) =	sbr.rel @p0 .LBB2_57-.Ltmp41, $4  }
0x47b: {  	[tilespmem:s25], [sflag:$0x3] =	stream.linear.gather [hbm4b:s19+s1], $0x4000, $0x38;
	[tilespmem:$0x14200] =	vst v63  }
0x47c: {  	_ =	swait.ge [sflag:s24], $0x4000  }
0x47d: {  	[sflag:s24] =	ssyncset.done $0x0  }
0x47e: {  	[sflag:s24] =	ssyncadd.s32 $0xFFFFC000  }
.LBB2_54:
0x47f: {  	s0 =	simm.s32 $0x10140  }
0x480: {  	v3 =	vld [tilespmem:s0+$0x30]  }
0x481: {  	s31 =	simm.s32 $0x40;
	v4 =	vld [tilespmem:s0+$0x20]  }
0x482: {  	v6 =	vld [tilespmem:s31+$0x30]  }
0x483: {  	s20 =	simm.s32 $0x8040;
	v5 =	vld [tilespmem:s0+$0x10]  }
0x484: {  	v7 =	vld [tilespmem:s20+$0x30]  }
0x485: {  	v8 =	vld [tilespmem:s0+$0x0]  }
0x486: {  	v9 =	vld [tilespmem:s31+$0x20]  }
0x487: {  	v10 =	vld [tilespmem:s0+$0xFFFFFFF0]  }
0x488: {  	v11 =	vld [tilespmem:s20+$0x20]  }
0x489: {  	v13 =	vld [tilespmem:s0+$0xFFFFFFE0]  }
0x48a: {  	v14 =	vld [tilespmem:s31+$0x10]  }
0x48b: {  	v15 =	vld [tilespmem:s0+$0xFFFFFFD0]  }
0x48c: {  	v16 =	vld [tilespmem:s20+$0x10]  }
0x48d: {  	v17 =	vld [tilespmem:s0+$0xFFFFFFC0]  }
0x48e: {  	v18 =	vld [tilespmem:s31+$0x0]  }
0x48f: {  	v2 =	vmov s30;
	v20 =	vld [tilespmem:s31+$0xFFFFFFF0]  }
0x490: {  	v12 =	vimm.f32 $0.0e+00;
	v21 =	vld [tilespmem:s20+$0xFFFFFFF0];
	vm0 =	veq.s32 v3, v2;
	vm3 =	veq.s32 v4, v2  }
0x491: {  	v19 =	vld [tilespmem:s20+$0x0];
	vm2 =	veq.s32 v5, v2;
	vm4 =	veq.s32 v8, v2;
	vm1 =	veq.s32 v10, v2  }
0x492: {  	v24 =	vld [tilespmem:s31+$0xFFFFFFD0];
	vm5 =	veq.s32 v13, v2;
	vm6 =	veq.s32 v15, v2;
	vm7 =	veq.s32 v17, v2  }
0x493: {  	v28 =	vld [tilespmem:s20+$0xFFFFFFC0];
	v5 =	vnsel vm3, $0x0, v9;
	v4 =	vnsel vm0, $0x0, v6;
	v3 =	vnsel vm0, $0x0, v7  }
0x494: {  	v15 =	vld [tilespmem:s31+$0xFFFFFFE0];
	v7 =	vnsel vm2, $0x0, v14;
	v8 =	vnsel vm2, $0x0, v16;
	v6 =	vnsel vm3, $0x0, v11  }
0x495: {  	v17 =	vld [tilespmem:s20+$0xFFFFFFE0];
	v11 =	vnsel vm1, $0x0, v20;
	v13 =	vnsel vm1, $0x0, v21;
	v21 =	vmul.f32 v4, v4  }
0x496: {  	v16 =	vld [tilespmem:s20+$0xFFFFFFD0];
	v9 =	vnsel vm4, $0x0, v18;
	v22 =	vmul.f32 v3, v3;
	v26 =	vmul.f32 v5, v5  }
0x497: {  	v10 =	vnsel vm4, $0x0, v19;
	v18 =	vld [tilespmem:s31+$0xFFFFFFC0];
	v27 =	vmul.f32 v6, v6;
	v23 =	vmul.f32 v7, v7  }
0x498: {  	v19 =	vnsel vm6, $0x0, v24;
	v25 =	vmul.f32 v8, v8;
	v30 =	vmul.f32 v9, v9  }
0x499: {  	v28 =	vnsel vm7, $0x0, v28;
	v32 =	vmul.f32 v10, v10;
	v29 =	vmul.f32 v11, v11  }
0x49a: {  	v31 =	vmul.f32 v13, v13;
	v33 =	vmul.f32 v19, v19;
	v14 =	vnsel vm5, $0x0, v15  }
0x49b: {  	v15 =	vnsel vm5, $0x0, v17;
	v17 =	vimm.f32 $0.0e+00;
	v20 =	vnsel vm6, $0x0, v16  }
0x49c: {  	v24 =	vnsel vm7, $0x0, v18;
	v35 =	vmul.f32 v14, v14;
	v36 =	vmul.f32 v15, v15  }
0x49d: {  	s2 =	simm.s32 $0x101C0;
	s0 =	simm.s32 $0x0;
	v18 =	vimm.f32 $0.0e+00;
	v16 =	vimm.f32 $0.0e+00;
	v34 =	vmul.f32 v20, v20  }
.LBB2_55:
0x49e: {  	v38 =	vmul.f32 v24, v24;
	v26 =	vadd.f32 v27, v26;
	v21 =	vadd.f32 v22, v21  }
0x49f: {  	v37 =	vld [tilespmem:s2+$0x30];
	vm8 =	vmmov vm0;
	vm9 =	vmmov vm3;
	vm10 =	vmmov vm2  }
0x4a0: {  	v22 =	vmul.f32 v28, v28;
	v27 =	vadd.f32 v32, v30;
	v23 =	vadd.f32 v25, v23  }
0x4a1: {  	v30 =	vadd.f32 v36, v35;
	v29 =	vadd.f32 v31, v29;
	s31 =	sadd.s32 $0x80, s31;
	vm11 =	vmmov vm4;
	v25 =	vld [tilespmem:s2+$0x20]  }
0x4a2: {  	v32 =	vadd.f32 v34, v33;
	v22 =	vadd.f32 v22, v38;
	v31 =	vld [tilespmem:s31+$0x30]  }
0x4a3: {  	v12 =	vadd.f32 v24, v12;
	v18 =	vadd.f32 v28, v18;
	v24 =	vsel vm7, $0x3F800000, v1;
	s20 =	sadd.s32 $0x80, s20;
	v33 =	vld [tilespmem:s2+$0x10]  }
0x4a4: {  	v17 =	vadd.f32 v24, v17;
	v16 =	vadd.f32 v22, v16;
	vm0 =	veq.s32 v37, v2;
	v28 =	vld [tilespmem:s20+$0x30]  }
0x4a5: {  	v12 =	vadd.f32 v19, v12;
	v18 =	vadd.f32 v20, v18;
	v19 =	vsel vm6, $0x3F800000, v1;
	v22 =	vld [tilespmem:s2+$0x0]  }
0x4a6: {  	v17 =	vadd.f32 v19, v17;
	v16 =	vadd.f32 v32, v16;
	vm3 =	veq.s32 v25, v2;
	v20 =	vld [tilespmem:s31+$0x20]  }
0x4a7: {  	v12 =	vadd.f32 v14, v12;
	v14 =	vadd.f32 v15, v18;
	v15 =	vsel vm5, $0x3F800000, v1;
	v19 =	vld [tilespmem:s2+$0xFFFFFFF0]  }
0x4a8: {  	v15 =	vadd.f32 v15, v17;
	v16 =	vadd.f32 v30, v16;
	vm2 =	veq.s32 v33, v2;
	v24 =	vld [tilespmem:s20+$0x20]  }
0x4a9: {  	v11 =	vadd.f32 v11, v12;
	v12 =	vadd.f32 v13, v14;
	v13 =	vsel vm1, $0x3F800000, v1;
	v17 =	vld [tilespmem:s2+$0xFFFFFFE0]  }
0x4aa: {  	v13 =	vadd.f32 v13, v15;
	v16 =	vadd.f32 v29, v16;
	vm4 =	veq.s32 v22, v2;
	v14 =	vld [tilespmem:s31+$0x10]  }
0x4ab: {  	v9 =	vadd.f32 v9, v11;
	v10 =	vadd.f32 v10, v12;
	v11 =	vsel vm11, $0x3F800000, v1;
	v15 =	vld [tilespmem:s2+$0xFFFFFFD0]  }
0x4ac: {  	v11 =	vadd.f32 v11, v13;
	v12 =	vadd.f32 v27, v16;
	vm1 =	veq.s32 v19, v2;
	v19 =	vld [tilespmem:s20+$0x10]  }
0x4ad: {  	v7 =	vadd.f32 v7, v9;
	v8 =	vadd.f32 v8, v10;
	v9 =	vsel vm10, $0x3F800000, v1;
	v13 =	vld [tilespmem:s2+$0xFFFFFFC0]  }
0x4ae: {  	v9 =	vadd.f32 v9, v11;
	v12 =	vadd.f32 v23, v12;
	vm5 =	veq.s32 v17, v2;
	v10 =	vld [tilespmem:s31+$0x0]  }
0x4af: {  	v5 =	vadd.f32 v5, v7;
	v6 =	vadd.f32 v6, v8;
	v7 =	vsel vm9, $0x3F800000, v1;
	v22 =	vld [tilespmem:s20+$0x0]  }
0x4b0: {  	v7 =	vadd.f32 v7, v9;
	v8 =	vadd.f32 v26, v12;
	vm6 =	veq.s32 v15, v2;
	v11 =	vld [tilespmem:s31+$0xFFFFFFF0]  }
0x4b1: {  	v18 =	vadd.f32 v3, v6;
	v3 =	vsel vm8, $0x3F800000, v1;
	v12 =	vadd.f32 v4, v5;
	v15 =	vld [tilespmem:s20+$0xFFFFFFF0]  }
0x4b2: {  	v17 =	vadd.f32 v3, v7;
	v16 =	vadd.f32 v21, v8;
	vm7 =	veq.s32 v13, v2;
	v23 =	vld [tilespmem:s31+$0xFFFFFFE0]  }
0x4b3: {  	v3 =	vnsel vm0, $0x0, v28;
	v5 =	vnsel vm3, $0x0, v20;
	v4 =	vnsel vm0, $0x0, v31;
	v25 =	vld [tilespmem:s20+$0xFFFFFFE0]  }
0x4b4: {  	v6 =	vnsel vm3, $0x0, v24;
	v7 =	vnsel vm2, $0x0, v14;
	v8 =	vnsel vm2, $0x0, v19;
	v20 =	vld [tilespmem:s31+$0xFFFFFFD0]  }
0x4b5: {  	v9 =	vnsel vm4, $0x0, v10;
	v10 =	vnsel vm4, $0x0, v22;
	v24 =	vld [tilespmem:s20+$0xFFFFFFD0];
	v11 =	vnsel vm1, $0x0, v11  }
0x4b6: {  	s0 =	sadd.s32 $0x8, s0;
	v21 =	vmul.f32 v4, v4;
	v22 =	vmul.f32 v3, v3;
	v28 =	vld [tilespmem:s31+$0xFFFFFFC0];
	v13 =	vnsel vm1, $0x0, v15  }
0x4b7: {  	p0 =	slt.u32 s0, $0x3F8;
	v27 =	vmul.f32 v6, v6;
	v26 =	vmul.f32 v5, v5;
	v33 =	vld [tilespmem:s20+$0xFFFFFFC0];
	v14 =	vnsel vm5, $0x0, v23  }
.Ltmp42:
0x4b8: {  	v23 =	vmul.f32 v7, v7;
	v15 =	vnsel vm5, $0x0, v25;
	v25 =	vmul.f32 v8, v8;
	(pc) =	sbr.rel @p0 .LBB2_55-.Ltmp42, $4  }
0x4b9: {  	v30 =	vmul.f32 v9, v9;
	v32 =	vmul.f32 v10, v10;
	v19 =	vnsel vm6, $0x0, v20  }
0x4ba: {  	v29 =	vmul.f32 v11, v11;
	v31 =	vmul.f32 v13, v13;
	v20 =	vnsel vm6, $0x0, v24  }
0x4bb: {  	v35 =	vmul.f32 v14, v14;
	v36 =	vmul.f32 v15, v15;
	v24 =	vnsel vm7, $0x0, v28  }
0x4bc: {  	s2 =	sadd.s32 $0x80, s2;
	v34 =	vmul.f32 v20, v20;
	v28 =	vnsel vm7, $0x0, v33;
	v33 =	vmul.f32 v19, v19  }
0x4bd: {  	v37 =	vmul.f32 v24, v24;
	v26 =	vadd.f32 v27, v26;
	v21 =	vadd.f32 v22, v21  }
0x4be: {  	v43 =	vmul.f32 v28, v28;
	v44 =	vadd.f32 v32, v30;
	v23 =	vadd.f32 v25, v23  }
0x4bf: {  	v45 =	vadd.f32 v36, v35;
	v29 =	vadd.f32 v31, v29  }
0x4c0: {  	v12 =	vadd.f32 v24, v12;
	v22 =	vadd.f32 v43, v37  }
0x4c1: {  	v18 =	vadd.f32 v28, v18;
	v46 =	vadd.f32 v34, v33  }
0x4c2: {  	v47 =	vsel vm7, $0x3F800000, v1;
	v12 =	vadd.f32 v19, v12;
	v16 =	vadd.f32 v22, v16  }
0x4c3: {  	v48 =	vsel vm6, $0x3F800000, v1;
	v17 =	vadd.f32 v47, v17;
	v18 =	vadd.f32 v20, v18  }
0x4c4: {  	v50 =	vsel vm5, $0x3F800000, v1;
	v12 =	vadd.f32 v14, v12;
	v16 =	vadd.f32 v46, v16  }
0x4c5: {  	vm3 =	vmmov vm3;
	v17 =	vadd.f32 v48, v17;
	v49 =	vadd.f32 v15, v18  }
0x4c6: {  	v52 =	vsel vm1, $0x3F800000, v1;
	v11 =	vadd.f32 v11, v12;
	v16 =	vadd.f32 v45, v16  }
0x4c7: {  	vm14 =	vmmov vm4;
	v15 =	vadd.f32 v50, v17;
	v51 =	vadd.f32 v13, v49  }
0x4c8: {  	vm15 =	vmmov vm2;
	v9 =	vadd.f32 v9, v11;
	v53 =	vadd.f32 v29, v16  }
0x4c9: {  	v58 =	vadd.s32 $0x40, v2;
	v13 =	vadd.f32 v52, v15;
	v10 =	vadd.f32 v10, v51  }
0x4ca: {  	v54 =	vsel vm14, $0x3F800000, v1;
	v7 =	vadd.f32 v7, v9;
	v55 =	vadd.f32 v44, v53  }
0x4cb: {  	v60 =	vadd.s32 $0x80, v2;
	v11 =	vadd.f32 v54, v13;
	v8 =	vadd.f32 v8, v10  }
0x4cc: {  	v56 =	vsel vm15, $0x3F800000, v1;
	v5 =	vadd.f32 v5, v7;
	v57 =	vadd.f32 v23, v55  }
0x4cd: {  	v61 =	vadd.s32 $0xC0, v2;
	v9 =	vadd.f32 v56, v11;
	v6 =	vadd.f32 v6, v8  }
0x4ce: {  	p0 =	sne.s32 s30, s29;
	v59 =	vsel vm3, $0x3F800000, v1;
	v4 =	vadd.f32 v4, v5;
	v10 =	vadd.f32 v26, v57  }
.Ltmp43:
0x4cf: {  	vm0 =	vmmov vm0;
	v8 =	vadd.f32 v59, v9;
	v3 =	vadd.f32 v3, v6;
	(pc) =	sbr.rel @p0 .LBB2_54-.Ltmp43, $4  }
0x4d0: {  	v62 =	vsel vm0, $0x3F800000, v1;
	[tilespmem:v2+s21+$0x0] =	vst.idx.add.f32.msk $0xffff, v4;
	v63 =	vadd.f32 v21, v10  }
0x4d1: {  	v2 =	vadd.f32 v62, v8;
	[tilespmem:v58+s21+$0x0] =	vst.idx.add.f32.msk $0xffff, v3  }
0x4d2: {  	s0 =	sadd.s32 $0x1, s30;
	[tilespmem:v60+s21+$0x0] =	vst.idx.add.f32.msk $0xffff, v63  }
0x4d3: {  	s30 =	smov.u32 s0;
	[tilespmem:v61+s21+$0x0] =	vst.idx.add.f32.msk $0xffff, v2  }
.LBB2_57:
0x4d4: {  	_ =	swait.ge [sflag:s22], $0x4000  }
0x4d5: {  	[sflag:s22] =	ssyncset.done $0x0  }
0x4d6: {  	[sflag:s22] =	ssyncadd.s32 $0xFFFFC000  }
0x4d7: {  	_ =	swait.ge [sflag:s22], $0x4000  }
0x4d8: {  	[sflag:s22] =	ssyncset.done $0x0  }
0x4d9: {  	[sflag:s22] =	ssyncadd.s32 $0xFFFFC000  }
0x4da: {  	_ =	swait.ge [sflag:s22], $0x10  }
0x4db: {  	[sflag:s22] =	ssyncset.done $0x0  }
0x4dc: {  	[sflag:s22] =	ssyncadd.s32 $0xFFFFFFF0  }
0x4dd: {  	_ =	swait.ge [sflag:s22], $0x10  }
0x4de: {  	[sflag:s22] =	ssyncset.done $0x0  }
0x4df: {  	[sflag:s22] =	ssyncadd.s32 $0xFFFFFFF0  }
0x4e0: {  	v2 =	vld [tilespmem:$0x10080]  }
0x4e1: {  	v3 =	vld [tilespmem:$0x10090];
	_ =	sdelay $0x3  }
0x4e2: {  	(v2sf) =	vpush v2, $0x0  }
0x4e3: {  	(v2sf) =	vpush v3, $0xF;
	_ =	sdelay $0xd  }
0x4e4: {  	s30 =	spop (v2sf)  }
0x4e5: {  	s29 =	spop (v2sf)  }
0x4e6: {  	p0 =	sne.s32 s30, s29  }
.Ltmp44:
0x4e7: {  	_ = 	snop;
	(pc) =	sbr.rel @p0 .LBB2_61-.Ltmp44, $1  }
0x4e8: {  	_ =	sdelay $0x3  }
0x4e9: {  	s2 =	simm.s32 $0x4040  }
0x4ea: {  	s0 =	simm.s32 $0xC040;
	v7 =	vld [tilespmem:s2+$0xFFFFFFC0]  }
0x4eb: {  	v9 =	vld [tilespmem:s0+$0xFFFFFFC0]  }
0x4ec: {  	v10 =	vld [tilespmem:s2+$0xFFFFFFD0]  }
0x4ed: {  	v11 =	vld [tilespmem:s0+$0xFFFFFFD0]  }
0x4ee: {  	v12 =	vld [tilespmem:s2+$0xFFFFFFE0]  }
0x4ef: {  	v4 =	vld [tilespmem:s0+$0xFFFFFFF0]  }
0x4f0: {  	v15 =	vld [tilespmem:s0+$0xFFFFFFE0]  }
0x4f1: {  	v6 =	vld [tilespmem:s2+$0xFFFFFFF0];
	v3 =	vmul.f32 v7, v7;
	v8 =	vmul.f32 v9, v9  }
0x4f2: {  	v16 =	vimm.f32 $0.0e+00;
	v5 =	vld [tilespmem:s2+$0x0];
	v13 =	vmul.f32 v10, v10  }
0x4f3: {  	v14 =	vmul.f32 v11, v11;
	v18 =	vmul.f32 v12, v12;
	v17 =	vadd.f32 v8, v3;
	v3 =	vld [tilespmem:s0+$0x0]  }
0x4f4: {  	v19 =	vadd.f32 v7, v16;
	v20 =	vadd.f32 v9, v16;
	v21 =	vmul.f32 v4, v4;
	v8 =	vld [tilespmem:s2+$0x10]  }
0x4f5: {  	v7 =	vld [tilespmem:s0+$0x10];
	v13 =	vadd.f32 v14, v13;
	v14 =	vmul.f32 v15, v15;
	v16 =	vadd.f32 v17, v16  }
0x4f6: {  	v9 =	vld [tilespmem:s2+$0x20];
	v19 =	vadd.f32 v10, v19;
	v20 =	vadd.f32 v11, v20;
	v17 =	vmul.f32 v6, v6  }
0x4f7: {  	v10 =	vld [tilespmem:s0+$0x20];
	v18 =	vadd.f32 v14, v18;
	v14 =	vmul.f32 v5, v5;
	v22 =	vadd.f32 v13, v16  }
0x4f8: {  	v11 =	vld [tilespmem:s2+$0x30];
	v16 =	vadd.f32 v12, v19;
	v13 =	vadd.f32 v21, v17;
	v19 =	vmul.f32 v3, v3  }
0x4f9: {  	s20 =	simm.s32 $0x40C0;
	s2 =	simm.s32 $0x0;
	v17 =	vadd.f32 v15, v20;
	v12 =	vld [tilespmem:s0+$0x30];
	v15 =	vmul.f32 v8, v8;
	v18 =	vadd.f32 v18, v22  }
.LBB2_59:
0x4fa: {  	v20 =	vld [tilespmem:s20+$0xFFFFFFC0];
	v6 =	vadd.f32 v6, v16;
	v14 =	vadd.f32 v19, v14;
	v16 =	vmul.f32 v7, v7;
	s0 =	sadd.s32 $0x80, s0  }
0x4fb: {  	v19 =	vld [tilespmem:s0+$0xFFFFFFC0];
	v4 =	vadd.f32 v4, v17;
	v13 =	vadd.f32 v13, v18;
	v17 =	vmul.f32 v9, v9  }
0x4fc: {  	s2 =	sadd.s32 $0x8, s2;
	v18 =	vld [tilespmem:s20+$0xFFFFFFD0];
	v5 =	vadd.f32 v5, v6;
	v6 =	vadd.f32 v16, v15;
	v15 =	vmul.f32 v10, v10  }
0x4fd: {  	p0 =	slt.u32 s2, $0x3F8;
	v16 =	vld [tilespmem:s0+$0xFFFFFFD0];
	v3 =	vadd.f32 v3, v4;
	v4 =	vadd.f32 v14, v13;
	v13 =	vmul.f32 v11, v11  }
0x4fe: {  	v21 =	vld [tilespmem:s20+$0xFFFFFFE0];
	v5 =	vadd.f32 v8, v5;
	v8 =	vadd.f32 v15, v17;
	v14 =	vmul.f32 v12, v12  }
0x4ff: {  	v15 =	vmul.f32 v20, v20;
	v17 =	vld [tilespmem:s0+$0xFFFFFFE0];
	v3 =	vadd.f32 v7, v3;
	v7 =	vadd.f32 v6, v4  }
0x500: {  	v22 =	vmul.f32 v19, v19;
	v6 =	vld [tilespmem:s20+$0xFFFFFFF0];
	v9 =	vadd.f32 v9, v5;
	v13 =	vadd.f32 v14, v13  }
0x501: {  	v14 =	vmul.f32 v18, v18;
	v4 =	vld [tilespmem:s0+$0xFFFFFFF0];
	v10 =	vadd.f32 v10, v3;
	v7 =	vadd.f32 v8, v7  }
0x502: {  	v15 =	vadd.f32 v22, v15;
	v8 =	vmul.f32 v16, v16;
	v5 =	vld [tilespmem:s20+$0x0];
	v9 =	vadd.f32 v11, v9  }
0x503: {  	v11 =	vmul.f32 v21, v21;
	v3 =	vld [tilespmem:s0+$0x0];
	v10 =	vadd.f32 v12, v10;
	v7 =	vadd.f32 v13, v7  }
0x504: {  	v9 =	vadd.f32 v20, v9;
	v12 =	vadd.f32 v8, v14;
	v13 =	vmul.f32 v17, v17;
	v8 =	vld [tilespmem:s20+$0x10]  }
.Ltmp45:
0x505: {  	v10 =	vadd.f32 v19, v10;
	v14 =	vadd.f32 v15, v7;
	v15 =	vmul.f32 v6, v6;
	v7 =	vld [tilespmem:s0+$0x10];
	(pc) =	sbr.rel @p0 .LBB2_59-.Ltmp45, $4  }
0x506: {  	v18 =	vadd.f32 v18, v9;
	v20 =	vadd.f32 v13, v11;
	v11 =	vmul.f32 v4, v4;
	v9 =	vld [tilespmem:s20+$0x20]  }
0x507: {  	v22 =	vadd.f32 v16, v10;
	v12 =	vadd.f32 v12, v14;
	v14 =	vmul.f32 v5, v5;
	v10 =	vld [tilespmem:s0+$0x20]  }
0x508: {  	v16 =	vadd.f32 v21, v18;
	v13 =	vadd.f32 v11, v15;
	v19 =	vmul.f32 v3, v3;
	v11 =	vld [tilespmem:s20+$0x30]  }
0x509: {  	s20 =	sadd.s32 $0x80, s20;
	v17 =	vadd.f32 v17, v22;
	v18 =	vadd.f32 v20, v12;
	v15 =	vmul.f32 v8, v8;
	v12 =	vld [tilespmem:s0+$0x30]  }
0x50a: {  	v6 =	vadd.f32 v6, v16;
	v14 =	vadd.f32 v19, v14  }
0x50b: {  	v52 =	vmul.f32 v7, v7;
	v2 =	vbroadcast v2, $0x0;
	v4 =	vadd.f32 v4, v17  }
0x50c: {  	v13 =	vadd.f32 v13, v18;
	v53 =	vmul.f32 v9, v9;
	v5 =	vadd.f32 v5, v6  }
0x50d: {  	v54 =	vadd.f32 v52, v15;
	v55 =	vmul.f32 v10, v10;
	v3 =	vadd.f32 v3, v4  }
0x50e: {  	v56 =	vadd.f32 v14, v13;
	v57 =	vmul.f32 v11, v11;
	v5 =	vadd.f32 v8, v5  }
0x50f: {  	v58 =	vadd.f32 v55, v53;
	v59 =	vmul.f32 v12, v12;
	v3 =	vadd.f32 v7, v3  }
0x510: {  	v60 =	vadd.s32 $0x40, v2;
	v4 =	vadd.f32 v54, v56;
	v5 =	vadd.f32 v9, v5  }
0x511: {  	v62 =	vadd.s32 $0x80, v2;
	v61 =	vadd.f32 v59, v57;
	v3 =	vadd.f32 v10, v3  }
0x512: {  	v63 =	vadd.s32 $0xC0, v2;
	v4 =	vadd.f32 v58, v4;
	v5 =	vadd.f32 v11, v5  }
.Ltmp46:
0x513: {  	v3 =	vadd.f32 v12, v3;
	(pc) =	sbr.rel .LBB2_65-.Ltmp46, $4  }
0x514: {  	v4 =	vadd.f32 v61, v4;
	[tilespmem:v2+s21+$0x0] =	vst.idx.add.f32.msk $0xffff, v5  }
0x515: {  	[tilespmem:v60+s21+$0x0] =	vst.idx.add.f32.msk $0xffff, v3  }
0x516: {  	[tilespmem:v62+s21+$0x0] =	vst.idx.add.f32.msk $0xffff, v4  }
0x517: {  	[tilespmem:v63+s21+$0x0] =	vst.idx.add.f32.msk $0xffff, v0  }
.LBB2_61:
0x518: {  	s0 =	sadd.s32 $0x1, s29  }
0x519: {  	p0 =	sge.s32 s30, s0  }
.Ltmp47:
0x51a: {  	_ = 	snop;
	(pc) =	sbr.rel @p0 .LBB2_65-.Ltmp47, $4  }
0x51b: {  	[tilespmem:s25], [sflag:$0x3] =	stream.linear.gather [hbm4b:s26+s1], $0x4000, $0x38;
	[tilespmem:$0x14200] =	vst v63  }
0x51c: {  	_ =	swait.ge [sflag:s24], $0x4000  }
0x51d: {  	[sflag:s24] =	ssyncset.done $0x0  }
0x51e: {  	[sflag:s24] =	ssyncadd.s32 $0xFFFFC000  }
.LBB2_62:
0x51f: {  	s0 =	simm.s32 $0x10140  }
0x520: {  	v3 =	vld [tilespmem:s0+$0x30]  }
0x521: {  	s31 =	simm.s32 $0x4040;
	v4 =	vld [tilespmem:s0+$0x20]  }
0x522: {  	v6 =	vld [tilespmem:s31+$0x30]  }
0x523: {  	s20 =	simm.s32 $0xC040;
	v5 =	vld [tilespmem:s0+$0x10]  }
0x524: {  	v7 =	vld [tilespmem:s20+$0x30]  }
0x525: {  	v8 =	vld [tilespmem:s0+$0x0]  }
0x526: {  	v9 =	vld [tilespmem:s31+$0x20]  }
0x527: {  	v10 =	vld [tilespmem:s0+$0xFFFFFFF0]  }
0x528: {  	v11 =	vld [tilespmem:s20+$0x20]  }
0x529: {  	v13 =	vld [tilespmem:s0+$0xFFFFFFE0]  }
0x52a: {  	v14 =	vld [tilespmem:s31+$0x10]  }
0x52b: {  	v15 =	vld [tilespmem:s0+$0xFFFFFFD0]  }
0x52c: {  	v16 =	vld [tilespmem:s20+$0x10]  }
0x52d: {  	v17 =	vld [tilespmem:s0+$0xFFFFFFC0]  }
0x52e: {  	v18 =	vld [tilespmem:s31+$0x0]  }
0x52f: {  	v2 =	vmov s30;
	v20 =	vld [tilespmem:s31+$0xFFFFFFF0]  }
0x530: {  	v12 =	vimm.f32 $0.0e+00;
	v21 =	vld [tilespmem:s20+$0xFFFFFFF0];
	vm0 =	veq.s32 v3, v2;
	vm3 =	veq.s32 v4, v2  }
0x531: {  	v19 =	vld [tilespmem:s20+$0x0];
	vm2 =	veq.s32 v5, v2;
	vm4 =	veq.s32 v8, v2;
	vm1 =	veq.s32 v10, v2  }
0x532: {  	v24 =	vld [tilespmem:s31+$0xFFFFFFD0];
	vm5 =	veq.s32 v13, v2;
	vm6 =	veq.s32 v15, v2;
	vm7 =	veq.s32 v17, v2  }
0x533: {  	v28 =	vld [tilespmem:s20+$0xFFFFFFC0];
	v5 =	vnsel vm3, $0x0, v9;
	v4 =	vnsel vm0, $0x0, v6;
	v3 =	vnsel vm0, $0x0, v7  }
0x534: {  	v15 =	vld [tilespmem:s31+$0xFFFFFFE0];
	v7 =	vnsel vm2, $0x0, v14;
	v8 =	vnsel vm2, $0x0, v16;
	v6 =	vnsel vm3, $0x0, v11  }
0x535: {  	v17 =	vld [tilespmem:s20+$0xFFFFFFE0];
	v11 =	vnsel vm1, $0x0, v20;
	v13 =	vnsel vm1, $0x0, v21;
	v21 =	vmul.f32 v4, v4  }
0x536: {  	v16 =	vld [tilespmem:s20+$0xFFFFFFD0];
	v9 =	vnsel vm4, $0x0, v18;
	v22 =	vmul.f32 v3, v3;
	v26 =	vmul.f32 v5, v5  }
0x537: {  	v10 =	vnsel vm4, $0x0, v19;
	v18 =	vld [tilespmem:s31+$0xFFFFFFC0];
	v27 =	vmul.f32 v6, v6;
	v23 =	vmul.f32 v7, v7  }
0x538: {  	v19 =	vnsel vm6, $0x0, v24;
	v25 =	vmul.f32 v8, v8;
	v30 =	vmul.f32 v9, v9  }
0x539: {  	v28 =	vnsel vm7, $0x0, v28;
	v32 =	vmul.f32 v10, v10;
	v29 =	vmul.f32 v11, v11  }
0x53a: {  	v31 =	vmul.f32 v13, v13;
	v33 =	vmul.f32 v19, v19;
	v14 =	vnsel vm5, $0x0, v15  }
0x53b: {  	v15 =	vnsel vm5, $0x0, v17;
	v17 =	vimm.f32 $0.0e+00;
	v20 =	vnsel vm6, $0x0, v16  }
0x53c: {  	v24 =	vnsel vm7, $0x0, v18;
	v35 =	vmul.f32 v14, v14;
	v36 =	vmul.f32 v15, v15  }
0x53d: {  	s2 =	simm.s32 $0x101C0;
	s0 =	simm.s32 $0x0;
	v18 =	vimm.f32 $0.0e+00;
	v16 =	vimm.f32 $0.0e+00;
	v34 =	vmul.f32 v20, v20  }
.LBB2_63:
0x53e: {  	v38 =	vmul.f32 v24, v24;
	v26 =	vadd.f32 v27, v26;
	v21 =	vadd.f32 v22, v21  }
0x53f: {  	v37 =	vld [tilespmem:s2+$0x30];
	vm8 =	vmmov vm0;
	vm9 =	vmmov vm3;
	vm10 =	vmmov vm2  }
0x540: {  	v22 =	vmul.f32 v28, v28;
	v27 =	vadd.f32 v32, v30;
	v23 =	vadd.f32 v25, v23  }
0x541: {  	v30 =	vadd.f32 v36, v35;
	v29 =	vadd.f32 v31, v29;
	s31 =	sadd.s32 $0x80, s31;
	vm11 =	vmmov vm4;
	v25 =	vld [tilespmem:s2+$0x20]  }
0x542: {  	v32 =	vadd.f32 v34, v33;
	v22 =	vadd.f32 v22, v38;
	v31 =	vld [tilespmem:s31+$0x30]  }
0x543: {  	v12 =	vadd.f32 v24, v12;
	v18 =	vadd.f32 v28, v18;
	v24 =	vsel vm7, $0x3F800000, v1;
	s20 =	sadd.s32 $0x80, s20;
	v33 =	vld [tilespmem:s2+$0x10]  }
0x544: {  	v17 =	vadd.f32 v24, v17;
	v16 =	vadd.f32 v22, v16;
	vm0 =	veq.s32 v37, v2;
	v28 =	vld [tilespmem:s20+$0x30]  }
0x545: {  	v12 =	vadd.f32 v19, v12;
	v18 =	vadd.f32 v20, v18;
	v19 =	vsel vm6, $0x3F800000, v1;
	v22 =	vld [tilespmem:s2+$0x0]  }
0x546: {  	v17 =	vadd.f32 v19, v17;
	v16 =	vadd.f32 v32, v16;
	vm3 =	veq.s32 v25, v2;
	v20 =	vld [tilespmem:s31+$0x20]  }
0x547: {  	v12 =	vadd.f32 v14, v12;
	v14 =	vadd.f32 v15, v18;
	v15 =	vsel vm5, $0x3F800000, v1;
	v19 =	vld [tilespmem:s2+$0xFFFFFFF0]  }
0x548: {  	v15 =	vadd.f32 v15, v17;
	v16 =	vadd.f32 v30, v16;
	vm2 =	veq.s32 v33, v2;
	v24 =	vld [tilespmem:s20+$0x20]  }
0x549: {  	v11 =	vadd.f32 v11, v12;
	v12 =	vadd.f32 v13, v14;
	v13 =	vsel vm1, $0x3F800000, v1;
	v17 =	vld [tilespmem:s2+$0xFFFFFFE0]  }
0x54a: {  	v13 =	vadd.f32 v13, v15;
	v16 =	vadd.f32 v29, v16;
	vm4 =	veq.s32 v22, v2;
	v14 =	vld [tilespmem:s31+$0x10]  }
0x54b: {  	v9 =	vadd.f32 v9, v11;
	v10 =	vadd.f32 v10, v12;
	v11 =	vsel vm11, $0x3F800000, v1;
	v15 =	vld [tilespmem:s2+$0xFFFFFFD0]  }
0x54c: {  	v11 =	vadd.f32 v11, v13;
	v12 =	vadd.f32 v27, v16;
	vm1 =	veq.s32 v19, v2;
	v19 =	vld [tilespmem:s20+$0x10]  }
0x54d: {  	v7 =	vadd.f32 v7, v9;
	v8 =	vadd.f32 v8, v10;
	v9 =	vsel vm10, $0x3F800000, v1;
	v13 =	vld [tilespmem:s2+$0xFFFFFFC0]  }
0x54e: {  	v9 =	vadd.f32 v9, v11;
	v12 =	vadd.f32 v23, v12;
	vm5 =	veq.s32 v17, v2;
	v10 =	vld [tilespmem:s31+$0x0]  }
0x54f: {  	v5 =	vadd.f32 v5, v7;
	v6 =	vadd.f32 v6, v8;
	v7 =	vsel vm9, $0x3F800000, v1;
	v22 =	vld [tilespmem:s20+$0x0]  }
0x550: {  	v7 =	vadd.f32 v7, v9;
	v8 =	vadd.f32 v26, v12;
	vm6 =	veq.s32 v15, v2;
	v11 =	vld [tilespmem:s31+$0xFFFFFFF0]  }
0x551: {  	v18 =	vadd.f32 v3, v6;
	v3 =	vsel vm8, $0x3F800000, v1;
	v12 =	vadd.f32 v4, v5;
	v15 =	vld [tilespmem:s20+$0xFFFFFFF0]  }
0x552: {  	v17 =	vadd.f32 v3, v7;
	v16 =	vadd.f32 v21, v8;
	vm7 =	veq.s32 v13, v2;
	v23 =	vld [tilespmem:s31+$0xFFFFFFE0]  }
0x553: {  	v3 =	vnsel vm0, $0x0, v28;
	v5 =	vnsel vm3, $0x0, v20;
	v4 =	vnsel vm0, $0x0, v31;
	v25 =	vld [tilespmem:s20+$0xFFFFFFE0]  }
0x554: {  	v6 =	vnsel vm3, $0x0, v24;
	v7 =	vnsel vm2, $0x0, v14;
	v8 =	vnsel vm2, $0x0, v19;
	v20 =	vld [tilespmem:s31+$0xFFFFFFD0]  }
0x555: {  	v9 =	vnsel vm4, $0x0, v10;
	v10 =	vnsel vm4, $0x0, v22;
	v24 =	vld [tilespmem:s20+$0xFFFFFFD0];
	v11 =	vnsel vm1, $0x0, v11  }
0x556: {  	s0 =	sadd.s32 $0x8, s0;
	v21 =	vmul.f32 v4, v4;
	v22 =	vmul.f32 v3, v3;
	v28 =	vld [tilespmem:s31+$0xFFFFFFC0];
	v13 =	vnsel vm1, $0x0, v15  }
0x557: {  	p0 =	slt.u32 s0, $0x3F8;
	v27 =	vmul.f32 v6, v6;
	v26 =	vmul.f32 v5, v5;
	v33 =	vld [tilespmem:s20+$0xFFFFFFC0];
	v14 =	vnsel vm5, $0x0, v23  }
.Ltmp48:
0x558: {  	v23 =	vmul.f32 v7, v7;
	v15 =	vnsel vm5, $0x0, v25;
	v25 =	vmul.f32 v8, v8;
	(pc) =	sbr.rel @p0 .LBB2_63-.Ltmp48, $4  }
0x559: {  	v30 =	vmul.f32 v9, v9;
	v32 =	vmul.f32 v10, v10;
	v19 =	vnsel vm6, $0x0, v20  }
0x55a: {  	v29 =	vmul.f32 v11, v11;
	v31 =	vmul.f32 v13, v13;
	v20 =	vnsel vm6, $0x0, v24  }
0x55b: {  	v35 =	vmul.f32 v14, v14;
	v36 =	vmul.f32 v15, v15;
	v24 =	vnsel vm7, $0x0, v28  }
0x55c: {  	s2 =	sadd.s32 $0x80, s2;
	v34 =	vmul.f32 v20, v20;
	v28 =	vnsel vm7, $0x0, v33;
	v33 =	vmul.f32 v19, v19  }
0x55d: {  	v37 =	vmul.f32 v24, v24;
	v26 =	vadd.f32 v27, v26;
	v21 =	vadd.f32 v22, v21  }
0x55e: {  	v43 =	vmul.f32 v28, v28;
	v44 =	vadd.f32 v32, v30;
	v23 =	vadd.f32 v25, v23  }
0x55f: {  	v45 =	vadd.f32 v36, v35;
	v29 =	vadd.f32 v31, v29  }
0x560: {  	v12 =	vadd.f32 v24, v12;
	v22 =	vadd.f32 v43, v37  }
0x561: {  	v18 =	vadd.f32 v28, v18;
	v46 =	vadd.f32 v34, v33  }
0x562: {  	v47 =	vsel vm7, $0x3F800000, v1;
	v12 =	vadd.f32 v19, v12;
	v16 =	vadd.f32 v22, v16  }
0x563: {  	v48 =	vsel vm6, $0x3F800000, v1;
	v17 =	vadd.f32 v47, v17;
	v18 =	vadd.f32 v20, v18  }
0x564: {  	v50 =	vsel vm5, $0x3F800000, v1;
	v12 =	vadd.f32 v14, v12;
	v16 =	vadd.f32 v46, v16  }
0x565: {  	vm3 =	vmmov vm3;
	v17 =	vadd.f32 v48, v17;
	v49 =	vadd.f32 v15, v18  }
0x566: {  	v52 =	vsel vm1, $0x3F800000, v1;
	v11 =	vadd.f32 v11, v12;
	v16 =	vadd.f32 v45, v16  }
0x567: {  	vm14 =	vmmov vm4;
	v15 =	vadd.f32 v50, v17;
	v51 =	vadd.f32 v13, v49  }
0x568: {  	vm15 =	vmmov vm2;
	v9 =	vadd.f32 v9, v11;
	v53 =	vadd.f32 v29, v16  }
0x569: {  	v58 =	vadd.s32 $0x40, v2;
	v13 =	vadd.f32 v52, v15;
	v10 =	vadd.f32 v10, v51  }
0x56a: {  	v54 =	vsel vm14, $0x3F800000, v1;
	v7 =	vadd.f32 v7, v9;
	v55 =	vadd.f32 v44, v53  }
0x56b: {  	v60 =	vadd.s32 $0x80, v2;
	v11 =	vadd.f32 v54, v13;
	v8 =	vadd.f32 v8, v10  }
0x56c: {  	v56 =	vsel vm15, $0x3F800000, v1;
	v5 =	vadd.f32 v5, v7;
	v57 =	vadd.f32 v23, v55  }
0x56d: {  	v61 =	vadd.s32 $0xC0, v2;
	v9 =	vadd.f32 v56, v11;
	v6 =	vadd.f32 v6, v8  }
0x56e: {  	p0 =	sne.s32 s30, s29;
	v59 =	vsel vm3, $0x3F800000, v1;
	v4 =	vadd.f32 v4, v5;
	v10 =	vadd.f32 v26, v57  }
.Ltmp49:
0x56f: {  	vm0 =	vmmov vm0;
	v8 =	vadd.f32 v59, v9;
	v3 =	vadd.f32 v3, v6;
	(pc) =	sbr.rel @p0 .LBB2_62-.Ltmp49, $4  }
.Ltmp50:
0x570: {  	v62 =	vsel vm0, $0x3F800000, v1;
	[tilespmem:v2+s21+$0x0] =	vst.idx.add.f32.msk $0xffff, v4;
	v63 =	vadd.f32 v21, v10;
	(pc) =	sbr.rel @!p0 .LBB2_65-.Ltmp50, $4  }
0x571: {  	v2 =	vadd.f32 v62, v8;
	[tilespmem:v58+s21+$0x0] =	vst.idx.add.f32.msk $0xffff, v3  }
0x572: {  	s0 =	sadd.s32 $0x1, s30;
	[tilespmem:v60+s21+$0x0] =	vst.idx.add.f32.msk $0xffff, v63  }
0x573: {  	s30 =	smov.u32 s0;
	[tilespmem:v61+s21+$0x0] =	vst.idx.add.f32.msk $0xffff, v2  }
0x574: {  	_ = 	snop  }
.LBB2_66:
0x575: {  	_ =	sfence.sel $0x180000  }
0x576: {  	[bflag:$0x0] =	sbarrier.arrive $0xFFFF  }
0x577: {  	_ =	strace $0x90000047  }
0x578: {  	s0 =	stileid.u32;
	[bflag:$0x2] =	sbarrier.arrive $0xFFFF  }
0x579: {  	p0 =	sne.s32 s0, $0x0;
	s0 =	rddreg [dreg:$0x2]  }
0x57a: {  	s0 =	sadd.s32 @!p0 $0x100000, s0  }
0x57b: {  	[sflag:s0] =	ssyncadd.tile.s32 @!p0 $0x1;
	_ =	shalt  }
.Lfunc_end2:
_tile_overlayer_lowered:
.L_overlay_start_2:
0x57c: {  	(tag) =	ssettag $0x2  }
0x57d: {  	s0 =	rddreg [dreg:$0x0];
	s2 =	stileid.u32  }
0x57e: {  	s1 =	rddreg [dreg:$0x1];
	p0 =	sne.s32 s2, $0x0  }
0x57f: {  	s3 =	rddreg [dreg:$0x2];
	[bflag:$0x3] =	sbarrier.arrive $0xFFFF;
	s2 =	simm.s32 @!p0 $0x1C03  }
0x580: {  	[timem:s3], [sflag:s2] =	dma.local @!p0 [hbm:s0], s1  }
0x581: {  	s0 =	simm.s32 @!p0 $0x3  }
0x582: {  	_ =	swait.ge @!p0 [sflag:s0], s1  }
0x583: {  	s1 =	ssub.s32 @!p0 $0x0, s1;
	[sflag:s0] =	ssyncset.done @!p0 $0x0  }
0x584: {  	[sflag:s0] =	ssyncadd.s32 @!p0 s1  }
0x585: {  	[bflag:$0x3] =	sbarrier.arrive $0xFFFF  }
0x586: {  	_ =	shalt  }

</sc_bundles>
